<compile_context>
chip_gen: v7x
topology: tpu7x:2x2x1
jax: 0.10.2.dev20260603
libtpu: 0.0.44.dev20260713+nightly
codegen_flags: <defaults>
</compile_context>

<pallas_src>
import dataclasses
import functools

import jax
import jax.numpy as jnp
from jax import lax
from jax.experimental import pallas as pl
from jax.experimental.pallas import tpu as pltpu
from jax.experimental.pallas import tpu_sc as plsc

N = 10000
NP = 10240
E = 320000
ET = E + N
CH = 72
CPW = 144
NW = 32
EPAD = NW * CPW * CH
CPWT = NW * CPW
SUB = 16
RSUB = NP // SUB
BLK = 512
F32 = jnp.float32


def _splat(vec, lane):
    return lax.gather(
        vec, jnp.full((16, 1), lane, jnp.int32),
        dimension_numbers=lax.GatherDimensionNumbers(
            offset_dims=(), collapsed_slice_dims=(0,), start_index_map=(0,)),
        slice_sizes=(1,),
        mode=lax.GatherScatterMode.PROMISE_IN_BOUNDS)


def _make_sc_edge(D, excol):
    W = D + 16
    mesh = plsc.VectorSubcoreMesh(core_axis_name="c", subcore_axis_name="s")
    nj = D // 16
    cp = pltpu.CompilerParams()
    if "needs_layout_passes" in pltpu.CompilerParams.__dataclass_fields__:
        cp = dataclasses.replace(cp, needs_layout_passes=False)
    if "use_tc_tiling_on_sc" in pltpu.CompilerParams.__dataclass_fields__:
        cp = dataclasses.replace(cp, use_tc_tiling_on_sc=False)

    @functools.partial(
        pl.kernel,
        compiler_params=cp,
        out_type=jax.ShapeDtypeStruct((2, NP, W), F32),
        mesh=mesh,
        scratch_types=[
            [pltpu.VMEM((2, CH), jnp.int32) for _ in range(6)],
            [pltpu.VMEM((CH, 16), F32) for _ in range(3)],
            [pltpu.VMEM((CH, W), F32) for _ in range(3)],
            [pltpu.SemaphoreType.DMA for _ in range(6)],
            [pltpu.SemaphoreType.DMA for _ in range(3)],
            [pltpu.SemaphoreType.DMA for _ in range(3)],
            pltpu.VMEM_SHARED((NP, W), F32),
        ],
    )
    def sc_kernel(idx_hbm, hp_hbm, ad_hbm, zw_hbm, out_hbm,
                  idxb, adb, hb, si, sg, ss, acc):
        c = lax.axis_index("c")
        s = lax.axis_index("s")
        rs = s * RSUB
        pltpu.sync_copy(zw_hbm.at[pl.ds(rs, RSUB)], acc.at[pl.ds(rs, RSUB)])
        plsc.subcore_barrier()

        wid = c * SUB + s

        def issue_idx(k, q):
            pltpu.async_copy(idx_hbm.at[wid + k * NW], idxb[q], si[q])

        def wait_idx(k, q):
            pltpu.make_async_copy(idx_hbm.at[wid + k * NW], idxb[q],
                                  si[q]).wait()

        def issue_gathers(q, b):
            pltpu.async_copy(hp_hbm.at[idxb[q].at[0]], hb[b], sg[b])
            pltpu.async_copy(ad_hbm.at[idxb[q].at[1]], adb[b], sg[b])

        def wait_gathers(q, b):
            pltpu.make_async_copy(hp_hbm.at[idxb[q].at[0]], hb[b],
                                  sg[b]).wait()
            pltpu.make_async_copy(ad_hbm.at[idxb[q].at[1]], adb[b],
                                  sg[b]).wait()

        def issue_scatter(q, b):
            pltpu.async_copy(hb[b], acc.at[idxb[q].at[1]], ss[b], add=True)

        def wait_scatter(q, b):
            pltpu.make_async_copy(hb[b], acc.at[idxb[q].at[1]], ss[b]).wait()

        def compute(b):
            @plsc.parallel_loop(0, CH, unroll=4)
            def _(v):
                e = hb[b][v, pl.ds(D, 16)] + adb[b][v]
                e = jnp.where(e > 0.0, e, 0.2 * e)
                ex = jnp.exp(e)
                hb[b][v, pl.ds(D, 16)] = ex
                for j in range(nj):
                    sp = _splat(ex, excol(j))
                    hb[b][v, pl.ds(j * 16, 16)] = (
                        hb[b][v, pl.ds(j * 16, 16)] * sp)

        issue_idx(0, 0)
        issue_idx(1, 1)
        issue_idx(2, 2)
        wait_idx(0, 0)
        issue_gathers(0, 0)
        wait_idx(1, 1)
        issue_gathers(1, 1)

        @pl.loop(0, CPW // 6)
        def _(i):
            for t6 in range(6):
                k = 6 * i + t6
                b = t6 % 3
                q = t6
                bp = (b + 2) % 3
                wait_gathers(q, b)
                compute(b)
                issue_scatter(q, b)
                if t6 == 0:
                    @pl.when(i > 0)
                    def _():
                        wait_scatter((q + 5) % 6, bp)
                else:
                    wait_scatter((q + 5) % 6, bp)
                if t6 <= 2:
                    issue_idx(k + 3, (q + 3) % 6)
                else:
                    @pl.when(i < CPW // 6 - 1)
                    def _():
                        issue_idx(k + 3, (q + 3) % 6)
                if t6 <= 3:
                    wait_idx(k + 2, (q + 2) % 6)
                    issue_gathers((q + 2) % 6, bp)
                else:
                    @pl.when(i < CPW // 6 - 1)
                    def _():
                        wait_idx(k + 2, (q + 2) % 6)
                        issue_gathers((q + 2) % 6, bp)

        wait_scatter(5, 2)

        plsc.subcore_barrier()
        pltpu.sync_copy(acc.at[pl.ds(rs, RSUB)],
                        out_hbm.at[c, pl.ds(rs, RSUB)])

    return sc_kernel


_sc_edge_l1 = _make_sc_edge(128, lambda j: j)
_sc_edge_l2 = _make_sc_edge(48, lambda j: 0)

_PREC = jax.lax.Precision.HIGHEST


def _dot(a, b):
    return jnp.dot(a, b, preferred_element_type=F32, precision=_PREC)


def _tc_a_body(x_ref, w_ref, asr, adr, g_ref, hp_ref, ado):
    h = _dot(x_ref[...], w_ref[...])
    a_s = _dot(h * asr[...], g_ref[...])
    hp_ref[...] = jnp.concatenate([h, a_s], axis=1)
    ado[...] = _dot(h * adr[...], g_ref[...])


def _tc_a(xp, W1, asf, adf, G1):
    return pl.pallas_call(
        _tc_a_body,
        grid=(NP // BLK,),
        in_specs=[
            pl.BlockSpec((BLK, 128), lambda i: (i, 0)),
            pl.BlockSpec((128, 128), lambda i: (0, 0)),
            pl.BlockSpec((1, 128), lambda i: (0, 0)),
            pl.BlockSpec((1, 128), lambda i: (0, 0)),
            pl.BlockSpec((128, 16), lambda i: (0, 0)),
        ],
        out_specs=[
            pl.BlockSpec((BLK, 144), lambda i: (i, 0)),
            pl.BlockSpec((BLK, 16), lambda i: (i, 0)),
        ],
        out_shape=[
            jax.ShapeDtypeStruct((NP, 144), F32),
            jax.ShapeDtypeStruct((NP, 16), F32),
        ],
    )(xp, W1, asf, adf, G1)


def _tc_b_body(p, w2, b1r, as2r, ad2r, g2, bc1, hp2, ado):
    ps = p[0] + p[1]
    den = _dot(ps[:, 128:144], bc1[...])
    hin = ps[:, 0:128] / (den + 1e-16) + b1r[...]
    hin = jnp.maximum(hin, 0.0)
    h2 = _dot(hin, w2[...])
    as2 = _dot(h2 * as2r[...], g2[...])
    hp2[...] = jnp.concatenate([h2, as2], axis=1)
    ado[...] = _dot(h2 * ad2r[...], g2[...])


def _tc_b(p, W2p, b1f, as2f, ad2f, G2, B1):
    return pl.pallas_call(
        _tc_b_body,
        grid=(NP // BLK,),
        in_specs=[
            pl.BlockSpec((2, BLK, 144), lambda i: (0, i, 0)),
            pl.BlockSpec((128, 48), lambda i: (0, 0)),
            pl.BlockSpec((1, 128), lambda i: (0, 0)),
            pl.BlockSpec((1, 48), lambda i: (0, 0)),
            pl.BlockSpec((1, 48), lambda i: (0, 0)),
            pl.BlockSpec((48, 16), lambda i: (0, 0)),
            pl.BlockSpec((16, 128), lambda i: (0, 0)),
        ],
        out_specs=[
            pl.BlockSpec((BLK, 64), lambda i: (i, 0)),
            pl.BlockSpec((BLK, 16), lambda i: (i, 0)),
        ],
        out_shape=[
            jax.ShapeDtypeStruct((NP, 64), F32),
            jax.ShapeDtypeStruct((NP, 16), F32),
        ],
    )(p, W2p, b1f, as2f, ad2f, G2, B1)


def _tc_c_body(q, b2r, bc2, mr, out):
    qs = q[0] + q[1]
    den = _dot(qs[:, 48:64], bc2[...])
    logits = qs[:, 0:48] / (den + 1e-16) + b2r[...] + mr[...]
    m = jnp.max(logits, axis=-1, keepdims=True)
    z = logits - m
    out[...] = z - jnp.log(jnp.sum(jnp.exp(z), axis=-1, keepdims=True))


def _tc_c(q, b2f, B2, maskf):
    return pl.pallas_call(
        _tc_c_body,
        grid=(NP // BLK,),
        in_specs=[
            pl.BlockSpec((2, BLK, 64), lambda i: (0, i, 0)),
            pl.BlockSpec((1, 48), lambda i: (0, 0)),
            pl.BlockSpec((16, 48), lambda i: (0, 0)),
            pl.BlockSpec((1, 48), lambda i: (0, 0)),
        ],
        out_specs=pl.BlockSpec((BLK, 48), lambda i: (i, 0)),
        out_shape=jax.ShapeDtypeStruct((NP, 48), F32),
    )(q, b2f, B2, maskf)


def kernel(x, edge_index, W1, a_src1, a_dst1, b1, W2, a_src2, a_dst2, b2):
    xp = jnp.pad(x, ((0, NP - N), (0, 0)))
    loop = jnp.arange(N, dtype=jnp.int32)
    src = jnp.concatenate(
        [edge_index[0], loop, jnp.zeros((EPAD - ET,), jnp.int32)])
    dst = jnp.concatenate(
        [edge_index[1], loop, jnp.full((EPAD - ET,), N, jnp.int32)])
    idx2 = jnp.stack([src.reshape(CPWT, CH), dst.reshape(CPWT, CH)], axis=1)

    c128 = jnp.arange(128)
    c48 = jnp.arange(48)
    c16 = jnp.arange(16)
    G1 = (c128[:, None] // 16 == c16[None, :]).astype(F32)
    B1 = (c16[:, None] == c128[None, :] // 16).astype(F32)
    G2 = (c48[:, None] * 0 == c16[None, :]).astype(F32)
    B2 = (c16[:, None] == c48[None, :] * 0).astype(F32)
    maskf = jnp.where(c48 < 40, 0.0, -1e30).astype(F32).reshape(1, 48)

    asf1 = a_src1.reshape(1, 128)
    adf1 = a_dst1.reshape(1, 128)
    b1f = b1.reshape(1, 128)
    W2p = jnp.pad(W2, ((0, 0), (0, 8)))
    as2f = jnp.pad(a_src2, ((0, 0), (0, 8)))
    ad2f = jnp.pad(a_dst2, ((0, 0), (0, 8)))
    b2f = jnp.pad(b2, (0, 8)).reshape(1, 48)

    z144 = jnp.zeros((NP, 144), F32)
    z64 = jnp.zeros((NP, 64), F32)

    hp1, ad1 = _tc_a(xp, W1, asf1, adf1, G1)
    p1 = _sc_edge_l1(idx2, hp1, ad1, z144)
    hp2, ad2 = _tc_b(p1, W2p, b1f, as2f, ad2f, G2, B1)
    p2 = _sc_edge_l2(idx2, hp2, ad2, z64)
    out = _tc_c(p2, b2f, B2, maskf)
    return out[:N, :40]

# --- scband reference (transcript-rebuilt; emitter-appended) ---
"""Pipeline reference for scband-gat-37873021616188 (READ-ONLY COPY).

The authoritative reference and input builder live on the scoring server;
editing this copy changes nothing except your own understanding.
"""

import jax, jax.numpy as jnp
import numpy as np

N = 10000
E = 320000
D = 128
H1 = 8
C1 = 16
NUM_CLASSES = 40


def setup_inputs(seed: int = 0) -> dict:
    key = jax.random.key(seed)
    ks = jax.random.split(key, 10)
    x = jax.random.normal(ks[0], (N, D), dtype=jnp.float32)
    edge_index = jax.random.randint(ks[1], (2, E), 0, N, dtype=jnp.int32)
    W1 = jax.random.normal(ks[2], (D, H1 * C1), dtype=jnp.float32) * (1.0 / np.sqrt(D))
    a_src1 = jax.random.normal(ks[3], (H1, C1), dtype=jnp.float32) * 0.1
    a_dst1 = jax.random.normal(ks[4], (H1, C1), dtype=jnp.float32) * 0.1
    b1 = jnp.zeros((H1 * C1,), dtype=jnp.float32)
    W2 = jax.random.normal(ks[5], (H1 * C1, NUM_CLASSES), dtype=jnp.float32) * (1.0 / np.sqrt(H1 * C1))
    a_src2 = jax.random.normal(ks[6], (1, NUM_CLASSES), dtype=jnp.float32) * 0.1
    a_dst2 = jax.random.normal(ks[7], (1, NUM_CLASSES), dtype=jnp.float32) * 0.1
    b2 = jnp.zeros((NUM_CLASSES,), dtype=jnp.float32)
    return {"x": x, "edge_index": edge_index, "W1": W1, "a_src1": a_src1,
            "a_dst1": a_dst1, "b1": b1, "W2": W2, "a_src2": a_src2,
            "a_dst2": a_dst2, "b2": b2}


def _gat_conv(x, W, a_src, a_dst, b, src, dst, num_nodes, heads, ch):
    # PyG-style GATConv: linear -> per-head additive attention -> segment softmax over dst -> scatter-add
    h = (x @ W).reshape(num_nodes, heads, ch)
    alpha_s = (h * a_src[None, :, :]).sum(-1)  # [N, H]
    alpha_d = (h * a_dst[None, :, :]).sum(-1)  # [N, H]
    e = alpha_s[src] + alpha_d[dst]            # gather: [Etot, H]
    e = jnp.where(e > 0, e, 0.2 * e)           # leaky_relu(0.2)
    e_max = jax.ops.segment_max(e, dst, num_segments=num_nodes)
    e_max = jnp.where(jnp.isfinite(e_max), e_max, 0.0)
    ex = jnp.exp(e - e_max[dst])
    denom = jax.ops.segment_sum(ex, dst, num_segments=num_nodes)
    alpha = ex / (denom[dst] + 1e-16)
    msg = h[src] * alpha[:, :, None]           # gather + weight: [Etot, H, C]
    out = jax.ops.segment_sum(msg, dst, num_segments=num_nodes)
    return out.reshape(num_nodes, heads * ch) + b


def reference(x, edge_index, W1, a_src1, a_dst1, b1, W2, a_src2, a_dst2, b2):
    # add self-loops (PyG GATConv default add_self_loops=True)
    loop = jnp.arange(N, dtype=edge_index.dtype)
    src = jnp.concatenate([edge_index[0], loop])
    dst = jnp.concatenate([edge_index[1], loop])
    h = _gat_conv(x, W1, a_src1, a_dst1, b1, src, dst, N, H1, C1)
    h = jax.nn.relu(h)
    # dropout is identity in eval mode
    out = _gat_conv(h, W2, a_src2, a_dst2, b2, src, dst, N, 1, NUM_CLASSES)
    return jax.nn.log_softmax(out, axis=1)

if __name__ == "__main__":
    import jax
    _d = setup_inputs()
    print(jax.jit(kernel)(*tuple(_d.values())))

</pallas_src>

<mosaic_0001>
#map = affine_map<(d0, d1) -> (0, 0, 0)>
#map1 = affine_map<(d0, d1) -> (0, 0)>
module attributes {stable_mosaic.version = 14 : i64} {
  func.func @sc_kernel(%arg0: i32, %arg1: i32, %arg2: memref<4608x2x72xi32, #tpu.memory_space<hbm>>, %arg3: memref<10240x64xf32, #tpu.memory_space<hbm>>, %arg4: memref<10240x16xf32, #tpu.memory_space<hbm>>, %arg5: memref<10240x64xf32, #tpu.memory_space<hbm>>, %arg6: memref<2x10240x64xf32, #tpu.memory_space<hbm>>, %arg7: memref<2x72xi32, #tpu.memory_space<vmem>>, %arg8: memref<2x72xi32, #tpu.memory_space<vmem>>, %arg9: memref<2x72xi32, #tpu.memory_space<vmem>>, %arg10: memref<2x72xi32, #tpu.memory_space<vmem>>, %arg11: memref<2x72xi32, #tpu.memory_space<vmem>>, %arg12: memref<2x72xi32, #tpu.memory_space<vmem>>, %arg13: memref<72x16xf32, #tpu.memory_space<vmem>>, %arg14: memref<72x16xf32, #tpu.memory_space<vmem>>, %arg15: memref<72x16xf32, #tpu.memory_space<vmem>>, %arg16: memref<72x64xf32, #tpu.memory_space<vmem>>, %arg17: memref<72x64xf32, #tpu.memory_space<vmem>>, %arg18: memref<72x64xf32, #tpu.memory_space<vmem>>, %arg19: memref<!tpu.dma_semaphore, #tpu.memory_space<semaphore_mem>>, %arg20: memref<!tpu.dma_semaphore, #tpu.memory_space<semaphore_mem>>, %arg21: memref<!tpu.dma_semaphore, #tpu.memory_space<semaphore_mem>>, %arg22: memref<!tpu.dma_semaphore, #tpu.memory_space<semaphore_mem>>, %arg23: memref<!tpu.dma_semaphore, #tpu.memory_space<semaphore_mem>>, %arg24: memref<!tpu.dma_semaphore, #tpu.memory_space<semaphore_mem>>, %arg25: memref<!tpu.dma_semaphore, #tpu.memory_space<semaphore_mem>>, %arg26: memref<!tpu.dma_semaphore, #tpu.memory_space<semaphore_mem>>, %arg27: memref<!tpu.dma_semaphore, #tpu.memory_space<semaphore_mem>>, %arg28: memref<!tpu.dma_semaphore, #tpu.memory_space<semaphore_mem>>, %arg29: memref<!tpu.dma_semaphore, #tpu.memory_space<semaphore_mem>>, %arg30: memref<!tpu.dma_semaphore, #tpu.memory_space<semaphore_mem>>, %arg31: memref<10240x64xf32, #tpu.memory_space<vmem_shared>>) attributes {dimension_semantics = [#tpu.dimension_semantics<core_parallel>, #tpu.dimension_semantics<subcore_parallel>], iteration_bounds = array<i64: 2, 16>, scalar_prefetch = 0 : i64, scratch_operands = 25 : i64, tpu.core_type = #tpu.core_type<sc_vector_subcore>, window_params = [{transform_indices = #map}, {transform_indices = #map1}, {transform_indices = #map1}, {transform_indices = #map1}, {transform_indices = #map}]} {
    %mul3A = arith.constant 640 : i32
    %mul3A_0 = arith.muli %arg1, %mul3A : i32
    "tpu.region"() ({
      %run_scoped3A = tpu.sem_alloc : memref<!tpu.dma_semaphore, #tpu.memory_space<semaphore_mem>>
      %dma_start3A_91 = arith.constant 0 : i32
      %dma_start3A_92 = tpu.memref_slice %arg31[%mul3A_0, %dma_start3A_91] : memref<10240x64xf32, #tpu.memory_space<vmem_shared>> -> memref<640x64xf32, #tpu.memory_space<vmem_shared>>
      %dma_start3A_93 = arith.constant 0 : i32
      %dma_start3A_94 = tpu.memref_slice %arg5[%mul3A_0, %dma_start3A_93] : memref<10240x64xf32, #tpu.memory_space<hbm>> -> memref<640x64xf32, #tpu.memory_space<hbm>>
      tpu.enqueue_dma source(%dma_start3A_94 : memref<640x64xf32, #tpu.memory_space<hbm>>) target(%dma_start3A_92 : memref<640x64xf32, #tpu.memory_space<vmem_shared>>) target_semaphore(%run_scoped3A : memref<!tpu.dma_semaphore, #tpu.memory_space<semaphore_mem>>)
      %dma_wait3A_95 = arith.constant 0 : i32
      %dma_wait3A_96 = tpu.memref_slice %arg31[%mul3A_0, %dma_wait3A_95] : memref<10240x64xf32, #tpu.memory_space<vmem_shared>> -> memref<640x64xf32, #tpu.memory_space<vmem_shared>>
      %dma_wait3A_97 = arith.constant 0 : i32
      %dma_wait3A_98 = tpu.memref_slice %arg5[%mul3A_0, %dma_wait3A_97] : memref<10240x64xf32, #tpu.memory_space<hbm>> -> memref<640x64xf32, #tpu.memory_space<hbm>>
      tpu.wait_dma2 semaphore(%run_scoped3A : memref<!tpu.dma_semaphore, #tpu.memory_space<semaphore_mem>>) src(%dma_wait3A_98 : memref<640x64xf32, #tpu.memory_space<hbm>>) dst(%dma_wait3A_96 : memref<640x64xf32, #tpu.memory_space<vmem_shared>>)
      tpu.yield
    }) : () -> ()
    %barrier3A = arith.constant 0 : index
    tpu.barrier barrier_id(%barrier3A)
    %mul3A_1 = arith.constant 16 : i32
    %mul3A_2 = arith.muli %arg0, %mul3A_1 : i32
    %add3A = arith.addi %mul3A_2, %arg1 : i32
    %add3A_3 = arith.constant 0 : i32
    %add3A_4 = arith.addi %add3A, %add3A_3 : i32
    %dma_start3A = arith.constant 0 : i32
    %dma_start3A_5 = arith.constant 0 : i32
    %dma_start3A_6 = tpu.memref_slice %arg2[%add3A_4, %dma_start3A, %dma_start3A_5] : memref<4608x2x72xi32, #tpu.memory_space<hbm>> -> memref<1x2x72xi32, #tpu.memory_space<hbm>>
    %dma_start3A_7 = tpu.memref_squeeze %dma_start3A_6 : memref<1x2x72xi32, #tpu.memory_space<hbm>> -> memref<2x72xi32, #tpu.memory_space<hbm>>
    %dma_start3A_8 = arith.constant 0 : i32
    %dma_start3A_9 = arith.constant 0 : i32
    %dma_start3A_10 = tpu.memref_slice %arg2[%add3A_4, %dma_start3A_8, %dma_start3A_9] : memref<4608x2x72xi32, #tpu.memory_space<hbm>> -> memref<1x2x72xi32, #tpu.memory_space<hbm>>
    %dma_start3A_11 = tpu.memref_squeeze %dma_start3A_10 : memref<1x2x72xi32, #tpu.memory_space<hbm>> -> memref<2x72xi32, #tpu.memory_space<hbm>>
    tpu.enqueue_dma source(%dma_start3A_11 : memref<2x72xi32, #tpu.memory_space<hbm>>) target(%arg7 : memref<2x72xi32, #tpu.memory_space<vmem>>) target_semaphore(%arg19 : memref<!tpu.dma_semaphore, #tpu.memory_space<semaphore_mem>>)
    %add3A_12 = arith.constant 32 : i32
    %add3A_13 = arith.addi %add3A, %add3A_12 : i32
    %dma_start3A_14 = arith.constant 0 : i32
    %dma_start3A_15 = arith.constant 0 : i32
    %dma_start3A_16 = tpu.memref_slice %arg2[%add3A_13, %dma_start3A_14, %dma_start3A_15] : memref<4608x2x72xi32, #tpu.memory_space<hbm>> -> memref<1x2x72xi32, #tpu.memory_space<hbm>>
    %dma_start3A_17 = tpu.memref_squeeze %dma_start3A_16 : memref<1x2x72xi32, #tpu.memory_space<hbm>> -> memref<2x72xi32, #tpu.memory_space<hbm>>
    %dma_start3A_18 = arith.constant 0 : i32
    %dma_start3A_19 = arith.constant 0 : i32
    %dma_start3A_20 = tpu.memref_slice %arg2[%add3A_13, %dma_start3A_18, %dma_start3A_19] : memref<4608x2x72xi32, #tpu.memory_space<hbm>> -> memref<1x2x72xi32, #tpu.memory_space<hbm>>
    %dma_start3A_21 = tpu.memref_squeeze %dma_start3A_20 : memref<1x2x72xi32, #tpu.memory_space<hbm>> -> memref<2x72xi32, #tpu.memory_space<hbm>>
    tpu.enqueue_dma source(%dma_start3A_21 : memref<2x72xi32, #tpu.memory_space<hbm>>) target(%arg8 : memref<2x72xi32, #tpu.memory_space<vmem>>) target_semaphore(%arg20 : memref<!tpu.dma_semaphore, #tpu.memory_space<semaphore_mem>>)
    %add3A_22 = arith.constant 64 : i32
    %add3A_23 = arith.addi %add3A, %add3A_22 : i32
    %dma_start3A_24 = arith.constant 0 : i32
    %dma_start3A_25 = arith.constant 0 : i32
    %dma_start3A_26 = tpu.memref_slice %arg2[%add3A_23, %dma_start3A_24, %dma_start3A_25] : memref<4608x2x72xi32, #tpu.memory_space<hbm>> -> memref<1x2x72xi32, #tpu.memory_space<hbm>>
    %dma_start3A_27 = tpu.memref_squeeze %dma_start3A_26 : memref<1x2x72xi32, #tpu.memory_space<hbm>> -> memref<2x72xi32, #tpu.memory_space<hbm>>
    %dma_start3A_28 = arith.constant 0 : i32
    %dma_start3A_29 = arith.constant 0 : i32
    %dma_start3A_30 = tpu.memref_slice %arg2[%add3A_23, %dma_start3A_28, %dma_start3A_29] : memref<4608x2x72xi32, #tpu.memory_space<hbm>> -> memref<1x2x72xi32, #tpu.memory_space<hbm>>
    %dma_start3A_31 = tpu.memref_squeeze %dma_start3A_30 : memref<1x2x72xi32, #tpu.memory_space<hbm>> -> memref<2x72xi32, #tpu.memory_space<hbm>>
    tpu.enqueue_dma source(%dma_start3A_31 : memref<2x72xi32, #tpu.memory_space<hbm>>) target(%arg9 : memref<2x72xi32, #tpu.memory_space<vmem>>) target_semaphore(%arg21 : memref<!tpu.dma_semaphore, #tpu.memory_space<semaphore_mem>>)
    %add3A_32 = arith.constant 0 : i32
    %add3A_33 = arith.addi %add3A, %add3A_32 : i32
    %dma_wait3A = arith.constant 0 : i32
    %dma_wait3A_34 = arith.constant 0 : i32
    %dma_wait3A_35 = tpu.memref_slice %arg2[%add3A_33, %dma_wait3A, %dma_wait3A_34] : memref<4608x2x72xi32, #tpu.memory_space<hbm>> -> memref<1x2x72xi32, #tpu.memory_space<hbm>>
    %dma_wait3A_36 = tpu.memref_squeeze %dma_wait3A_35 : memref<1x2x72xi32, #tpu.memory_space<hbm>> -> memref<2x72xi32, #tpu.memory_space<hbm>>
    %dma_wait3A_37 = arith.constant 0 : i32
    %dma_wait3A_38 = arith.constant 0 : i32
    %dma_wait3A_39 = tpu.memref_slice %arg2[%add3A_33, %dma_wait3A_37, %dma_wait3A_38] : memref<4608x2x72xi32, #tpu.memory_space<hbm>> -> memref<1x2x72xi32, #tpu.memory_space<hbm>>
    %dma_wait3A_40 = tpu.memref_squeeze %dma_wait3A_39 : memref<1x2x72xi32, #tpu.memory_space<hbm>> -> memref<2x72xi32, #tpu.memory_space<hbm>>
    tpu.wait_dma2 semaphore(%arg19 : memref<!tpu.dma_semaphore, #tpu.memory_space<semaphore_mem>>) src(%dma_wait3A_40 : memref<2x72xi32, #tpu.memory_space<hbm>>) dst(%arg7 : memref<2x72xi32, #tpu.memory_space<vmem>>)
    %dma_start3A_41 = arith.constant 0 : i32
    %dma_start3A_42 = arith.constant 0 : i32
    %dma_start3A_43 = tpu.memref_slice %arg7[%dma_start3A_41, %dma_start3A_42] : memref<2x72xi32, #tpu.memory_space<vmem>> -> memref<1x72xi32, #tpu.memory_space<vmem>>
    %dma_start3A_44 = tpu.memref_squeeze %dma_start3A_43 : memref<1x72xi32, #tpu.memory_space<vmem>> -> memref<72xi32, #tpu.memory_space<vmem>>
    %dma_start3A_45 = arith.constant 0 : i32
    %dma_start3A_46 = arith.constant 0 : i32
    %dma_start3A_47 = tpu.memref_slice %arg3[%dma_start3A_45, %dma_start3A_46] : memref<10240x64xf32, #tpu.memory_space<hbm>> -> memref<10240x64xf32, #tpu.memory_space<hbm>>
    tpu.enqueue_indirect_dma source(%dma_start3A_47 : memref<10240x64xf32, #tpu.memory_space<hbm>>) target(%arg16 : memref<72x64xf32, #tpu.memory_space<vmem>>) offsets(%dma_start3A_44 : memref<72xi32, #tpu.memory_space<vmem>>) semaphore(%arg25 : memref<!tpu.dma_semaphore, #tpu.memory_space<semaphore_mem>>)
    %dma_start3A_48 = arith.constant 1 : i32
    %dma_start3A_49 = arith.constant 0 : i32
    %dma_start3A_50 = tpu.memref_slice %arg7[%dma_start3A_48, %dma_start3A_49] : memref<2x72xi32, #tpu.memory_space<vmem>> -> memref<1x72xi32, #tpu.memory_space<vmem>>
    %dma_start3A_51 = tpu.memref_squeeze %dma_start3A_50 : memref<1x72xi32, #tpu.memory_space<vmem>> -> memref<72xi32, #tpu.memory_space<vmem>>
    %dma_start3A_52 = arith.constant 0 : i32
    %dma_start3A_53 = arith.constant 0 : i32
    %dma_start3A_54 = tpu.memref_slice %arg4[%dma_start3A_52, %dma_start3A_53] : memref<10240x16xf32, #tpu.memory_space<hbm>> -> memref<10240x16xf32, #tpu.memory_space<hbm>>
    tpu.enqueue_indirect_dma source(%dma_start3A_54 : memref<10240x16xf32, #tpu.memory_space<hbm>>) target(%arg13 : memref<72x16xf32, #tpu.memory_space<vmem>>) offsets(%dma_start3A_51 : memref<72xi32, #tpu.memory_space<vmem>>) semaphore(%arg25 : memref<!tpu.dma_semaphore, #tpu.memory_space<semaphore_mem>>)
    %add3A_55 = arith.constant 32 : i32
    %add3A_56 = arith.addi %add3A, %add3A_55 : i32
    %dma_wait3A_57 = arith.constant 0 : i32
    %dma_wait3A_58 = arith.constant 0 : i32
    %dma_wait3A_59 = tpu.memref_slice %arg2[%add3A_56, %dma_wait3A_57, %dma_wait3A_58] : memref<4608x2x72xi32, #tpu.memory_space<hbm>> -> memref<1x2x72xi32, #tpu.memory_space<hbm>>
    %dma_wait3A_60 = tpu.memref_squeeze %dma_wait3A_59 : memref<1x2x72xi32, #tpu.memory_space<hbm>> -> memref<2x72xi32, #tpu.memory_space<hbm>>
    %dma_wait3A_61 = arith.constant 0 : i32
    %dma_wait3A_62 = arith.constant 0 : i32
    %dma_wait3A_63 = tpu.memref_slice %arg2[%add3A_56, %dma_wait3A_61, %dma_wait3A_62] : memref<4608x2x72xi32, #tpu.memory_space<hbm>> -> memref<1x2x72xi32, #tpu.memory_space<hbm>>
    %dma_wait3A_64 = tpu.memref_squeeze %dma_wait3A_63 : memref<1x2x72xi32, #tpu.memory_space<hbm>> -> memref<2x72xi32, #tpu.memory_space<hbm>>
    tpu.wait_dma2 semaphore(%arg20 : memref<!tpu.dma_semaphore, #tpu.memory_space<semaphore_mem>>) src(%dma_wait3A_64 : memref<2x72xi32, #tpu.memory_space<hbm>>) dst(%arg8 : memref<2x72xi32, #tpu.memory_space<vmem>>)
    %dma_start3A_65 = arith.constant 0 : i32
    %dma_start3A_66 = arith.constant 0 : i32
    %dma_start3A_67 = tpu.memref_slice %arg8[%dma_start3A_65, %dma_start3A_66] : memref<2x72xi32, #tpu.memory_space<vmem>> -> memref<1x72xi32, #tpu.memory_space<vmem>>
    %dma_start3A_68 = tpu.memref_squeeze %dma_start3A_67 : memref<1x72xi32, #tpu.memory_space<vmem>> -> memref<72xi32, #tpu.memory_space<vmem>>
    %dma_start3A_69 = arith.constant 0 : i32
    %dma_start3A_70 = arith.constant 0 : i32
    %dma_start3A_71 = tpu.memref_slice %arg3[%dma_start3A_69, %dma_start3A_70] : memref<10240x64xf32, #tpu.memory_space<hbm>> -> memref<10240x64xf32, #tpu.memory_space<hbm>>
    tpu.enqueue_indirect_dma source(%dma_start3A_71 : memref<10240x64xf32, #tpu.memory_space<hbm>>) target(%arg17 : memref<72x64xf32, #tpu.memory_space<vmem>>) offsets(%dma_start3A_68 : memref<72xi32, #tpu.memory_space<vmem>>) semaphore(%arg26 : memref<!tpu.dma_semaphore, #tpu.memory_space<semaphore_mem>>)
    %dma_start3A_72 = arith.constant 1 : i32
    %dma_start3A_73 = arith.constant 0 : i32
    %dma_start3A_74 = tpu.memref_slice %arg8[%dma_start3A_72, %dma_start3A_73] : memref<2x72xi32, #tpu.memory_space<vmem>> -> memref<1x72xi32, #tpu.memory_space<vmem>>
    %dma_start3A_75 = tpu.memref_squeeze %dma_start3A_74 : memref<1x72xi32, #tpu.memory_space<vmem>> -> memref<72xi32, #tpu.memory_space<vmem>>
    %dma_start3A_76 = arith.constant 0 : i32
    %dma_start3A_77 = arith.constant 0 : i32
    %dma_start3A_78 = tpu.memref_slice %arg4[%dma_start3A_76, %dma_start3A_77] : memref<10240x16xf32, #tpu.memory_space<hbm>> -> memref<10240x16xf32, #tpu.memory_space<hbm>>
    tpu.enqueue_indirect_dma source(%dma_start3A_78 : memref<10240x16xf32, #tpu.memory_space<hbm>>) target(%arg14 : memref<72x16xf32, #tpu.memory_space<vmem>>) offsets(%dma_start3A_75 : memref<72xi32, #tpu.memory_space<vmem>>) semaphore(%arg26 : memref<!tpu.dma_semaphore, #tpu.memory_space<semaphore_mem>>)
    %scan3A = arith.constant 0 : i32
    %scan3A_79 = arith.constant 24 : i32
    %scan3A_80 = arith.addi %scan3A, %scan3A_79 : i32
    %scan3A_81 = arith.constant 1 : i32
    scf.for %scan3A_91 = %scan3A to %scan3A_80 step %scan3A_81  : i32 {
      %mul3A_92 = arith.constant 1 : i32
      %mul3A_93 = arith.muli %scan3A_91, %mul3A_92 : i32
      %add3A_94 = arith.constant 0 : i32
      %add3A_95 = arith.addi %add3A_94, %mul3A_93 : i32
      %mul3A_96 = arith.constant 6 : i32
      %mul3A_97 = arith.muli %mul3A_96, %add3A_95 : i32
      %add3A_98 = arith.constant 0 : i32
      %add3A_99 = arith.addi %mul3A_97, %add3A_98 : i32
      %dma_wait3A_100 = arith.constant 0 : i32
      %dma_wait3A_101 = arith.constant 0 : i32
      %dma_wait3A_102 = tpu.memref_slice %arg7[%dma_wait3A_100, %dma_wait3A_101] : memref<2x72xi32, #tpu.memory_space<vmem>> -> memref<1x72xi32, #tpu.memory_space<vmem>>
      %dma_wait3A_103 = tpu.memref_squeeze %dma_wait3A_102 : memref<1x72xi32, #tpu.memory_space<vmem>> -> memref<72xi32, #tpu.memory_space<vmem>>
      %dma_wait3A_104 = arith.constant 0 : i32
      %dma_wait3A_105 = arith.constant 0 : i32
      %dma_wait3A_106 = tpu.memref_slice %arg3[%dma_wait3A_104, %dma_wait3A_105] : memref<10240x64xf32, #tpu.memory_space<hbm>> -> memref<10240x64xf32, #tpu.memory_space<hbm>>
      tpu.wait_indirect_dma semaphore(%arg25 : memref<!tpu.dma_semaphore, #tpu.memory_space<semaphore_mem>>) src(%dma_wait3A_106 : memref<10240x64xf32, #tpu.memory_space<hbm>>) dst(%arg16 : memref<72x64xf32, #tpu.memory_space<vmem>>)
      %dma_wait3A_107 = arith.constant 1 : i32
      %dma_wait3A_108 = arith.constant 0 : i32
      %dma_wait3A_109 = tpu.memref_slice %arg7[%dma_wait3A_107, %dma_wait3A_108] : memref<2x72xi32, #tpu.memory_space<vmem>> -> memref<1x72xi32, #tpu.memory_space<vmem>>
      %dma_wait3A_110 = tpu.memref_squeeze %dma_wait3A_109 : memref<1x72xi32, #tpu.memory_space<vmem>> -> memref<72xi32, #tpu.memory_space<vmem>>
      %dma_wait3A_111 = arith.constant 0 : i32
      %dma_wait3A_112 = arith.constant 0 : i32
      %dma_wait3A_113 = tpu.memref_slice %arg4[%dma_wait3A_111, %dma_wait3A_112] : memref<10240x16xf32, #tpu.memory_space<hbm>> -> memref<10240x16xf32, #tpu.memory_space<hbm>>
      tpu.wait_indirect_dma semaphore(%arg25 : memref<!tpu.dma_semaphore, #tpu.memory_space<semaphore_mem>>) src(%dma_wait3A_113 : memref<10240x16xf32, #tpu.memory_space<hbm>>) dst(%arg13 : memref<72x16xf32, #tpu.memory_space<vmem>>)
      %parallel_loop3A = arith.constant 0 : i32
      %parallel_loop3A_114 = arith.constant 72 : i32
      %parallel_loop3A_115 = arith.constant 1 : i32
      scf.for %parallel_loop3A_471 = %parallel_loop3A to %parallel_loop3A_114 step %parallel_loop3A_115  : i32 {
        %parallel_loop3A_472 = arith.index_cast %parallel_loop3A_471 : i32 to index
        %parallel_loop3A_473 = arith.constant 48 : index
        %parallel_loop3A_474 = tpu.vector_load %arg16[%parallel_loop3A_472, %parallel_loop3A_473] {strides = array<i32>} : memref<72x64xf32, #tpu.memory_space<vmem>>, vector<16xf32>,
        %parallel_loop3A_475 = arith.index_cast %parallel_loop3A_471 : i32 to index
        %parallel_loop3A_476 = arith.constant 0 : index
        %parallel_loop3A_477 = tpu.vector_load %arg13[%parallel_loop3A_475, %parallel_loop3A_476] {strides = array<i32>} : memref<72x16xf32, #tpu.memory_space<vmem>>, vector<16xf32>,
        %parallel_loop3A_478 = arith.addf %parallel_loop3A_474, %parallel_loop3A_477 : vector<16xf32>
        %parallel_loop3A_479 = arith.constant 0.000000e+00 : f32
        %parallel_loop3A_480 = vector.broadcast %parallel_loop3A_479 : f32 to vector<16xf32>
        %parallel_loop3A_481 = arith.cmpf ogt, %parallel_loop3A_478, %parallel_loop3A_480 : vector<16xf32>
        %parallel_loop3A_482 = arith.constant 2.000000e-01 : f32
        %parallel_loop3A_483 = vector.broadcast %parallel_loop3A_482 : f32 to vector<16xf32>
        %parallel_loop3A_484 = arith.mulf %parallel_loop3A_483, %parallel_loop3A_478 : vector<16xf32>
        %parallel_loop3A_485 = arith.select %parallel_loop3A_481, %parallel_loop3A_478, %parallel_loop3A_484 : vector<16xi1>, vector<16xf32>
        %parallel_loop3A_486 = math.exp %parallel_loop3A_485 : vector<16xf32>
        %parallel_loop3A_487 = arith.index_cast %parallel_loop3A_471 : i32 to index
        %parallel_loop3A_488 = arith.constant 48 : index
        %parallel_loop3A_489 = tpu.vector_load %arg16[%parallel_loop3A_487, %parallel_loop3A_488] {strides = array<i32>} : memref<72x64xf32, #tpu.memory_space<vmem>>, vector<16xf32>,
        tpu.vector_store %arg16[%parallel_loop3A_487, %parallel_loop3A_488], %parallel_loop3A_486 {strides = array<i32>} : memref<72x64xf32, #tpu.memory_space<vmem>>, vector<16xf32>,
        %parallel_loop3A_490 = arith.constant 0 : i32
        %parallel_loop3A_491 = vector.broadcast %parallel_loop3A_490 : i32 to vector<16x1xi32>
        %parallel_loop3A_492 = vector.shape_cast %parallel_loop3A_491 : vector<16x1xi32> to vector<16xi32>
        %parallel_loop3A_493 = tpu.dynamic_gather %parallel_loop3A_486[%parallel_loop3A_492] in [0] : vector<16xf32>, vector<16xi32> -> vector<16xf32>
        %parallel_loop3A_494 = arith.index_cast %parallel_loop3A_471 : i32 to index
        %parallel_loop3A_495 = arith.constant 0 : index
        %parallel_loop3A_496 = tpu.vector_load %arg16[%parallel_loop3A_494, %parallel_loop3A_495] {strides = array<i32>} : memref<72x64xf32, #tpu.memory_space<vmem>>, vector<16xf32>,
        %parallel_loop3A_497 = arith.mulf %parallel_loop3A_496, %parallel_loop3A_493 : vector<16xf32>
        %parallel_loop3A_498 = arith.index_cast %parallel_loop3A_471 : i32 to index
        %parallel_loop3A_499 = arith.constant 0 : index
        %parallel_loop3A_500 = tpu.vector_load %arg16[%parallel_loop3A_498, %parallel_loop3A_499] {strides = array<i32>} : memref<72x64xf32, #tpu.memory_space<vmem>>, vector<16xf32>,
        tpu.vector_store %arg16[%parallel_loop3A_498, %parallel_loop3A_499], %parallel_loop3A_497 {strides = array<i32>} : memref<72x64xf32, #tpu.memory_space<vmem>>, vector<16xf32>,
        %parallel_loop3A_501 = arith.constant 0 : i32
        %parallel_loop3A_502 = vector.broadcast %parallel_loop3A_501 : i32 to vector<16x1xi32>
        %parallel_loop3A_503 = vector.shape_cast %parallel_loop3A_502 : vector<16x1xi32> to vector<16xi32>
        %parallel_loop3A_504 = tpu.dynamic_gather %parallel_loop3A_486[%parallel_loop3A_503] in [0] : vector<16xf32>, vector<16xi32> -> vector<16xf32>
        %parallel_loop3A_505 = arith.index_cast %parallel_loop3A_471 : i32 to index
        %parallel_loop3A_506 = arith.constant 16 : index
        %parallel_loop3A_507 = tpu.vector_load %arg16[%parallel_loop3A_505, %parallel_loop3A_506] {strides = array<i32>} : memref<72x64xf32, #tpu.memory_space<vmem>>, vector<16xf32>,
        %parallel_loop3A_508 = arith.mulf %parallel_loop3A_507, %parallel_loop3A_504 : vector<16xf32>
        %parallel_loop3A_509 = arith.index_cast %parallel_loop3A_471 : i32 to index
        %parallel_loop3A_510 = arith.constant 16 : index
        %parallel_loop3A_511 = tpu.vector_load %arg16[%parallel_loop3A_509, %parallel_loop3A_510] {strides = array<i32>} : memref<72x64xf32, #tpu.memory_space<vmem>>, vector<16xf32>,
        tpu.vector_store %arg16[%parallel_loop3A_509, %parallel_loop3A_510], %parallel_loop3A_508 {strides = array<i32>} : memref<72x64xf32, #tpu.memory_space<vmem>>, vector<16xf32>,
        %parallel_loop3A_512 = arith.constant 0 : i32
        %parallel_loop3A_513 = vector.broadcast %parallel_loop3A_512 : i32 to vector<16x1xi32>
        %parallel_loop3A_514 = vector.shape_cast %parallel_loop3A_513 : vector<16x1xi32> to vector<16xi32>
        %parallel_loop3A_515 = tpu.dynamic_gather %parallel_loop3A_486[%parallel_loop3A_514] in [0] : vector<16xf32>, vector<16xi32> -> vector<16xf32>
        %parallel_loop3A_516 = arith.index_cast %parallel_loop3A_471 : i32 to index
        %parallel_loop3A_517 = arith.constant 32 : index
        %parallel_loop3A_518 = tpu.vector_load %arg16[%parallel_loop3A_516, %parallel_loop3A_517] {strides = array<i32>} : memref<72x64xf32, #tpu.memory_space<vmem>>, vector<16xf32>,
        %parallel_loop3A_519 = arith.mulf %parallel_loop3A_518, %parallel_loop3A_515 : vector<16xf32>
        %parallel_loop3A_520 = arith.index_cast %parallel_loop3A_471 : i32 to index
        %parallel_loop3A_521 = arith.constant 32 : index
        %parallel_loop3A_522 = tpu.vector_load %arg16[%parallel_loop3A_520, %parallel_loop3A_521] {strides = array<i32>} : memref<72x64xf32, #tpu.memory_space<vmem>>, vector<16xf32>,
        tpu.vector_store %arg16[%parallel_loop3A_520, %parallel_loop3A_521], %parallel_loop3A_519 {strides = array<i32>} : memref<72x64xf32, #tpu.memory_space<vmem>>, vector<16xf32>,
      } {sc.loop_unroll_factor = 4 : i64, sc.parallel_access}
      %dma_start3A_116 = arith.constant 1 : i32
      %dma_start3A_117 = arith.constant 0 : i32
      %dma_start3A_118 = tpu.memref_slice %arg7[%dma_start3A_116, %dma_start3A_117] : memref<2x72xi32, #tpu.memory_space<vmem>> -> memref<1x72xi32, #tpu.memory_space<vmem>>
      %dma_start3A_119 = tpu.memref_squeeze %dma_start3A_118 : memref<1x72xi32, #tpu.memory_space<vmem>> -> memref<72xi32, #tpu.memory_space<vmem>>
      %dma_start3A_120 = arith.constant 0 : i32
      %dma_start3A_121 = arith.constant 0 : i32
      %dma_start3A_122 = tpu.memref_slice %arg31[%dma_start3A_120, %dma_start3A_121] : memref<10240x64xf32, #tpu.memory_space<vmem_shared>> -> memref<10240x64xf32, #tpu.memory_space<vmem_shared>>
      tpu.enqueue_indirect_dma source(%arg16 : memref<72x64xf32, #tpu.memory_space<vmem>>) target(%dma_start3A_122 : memref<10240x64xf32, #tpu.memory_space<vmem_shared>>) offsets(%dma_start3A_119 : memref<72xi32, #tpu.memory_space<vmem>>) semaphore(%arg28 : memref<!tpu.dma_semaphore, #tpu.memory_space<semaphore_mem>>) {add = true}
      %gt3A = arith.constant 0 : i32
      %gt3A_123 = arith.cmpi sgt, %add3A_95, %gt3A : i32
      %convert_element_type3A = arith.extui %gt3A_123 : i1 to i32
      %cond3A = arith.constant 0 : i32
      %cond3A_124 = arith.cmpi ne, %convert_element_type3A, %cond3A : i32
      scf.if %cond3A_124 {
        %dma_wait3A_471 = arith.constant 1 : i32
        %dma_wait3A_472 = arith.constant 0 : i32
        %dma_wait3A_473 = tpu.memref_slice %arg12[%dma_wait3A_471, %dma_wait3A_472] : memref<2x72xi32, #tpu.memory_space<vmem>> -> memref<1x72xi32, #tpu.memory_space<vmem>>
        %dma_wait3A_474 = tpu.memref_squeeze %dma_wait3A_473 : memref<1x72xi32, #tpu.memory_space<vmem>> -> memref<72xi32, #tpu.memory_space<vmem>>
        %dma_wait3A_475 = arith.constant 0 : i32
        %dma_wait3A_476 = arith.constant 0 : i32
        %dma_wait3A_477 = tpu.memref_slice %arg31[%dma_wait3A_475, %dma_wait3A_476] : memref<10240x64xf32, #tpu.memory_space<vmem_shared>> -> memref<10240x64xf32, #tpu.memory_space<vmem_shared>>
        tpu.wait_indirect_dma semaphore(%arg30 : memref<!tpu.dma_semaphore, #tpu.memory_space<semaphore_mem>>) src(%arg18 : memref<72x64xf32, #tpu.memory_space<vmem>>) dst(%dma_wait3A_477 : memref<10240x64xf32, #tpu.memory_space<vmem_shared>>)
      } else {
      }
      %add3A_125 = arith.constant 3 : i32
      %add3A_126 = arith.addi %add3A_99, %add3A_125 : i32
      %mul3A_127 = arith.constant 32 : i32
      %mul3A_128 = arith.muli %add3A_126, %mul3A_127 : i32
      %add3A_129 = arith.addi %add3A, %mul3A_128 : i32
      %dma_start3A_130 = arith.constant 0 : i32
      %dma_start3A_131 = arith.constant 0 : i32
      %dma_start3A_132 = tpu.memref_slice %arg2[%add3A_129, %dma_start3A_130, %dma_start3A_131] : memref<4608x2x72xi32, #tpu.memory_space<hbm>> -> memref<1x2x72xi32, #tpu.memory_space<hbm>>
      %dma_start3A_133 = tpu.memref_squeeze %dma_start3A_132 : memref<1x2x72xi32, #tpu.memory_space<hbm>> -> memref<2x72xi32, #tpu.memory_space<hbm>>
      %dma_start3A_134 = arith.constant 0 : i32
      %dma_start3A_135 = arith.constant 0 : i32
      %dma_start3A_136 = tpu.memref_slice %arg2[%add3A_129, %dma_start3A_134, %dma_start3A_135] : memref<4608x2x72xi32, #tpu.memory_space<hbm>> -> memref<1x2x72xi32, #tpu.memory_space<hbm>>
      %dma_start3A_137 = tpu.memref_squeeze %dma_start3A_136 : memref<1x2x72xi32, #tpu.memory_space<hbm>> -> memref<2x72xi32, #tpu.memory_space<hbm>>
      tpu.enqueue_dma source(%dma_start3A_137 : memref<2x72xi32, #tpu.memory_space<hbm>>) target(%arg10 : memref<2x72xi32, #tpu.memory_space<vmem>>) target_semaphore(%arg22 : memref<!tpu.dma_semaphore, #tpu.memory_space<semaphore_mem>>)
      %add3A_138 = arith.constant 2 : i32
      %add3A_139 = arith.addi %add3A_99, %add3A_138 : i32
      %mul3A_140 = arith.constant 32 : i32
      %mul3A_141 = arith.muli %add3A_139, %mul3A_140 : i32
      %add3A_142 = arith.addi %add3A, %mul3A_141 : i32
      %dma_wait3A_143 = arith.constant 0 : i32
      %dma_wait3A_144 = arith.constant 0 : i32
      %dma_wait3A_145 = tpu.memref_slice %arg2[%add3A_142, %dma_wait3A_143, %dma_wait3A_144] : memref<4608x2x72xi32, #tpu.memory_space<hbm>> -> memref<1x2x72xi32, #tpu.memory_space<hbm>>
      %dma_wait3A_146 = tpu.memref_squeeze %dma_wait3A_145 : memref<1x2x72xi32, #tpu.memory_space<hbm>> -> memref<2x72xi32, #tpu.memory_space<hbm>>
      %dma_wait3A_147 = arith.constant 0 : i32
      %dma_wait3A_148 = arith.constant 0 : i32
      %dma_wait3A_149 = tpu.memref_slice %arg2[%add3A_142, %dma_wait3A_147, %dma_wait3A_148] : memref<4608x2x72xi32, #tpu.memory_space<hbm>> -> memref<1x2x72xi32, #tpu.memory_space<hbm>>
      %dma_wait3A_150 = tpu.memref_squeeze %dma_wait3A_149 : memref<1x2x72xi32, #tpu.memory_space<hbm>> -> memref<2x72xi32, #tpu.memory_space<hbm>>
      tpu.wait_dma2 semaphore(%arg21 : memref<!tpu.dma_semaphore, #tpu.memory_space<semaphore_mem>>) src(%dma_wait3A_150 : memref<2x72xi32, #tpu.memory_space<hbm>>) dst(%arg9 : memref<2x72xi32, #tpu.memory_space<vmem>>)
      %dma_start3A_151 = arith.constant 0 : i32
      %dma_start3A_152 = arith.constant 0 : i32
      %dma_start3A_153 = tpu.memref_slice %arg9[%dma_start3A_151, %dma_start3A_152] : memref<2x72xi32, #tpu.memory_space<vmem>> -> memref<1x72xi32, #tpu.memory_space<vmem>>
      %dma_start3A_154 = tpu.memref_squeeze %dma_start3A_153 : memref<1x72xi32, #tpu.memory_space<vmem>> -> memref<72xi32, #tpu.memory_space<vmem>>
      %dma_start3A_155 = arith.constant 0 : i32
      %dma_start3A_156 = arith.constant 0 : i32
      %dma_start3A_157 = tpu.memref_slice %arg3[%dma_start3A_155, %dma_start3A_156] : memref<10240x64xf32, #tpu.memory_space<hbm>> -> memref<10240x64xf32, #tpu.memory_space<hbm>>
      tpu.enqueue_indirect_dma source(%dma_start3A_157 : memref<10240x64xf32, #tpu.memory_space<hbm>>) target(%arg18 : memref<72x64xf32, #tpu.memory_space<vmem>>) offsets(%dma_start3A_154 : memref<72xi32, #tpu.memory_space<vmem>>) semaphore(%arg27 : memref<!tpu.dma_semaphore, #tpu.memory_space<semaphore_mem>>)
      %dma_start3A_158 = arith.constant 1 : i32
      %dma_start3A_159 = arith.constant 0 : i32
      %dma_start3A_160 = tpu.memref_slice %arg9[%dma_start3A_158, %dma_start3A_159] : memref<2x72xi32, #tpu.memory_space<vmem>> -> memref<1x72xi32, #tpu.memory_space<vmem>>
      %dma_start3A_161 = tpu.memref_squeeze %dma_start3A_160 : memref<1x72xi32, #tpu.memory_space<vmem>> -> memref<72xi32, #tpu.memory_space<vmem>>
      %dma_start3A_162 = arith.constant 0 : i32
      %dma_start3A_163 = arith.constant 0 : i32
      %dma_start3A_164 = tpu.memref_slice %arg4[%dma_start3A_162, %dma_start3A_163] : memref<10240x16xf32, #tpu.memory_space<hbm>> -> memref<10240x16xf32, #tpu.memory_space<hbm>>
      tpu.enqueue_indirect_dma source(%dma_start3A_164 : memref<10240x16xf32, #tpu.memory_space<hbm>>) target(%arg15 : memref<72x16xf32, #tpu.memory_space<vmem>>) offsets(%dma_start3A_161 : memref<72xi32, #tpu.memory_space<vmem>>) semaphore(%arg27 : memref<!tpu.dma_semaphore, #tpu.memory_space<semaphore_mem>>)
      %mul3A_165 = arith.constant 6 : i32
      %mul3A_166 = arith.muli %mul3A_165, %add3A_95 : i32
      %add3A_167 = arith.constant 1 : i32
      %add3A_168 = arith.addi %mul3A_166, %add3A_167 : i32
      %dma_wait3A_169 = arith.constant 0 : i32
      %dma_wait3A_170 = arith.constant 0 : i32
      %dma_wait3A_171 = tpu.memref_slice %arg8[%dma_wait3A_169, %dma_wait3A_170] : memref<2x72xi32, #tpu.memory_space<vmem>> -> memref<1x72xi32, #tpu.memory_space<vmem>>
      %dma_wait3A_172 = tpu.memref_squeeze %dma_wait3A_171 : memref<1x72xi32, #tpu.memory_space<vmem>> -> memref<72xi32, #tpu.memory_space<vmem>>
      %dma_wait3A_173 = arith.constant 0 : i32
      %dma_wait3A_174 = arith.constant 0 : i32
      %dma_wait3A_175 = tpu.memref_slice %arg3[%dma_wait3A_173, %dma_wait3A_174] : memref<10240x64xf32, #tpu.memory_space<hbm>> -> memref<10240x64xf32, #tpu.memory_space<hbm>>
      tpu.wait_indirect_dma semaphore(%arg26 : memref<!tpu.dma_semaphore, #tpu.memory_space<semaphore_mem>>) src(%dma_wait3A_175 : memref<10240x64xf32, #tpu.memory_space<hbm>>) dst(%arg17 : memref<72x64xf32, #tpu.memory_space<vmem>>)
      %dma_wait3A_176 = arith.constant 1 : i32
      %dma_wait3A_177 = arith.constant 0 : i32
      %dma_wait3A_178 = tpu.memref_slice %arg8[%dma_wait3A_176, %dma_wait3A_177] : memref<2x72xi32, #tpu.memory_space<vmem>> -> memref<1x72xi32, #tpu.memory_space<vmem>>
      %dma_wait3A_179 = tpu.memref_squeeze %dma_wait3A_178 : memref<1x72xi32, #tpu.memory_space<vmem>> -> memref<72xi32, #tpu.memory_space<vmem>>
      %dma_wait3A_180 = arith.constant 0 : i32
      %dma_wait3A_181 = arith.constant 0 : i32
      %dma_wait3A_182 = tpu.memref_slice %arg4[%dma_wait3A_180, %dma_wait3A_181] : memref<10240x16xf32, #tpu.memory_space<hbm>> -> memref<10240x16xf32, #tpu.memory_space<hbm>>
      tpu.wait_indirect_dma semaphore(%arg26 : memref<!tpu.dma_semaphore, #tpu.memory_space<semaphore_mem>>) src(%dma_wait3A_182 : memref<10240x16xf32, #tpu.memory_space<hbm>>) dst(%arg14 : memref<72x16xf32, #tpu.memory_space<vmem>>)
      %parallel_loop3A_183 = arith.constant 0 : i32
      %parallel_loop3A_184 = arith.constant 72 : i32
      %parallel_loop3A_185 = arith.constant 1 : i32
      scf.for %parallel_loop3A_471 = %parallel_loop3A_183 to %parallel_loop3A_184 step %parallel_loop3A_185  : i32 {
        %parallel_loop3A_472 = arith.index_cast %parallel_loop3A_471 : i32 to index
        %parallel_loop3A_473 = arith.constant 48 : index
        %parallel_loop3A_474 = tpu.vector_load %arg17[%parallel_loop3A_472, %parallel_loop3A_473] {strides = array<i32>} : memref<72x64xf32, #tpu.memory_space<vmem>>, vector<16xf32>,
        %parallel_loop3A_475 = arith.index_cast %parallel_loop3A_471 : i32 to index
        %parallel_loop3A_476 = arith.constant 0 : index
        %parallel_loop3A_477 = tpu.vector_load %arg14[%parallel_loop3A_475, %parallel_loop3A_476] {strides = array<i32>} : memref<72x16xf32, #tpu.memory_space<vmem>>, vector<16xf32>,
        %parallel_loop3A_478 = arith.addf %parallel_loop3A_474, %parallel_loop3A_477 : vector<16xf32>
        %parallel_loop3A_479 = arith.constant 0.000000e+00 : f32
        %parallel_loop3A_480 = vector.broadcast %parallel_loop3A_479 : f32 to vector<16xf32>
        %parallel_loop3A_481 = arith.cmpf ogt, %parallel_loop3A_478, %parallel_loop3A_480 : vector<16xf32>
        %parallel_loop3A_482 = arith.constant 2.000000e-01 : f32
        %parallel_loop3A_483 = vector.broadcast %parallel_loop3A_482 : f32 to vector<16xf32>
        %parallel_loop3A_484 = arith.mulf %parallel_loop3A_483, %parallel_loop3A_478 : vector<16xf32>
        %parallel_loop3A_485 = arith.select %parallel_loop3A_481, %parallel_loop3A_478, %parallel_loop3A_484 : vector<16xi1>, vector<16xf32>
        %parallel_loop3A_486 = math.exp %parallel_loop3A_485 : vector<16xf32>
        %parallel_loop3A_487 = arith.index_cast %parallel_loop3A_471 : i32 to index
        %parallel_loop3A_488 = arith.constant 48 : index
        %parallel_loop3A_489 = tpu.vector_load %arg17[%parallel_loop3A_487, %parallel_loop3A_488] {strides = array<i32>} : memref<72x64xf32, #tpu.memory_space<vmem>>, vector<16xf32>,
        tpu.vector_store %arg17[%parallel_loop3A_487, %parallel_loop3A_488], %parallel_loop3A_486 {strides = array<i32>} : memref<72x64xf32, #tpu.memory_space<vmem>>, vector<16xf32>,
        %parallel_loop3A_490 = arith.constant 0 : i32
        %parallel_loop3A_491 = vector.broadcast %parallel_loop3A_490 : i32 to vector<16x1xi32>
        %parallel_loop3A_492 = vector.shape_cast %parallel_loop3A_491 : vector<16x1xi32> to vector<16xi32>
        %parallel_loop3A_493 = tpu.dynamic_gather %parallel_loop3A_486[%parallel_loop3A_492] in [0] : vector<16xf32>, vector<16xi32> -> vector<16xf32>
        %parallel_loop3A_494 = arith.index_cast %parallel_loop3A_471 : i32 to index
        %parallel_loop3A_495 = arith.constant 0 : index
        %parallel_loop3A_496 = tpu.vector_load %arg17[%parallel_loop3A_494, %parallel_loop3A_495] {strides = array<i32>} : memref<72x64xf32, #tpu.memory_space<vmem>>, vector<16xf32>,
        %parallel_loop3A_497 = arith.mulf %parallel_loop3A_496, %parallel_loop3A_493 : vector<16xf32>
        %parallel_loop3A_498 = arith.index_cast %parallel_loop3A_471 : i32 to index
        %parallel_loop3A_499 = arith.constant 0 : index
        %parallel_loop3A_500 = tpu.vector_load %arg17[%parallel_loop3A_498, %parallel_loop3A_499] {strides = array<i32>} : memref<72x64xf32, #tpu.memory_space<vmem>>, vector<16xf32>,
        tpu.vector_store %arg17[%parallel_loop3A_498, %parallel_loop3A_499], %parallel_loop3A_497 {strides = array<i32>} : memref<72x64xf32, #tpu.memory_space<vmem>>, vector<16xf32>,
        %parallel_loop3A_501 = arith.constant 0 : i32
        %parallel_loop3A_502 = vector.broadcast %parallel_loop3A_501 : i32 to vector<16x1xi32>
        %parallel_loop3A_503 = vector.shape_cast %parallel_loop3A_502 : vector<16x1xi32> to vector<16xi32>
        %parallel_loop3A_504 = tpu.dynamic_gather %parallel_loop3A_486[%parallel_loop3A_503] in [0] : vector<16xf32>, vector<16xi32> -> vector<16xf32>
        %parallel_loop3A_505 = arith.index_cast %parallel_loop3A_471 : i32 to index
        %parallel_loop3A_506 = arith.constant 16 : index
        %parallel_loop3A_507 = tpu.vector_load %arg17[%parallel_loop3A_505, %parallel_loop3A_506] {strides = array<i32>} : memref<72x64xf32, #tpu.memory_space<vmem>>, vector<16xf32>,
        %parallel_loop3A_508 = arith.mulf %parallel_loop3A_507, %parallel_loop3A_504 : vector<16xf32>
        %parallel_loop3A_509 = arith.index_cast %parallel_loop3A_471 : i32 to index
        %parallel_loop3A_510 = arith.constant 16 : index
        %parallel_loop3A_511 = tpu.vector_load %arg17[%parallel_loop3A_509, %parallel_loop3A_510] {strides = array<i32>} : memref<72x64xf32, #tpu.memory_space<vmem>>, vector<16xf32>,
        tpu.vector_store %arg17[%parallel_loop3A_509, %parallel_loop3A_510], %parallel_loop3A_508 {strides = array<i32>} : memref<72x64xf32, #tpu.memory_space<vmem>>, vector<16xf32>,
        %parallel_loop3A_512 = arith.constant 0 : i32
        %parallel_loop3A_513 = vector.broadcast %parallel_loop3A_512 : i32 to vector<16x1xi32>
        %parallel_loop3A_514 = vector.shape_cast %parallel_loop3A_513 : vector<16x1xi32> to vector<16xi32>
        %parallel_loop3A_515 = tpu.dynamic_gather %parallel_loop3A_486[%parallel_loop3A_514] in [0] : vector<16xf32>, vector<16xi32> -> vector<16xf32>
        %parallel_loop3A_516 = arith.index_cast %parallel_loop3A_471 : i32 to index
        %parallel_loop3A_517 = arith.constant 32 : index
        %parallel_loop3A_518 = tpu.vector_load %arg17[%parallel_loop3A_516, %parallel_loop3A_517] {strides = array<i32>} : memref<72x64xf32, #tpu.memory_space<vmem>>, vector<16xf32>,
        %parallel_loop3A_519 = arith.mulf %parallel_loop3A_518, %parallel_loop3A_515 : vector<16xf32>
        %parallel_loop3A_520 = arith.index_cast %parallel_loop3A_471 : i32 to index
        %parallel_loop3A_521 = arith.constant 32 : index
        %parallel_loop3A_522 = tpu.vector_load %arg17[%parallel_loop3A_520, %parallel_loop3A_521] {strides = array<i32>} : memref<72x64xf32, #tpu.memory_space<vmem>>, vector<16xf32>,
        tpu.vector_store %arg17[%parallel_loop3A_520, %parallel_loop3A_521], %parallel_loop3A_519 {strides = array<i32>} : memref<72x64xf32, #tpu.memory_space<vmem>>, vector<16xf32>,
      } {sc.loop_unroll_factor = 4 : i64, sc.parallel_access}
      %dma_start3A_186 = arith.constant 1 : i32
      %dma_start3A_187 = arith.constant 0 : i32
      %dma_start3A_188 = tpu.memref_slice %arg8[%dma_start3A_186, %dma_start3A_187] : memref<2x72xi32, #tpu.memory_space<vmem>> -> memref<1x72xi32, #tpu.memory_space<vmem>>
      %dma_start3A_189 = tpu.memref_squeeze %dma_start3A_188 : memref<1x72xi32, #tpu.memory_space<vmem>> -> memref<72xi32, #tpu.memory_space<vmem>>
      %dma_start3A_190 = arith.constant 0 : i32
      %dma_start3A_191 = arith.constant 0 : i32
      %dma_start3A_192 = tpu.memref_slice %arg31[%dma_start3A_190, %dma_start3A_191] : memref<10240x64xf32, #tpu.memory_space<vmem_shared>> -> memref<10240x64xf32, #tpu.memory_space<vmem_shared>>
      tpu.enqueue_indirect_dma source(%arg17 : memref<72x64xf32, #tpu.memory_space<vmem>>) target(%dma_start3A_192 : memref<10240x64xf32, #tpu.memory_space<vmem_shared>>) offsets(%dma_start3A_189 : memref<72xi32, #tpu.memory_space<vmem>>) semaphore(%arg29 : memref<!tpu.dma_semaphore, #tpu.memory_space<semaphore_mem>>) {add = true}
      %dma_wait3A_193 = arith.constant 1 : i32
      %dma_wait3A_194 = arith.constant 0 : i32
      %dma_wait3A_195 = tpu.memref_slice %arg7[%dma_wait3A_193, %dma_wait3A_194] : memref<2x72xi32, #tpu.memory_space<vmem>> -> memref<1x72xi32, #tpu.memory_space<vmem>>
      %dma_wait3A_196 = tpu.memref_squeeze %dma_wait3A_195 : memref<1x72xi32, #tpu.memory_space<vmem>> -> memref<72xi32, #tpu.memory_space<vmem>>
      %dma_wait3A_197 = arith.constant 0 : i32
      %dma_wait3A_198 = arith.constant 0 : i32
      %dma_wait3A_199 = tpu.memref_slice %arg31[%dma_wait3A_197, %dma_wait3A_198] : memref<10240x64xf32, #tpu.memory_space<vmem_shared>> -> memref<10240x64xf32, #tpu.memory_space<vmem_shared>>
      tpu.wait_indirect_dma semaphore(%arg28 : memref<!tpu.dma_semaphore, #tpu.memory_space<semaphore_mem>>) src(%arg16 : memref<72x64xf32, #tpu.memory_space<vmem>>) dst(%dma_wait3A_199 : memref<10240x64xf32, #tpu.memory_space<vmem_shared>>)
      %add3A_200 = arith.constant 3 : i32
      %add3A_201 = arith.addi %add3A_168, %add3A_200 : i32
      %mul3A_202 = arith.constant 32 : i32
      %mul3A_203 = arith.muli %add3A_201, %mul3A_202 : i32
      %add3A_204 = arith.addi %add3A, %mul3A_203 : i32
      %dma_start3A_205 = arith.constant 0 : i32
      %dma_start3A_206 = arith.constant 0 : i32
      %dma_start3A_207 = tpu.memref_slice %arg2[%add3A_204, %dma_start3A_205, %dma_start3A_206] : memref<4608x2x72xi32, #tpu.memory_space<hbm>> -> memref<1x2x72xi32, #tpu.memory_space<hbm>>
      %dma_start3A_208 = tpu.memref_squeeze %dma_start3A_207 : memref<1x2x72xi32, #tpu.memory_space<hbm>> -> memref<2x72xi32, #tpu.memory_space<hbm>>
      %dma_start3A_209 = arith.constant 0 : i32
      %dma_start3A_210 = arith.constant 0 : i32
      %dma_start3A_211 = tpu.memref_slice %arg2[%add3A_204, %dma_start3A_209, %dma_start3A_210] : memref<4608x2x72xi32, #tpu.memory_space<hbm>> -> memref<1x2x72xi32, #tpu.memory_space<hbm>>
      %dma_start3A_212 = tpu.memref_squeeze %dma_start3A_211 : memref<1x2x72xi32, #tpu.memory_space<hbm>> -> memref<2x72xi32, #tpu.memory_space<hbm>>
      tpu.enqueue_dma source(%dma_start3A_212 : memref<2x72xi32, #tpu.memory_space<hbm>>) target(%arg11 : memref<2x72xi32, #tpu.memory_space<vmem>>) target_semaphore(%arg23 : memref<!tpu.dma_semaphore, #tpu.memory_space<semaphore_mem>>)
      %add3A_213 = arith.constant 2 : i32
      %add3A_214 = arith.addi %add3A_168, %add3A_213 : i32
      %mul3A_215 = arith.constant 32 : i32
      %mul3A_216 = arith.muli %add3A_214, %mul3A_215 : i32
      %add3A_217 = arith.addi %add3A, %mul3A_216 : i32
      %dma_wait3A_218 = arith.constant 0 : i32
      %dma_wait3A_219 = arith.constant 0 : i32
      %dma_wait3A_220 = tpu.memref_slice %arg2[%add3A_217, %dma_wait3A_218, %dma_wait3A_219] : memref<4608x2x72xi32, #tpu.memory_space<hbm>> -> memref<1x2x72xi32, #tpu.memory_space<hbm>>
      %dma_wait3A_221 = tpu.memref_squeeze %dma_wait3A_220 : memref<1x2x72xi32, #tpu.memory_space<hbm>> -> memref<2x72xi32, #tpu.memory_space<hbm>>
      %dma_wait3A_222 = arith.constant 0 : i32
      %dma_wait3A_223 = arith.constant 0 : i32
      %dma_wait3A_224 = tpu.memref_slice %arg2[%add3A_217, %dma_wait3A_222, %dma_wait3A_223] : memref<4608x2x72xi32, #tpu.memory_space<hbm>> -> memref<1x2x72xi32, #tpu.memory_space<hbm>>
      %dma_wait3A_225 = tpu.memref_squeeze %dma_wait3A_224 : memref<1x2x72xi32, #tpu.memory_space<hbm>> -> memref<2x72xi32, #tpu.memory_space<hbm>>
      tpu.wait_dma2 semaphore(%arg22 : memref<!tpu.dma_semaphore, #tpu.memory_space<semaphore_mem>>) src(%dma_wait3A_225 : memref<2x72xi32, #tpu.memory_space<hbm>>) dst(%arg10 : memref<2x72xi32, #tpu.memory_space<vmem>>)
      %dma_start3A_226 = arith.constant 0 : i32
      %dma_start3A_227 = arith.constant 0 : i32
      %dma_start3A_228 = tpu.memref_slice %arg10[%dma_start3A_226, %dma_start3A_227] : memref<2x72xi32, #tpu.memory_space<vmem>> -> memref<1x72xi32, #tpu.memory_space<vmem>>
      %dma_start3A_229 = tpu.memref_squeeze %dma_start3A_228 : memref<1x72xi32, #tpu.memory_space<vmem>> -> memref<72xi32, #tpu.memory_space<vmem>>
      %dma_start3A_230 = arith.constant 0 : i32
      %dma_start3A_231 = arith.constant 0 : i32
      %dma_start3A_232 = tpu.memref_slice %arg3[%dma_start3A_230, %dma_start3A_231] : memref<10240x64xf32, #tpu.memory_space<hbm>> -> memref<10240x64xf32, #tpu.memory_space<hbm>>
      tpu.enqueue_indirect_dma source(%dma_start3A_232 : memref<10240x64xf32, #tpu.memory_space<hbm>>) target(%arg16 : memref<72x64xf32, #tpu.memory_space<vmem>>) offsets(%dma_start3A_229 : memref<72xi32, #tpu.memory_space<vmem>>) semaphore(%arg25 : memref<!tpu.dma_semaphore, #tpu.memory_space<semaphore_mem>>)
      %dma_start3A_233 = arith.constant 1 : i32
      %dma_start3A_234 = arith.constant 0 : i32
      %dma_start3A_235 = tpu.memref_slice %arg10[%dma_start3A_233, %dma_start3A_234] : memref<2x72xi32, #tpu.memory_space<vmem>> -> memref<1x72xi32, #tpu.memory_space<vmem>>
      %dma_start3A_236 = tpu.memref_squeeze %dma_start3A_235 : memref<1x72xi32, #tpu.memory_space<vmem>> -> memref<72xi32, #tpu.memory_space<vmem>>
      %dma_start3A_237 = arith.constant 0 : i32
      %dma_start3A_238 = arith.constant 0 : i32
      %dma_start3A_239 = tpu.memref_slice %arg4[%dma_start3A_237, %dma_start3A_238] : memref<10240x16xf32, #tpu.memory_space<hbm>> -> memref<10240x16xf32, #tpu.memory_space<hbm>>
      tpu.enqueue_indirect_dma source(%dma_start3A_239 : memref<10240x16xf32, #tpu.memory_space<hbm>>) target(%arg13 : memref<72x16xf32, #tpu.memory_space<vmem>>) offsets(%dma_start3A_236 : memref<72xi32, #tpu.memory_space<vmem>>) semaphore(%arg25 : memref<!tpu.dma_semaphore, #tpu.memory_space<semaphore_mem>>)
      %mul3A_240 = arith.constant 6 : i32
      %mul3A_241 = arith.muli %mul3A_240, %add3A_95 : i32
      %add3A_242 = arith.constant 2 : i32
      %add3A_243 = arith.addi %mul3A_241, %add3A_242 : i32
      %dma_wait3A_244 = arith.constant 0 : i32
      %dma_wait3A_245 = arith.constant 0 : i32
      %dma_wait3A_246 = tpu.memref_slice %arg9[%dma_wait3A_244, %dma_wait3A_245] : memref<2x72xi32, #tpu.memory_space<vmem>> -> memref<1x72xi32, #tpu.memory_space<vmem>>
      %dma_wait3A_247 = tpu.memref_squeeze %dma_wait3A_246 : memref<1x72xi32, #tpu.memory_space<vmem>> -> memref<72xi32, #tpu.memory_space<vmem>>
      %dma_wait3A_248 = arith.constant 0 : i32
      %dma_wait3A_249 = arith.constant 0 : i32
      %dma_wait3A_250 = tpu.memref_slice %arg3[%dma_wait3A_248, %dma_wait3A_249] : memref<10240x64xf32, #tpu.memory_space<hbm>> -> memref<10240x64xf32, #tpu.memory_space<hbm>>
      tpu.wait_indirect_dma semaphore(%arg27 : memref<!tpu.dma_semaphore, #tpu.memory_space<semaphore_mem>>) src(%dma_wait3A_250 : memref<10240x64xf32, #tpu.memory_space<hbm>>) dst(%arg18 : memref<72x64xf32, #tpu.memory_space<vmem>>)
      %dma_wait3A_251 = arith.constant 1 : i32
      %dma_wait3A_252 = arith.constant 0 : i32
      %dma_wait3A_253 = tpu.memref_slice %arg9[%dma_wait3A_251, %dma_wait3A_252] : memref<2x72xi32, #tpu.memory_space<vmem>> -> memref<1x72xi32, #tpu.memory_space<vmem>>
      %dma_wait3A_254 = tpu.memref_squeeze %dma_wait3A_253 : memref<1x72xi32, #tpu.memory_space<vmem>> -> memref<72xi32, #tpu.memory_space<vmem>>
      %dma_wait3A_255 = arith.constant 0 : i32
      %dma_wait3A_256 = arith.constant 0 : i32
      %dma_wait3A_257 = tpu.memref_slice %arg4[%dma_wait3A_255, %dma_wait3A_256] : memref<10240x16xf32, #tpu.memory_space<hbm>> -> memref<10240x16xf32, #tpu.memory_space<hbm>>
      tpu.wait_indirect_dma semaphore(%arg27 : memref<!tpu.dma_semaphore, #tpu.memory_space<semaphore_mem>>) src(%dma_wait3A_257 : memref<10240x16xf32, #tpu.memory_space<hbm>>) dst(%arg15 : memref<72x16xf32, #tpu.memory_space<vmem>>)
      %parallel_loop3A_258 = arith.constant 0 : i32
      %parallel_loop3A_259 = arith.constant 72 : i32
      %parallel_loop3A_260 = arith.constant 1 : i32
      scf.for %parallel_loop3A_471 = %parallel_loop3A_258 to %parallel_loop3A_259 step %parallel_loop3A_260  : i32 {
        %parallel_loop3A_472 = arith.index_cast %parallel_loop3A_471 : i32 to index
        %parallel_loop3A_473 = arith.constant 48 : index
        %parallel_loop3A_474 = tpu.vector_load %arg18[%parallel_loop3A_472, %parallel_loop3A_473] {strides = array<i32>} : memref<72x64xf32, #tpu.memory_space<vmem>>, vector<16xf32>,
        %parallel_loop3A_475 = arith.index_cast %parallel_loop3A_471 : i32 to index
        %parallel_loop3A_476 = arith.constant 0 : index
        %parallel_loop3A_477 = tpu.vector_load %arg15[%parallel_loop3A_475, %parallel_loop3A_476] {strides = array<i32>} : memref<72x16xf32, #tpu.memory_space<vmem>>, vector<16xf32>,
        %parallel_loop3A_478 = arith.addf %parallel_loop3A_474, %parallel_loop3A_477 : vector<16xf32>
        %parallel_loop3A_479 = arith.constant 0.000000e+00 : f32
        %parallel_loop3A_480 = vector.broadcast %parallel_loop3A_479 : f32 to vector<16xf32>
        %parallel_loop3A_481 = arith.cmpf ogt, %parallel_loop3A_478, %parallel_loop3A_480 : vector<16xf32>
        %parallel_loop3A_482 = arith.constant 2.000000e-01 : f32
        %parallel_loop3A_483 = vector.broadcast %parallel_loop3A_482 : f32 to vector<16xf32>
        %parallel_loop3A_484 = arith.mulf %parallel_loop3A_483, %parallel_loop3A_478 : vector<16xf32>
        %parallel_loop3A_485 = arith.select %parallel_loop3A_481, %parallel_loop3A_478, %parallel_loop3A_484 : vector<16xi1>, vector<16xf32>
        %parallel_loop3A_486 = math.exp %parallel_loop3A_485 : vector<16xf32>
        %parallel_loop3A_487 = arith.index_cast %parallel_loop3A_471 : i32 to index
        %parallel_loop3A_488 = arith.constant 48 : index
        %parallel_loop3A_489 = tpu.vector_load %arg18[%parallel_loop3A_487, %parallel_loop3A_488] {strides = array<i32>} : memref<72x64xf32, #tpu.memory_space<vmem>>, vector<16xf32>,
        tpu.vector_store %arg18[%parallel_loop3A_487, %parallel_loop3A_488], %parallel_loop3A_486 {strides = array<i32>} : memref<72x64xf32, #tpu.memory_space<vmem>>, vector<16xf32>,
        %parallel_loop3A_490 = arith.constant 0 : i32
        %parallel_loop3A_491 = vector.broadcast %parallel_loop3A_490 : i32 to vector<16x1xi32>
        %parallel_loop3A_492 = vector.shape_cast %parallel_loop3A_491 : vector<16x1xi32> to vector<16xi32>
        %parallel_loop3A_493 = tpu.dynamic_gather %parallel_loop3A_486[%parallel_loop3A_492] in [0] : vector<16xf32>, vector<16xi32> -> vector<16xf32>
        %parallel_loop3A_494 = arith.index_cast %parallel_loop3A_471 : i32 to index
        %parallel_loop3A_495 = arith.constant 0 : index
        %parallel_loop3A_496 = tpu.vector_load %arg18[%parallel_loop3A_494, %parallel_loop3A_495] {strides = array<i32>} : memref<72x64xf32, #tpu.memory_space<vmem>>, vector<16xf32>,
        %parallel_loop3A_497 = arith.mulf %parallel_loop3A_496, %parallel_loop3A_493 : vector<16xf32>
        %parallel_loop3A_498 = arith.index_cast %parallel_loop3A_471 : i32 to index
        %parallel_loop3A_499 = arith.constant 0 : index
        %parallel_loop3A_500 = tpu.vector_load %arg18[%parallel_loop3A_498, %parallel_loop3A_499] {strides = array<i32>} : memref<72x64xf32, #tpu.memory_space<vmem>>, vector<16xf32>,
        tpu.vector_store %arg18[%parallel_loop3A_498, %parallel_loop3A_499], %parallel_loop3A_497 {strides = array<i32>} : memref<72x64xf32, #tpu.memory_space<vmem>>, vector<16xf32>,
        %parallel_loop3A_501 = arith.constant 0 : i32
        %parallel_loop3A_502 = vector.broadcast %parallel_loop3A_501 : i32 to vector<16x1xi32>
        %parallel_loop3A_503 = vector.shape_cast %parallel_loop3A_502 : vector<16x1xi32> to vector<16xi32>
        %parallel_loop3A_504 = tpu.dynamic_gather %parallel_loop3A_486[%parallel_loop3A_503] in [0] : vector<16xf32>, vector<16xi32> -> vector<16xf32>
        %parallel_loop3A_505 = arith.index_cast %parallel_loop3A_471 : i32 to index
        %parallel_loop3A_506 = arith.constant 16 : index
        %parallel_loop3A_507 = tpu.vector_load %arg18[%parallel_loop3A_505, %parallel_loop3A_506] {strides = array<i32>} : memref<72x64xf32, #tpu.memory_space<vmem>>, vector<16xf32>,
        %parallel_loop3A_508 = arith.mulf %parallel_loop3A_507, %parallel_loop3A_504 : vector<16xf32>
        %parallel_loop3A_509 = arith.index_cast %parallel_loop3A_471 : i32 to index
        %parallel_loop3A_510 = arith.constant 16 : index
        %parallel_loop3A_511 = tpu.vector_load %arg18[%parallel_loop3A_509, %parallel_loop3A_510] {strides = array<i32>} : memref<72x64xf32, #tpu.memory_space<vmem>>, vector<16xf32>,
        tpu.vector_store %arg18[%parallel_loop3A_509, %parallel_loop3A_510], %parallel_loop3A_508 {strides = array<i32>} : memref<72x64xf32, #tpu.memory_space<vmem>>, vector<16xf32>,
        %parallel_loop3A_512 = arith.constant 0 : i32
        %parallel_loop3A_513 = vector.broadcast %parallel_loop3A_512 : i32 to vector<16x1xi32>
        %parallel_loop3A_514 = vector.shape_cast %parallel_loop3A_513 : vector<16x1xi32> to vector<16xi32>
        %parallel_loop3A_515 = tpu.dynamic_gather %parallel_loop3A_486[%parallel_loop3A_514] in [0] : vector<16xf32>, vector<16xi32> -> vector<16xf32>
        %parallel_loop3A_516 = arith.index_cast %parallel_loop3A_471 : i32 to index
        %parallel_loop3A_517 = arith.constant 32 : index
        %parallel_loop3A_518 = tpu.vector_load %arg18[%parallel_loop3A_516, %parallel_loop3A_517] {strides = array<i32>} : memref<72x64xf32, #tpu.memory_space<vmem>>, vector<16xf32>,
        %parallel_loop3A_519 = arith.mulf %parallel_loop3A_518, %parallel_loop3A_515 : vector<16xf32>
        %parallel_loop3A_520 = arith.index_cast %parallel_loop3A_471 : i32 to index
        %parallel_loop3A_521 = arith.constant 32 : index
        %parallel_loop3A_522 = tpu.vector_load %arg18[%parallel_loop3A_520, %parallel_loop3A_521] {strides = array<i32>} : memref<72x64xf32, #tpu.memory_space<vmem>>, vector<16xf32>,
        tpu.vector_store %arg18[%parallel_loop3A_520, %parallel_loop3A_521], %parallel_loop3A_519 {strides = array<i32>} : memref<72x64xf32, #tpu.memory_space<vmem>>, vector<16xf32>,
      } {sc.loop_unroll_factor = 4 : i64, sc.parallel_access}
      %dma_start3A_261 = arith.constant 1 : i32
      %dma_start3A_262 = arith.constant 0 : i32
      %dma_start3A_263 = tpu.memref_slice %arg9[%dma_start3A_261, %dma_start3A_262] : memref<2x72xi32, #tpu.memory_space<vmem>> -> memref<1x72xi32, #tpu.memory_space<vmem>>
      %dma_start3A_264 = tpu.memref_squeeze %dma_start3A_263 : memref<1x72xi32, #tpu.memory_space<vmem>> -> memref<72xi32, #tpu.memory_space<vmem>>
      %dma_start3A_265 = arith.constant 0 : i32
      %dma_start3A_266 = arith.constant 0 : i32
      %dma_start3A_267 = tpu.memref_slice %arg31[%dma_start3A_265, %dma_start3A_266] : memref<10240x64xf32, #tpu.memory_space<vmem_shared>> -> memref<10240x64xf32, #tpu.memory_space<vmem_shared>>
      tpu.enqueue_indirect_dma source(%arg18 : memref<72x64xf32, #tpu.memory_space<vmem>>) target(%dma_start3A_267 : memref<10240x64xf32, #tpu.memory_space<vmem_shared>>) offsets(%dma_start3A_264 : memref<72xi32, #tpu.memory_space<vmem>>) semaphore(%arg30 : memref<!tpu.dma_semaphore, #tpu.memory_space<semaphore_mem>>) {add = true}
      %dma_wait3A_268 = arith.constant 1 : i32
      %dma_wait3A_269 = arith.constant 0 : i32
      %dma_wait3A_270 = tpu.memref_slice %arg8[%dma_wait3A_268, %dma_wait3A_269] : memref<2x72xi32, #tpu.memory_space<vmem>> -> memref<1x72xi32, #tpu.memory_space<vmem>>
      %dma_wait3A_271 = tpu.memref_squeeze %dma_wait3A_270 : memref<1x72xi32, #tpu.memory_space<vmem>> -> memref<72xi32, #tpu.memory_space<vmem>>
      %dma_wait3A_272 = arith.constant 0 : i32
      %dma_wait3A_273 = arith.constant 0 : i32
      %dma_wait3A_274 = tpu.memref_slice %arg31[%dma_wait3A_272, %dma_wait3A_273] : memref<10240x64xf32, #tpu.memory_space<vmem_shared>> -> memref<10240x64xf32, #tpu.memory_space<vmem_shared>>
      tpu.wait_indirect_dma semaphore(%arg29 : memref<!tpu.dma_semaphore, #tpu.memory_space<semaphore_mem>>) src(%arg17 : memref<72x64xf32, #tpu.memory_space<vmem>>) dst(%dma_wait3A_274 : memref<10240x64xf32, #tpu.memory_space<vmem_shared>>)
      %add3A_275 = arith.constant 3 : i32
      %add3A_276 = arith.addi %add3A_243, %add3A_275 : i32
      %mul3A_277 = arith.constant 32 : i32
      %mul3A_278 = arith.muli %add3A_276, %mul3A_277 : i32
      %add3A_279 = arith.addi %add3A, %mul3A_278 : i32
      %dma_start3A_280 = arith.constant 0 : i32
      %dma_start3A_281 = arith.constant 0 : i32
      %dma_start3A_282 = tpu.memref_slice %arg2[%add3A_279, %dma_start3A_280, %dma_start3A_281] : memref<4608x2x72xi32, #tpu.memory_space<hbm>> -> memref<1x2x72xi32, #tpu.memory_space<hbm>>
      %dma_start3A_283 = tpu.memref_squeeze %dma_start3A_282 : memref<1x2x72xi32, #tpu.memory_space<hbm>> -> memref<2x72xi32, #tpu.memory_space<hbm>>
      %dma_start3A_284 = arith.constant 0 : i32
      %dma_start3A_285 = arith.constant 0 : i32
      %dma_start3A_286 = tpu.memref_slice %arg2[%add3A_279, %dma_start3A_284, %dma_start3A_285] : memref<4608x2x72xi32, #tpu.memory_space<hbm>> -> memref<1x2x72xi32, #tpu.memory_space<hbm>>
      %dma_start3A_287 = tpu.memref_squeeze %dma_start3A_286 : memref<1x2x72xi32, #tpu.memory_space<hbm>> -> memref<2x72xi32, #tpu.memory_space<hbm>>
      tpu.enqueue_dma source(%dma_start3A_287 : memref<2x72xi32, #tpu.memory_space<hbm>>) target(%arg12 : memref<2x72xi32, #tpu.memory_space<vmem>>) target_semaphore(%arg24 : memref<!tpu.dma_semaphore, #tpu.memory_space<semaphore_mem>>)
      %add3A_288 = arith.constant 2 : i32
      %add3A_289 = arith.addi %add3A_243, %add3A_288 : i32
      %mul3A_290 = arith.constant 32 : i32
      %mul3A_291 = arith.muli %add3A_289, %mul3A_290 : i32
      %add3A_292 = arith.addi %add3A, %mul3A_291 : i32
      %dma_wait3A_293 = arith.constant 0 : i32
      %dma_wait3A_294 = arith.constant 0 : i32
      %dma_wait3A_295 = tpu.memref_slice %arg2[%add3A_292, %dma_wait3A_293, %dma_wait3A_294] : memref<4608x2x72xi32, #tpu.memory_space<hbm>> -> memref<1x2x72xi32, #tpu.memory_space<hbm>>
      %dma_wait3A_296 = tpu.memref_squeeze %dma_wait3A_295 : memref<1x2x72xi32, #tpu.memory_space<hbm>> -> memref<2x72xi32, #tpu.memory_space<hbm>>
      %dma_wait3A_297 = arith.constant 0 : i32
      %dma_wait3A_298 = arith.constant 0 : i32
      %dma_wait3A_299 = tpu.memref_slice %arg2[%add3A_292, %dma_wait3A_297, %dma_wait3A_298] : memref<4608x2x72xi32, #tpu.memory_space<hbm>> -> memref<1x2x72xi32, #tpu.memory_space<hbm>>
      %dma_wait3A_300 = tpu.memref_squeeze %dma_wait3A_299 : memref<1x2x72xi32, #tpu.memory_space<hbm>> -> memref<2x72xi32, #tpu.memory_space<hbm>>
      tpu.wait_dma2 semaphore(%arg23 : memref<!tpu.dma_semaphore, #tpu.memory_space<semaphore_mem>>) src(%dma_wait3A_300 : memref<2x72xi32, #tpu.memory_space<hbm>>) dst(%arg11 : memref<2x72xi32, #tpu.memory_space<vmem>>)
      %dma_start3A_301 = arith.constant 0 : i32
      %dma_start3A_302 = arith.constant 0 : i32
      %dma_start3A_303 = tpu.memref_slice %arg11[%dma_start3A_301, %dma_start3A_302] : memref<2x72xi32, #tpu.memory_space<vmem>> -> memref<1x72xi32, #tpu.memory_space<vmem>>
      %dma_start3A_304 = tpu.memref_squeeze %dma_start3A_303 : memref<1x72xi32, #tpu.memory_space<vmem>> -> memref<72xi32, #tpu.memory_space<vmem>>
      %dma_start3A_305 = arith.constant 0 : i32
      %dma_start3A_306 = arith.constant 0 : i32
      %dma_start3A_307 = tpu.memref_slice %arg3[%dma_start3A_305, %dma_start3A_306] : memref<10240x64xf32, #tpu.memory_space<hbm>> -> memref<10240x64xf32, #tpu.memory_space<hbm>>
      tpu.enqueue_indirect_dma source(%dma_start3A_307 : memref<10240x64xf32, #tpu.memory_space<hbm>>) target(%arg17 : memref<72x64xf32, #tpu.memory_space<vmem>>) offsets(%dma_start3A_304 : memref<72xi32, #tpu.memory_space<vmem>>) semaphore(%arg26 : memref<!tpu.dma_semaphore, #tpu.memory_space<semaphore_mem>>)
      %dma_start3A_308 = arith.constant 1 : i32
      %dma_start3A_309 = arith.constant 0 : i32
      %dma_start3A_310 = tpu.memref_slice %arg11[%dma_start3A_308, %dma_start3A_309] : memref<2x72xi32, #tpu.memory_space<vmem>> -> memref<1x72xi32, #tpu.memory_space<vmem>>
      %dma_start3A_311 = tpu.memref_squeeze %dma_start3A_310 : memref<1x72xi32, #tpu.memory_space<vmem>> -> memref<72xi32, #tpu.memory_space<vmem>>
      %dma_start3A_312 = arith.constant 0 : i32
      %dma_start3A_313 = arith.constant 0 : i32
      %dma_start3A_314 = tpu.memref_slice %arg4[%dma_start3A_312, %dma_start3A_313] : memref<10240x16xf32, #tpu.memory_space<hbm>> -> memref<10240x16xf32, #tpu.memory_space<hbm>>
      tpu.enqueue_indirect_dma source(%dma_start3A_314 : memref<10240x16xf32, #tpu.memory_space<hbm>>) target(%arg14 : memref<72x16xf32, #tpu.memory_space<vmem>>) offsets(%dma_start3A_311 : memref<72xi32, #tpu.memory_space<vmem>>) semaphore(%arg26 : memref<!tpu.dma_semaphore, #tpu.memory_space<semaphore_mem>>)
      %mul3A_315 = arith.constant 6 : i32
      %mul3A_316 = arith.muli %mul3A_315, %add3A_95 : i32
      %add3A_317 = arith.constant 3 : i32
      %add3A_318 = arith.addi %mul3A_316, %add3A_317 : i32
      %dma_wait3A_319 = arith.constant 0 : i32
      %dma_wait3A_320 = arith.constant 0 : i32
      %dma_wait3A_321 = tpu.memref_slice %arg10[%dma_wait3A_319, %dma_wait3A_320] : memref<2x72xi32, #tpu.memory_space<vmem>> -> memref<1x72xi32, #tpu.memory_space<vmem>>
      %dma_wait3A_322 = tpu.memref_squeeze %dma_wait3A_321 : memref<1x72xi32, #tpu.memory_space<vmem>> -> memref<72xi32, #tpu.memory_space<vmem>>
      %dma_wait3A_323 = arith.constant 0 : i32
      %dma_wait3A_324 = arith.constant 0 : i32
      %dma_wait3A_325 = tpu.memref_slice %arg3[%dma_wait3A_323, %dma_wait3A_324] : memref<10240x64xf32, #tpu.memory_space<hbm>> -> memref<10240x64xf32, #tpu.memory_space<hbm>>
      tpu.wait_indirect_dma semaphore(%arg25 : memref<!tpu.dma_semaphore, #tpu.memory_space<semaphore_mem>>) src(%dma_wait3A_325 : memref<10240x64xf32, #tpu.memory_space<hbm>>) dst(%arg16 : memref<72x64xf32, #tpu.memory_space<vmem>>)
      %dma_wait3A_326 = arith.constant 1 : i32
      %dma_wait3A_327 = arith.constant 0 : i32
      %dma_wait3A_328 = tpu.memref_slice %arg10[%dma_wait3A_326, %dma_wait3A_327] : memref<2x72xi32, #tpu.memory_space<vmem>> -> memref<1x72xi32, #tpu.memory_space<vmem>>
      %dma_wait3A_329 = tpu.memref_squeeze %dma_wait3A_328 : memref<1x72xi32, #tpu.memory_space<vmem>> -> memref<72xi32, #tpu.memory_space<vmem>>
      %dma_wait3A_330 = arith.constant 0 : i32
      %dma_wait3A_331 = arith.constant 0 : i32
      %dma_wait3A_332 = tpu.memref_slice %arg4[%dma_wait3A_330, %dma_wait3A_331] : memref<10240x16xf32, #tpu.memory_space<hbm>> -> memref<10240x16xf32, #tpu.memory_space<hbm>>
      tpu.wait_indirect_dma semaphore(%arg25 : memref<!tpu.dma_semaphore, #tpu.memory_space<semaphore_mem>>) src(%dma_wait3A_332 : memref<10240x16xf32, #tpu.memory_space<hbm>>) dst(%arg13 : memref<72x16xf32, #tpu.memory_space<vmem>>)
      %parallel_loop3A_333 = arith.constant 0 : i32
      %parallel_loop3A_334 = arith.constant 72 : i32
      %parallel_loop3A_335 = arith.constant 1 : i32
      scf.for %parallel_loop3A_471 = %parallel_loop3A_333 to %parallel_loop3A_334 step %parallel_loop3A_335  : i32 {
        %parallel_loop3A_472 = arith.index_cast %parallel_loop3A_471 : i32 to index
        %parallel_loop3A_473 = arith.constant 48 : index
        %parallel_loop3A_474 = tpu.vector_load %arg16[%parallel_loop3A_472, %parallel_loop3A_473] {strides = array<i32>} : memref<72x64xf32, #tpu.memory_space<vmem>>, vector<16xf32>,
        %parallel_loop3A_475 = arith.index_cast %parallel_loop3A_471 : i32 to index
        %parallel_loop3A_476 = arith.constant 0 : index
        %parallel_loop3A_477 = tpu.vector_load %arg13[%parallel_loop3A_475, %parallel_loop3A_476] {strides = array<i32>} : memref<72x16xf32, #tpu.memory_space<vmem>>, vector<16xf32>,
        %parallel_loop3A_478 = arith.addf %parallel_loop3A_474, %parallel_loop3A_477 : vector<16xf32>
        %parallel_loop3A_479 = arith.constant 0.000000e+00 : f32
        %parallel_loop3A_480 = vector.broadcast %parallel_loop3A_479 : f32 to vector<16xf32>
        %parallel_loop3A_481 = arith.cmpf ogt, %parallel_loop3A_478, %parallel_loop3A_480 : vector<16xf32>
        %parallel_loop3A_482 = arith.constant 2.000000e-01 : f32
        %parallel_loop3A_483 = vector.broadcast %parallel_loop3A_482 : f32 to vector<16xf32>
        %parallel_loop3A_484 = arith.mulf %parallel_loop3A_483, %parallel_loop3A_478 : vector<16xf32>
        %parallel_loop3A_485 = arith.select %parallel_loop3A_481, %parallel_loop3A_478, %parallel_loop3A_484 : vector<16xi1>, vector<16xf32>
        %parallel_loop3A_486 = math.exp %parallel_loop3A_485 : vector<16xf32>
        %parallel_loop3A_487 = arith.index_cast %parallel_loop3A_471 : i32 to index
        %parallel_loop3A_488 = arith.constant 48 : index
        %parallel_loop3A_489 = tpu.vector_load %arg16[%parallel_loop3A_487, %parallel_loop3A_488] {strides = array<i32>} : memref<72x64xf32, #tpu.memory_space<vmem>>, vector<16xf32>,
        tpu.vector_store %arg16[%parallel_loop3A_487, %parallel_loop3A_488], %parallel_loop3A_486 {strides = array<i32>} : memref<72x64xf32, #tpu.memory_space<vmem>>, vector<16xf32>,
        %parallel_loop3A_490 = arith.constant 0 : i32
        %parallel_loop3A_491 = vector.broadcast %parallel_loop3A_490 : i32 to vector<16x1xi32>
        %parallel_loop3A_492 = vector.shape_cast %parallel_loop3A_491 : vector<16x1xi32> to vector<16xi32>
        %parallel_loop3A_493 = tpu.dynamic_gather %parallel_loop3A_486[%parallel_loop3A_492] in [0] : vector<16xf32>, vector<16xi32> -> vector<16xf32>
        %parallel_loop3A_494 = arith.index_cast %parallel_loop3A_471 : i32 to index
        %parallel_loop3A_495 = arith.constant 0 : index
        %parallel_loop3A_496 = tpu.vector_load %arg16[%parallel_loop3A_494, %parallel_loop3A_495] {strides = array<i32>} : memref<72x64xf32, #tpu.memory_space<vmem>>, vector<16xf32>,
        %parallel_loop3A_497 = arith.mulf %parallel_loop3A_496, %parallel_loop3A_493 : vector<16xf32>
        %parallel_loop3A_498 = arith.index_cast %parallel_loop3A_471 : i32 to index
        %parallel_loop3A_499 = arith.constant 0 : index
        %parallel_loop3A_500 = tpu.vector_load %arg16[%parallel_loop3A_498, %parallel_loop3A_499] {strides = array<i32>} : memref<72x64xf32, #tpu.memory_space<vmem>>, vector<16xf32>,
        tpu.vector_store %arg16[%parallel_loop3A_498, %parallel_loop3A_499], %parallel_loop3A_497 {strides = array<i32>} : memref<72x64xf32, #tpu.memory_space<vmem>>, vector<16xf32>,
        %parallel_loop3A_501 = arith.constant 0 : i32
        %parallel_loop3A_502 = vector.broadcast %parallel_loop3A_501 : i32 to vector<16x1xi32>
        %parallel_loop3A_503 = vector.shape_cast %parallel_loop3A_502 : vector<16x1xi32> to vector<16xi32>
        %parallel_loop3A_504 = tpu.dynamic_gather %parallel_loop3A_486[%parallel_loop3A_503] in [0] : vector<16xf32>, vector<16xi32> -> vector<16xf32>
        %parallel_loop3A_505 = arith.index_cast %parallel_loop3A_471 : i32 to index
        %parallel_loop3A_506 = arith.constant 16 : index
        %parallel_loop3A_507 = tpu.vector_load %arg16[%parallel_loop3A_505, %parallel_loop3A_506] {strides = array<i32>} : memref<72x64xf32, #tpu.memory_space<vmem>>, vector<16xf32>,
        %parallel_loop3A_508 = arith.mulf %parallel_loop3A_507, %parallel_loop3A_504 : vector<16xf32>
        %parallel_loop3A_509 = arith.index_cast %parallel_loop3A_471 : i32 to index
        %parallel_loop3A_510 = arith.constant 16 : index
        %parallel_loop3A_511 = tpu.vector_load %arg16[%parallel_loop3A_509, %parallel_loop3A_510] {strides = array<i32>} : memref<72x64xf32, #tpu.memory_space<vmem>>, vector<16xf32>,
        tpu.vector_store %arg16[%parallel_loop3A_509, %parallel_loop3A_510], %parallel_loop3A_508 {strides = array<i32>} : memref<72x64xf32, #tpu.memory_space<vmem>>, vector<16xf32>,
        %parallel_loop3A_512 = arith.constant 0 : i32
        %parallel_loop3A_513 = vector.broadcast %parallel_loop3A_512 : i32 to vector<16x1xi32>
        %parallel_loop3A_514 = vector.shape_cast %parallel_loop3A_513 : vector<16x1xi32> to vector<16xi32>
        %parallel_loop3A_515 = tpu.dynamic_gather %parallel_loop3A_486[%parallel_loop3A_514] in [0] : vector<16xf32>, vector<16xi32> -> vector<16xf32>
        %parallel_loop3A_516 = arith.index_cast %parallel_loop3A_471 : i32 to index
        %parallel_loop3A_517 = arith.constant 32 : index
        %parallel_loop3A_518 = tpu.vector_load %arg16[%parallel_loop3A_516, %parallel_loop3A_517] {strides = array<i32>} : memref<72x64xf32, #tpu.memory_space<vmem>>, vector<16xf32>,
        %parallel_loop3A_519 = arith.mulf %parallel_loop3A_518, %parallel_loop3A_515 : vector<16xf32>
        %parallel_loop3A_520 = arith.index_cast %parallel_loop3A_471 : i32 to index
        %parallel_loop3A_521 = arith.constant 32 : index
        %parallel_loop3A_522 = tpu.vector_load %arg16[%parallel_loop3A_520, %parallel_loop3A_521] {strides = array<i32>} : memref<72x64xf32, #tpu.memory_space<vmem>>, vector<16xf32>,
        tpu.vector_store %arg16[%parallel_loop3A_520, %parallel_loop3A_521], %parallel_loop3A_519 {strides = array<i32>} : memref<72x64xf32, #tpu.memory_space<vmem>>, vector<16xf32>,
      } {sc.loop_unroll_factor = 4 : i64, sc.parallel_access}
      %dma_start3A_336 = arith.constant 1 : i32
      %dma_start3A_337 = arith.constant 0 : i32
      %dma_start3A_338 = tpu.memref_slice %arg10[%dma_start3A_336, %dma_start3A_337] : memref<2x72xi32, #tpu.memory_space<vmem>> -> memref<1x72xi32, #tpu.memory_space<vmem>>
      %dma_start3A_339 = tpu.memref_squeeze %dma_start3A_338 : memref<1x72xi32, #tpu.memory_space<vmem>> -> memref<72xi32, #tpu.memory_space<vmem>>
      %dma_start3A_340 = arith.constant 0 : i32
      %dma_start3A_341 = arith.constant 0 : i32
      %dma_start3A_342 = tpu.memref_slice %arg31[%dma_start3A_340, %dma_start3A_341] : memref<10240x64xf32, #tpu.memory_space<vmem_shared>> -> memref<10240x64xf32, #tpu.memory_space<vmem_shared>>
      tpu.enqueue_indirect_dma source(%arg16 : memref<72x64xf32, #tpu.memory_space<vmem>>) target(%dma_start3A_342 : memref<10240x64xf32, #tpu.memory_space<vmem_shared>>) offsets(%dma_start3A_339 : memref<72xi32, #tpu.memory_space<vmem>>) semaphore(%arg28 : memref<!tpu.dma_semaphore, #tpu.memory_space<semaphore_mem>>) {add = true}
      %dma_wait3A_343 = arith.constant 1 : i32
      %dma_wait3A_344 = arith.constant 0 : i32
      %dma_wait3A_345 = tpu.memref_slice %arg9[%dma_wait3A_343, %dma_wait3A_344] : memref<2x72xi32, #tpu.memory_space<vmem>> -> memref<1x72xi32, #tpu.memory_space<vmem>>
      %dma_wait3A_346 = tpu.memref_squeeze %dma_wait3A_345 : memref<1x72xi32, #tpu.memory_space<vmem>> -> memref<72xi32, #tpu.memory_space<vmem>>
      %dma_wait3A_347 = arith.constant 0 : i32
      %dma_wait3A_348 = arith.constant 0 : i32
      %dma_wait3A_349 = tpu.memref_slice %arg31[%dma_wait3A_347, %dma_wait3A_348] : memref<10240x64xf32, #tpu.memory_space<vmem_shared>> -> memref<10240x64xf32, #tpu.memory_space<vmem_shared>>
      tpu.wait_indirect_dma semaphore(%arg30 : memref<!tpu.dma_semaphore, #tpu.memory_space<semaphore_mem>>) src(%arg18 : memref<72x64xf32, #tpu.memory_space<vmem>>) dst(%dma_wait3A_349 : memref<10240x64xf32, #tpu.memory_space<vmem_shared>>)
      %lt3A = arith.constant 23 : i32
      %lt3A_350 = arith.cmpi slt, %add3A_95, %lt3A : i32
      %convert_element_type3A_351 = arith.extui %lt3A_350 : i1 to i32
      %cond3A_352 = arith.constant 0 : i32
      %cond3A_353 = arith.cmpi ne, %convert_element_type3A_351, %cond3A_352 : i32
      scf.if %cond3A_353 {
        %add3A_471 = arith.constant 3 : i32
        %add3A_472 = arith.addi %add3A_318, %add3A_471 : i32
        %mul3A_473 = arith.constant 32 : i32
        %mul3A_474 = arith.muli %add3A_472, %mul3A_473 : i32
        %add3A_475 = arith.addi %add3A, %mul3A_474 : i32
        %dma_start3A_476 = arith.constant 0 : i32
        %dma_start3A_477 = arith.constant 0 : i32
        %dma_start3A_478 = tpu.memref_slice %arg2[%add3A_475, %dma_start3A_476, %dma_start3A_477] : memref<4608x2x72xi32, #tpu.memory_space<hbm>> -> memref<1x2x72xi32, #tpu.memory_space<hbm>>
        %dma_start3A_479 = tpu.memref_squeeze %dma_start3A_478 : memref<1x2x72xi32, #tpu.memory_space<hbm>> -> memref<2x72xi32, #tpu.memory_space<hbm>>
        %dma_start3A_480 = arith.constant 0 : i32
        %dma_start3A_481 = arith.constant 0 : i32
        %dma_start3A_482 = tpu.memref_slice %arg2[%add3A_475, %dma_start3A_480, %dma_start3A_481] : memref<4608x2x72xi32, #tpu.memory_space<hbm>> -> memref<1x2x72xi32, #tpu.memory_space<hbm>>
        %dma_start3A_483 = tpu.memref_squeeze %dma_start3A_482 : memref<1x2x72xi32, #tpu.memory_space<hbm>> -> memref<2x72xi32, #tpu.memory_space<hbm>>
        tpu.enqueue_dma source(%dma_start3A_483 : memref<2x72xi32, #tpu.memory_space<hbm>>) target(%arg7 : memref<2x72xi32, #tpu.memory_space<vmem>>) target_semaphore(%arg19 : memref<!tpu.dma_semaphore, #tpu.memory_space<semaphore_mem>>)
      } else {
      }
      %add3A_354 = arith.constant 2 : i32
      %add3A_355 = arith.addi %add3A_318, %add3A_354 : i32
      %mul3A_356 = arith.constant 32 : i32
      %mul3A_357 = arith.muli %add3A_355, %mul3A_356 : i32
      %add3A_358 = arith.addi %add3A, %mul3A_357 : i32
      %dma_wait3A_359 = arith.constant 0 : i32
      %dma_wait3A_360 = arith.constant 0 : i32
      %dma_wait3A_361 = tpu.memref_slice %arg2[%add3A_358, %dma_wait3A_359, %dma_wait3A_360] : memref<4608x2x72xi32, #tpu.memory_space<hbm>> -> memref<1x2x72xi32, #tpu.memory_space<hbm>>
      %dma_wait3A_362 = tpu.memref_squeeze %dma_wait3A_361 : memref<1x2x72xi32, #tpu.memory_space<hbm>> -> memref<2x72xi32, #tpu.memory_space<hbm>>
      %dma_wait3A_363 = arith.constant 0 : i32
      %dma_wait3A_364 = arith.constant 0 : i32
      %dma_wait3A_365 = tpu.memref_slice %arg2[%add3A_358, %dma_wait3A_363, %dma_wait3A_364] : memref<4608x2x72xi32, #tpu.memory_space<hbm>> -> memref<1x2x72xi32, #tpu.memory_space<hbm>>
      %dma_wait3A_366 = tpu.memref_squeeze %dma_wait3A_365 : memref<1x2x72xi32, #tpu.memory_space<hbm>> -> memref<2x72xi32, #tpu.memory_space<hbm>>
      tpu.wait_dma2 semaphore(%arg24 : memref<!tpu.dma_semaphore, #tpu.memory_space<semaphore_mem>>) src(%dma_wait3A_366 : memref<2x72xi32, #tpu.memory_space<hbm>>) dst(%arg12 : memref<2x72xi32, #tpu.memory_space<vmem>>)
      %dma_start3A_367 = arith.constant 0 : i32
      %dma_start3A_368 = arith.constant 0 : i32
      %dma_start3A_369 = tpu.memref_slice %arg12[%dma_start3A_367, %dma_start3A_368] : memref<2x72xi32, #tpu.memory_space<vmem>> -> memref<1x72xi32, #tpu.memory_space<vmem>>
      %dma_start3A_370 = tpu.memref_squeeze %dma_start3A_369 : memref<1x72xi32, #tpu.memory_space<vmem>> -> memref<72xi32, #tpu.memory_space<vmem>>
      %dma_start3A_371 = arith.constant 0 : i32
      %dma_start3A_372 = arith.constant 0 : i32
      %dma_start3A_373 = tpu.memref_slice %arg3[%dma_start3A_371, %dma_start3A_372] : memref<10240x64xf32, #tpu.memory_space<hbm>> -> memref<10240x64xf32, #tpu.memory_space<hbm>>
      tpu.enqueue_indirect_dma source(%dma_start3A_373 : memref<10240x64xf32, #tpu.memory_space<hbm>>) target(%arg18 : memref<72x64xf32, #tpu.memory_space<vmem>>) offsets(%dma_start3A_370 : memref<72xi32, #tpu.memory_space<vmem>>) semaphore(%arg27 : memref<!tpu.dma_semaphore, #tpu.memory_space<semaphore_mem>>)
      %dma_start3A_374 = arith.constant 1 : i32
      %dma_start3A_375 = arith.constant 0 : i32
      %dma_start3A_376 = tpu.memref_slice %arg12[%dma_start3A_374, %dma_start3A_375] : memref<2x72xi32, #tpu.memory_space<vmem>> -> memref<1x72xi32, #tpu.memory_space<vmem>>
      %dma_start3A_377 = tpu.memref_squeeze %dma_start3A_376 : memref<1x72xi32, #tpu.memory_space<vmem>> -> memref<72xi32, #tpu.memory_space<vmem>>
      %dma_start3A_378 = arith.constant 0 : i32
      %dma_start3A_379 = arith.constant 0 : i32
      %dma_start3A_380 = tpu.memref_slice %arg4[%dma_start3A_378, %dma_start3A_379] : memref<10240x16xf32, #tpu.memory_space<hbm>> -> memref<10240x16xf32, #tpu.memory_space<hbm>>
      tpu.enqueue_indirect_dma source(%dma_start3A_380 : memref<10240x16xf32, #tpu.memory_space<hbm>>) target(%arg15 : memref<72x16xf32, #tpu.memory_space<vmem>>) offsets(%dma_start3A_377 : memref<72xi32, #tpu.memory_space<vmem>>) semaphore(%arg27 : memref<!tpu.dma_semaphore, #tpu.memory_space<semaphore_mem>>)
      %mul3A_381 = arith.constant 6 : i32
      %mul3A_382 = arith.muli %mul3A_381, %add3A_95 : i32
      %add3A_383 = arith.constant 4 : i32
      %add3A_384 = arith.addi %mul3A_382, %add3A_383 : i32
      %dma_wait3A_385 = arith.constant 0 : i32
      %dma_wait3A_386 = arith.constant 0 : i32
      %dma_wait3A_387 = tpu.memref_slice %arg11[%dma_wait3A_385, %dma_wait3A_386] : memref<2x72xi32, #tpu.memory_space<vmem>> -> memref<1x72xi32, #tpu.memory_space<vmem>>
      %dma_wait3A_388 = tpu.memref_squeeze %dma_wait3A_387 : memref<1x72xi32, #tpu.memory_space<vmem>> -> memref<72xi32, #tpu.memory_space<vmem>>
      %dma_wait3A_389 = arith.constant 0 : i32
      %dma_wait3A_390 = arith.constant 0 : i32
      %dma_wait3A_391 = tpu.memref_slice %arg3[%dma_wait3A_389, %dma_wait3A_390] : memref<10240x64xf32, #tpu.memory_space<hbm>> -> memref<10240x64xf32, #tpu.memory_space<hbm>>
      tpu.wait_indirect_dma semaphore(%arg26 : memref<!tpu.dma_semaphore, #tpu.memory_space<semaphore_mem>>) src(%dma_wait3A_391 : memref<10240x64xf32, #tpu.memory_space<hbm>>) dst(%arg17 : memref<72x64xf32, #tpu.memory_space<vmem>>)
      %dma_wait3A_392 = arith.constant 1 : i32
      %dma_wait3A_393 = arith.constant 0 : i32
      %dma_wait3A_394 = tpu.memref_slice %arg11[%dma_wait3A_392, %dma_wait3A_393] : memref<2x72xi32, #tpu.memory_space<vmem>> -> memref<1x72xi32, #tpu.memory_space<vmem>>
      %dma_wait3A_395 = tpu.memref_squeeze %dma_wait3A_394 : memref<1x72xi32, #tpu.memory_space<vmem>> -> memref<72xi32, #tpu.memory_space<vmem>>
      %dma_wait3A_396 = arith.constant 0 : i32
      %dma_wait3A_397 = arith.constant 0 : i32
      %dma_wait3A_398 = tpu.memref_slice %arg4[%dma_wait3A_396, %dma_wait3A_397] : memref<10240x16xf32, #tpu.memory_space<hbm>> -> memref<10240x16xf32, #tpu.memory_space<hbm>>
      tpu.wait_indirect_dma semaphore(%arg26 : memref<!tpu.dma_semaphore, #tpu.memory_space<semaphore_mem>>) src(%dma_wait3A_398 : memref<10240x16xf32, #tpu.memory_space<hbm>>) dst(%arg14 : memref<72x16xf32, #tpu.memory_space<vmem>>)
      %parallel_loop3A_399 = arith.constant 0 : i32
      %parallel_loop3A_400 = arith.constant 72 : i32
      %parallel_loop3A_401 = arith.constant 1 : i32
      scf.for %parallel_loop3A_471 = %parallel_loop3A_399 to %parallel_loop3A_400 step %parallel_loop3A_401  : i32 {
        %parallel_loop3A_472 = arith.index_cast %parallel_loop3A_471 : i32 to index
        %parallel_loop3A_473 = arith.constant 48 : index
        %parallel_loop3A_474 = tpu.vector_load %arg17[%parallel_loop3A_472, %parallel_loop3A_473] {strides = array<i32>} : memref<72x64xf32, #tpu.memory_space<vmem>>, vector<16xf32>,
        %parallel_loop3A_475 = arith.index_cast %parallel_loop3A_471 : i32 to index
        %parallel_loop3A_476 = arith.constant 0 : index
        %parallel_loop3A_477 = tpu.vector_load %arg14[%parallel_loop3A_475, %parallel_loop3A_476] {strides = array<i32>} : memref<72x16xf32, #tpu.memory_space<vmem>>, vector<16xf32>,
        %parallel_loop3A_478 = arith.addf %parallel_loop3A_474, %parallel_loop3A_477 : vector<16xf32>
        %parallel_loop3A_479 = arith.constant 0.000000e+00 : f32
        %parallel_loop3A_480 = vector.broadcast %parallel_loop3A_479 : f32 to vector<16xf32>
        %parallel_loop3A_481 = arith.cmpf ogt, %parallel_loop3A_478, %parallel_loop3A_480 : vector<16xf32>
        %parallel_loop3A_482 = arith.constant 2.000000e-01 : f32
        %parallel_loop3A_483 = vector.broadcast %parallel_loop3A_482 : f32 to vector<16xf32>
        %parallel_loop3A_484 = arith.mulf %parallel_loop3A_483, %parallel_loop3A_478 : vector<16xf32>
        %parallel_loop3A_485 = arith.select %parallel_loop3A_481, %parallel_loop3A_478, %parallel_loop3A_484 : vector<16xi1>, vector<16xf32>
        %parallel_loop3A_486 = math.exp %parallel_loop3A_485 : vector<16xf32>
        %parallel_loop3A_487 = arith.index_cast %parallel_loop3A_471 : i32 to index
        %parallel_loop3A_488 = arith.constant 48 : index
        %parallel_loop3A_489 = tpu.vector_load %arg17[%parallel_loop3A_487, %parallel_loop3A_488] {strides = array<i32>} : memref<72x64xf32, #tpu.memory_space<vmem>>, vector<16xf32>,
        tpu.vector_store %arg17[%parallel_loop3A_487, %parallel_loop3A_488], %parallel_loop3A_486 {strides = array<i32>} : memref<72x64xf32, #tpu.memory_space<vmem>>, vector<16xf32>,
        %parallel_loop3A_490 = arith.constant 0 : i32
        %parallel_loop3A_491 = vector.broadcast %parallel_loop3A_490 : i32 to vector<16x1xi32>
        %parallel_loop3A_492 = vector.shape_cast %parallel_loop3A_491 : vector<16x1xi32> to vector<16xi32>
        %parallel_loop3A_493 = tpu.dynamic_gather %parallel_loop3A_486[%parallel_loop3A_492] in [0] : vector<16xf32>, vector<16xi32> -> vector<16xf32>
        %parallel_loop3A_494 = arith.index_cast %parallel_loop3A_471 : i32 to index
        %parallel_loop3A_495 = arith.constant 0 : index
        %parallel_loop3A_496 = tpu.vector_load %arg17[%parallel_loop3A_494, %parallel_loop3A_495] {strides = array<i32>} : memref<72x64xf32, #tpu.memory_space<vmem>>, vector<16xf32>,
        %parallel_loop3A_497 = arith.mulf %parallel_loop3A_496, %parallel_loop3A_493 : vector<16xf32>
        %parallel_loop3A_498 = arith.index_cast %parallel_loop3A_471 : i32 to index
        %parallel_loop3A_499 = arith.constant 0 : index
        %parallel_loop3A_500 = tpu.vector_load %arg17[%parallel_loop3A_498, %parallel_loop3A_499] {strides = array<i32>} : memref<72x64xf32, #tpu.memory_space<vmem>>, vector<16xf32>,
        tpu.vector_store %arg17[%parallel_loop3A_498, %parallel_loop3A_499], %parallel_loop3A_497 {strides = array<i32>} : memref<72x64xf32, #tpu.memory_space<vmem>>, vector<16xf32>,
        %parallel_loop3A_501 = arith.constant 0 : i32
        %parallel_loop3A_502 = vector.broadcast %parallel_loop3A_501 : i32 to vector<16x1xi32>
        %parallel_loop3A_503 = vector.shape_cast %parallel_loop3A_502 : vector<16x1xi32> to vector<16xi32>
        %parallel_loop3A_504 = tpu.dynamic_gather %parallel_loop3A_486[%parallel_loop3A_503] in [0] : vector<16xf32>, vector<16xi32> -> vector<16xf32>
        %parallel_loop3A_505 = arith.index_cast %parallel_loop3A_471 : i32 to index
        %parallel_loop3A_506 = arith.constant 16 : index
        %parallel_loop3A_507 = tpu.vector_load %arg17[%parallel_loop3A_505, %parallel_loop3A_506] {strides = array<i32>} : memref<72x64xf32, #tpu.memory_space<vmem>>, vector<16xf32>,
        %parallel_loop3A_508 = arith.mulf %parallel_loop3A_507, %parallel_loop3A_504 : vector<16xf32>
        %parallel_loop3A_509 = arith.index_cast %parallel_loop3A_471 : i32 to index
        %parallel_loop3A_510 = arith.constant 16 : index
        %parallel_loop3A_511 = tpu.vector_load %arg17[%parallel_loop3A_509, %parallel_loop3A_510] {strides = array<i32>} : memref<72x64xf32, #tpu.memory_space<vmem>>, vector<16xf32>,
        tpu.vector_store %arg17[%parallel_loop3A_509, %parallel_loop3A_510], %parallel_loop3A_508 {strides = array<i32>} : memref<72x64xf32, #tpu.memory_space<vmem>>, vector<16xf32>,
        %parallel_loop3A_512 = arith.constant 0 : i32
        %parallel_loop3A_513 = vector.broadcast %parallel_loop3A_512 : i32 to vector<16x1xi32>
        %parallel_loop3A_514 = vector.shape_cast %parallel_loop3A_513 : vector<16x1xi32> to vector<16xi32>
        %parallel_loop3A_515 = tpu.dynamic_gather %parallel_loop3A_486[%parallel_loop3A_514] in [0] : vector<16xf32>, vector<16xi32> -> vector<16xf32>
        %parallel_loop3A_516 = arith.index_cast %parallel_loop3A_471 : i32 to index
        %parallel_loop3A_517 = arith.constant 32 : index
        %parallel_loop3A_518 = tpu.vector_load %arg17[%parallel_loop3A_516, %parallel_loop3A_517] {strides = array<i32>} : memref<72x64xf32, #tpu.memory_space<vmem>>, vector<16xf32>,
        %parallel_loop3A_519 = arith.mulf %parallel_loop3A_518, %parallel_loop3A_515 : vector<16xf32>
        %parallel_loop3A_520 = arith.index_cast %parallel_loop3A_471 : i32 to index
        %parallel_loop3A_521 = arith.constant 32 : index
        %parallel_loop3A_522 = tpu.vector_load %arg17[%parallel_loop3A_520, %parallel_loop3A_521] {strides = array<i32>} : memref<72x64xf32, #tpu.memory_space<vmem>>, vector<16xf32>,
        tpu.vector_store %arg17[%parallel_loop3A_520, %parallel_loop3A_521], %parallel_loop3A_519 {strides = array<i32>} : memref<72x64xf32, #tpu.memory_space<vmem>>, vector<16xf32>,
      } {sc.loop_unroll_factor = 4 : i64, sc.parallel_access}
      %dma_start3A_402 = arith.constant 1 : i32
      %dma_start3A_403 = arith.constant 0 : i32
      %dma_start3A_404 = tpu.memref_slice %arg11[%dma_start3A_402, %dma_start3A_403] : memref<2x72xi32, #tpu.memory_space<vmem>> -> memref<1x72xi32, #tpu.memory_space<vmem>>
      %dma_start3A_405 = tpu.memref_squeeze %dma_start3A_404 : memref<1x72xi32, #tpu.memory_space<vmem>> -> memref<72xi32, #tpu.memory_space<vmem>>
      %dma_start3A_406 = arith.constant 0 : i32
      %dma_start3A_407 = arith.constant 0 : i32
      %dma_start3A_408 = tpu.memref_slice %arg31[%dma_start3A_406, %dma_start3A_407] : memref<10240x64xf32, #tpu.memory_space<vmem_shared>> -> memref<10240x64xf32, #tpu.memory_space<vmem_shared>>
      tpu.enqueue_indirect_dma source(%arg17 : memref<72x64xf32, #tpu.memory_space<vmem>>) target(%dma_start3A_408 : memref<10240x64xf32, #tpu.memory_space<vmem_shared>>) offsets(%dma_start3A_405 : memref<72xi32, #tpu.memory_space<vmem>>) semaphore(%arg29 : memref<!tpu.dma_semaphore, #tpu.memory_space<semaphore_mem>>) {add = true}
      %dma_wait3A_409 = arith.constant 1 : i32
      %dma_wait3A_410 = arith.constant 0 : i32
      %dma_wait3A_411 = tpu.memref_slice %arg10[%dma_wait3A_409, %dma_wait3A_410] : memref<2x72xi32, #tpu.memory_space<vmem>> -> memref<1x72xi32, #tpu.memory_space<vmem>>
      %dma_wait3A_412 = tpu.memref_squeeze %dma_wait3A_411 : memref<1x72xi32, #tpu.memory_space<vmem>> -> memref<72xi32, #tpu.memory_space<vmem>>
      %dma_wait3A_413 = arith.constant 0 : i32
      %dma_wait3A_414 = arith.constant 0 : i32
      %dma_wait3A_415 = tpu.memref_slice %arg31[%dma_wait3A_413, %dma_wait3A_414] : memref<10240x64xf32, #tpu.memory_space<vmem_shared>> -> memref<10240x64xf32, #tpu.memory_space<vmem_shared>>
      tpu.wait_indirect_dma semaphore(%arg28 : memref<!tpu.dma_semaphore, #tpu.memory_space<semaphore_mem>>) src(%arg16 : memref<72x64xf32, #tpu.memory_space<vmem>>) dst(%dma_wait3A_415 : memref<10240x64xf32, #tpu.memory_space<vmem_shared>>)
      %lt3A_416 = arith.constant 23 : i32
      %lt3A_417 = arith.cmpi slt, %add3A_95, %lt3A_416 : i32
      %convert_element_type3A_418 = arith.extui %lt3A_417 : i1 to i32
      %cond3A_419 = arith.constant 0 : i32
      %cond3A_420 = arith.cmpi ne, %convert_element_type3A_418, %cond3A_419 : i32
      scf.if %cond3A_420 {
        %add3A_471 = arith.constant 3 : i32
        %add3A_472 = arith.addi %add3A_384, %add3A_471 : i32
        %mul3A_473 = arith.constant 32 : i32
        %mul3A_474 = arith.muli %add3A_472, %mul3A_473 : i32
        %add3A_475 = arith.addi %add3A, %mul3A_474 : i32
        %dma_start3A_476 = arith.constant 0 : i32
        %dma_start3A_477 = arith.constant 0 : i32
        %dma_start3A_478 = tpu.memref_slice %arg2[%add3A_475, %dma_start3A_476, %dma_start3A_477] : memref<4608x2x72xi32, #tpu.memory_space<hbm>> -> memref<1x2x72xi32, #tpu.memory_space<hbm>>
        %dma_start3A_479 = tpu.memref_squeeze %dma_start3A_478 : memref<1x2x72xi32, #tpu.memory_space<hbm>> -> memref<2x72xi32, #tpu.memory_space<hbm>>
        %dma_start3A_480 = arith.constant 0 : i32
        %dma_start3A_481 = arith.constant 0 : i32
        %dma_start3A_482 = tpu.memref_slice %arg2[%add3A_475, %dma_start3A_480, %dma_start3A_481] : memref<4608x2x72xi32, #tpu.memory_space<hbm>> -> memref<1x2x72xi32, #tpu.memory_space<hbm>>
        %dma_start3A_483 = tpu.memref_squeeze %dma_start3A_482 : memref<1x2x72xi32, #tpu.memory_space<hbm>> -> memref<2x72xi32, #tpu.memory_space<hbm>>
        tpu.enqueue_dma source(%dma_start3A_483 : memref<2x72xi32, #tpu.memory_space<hbm>>) target(%arg8 : memref<2x72xi32, #tpu.memory_space<vmem>>) target_semaphore(%arg20 : memref<!tpu.dma_semaphore, #tpu.memory_space<semaphore_mem>>)
      } else {
      }
      %lt3A_421 = arith.constant 23 : i32
      %lt3A_422 = arith.cmpi slt, %add3A_95, %lt3A_421 : i32
      %convert_element_type3A_423 = arith.extui %lt3A_422 : i1 to i32
      %cond3A_424 = arith.constant 0 : i32
      %cond3A_425 = arith.cmpi ne, %convert_element_type3A_423, %cond3A_424 : i32
      scf.if %cond3A_425 {
        %add3A_471 = arith.constant 2 : i32
        %add3A_472 = arith.addi %add3A_384, %add3A_471 : i32
        %mul3A_473 = arith.constant 32 : i32
        %mul3A_474 = arith.muli %add3A_472, %mul3A_473 : i32
        %add3A_475 = arith.addi %add3A, %mul3A_474 : i32
        %dma_wait3A_476 = arith.constant 0 : i32
        %dma_wait3A_477 = arith.constant 0 : i32
        %dma_wait3A_478 = tpu.memref_slice %arg2[%add3A_475, %dma_wait3A_476, %dma_wait3A_477] : memref<4608x2x72xi32, #tpu.memory_space<hbm>> -> memref<1x2x72xi32, #tpu.memory_space<hbm>>
        %dma_wait3A_479 = tpu.memref_squeeze %dma_wait3A_478 : memref<1x2x72xi32, #tpu.memory_space<hbm>> -> memref<2x72xi32, #tpu.memory_space<hbm>>
        %dma_wait3A_480 = arith.constant 0 : i32
        %dma_wait3A_481 = arith.constant 0 : i32
        %dma_wait3A_482 = tpu.memref_slice %arg2[%add3A_475, %dma_wait3A_480, %dma_wait3A_481] : memref<4608x2x72xi32, #tpu.memory_space<hbm>> -> memref<1x2x72xi32, #tpu.memory_space<hbm>>
        %dma_wait3A_483 = tpu.memref_squeeze %dma_wait3A_482 : memref<1x2x72xi32, #tpu.memory_space<hbm>> -> memref<2x72xi32, #tpu.memory_space<hbm>>
        tpu.wait_dma2 semaphore(%arg19 : memref<!tpu.dma_semaphore, #tpu.memory_space<semaphore_mem>>) src(%dma_wait3A_483 : memref<2x72xi32, #tpu.memory_space<hbm>>) dst(%arg7 : memref<2x72xi32, #tpu.memory_space<vmem>>)
        %dma_start3A_484 = arith.constant 0 : i32
        %dma_start3A_485 = arith.constant 0 : i32
        %dma_start3A_486 = tpu.memref_slice %arg7[%dma_start3A_484, %dma_start3A_485] : memref<2x72xi32, #tpu.memory_space<vmem>> -> memref<1x72xi32, #tpu.memory_space<vmem>>
        %dma_start3A_487 = tpu.memref_squeeze %dma_start3A_486 : memref<1x72xi32, #tpu.memory_space<vmem>> -> memref<72xi32, #tpu.memory_space<vmem>>
        %dma_start3A_488 = arith.constant 0 : i32
        %dma_start3A_489 = arith.constant 0 : i32
        %dma_start3A_490 = tpu.memref_slice %arg3[%dma_start3A_488, %dma_start3A_489] : memref<10240x64xf32, #tpu.memory_space<hbm>> -> memref<10240x64xf32, #tpu.memory_space<hbm>>
        tpu.enqueue_indirect_dma source(%dma_start3A_490 : memref<10240x64xf32, #tpu.memory_space<hbm>>) target(%arg16 : memref<72x64xf32, #tpu.memory_space<vmem>>) offsets(%dma_start3A_487 : memref<72xi32, #tpu.memory_space<vmem>>) semaphore(%arg25 : memref<!tpu.dma_semaphore, #tpu.memory_space<semaphore_mem>>)
        %dma_start3A_491 = arith.constant 1 : i32
        %dma_start3A_492 = arith.constant 0 : i32
        %dma_start3A_493 = tpu.memref_slice %arg7[%dma_start3A_491, %dma_start3A_492] : memref<2x72xi32, #tpu.memory_space<vmem>> -> memref<1x72xi32, #tpu.memory_space<vmem>>
        %dma_start3A_494 = tpu.memref_squeeze %dma_start3A_493 : memref<1x72xi32, #tpu.memory_space<vmem>> -> memref<72xi32, #tpu.memory_space<vmem>>
        %dma_start3A_495 = arith.constant 0 : i32
        %dma_start3A_496 = arith.constant 0 : i32
        %dma_start3A_497 = tpu.memref_slice %arg4[%dma_start3A_495, %dma_start3A_496] : memref<10240x16xf32, #tpu.memory_space<hbm>> -> memref<10240x16xf32, #tpu.memory_space<hbm>>
        tpu.enqueue_indirect_dma source(%dma_start3A_497 : memref<10240x16xf32, #tpu.memory_space<hbm>>) target(%arg13 : memref<72x16xf32, #tpu.memory_space<vmem>>) offsets(%dma_start3A_494 : memref<72xi32, #tpu.memory_space<vmem>>) semaphore(%arg25 : memref<!tpu.dma_semaphore, #tpu.memory_space<semaphore_mem>>)
      } else {
      }
      %mul3A_426 = arith.constant 6 : i32
      %mul3A_427 = arith.muli %mul3A_426, %add3A_95 : i32
      %add3A_428 = arith.constant 5 : i32
      %add3A_429 = arith.addi %mul3A_427, %add3A_428 : i32
      %dma_wait3A_430 = arith.constant 0 : i32
      %dma_wait3A_431 = arith.constant 0 : i32
      %dma_wait3A_432 = tpu.memref_slice %arg12[%dma_wait3A_430, %dma_wait3A_431] : memref<2x72xi32, #tpu.memory_space<vmem>> -> memref<1x72xi32, #tpu.memory_space<vmem>>
      %dma_wait3A_433 = tpu.memref_squeeze %dma_wait3A_432 : memref<1x72xi32, #tpu.memory_space<vmem>> -> memref<72xi32, #tpu.memory_space<vmem>>
      %dma_wait3A_434 = arith.constant 0 : i32
      %dma_wait3A_435 = arith.constant 0 : i32
      %dma_wait3A_436 = tpu.memref_slice %arg3[%dma_wait3A_434, %dma_wait3A_435] : memref<10240x64xf32, #tpu.memory_space<hbm>> -> memref<10240x64xf32, #tpu.memory_space<hbm>>
      tpu.wait_indirect_dma semaphore(%arg27 : memref<!tpu.dma_semaphore, #tpu.memory_space<semaphore_mem>>) src(%dma_wait3A_436 : memref<10240x64xf32, #tpu.memory_space<hbm>>) dst(%arg18 : memref<72x64xf32, #tpu.memory_space<vmem>>)
      %dma_wait3A_437 = arith.constant 1 : i32
      %dma_wait3A_438 = arith.constant 0 : i32
      %dma_wait3A_439 = tpu.memref_slice %arg12[%dma_wait3A_437, %dma_wait3A_438] : memref<2x72xi32, #tpu.memory_space<vmem>> -> memref<1x72xi32, #tpu.memory_space<vmem>>
      %dma_wait3A_440 = tpu.memref_squeeze %dma_wait3A_439 : memref<1x72xi32, #tpu.memory_space<vmem>> -> memref<72xi32, #tpu.memory_space<vmem>>
      %dma_wait3A_441 = arith.constant 0 : i32
      %dma_wait3A_442 = arith.constant 0 : i32
      %dma_wait3A_443 = tpu.memref_slice %arg4[%dma_wait3A_441, %dma_wait3A_442] : memref<10240x16xf32, #tpu.memory_space<hbm>> -> memref<10240x16xf32, #tpu.memory_space<hbm>>
      tpu.wait_indirect_dma semaphore(%arg27 : memref<!tpu.dma_semaphore, #tpu.memory_space<semaphore_mem>>) src(%dma_wait3A_443 : memref<10240x16xf32, #tpu.memory_space<hbm>>) dst(%arg15 : memref<72x16xf32, #tpu.memory_space<vmem>>)
      %parallel_loop3A_444 = arith.constant 0 : i32
      %parallel_loop3A_445 = arith.constant 72 : i32
      %parallel_loop3A_446 = arith.constant 1 : i32
      scf.for %parallel_loop3A_471 = %parallel_loop3A_444 to %parallel_loop3A_445 step %parallel_loop3A_446  : i32 {
        %parallel_loop3A_472 = arith.index_cast %parallel_loop3A_471 : i32 to index
        %parallel_loop3A_473 = arith.constant 48 : index
        %parallel_loop3A_474 = tpu.vector_load %arg18[%parallel_loop3A_472, %parallel_loop3A_473] {strides = array<i32>} : memref<72x64xf32, #tpu.memory_space<vmem>>, vector<16xf32>,
        %parallel_loop3A_475 = arith.index_cast %parallel_loop3A_471 : i32 to index
        %parallel_loop3A_476 = arith.constant 0 : index
        %parallel_loop3A_477 = tpu.vector_load %arg15[%parallel_loop3A_475, %parallel_loop3A_476] {strides = array<i32>} : memref<72x16xf32, #tpu.memory_space<vmem>>, vector<16xf32>,
        %parallel_loop3A_478 = arith.addf %parallel_loop3A_474, %parallel_loop3A_477 : vector<16xf32>
        %parallel_loop3A_479 = arith.constant 0.000000e+00 : f32
        %parallel_loop3A_480 = vector.broadcast %parallel_loop3A_479 : f32 to vector<16xf32>
        %parallel_loop3A_481 = arith.cmpf ogt, %parallel_loop3A_478, %parallel_loop3A_480 : vector<16xf32>
        %parallel_loop3A_482 = arith.constant 2.000000e-01 : f32
        %parallel_loop3A_483 = vector.broadcast %parallel_loop3A_482 : f32 to vector<16xf32>
        %parallel_loop3A_484 = arith.mulf %parallel_loop3A_483, %parallel_loop3A_478 : vector<16xf32>
        %parallel_loop3A_485 = arith.select %parallel_loop3A_481, %parallel_loop3A_478, %parallel_loop3A_484 : vector<16xi1>, vector<16xf32>
        %parallel_loop3A_486 = math.exp %parallel_loop3A_485 : vector<16xf32>
        %parallel_loop3A_487 = arith.index_cast %parallel_loop3A_471 : i32 to index
        %parallel_loop3A_488 = arith.constant 48 : index
        %parallel_loop3A_489 = tpu.vector_load %arg18[%parallel_loop3A_487, %parallel_loop3A_488] {strides = array<i32>} : memref<72x64xf32, #tpu.memory_space<vmem>>, vector<16xf32>,
        tpu.vector_store %arg18[%parallel_loop3A_487, %parallel_loop3A_488], %parallel_loop3A_486 {strides = array<i32>} : memref<72x64xf32, #tpu.memory_space<vmem>>, vector<16xf32>,
        %parallel_loop3A_490 = arith.constant 0 : i32
        %parallel_loop3A_491 = vector.broadcast %parallel_loop3A_490 : i32 to vector<16x1xi32>
        %parallel_loop3A_492 = vector.shape_cast %parallel_loop3A_491 : vector<16x1xi32> to vector<16xi32>
        %parallel_loop3A_493 = tpu.dynamic_gather %parallel_loop3A_486[%parallel_loop3A_492] in [0] : vector<16xf32>, vector<16xi32> -> vector<16xf32>
        %parallel_loop3A_494 = arith.index_cast %parallel_loop3A_471 : i32 to index
        %parallel_loop3A_495 = arith.constant 0 : index
        %parallel_loop3A_496 = tpu.vector_load %arg18[%parallel_loop3A_494, %parallel_loop3A_495] {strides = array<i32>} : memref<72x64xf32, #tpu.memory_space<vmem>>, vector<16xf32>,
        %parallel_loop3A_497 = arith.mulf %parallel_loop3A_496, %parallel_loop3A_493 : vector<16xf32>
        %parallel_loop3A_498 = arith.index_cast %parallel_loop3A_471 : i32 to index
        %parallel_loop3A_499 = arith.constant 0 : index
        %parallel_loop3A_500 = tpu.vector_load %arg18[%parallel_loop3A_498, %parallel_loop3A_499] {strides = array<i32>} : memref<72x64xf32, #tpu.memory_space<vmem>>, vector<16xf32>,
        tpu.vector_store %arg18[%parallel_loop3A_498, %parallel_loop3A_499], %parallel_loop3A_497 {strides = array<i32>} : memref<72x64xf32, #tpu.memory_space<vmem>>, vector<16xf32>,
        %parallel_loop3A_501 = arith.constant 0 : i32
        %parallel_loop3A_502 = vector.broadcast %parallel_loop3A_501 : i32 to vector<16x1xi32>
        %parallel_loop3A_503 = vector.shape_cast %parallel_loop3A_502 : vector<16x1xi32> to vector<16xi32>
        %parallel_loop3A_504 = tpu.dynamic_gather %parallel_loop3A_486[%parallel_loop3A_503] in [0] : vector<16xf32>, vector<16xi32> -> vector<16xf32>
        %parallel_loop3A_505 = arith.index_cast %parallel_loop3A_471 : i32 to index
        %parallel_loop3A_506 = arith.constant 16 : index
        %parallel_loop3A_507 = tpu.vector_load %arg18[%parallel_loop3A_505, %parallel_loop3A_506] {strides = array<i32>} : memref<72x64xf32, #tpu.memory_space<vmem>>, vector<16xf32>,
        %parallel_loop3A_508 = arith.mulf %parallel_loop3A_507, %parallel_loop3A_504 : vector<16xf32>
        %parallel_loop3A_509 = arith.index_cast %parallel_loop3A_471 : i32 to index
        %parallel_loop3A_510 = arith.constant 16 : index
        %parallel_loop3A_511 = tpu.vector_load %arg18[%parallel_loop3A_509, %parallel_loop3A_510] {strides = array<i32>} : memref<72x64xf32, #tpu.memory_space<vmem>>, vector<16xf32>,
        tpu.vector_store %arg18[%parallel_loop3A_509, %parallel_loop3A_510], %parallel_loop3A_508 {strides = array<i32>} : memref<72x64xf32, #tpu.memory_space<vmem>>, vector<16xf32>,
        %parallel_loop3A_512 = arith.constant 0 : i32
        %parallel_loop3A_513 = vector.broadcast %parallel_loop3A_512 : i32 to vector<16x1xi32>
        %parallel_loop3A_514 = vector.shape_cast %parallel_loop3A_513 : vector<16x1xi32> to vector<16xi32>
        %parallel_loop3A_515 = tpu.dynamic_gather %parallel_loop3A_486[%parallel_loop3A_514] in [0] : vector<16xf32>, vector<16xi32> -> vector<16xf32>
        %parallel_loop3A_516 = arith.index_cast %parallel_loop3A_471 : i32 to index
        %parallel_loop3A_517 = arith.constant 32 : index
        %parallel_loop3A_518 = tpu.vector_load %arg18[%parallel_loop3A_516, %parallel_loop3A_517] {strides = array<i32>} : memref<72x64xf32, #tpu.memory_space<vmem>>, vector<16xf32>,
        %parallel_loop3A_519 = arith.mulf %parallel_loop3A_518, %parallel_loop3A_515 : vector<16xf32>
        %parallel_loop3A_520 = arith.index_cast %parallel_loop3A_471 : i32 to index
        %parallel_loop3A_521 = arith.constant 32 : index
        %parallel_loop3A_522 = tpu.vector_load %arg18[%parallel_loop3A_520, %parallel_loop3A_521] {strides = array<i32>} : memref<72x64xf32, #tpu.memory_space<vmem>>, vector<16xf32>,
        tpu.vector_store %arg18[%parallel_loop3A_520, %parallel_loop3A_521], %parallel_loop3A_519 {strides = array<i32>} : memref<72x64xf32, #tpu.memory_space<vmem>>, vector<16xf32>,
      } {sc.loop_unroll_factor = 4 : i64, sc.parallel_access}
      %dma_start3A_447 = arith.constant 1 : i32
      %dma_start3A_448 = arith.constant 0 : i32
      %dma_start3A_449 = tpu.memref_slice %arg12[%dma_start3A_447, %dma_start3A_448] : memref<2x72xi32, #tpu.memory_space<vmem>> -> memref<1x72xi32, #tpu.memory_space<vmem>>
      %dma_start3A_450 = tpu.memref_squeeze %dma_start3A_449 : memref<1x72xi32, #tpu.memory_space<vmem>> -> memref<72xi32, #tpu.memory_space<vmem>>
      %dma_start3A_451 = arith.constant 0 : i32
      %dma_start3A_452 = arith.constant 0 : i32
      %dma_start3A_453 = tpu.memref_slice %arg31[%dma_start3A_451, %dma_start3A_452] : memref<10240x64xf32, #tpu.memory_space<vmem_shared>> -> memref<10240x64xf32, #tpu.memory_space<vmem_shared>>
      tpu.enqueue_indirect_dma source(%arg18 : memref<72x64xf32, #tpu.memory_space<vmem>>) target(%dma_start3A_453 : memref<10240x64xf32, #tpu.memory_space<vmem_shared>>) offsets(%dma_start3A_450 : memref<72xi32, #tpu.memory_space<vmem>>) semaphore(%arg30 : memref<!tpu.dma_semaphore, #tpu.memory_space<semaphore_mem>>) {add = true}
      %dma_wait3A_454 = arith.constant 1 : i32
      %dma_wait3A_455 = arith.constant 0 : i32
      %dma_wait3A_456 = tpu.memref_slice %arg11[%dma_wait3A_454, %dma_wait3A_455] : memref<2x72xi32, #tpu.memory_space<vmem>> -> memref<1x72xi32, #tpu.memory_space<vmem>>
      %dma_wait3A_457 = tpu.memref_squeeze %dma_wait3A_456 : memref<1x72xi32, #tpu.memory_space<vmem>> -> memref<72xi32, #tpu.memory_space<vmem>>
      %dma_wait3A_458 = arith.constant 0 : i32
      %dma_wait3A_459 = arith.constant 0 : i32
      %dma_wait3A_460 = tpu.memref_slice %arg31[%dma_wait3A_458, %dma_wait3A_459] : memref<10240x64xf32, #tpu.memory_space<vmem_shared>> -> memref<10240x64xf32, #tpu.memory_space<vmem_shared>>
      tpu.wait_indirect_dma semaphore(%arg29 : memref<!tpu.dma_semaphore, #tpu.memory_space<semaphore_mem>>) src(%arg17 : memref<72x64xf32, #tpu.memory_space<vmem>>) dst(%dma_wait3A_460 : memref<10240x64xf32, #tpu.memory_space<vmem_shared>>)
      %lt3A_461 = arith.constant 23 : i32
      %lt3A_462 = arith.cmpi slt, %add3A_95, %lt3A_461 : i32
      %convert_element_type3A_463 = arith.extui %lt3A_462 : i1 to i32
      %cond3A_464 = arith.constant 0 : i32
      %cond3A_465 = arith.cmpi ne, %convert_element_type3A_463, %cond3A_464 : i32
      scf.if %cond3A_465 {
        %add3A_471 = arith.constant 3 : i32
        %add3A_472 = arith.addi %add3A_429, %add3A_471 : i32
        %mul3A_473 = arith.constant 32 : i32
        %mul3A_474 = arith.muli %add3A_472, %mul3A_473 : i32
        %add3A_475 = arith.addi %add3A, %mul3A_474 : i32
        %dma_start3A_476 = arith.constant 0 : i32
        %dma_start3A_477 = arith.constant 0 : i32
        %dma_start3A_478 = tpu.memref_slice %arg2[%add3A_475, %dma_start3A_476, %dma_start3A_477] : memref<4608x2x72xi32, #tpu.memory_space<hbm>> -> memref<1x2x72xi32, #tpu.memory_space<hbm>>
        %dma_start3A_479 = tpu.memref_squeeze %dma_start3A_478 : memref<1x2x72xi32, #tpu.memory_space<hbm>> -> memref<2x72xi32, #tpu.memory_space<hbm>>
        %dma_start3A_480 = arith.constant 0 : i32
        %dma_start3A_481 = arith.constant 0 : i32
        %dma_start3A_482 = tpu.memref_slice %arg2[%add3A_475, %dma_start3A_480, %dma_start3A_481] : memref<4608x2x72xi32, #tpu.memory_space<hbm>> -> memref<1x2x72xi32, #tpu.memory_space<hbm>>
        %dma_start3A_483 = tpu.memref_squeeze %dma_start3A_482 : memref<1x2x72xi32, #tpu.memory_space<hbm>> -> memref<2x72xi32, #tpu.memory_space<hbm>>
        tpu.enqueue_dma source(%dma_start3A_483 : memref<2x72xi32, #tpu.memory_space<hbm>>) target(%arg9 : memref<2x72xi32, #tpu.memory_space<vmem>>) target_semaphore(%arg21 : memref<!tpu.dma_semaphore, #tpu.memory_space<semaphore_mem>>)
      } else {
      }
      %lt3A_466 = arith.constant 23 : i32
      %lt3A_467 = arith.cmpi slt, %add3A_95, %lt3A_466 : i32
      %convert_element_type3A_468 = arith.extui %lt3A_467 : i1 to i32
      %cond3A_469 = arith.constant 0 : i32
      %cond3A_470 = arith.cmpi ne, %convert_element_type3A_468, %cond3A_469 : i32
      scf.if %cond3A_470 {
        %add3A_471 = arith.constant 2 : i32
        %add3A_472 = arith.addi %add3A_429, %add3A_471 : i32
        %mul3A_473 = arith.constant 32 : i32
        %mul3A_474 = arith.muli %add3A_472, %mul3A_473 : i32
        %add3A_475 = arith.addi %add3A, %mul3A_474 : i32
        %dma_wait3A_476 = arith.constant 0 : i32
        %dma_wait3A_477 = arith.constant 0 : i32
        %dma_wait3A_478 = tpu.memref_slice %arg2[%add3A_475, %dma_wait3A_476, %dma_wait3A_477] : memref<4608x2x72xi32, #tpu.memory_space<hbm>> -> memref<1x2x72xi32, #tpu.memory_space<hbm>>
        %dma_wait3A_479 = tpu.memref_squeeze %dma_wait3A_478 : memref<1x2x72xi32, #tpu.memory_space<hbm>> -> memref<2x72xi32, #tpu.memory_space<hbm>>
        %dma_wait3A_480 = arith.constant 0 : i32
        %dma_wait3A_481 = arith.constant 0 : i32
        %dma_wait3A_482 = tpu.memref_slice %arg2[%add3A_475, %dma_wait3A_480, %dma_wait3A_481] : memref<4608x2x72xi32, #tpu.memory_space<hbm>> -> memref<1x2x72xi32, #tpu.memory_space<hbm>>
        %dma_wait3A_483 = tpu.memref_squeeze %dma_wait3A_482 : memref<1x2x72xi32, #tpu.memory_space<hbm>> -> memref<2x72xi32, #tpu.memory_space<hbm>>
        tpu.wait_dma2 semaphore(%arg20 : memref<!tpu.dma_semaphore, #tpu.memory_space<semaphore_mem>>) src(%dma_wait3A_483 : memref<2x72xi32, #tpu.memory_space<hbm>>) dst(%arg8 : memref<2x72xi32, #tpu.memory_space<vmem>>)
        %dma_start3A_484 = arith.constant 0 : i32
        %dma_start3A_485 = arith.constant 0 : i32
        %dma_start3A_486 = tpu.memref_slice %arg8[%dma_start3A_484, %dma_start3A_485] : memref<2x72xi32, #tpu.memory_space<vmem>> -> memref<1x72xi32, #tpu.memory_space<vmem>>
        %dma_start3A_487 = tpu.memref_squeeze %dma_start3A_486 : memref<1x72xi32, #tpu.memory_space<vmem>> -> memref<72xi32, #tpu.memory_space<vmem>>
        %dma_start3A_488 = arith.constant 0 : i32
        %dma_start3A_489 = arith.constant 0 : i32
        %dma_start3A_490 = tpu.memref_slice %arg3[%dma_start3A_488, %dma_start3A_489] : memref<10240x64xf32, #tpu.memory_space<hbm>> -> memref<10240x64xf32, #tpu.memory_space<hbm>>
        tpu.enqueue_indirect_dma source(%dma_start3A_490 : memref<10240x64xf32, #tpu.memory_space<hbm>>) target(%arg17 : memref<72x64xf32, #tpu.memory_space<vmem>>) offsets(%dma_start3A_487 : memref<72xi32, #tpu.memory_space<vmem>>) semaphore(%arg26 : memref<!tpu.dma_semaphore, #tpu.memory_space<semaphore_mem>>)
        %dma_start3A_491 = arith.constant 1 : i32
        %dma_start3A_492 = arith.constant 0 : i32
        %dma_start3A_493 = tpu.memref_slice %arg8[%dma_start3A_491, %dma_start3A_492] : memref<2x72xi32, #tpu.memory_space<vmem>> -> memref<1x72xi32, #tpu.memory_space<vmem>>
        %dma_start3A_494 = tpu.memref_squeeze %dma_start3A_493 : memref<1x72xi32, #tpu.memory_space<vmem>> -> memref<72xi32, #tpu.memory_space<vmem>>
        %dma_start3A_495 = arith.constant 0 : i32
        %dma_start3A_496 = arith.constant 0 : i32
        %dma_start3A_497 = tpu.memref_slice %arg4[%dma_start3A_495, %dma_start3A_496] : memref<10240x16xf32, #tpu.memory_space<hbm>> -> memref<10240x16xf32, #tpu.memory_space<hbm>>
        tpu.enqueue_indirect_dma source(%dma_start3A_497 : memref<10240x16xf32, #tpu.memory_space<hbm>>) target(%arg14 : memref<72x16xf32, #tpu.memory_space<vmem>>) offsets(%dma_start3A_494 : memref<72xi32, #tpu.memory_space<vmem>>) semaphore(%arg26 : memref<!tpu.dma_semaphore, #tpu.memory_space<semaphore_mem>>)
      } else {
      }
    }
    %scan3A_82 = arith.constant 24 : i32
    %dma_wait3A_83 = arith.constant 1 : i32
    %dma_wait3A_84 = arith.constant 0 : i32
    %dma_wait3A_85 = tpu.memref_slice %arg12[%dma_wait3A_83, %dma_wait3A_84] : memref<2x72xi32, #tpu.memory_space<vmem>> -> memref<1x72xi32, #tpu.memory_space<vmem>>
    %dma_wait3A_86 = tpu.memref_squeeze %dma_wait3A_85 : memref<1x72xi32, #tpu.memory_space<vmem>> -> memref<72xi32, #tpu.memory_space<vmem>>
    %dma_wait3A_87 = arith.constant 0 : i32
    %dma_wait3A_88 = arith.constant 0 : i32
    %dma_wait3A_89 = tpu.memref_slice %arg31[%dma_wait3A_87, %dma_wait3A_88] : memref<10240x64xf32, #tpu.memory_space<vmem_shared>> -> memref<10240x64xf32, #tpu.memory_space<vmem_shared>>
    tpu.wait_indirect_dma semaphore(%arg30 : memref<!tpu.dma_semaphore, #tpu.memory_space<semaphore_mem>>) src(%arg18 : memref<72x64xf32, #tpu.memory_space<vmem>>) dst(%dma_wait3A_89 : memref<10240x64xf32, #tpu.memory_space<vmem_shared>>)
    %barrier3A_90 = arith.constant 0 : index
    tpu.barrier barrier_id(%barrier3A_90)
    "tpu.region"() ({
      %run_scoped3A = tpu.sem_alloc : memref<!tpu.dma_semaphore, #tpu.memory_space<semaphore_mem>>
      %dma_start3A_91 = arith.constant 0 : i32
      %dma_start3A_92 = tpu.memref_slice %arg6[%arg0, %mul3A_0, %dma_start3A_91] : memref<2x10240x64xf32, #tpu.memory_space<hbm>> -> memref<1x640x64xf32, #tpu.memory_space<hbm>>
      %dma_start3A_93 = tpu.memref_squeeze %dma_start3A_92 : memref<1x640x64xf32, #tpu.memory_space<hbm>> -> memref<640x64xf32, #tpu.memory_space<hbm>>
      %dma_start3A_94 = arith.constant 0 : i32
      %dma_start3A_95 = tpu.memref_slice %arg31[%mul3A_0, %dma_start3A_94] : memref<10240x64xf32, #tpu.memory_space<vmem_shared>> -> memref<640x64xf32, #tpu.memory_space<vmem_shared>>
      tpu.enqueue_dma source(%dma_start3A_95 : memref<640x64xf32, #tpu.memory_space<vmem_shared>>) target(%dma_start3A_93 : memref<640x64xf32, #tpu.memory_space<hbm>>) target_semaphore(%run_scoped3A : memref<!tpu.dma_semaphore, #tpu.memory_space<semaphore_mem>>)
      %dma_wait3A_96 = arith.constant 0 : i32
      %dma_wait3A_97 = tpu.memref_slice %arg6[%arg0, %mul3A_0, %dma_wait3A_96] : memref<2x10240x64xf32, #tpu.memory_space<hbm>> -> memref<1x640x64xf32, #tpu.memory_space<hbm>>
      %dma_wait3A_98 = tpu.memref_squeeze %dma_wait3A_97 : memref<1x640x64xf32, #tpu.memory_space<hbm>> -> memref<640x64xf32, #tpu.memory_space<hbm>>
      %dma_wait3A_99 = arith.constant 0 : i32
      %dma_wait3A_100 = tpu.memref_slice %arg31[%mul3A_0, %dma_wait3A_99] : memref<10240x64xf32, #tpu.memory_space<vmem_shared>> -> memref<640x64xf32, #tpu.memory_space<vmem_shared>>
      tpu.wait_dma2 semaphore(%run_scoped3A : memref<!tpu.dma_semaphore, #tpu.memory_space<semaphore_mem>>) src(%dma_wait3A_100 : memref<640x64xf32, #tpu.memory_space<vmem_shared>>) dst(%dma_wait3A_98 : memref<640x64xf32, #tpu.memory_space<hbm>>)
      tpu.yield
    }) : () -> ()
    return
  }
}

#map = affine_map<(d0, d1) -> (0, 0, 0)>
#map1 = affine_map<(d0, d1) -> (0, 0)>
module attributes {stable_mosaic.version = 14 : i64} {
  func.func @sc_kernel(%arg0: i32, %arg1: i32, %arg2: memref<4608x2x72xi32, #tpu.memory_space<hbm>>, %arg3: memref<10240x144xf32, #tpu.memory_space<hbm>>, %arg4: memref<10240x16xf32, #tpu.memory_space<hbm>>, %arg5: memref<10240x144xf32, #tpu.memory_space<hbm>>, %arg6: memref<2x10240x144xf32, #tpu.memory_space<hbm>>, %arg7: memref<2x72xi32, #tpu.memory_space<vmem>>, %arg8: memref<2x72xi32, #tpu.memory_space<vmem>>, %arg9: memref<2x72xi32, #tpu.memory_space<vmem>>, %arg10: memref<2x72xi32, #tpu.memory_space<vmem>>, %arg11: memref<2x72xi32, #tpu.memory_space<vmem>>, %arg12: memref<2x72xi32, #tpu.memory_space<vmem>>, %arg13: memref<72x16xf32, #tpu.memory_space<vmem>>, %arg14: memref<72x16xf32, #tpu.memory_space<vmem>>, %arg15: memref<72x16xf32, #tpu.memory_space<vmem>>, %arg16: memref<72x144xf32, #tpu.memory_space<vmem>>, %arg17: memref<72x144xf32, #tpu.memory_space<vmem>>, %arg18: memref<72x144xf32, #tpu.memory_space<vmem>>, %arg19: memref<!tpu.dma_semaphore, #tpu.memory_space<semaphore_mem>>, %arg20: memref<!tpu.dma_semaphore, #tpu.memory_space<semaphore_mem>>, %arg21: memref<!tpu.dma_semaphore, #tpu.memory_space<semaphore_mem>>, %arg22: memref<!tpu.dma_semaphore, #tpu.memory_space<semaphore_mem>>, %arg23: memref<!tpu.dma_semaphore, #tpu.memory_space<semaphore_mem>>, %arg24: memref<!tpu.dma_semaphore, #tpu.memory_space<semaphore_mem>>, %arg25: memref<!tpu.dma_semaphore, #tpu.memory_space<semaphore_mem>>, %arg26: memref<!tpu.dma_semaphore, #tpu.memory_space<semaphore_mem>>, %arg27: memref<!tpu.dma_semaphore, #tpu.memory_space<semaphore_mem>>, %arg28: memref<!tpu.dma_semaphore, #tpu.memory_space<semaphore_mem>>, %arg29: memref<!tpu.dma_semaphore, #tpu.memory_space<semaphore_mem>>, %arg30: memref<!tpu.dma_semaphore, #tpu.memory_space<semaphore_mem>>, %arg31: memref<10240x144xf32, #tpu.memory_space<vmem_shared>>) attributes {dimension_semantics = [#tpu.dimension_semantics<core_parallel>, #tpu.dimension_semantics<subcore_parallel>], iteration_bounds = array<i64: 2, 16>, scalar_prefetch = 0 : i64, scratch_operands = 25 : i64, tpu.core_type = #tpu.core_type<sc_vector_subcore>, window_params = [{transform_indices = #map}, {transform_indices = #map1}, {transform_indices = #map1}, {transform_indices = #map1}, {transform_indices = #map}]} {
    %mul3A = arith.constant 640 : i32
    %mul3A_0 = arith.muli %arg1, %mul3A : i32
    "tpu.region"() ({
      %run_scoped3A = tpu.sem_alloc : memref<!tpu.dma_semaphore, #tpu.memory_space<semaphore_mem>>
      %dma_start3A_91 = arith.constant 0 : i32
      %dma_start3A_92 = tpu.memref_slice %arg31[%mul3A_0, %dma_start3A_91] : memref<10240x144xf32, #tpu.memory_space<vmem_shared>> -> memref<640x144xf32, #tpu.memory_space<vmem_shared>>
      %dma_start3A_93 = arith.constant 0 : i32
      %dma_start3A_94 = tpu.memref_slice %arg5[%mul3A_0, %dma_start3A_93] : memref<10240x144xf32, #tpu.memory_space<hbm>> -> memref<640x144xf32, #tpu.memory_space<hbm>>
      tpu.enqueue_dma source(%dma_start3A_94 : memref<640x144xf32, #tpu.memory_space<hbm>>) target(%dma_start3A_92 : memref<640x144xf32, #tpu.memory_space<vmem_shared>>) target_semaphore(%run_scoped3A : memref<!tpu.dma_semaphore, #tpu.memory_space<semaphore_mem>>)
      %dma_wait3A_95 = arith.constant 0 : i32
      %dma_wait3A_96 = tpu.memref_slice %arg31[%mul3A_0, %dma_wait3A_95] : memref<10240x144xf32, #tpu.memory_space<vmem_shared>> -> memref<640x144xf32, #tpu.memory_space<vmem_shared>>
      %dma_wait3A_97 = arith.constant 0 : i32
      %dma_wait3A_98 = tpu.memref_slice %arg5[%mul3A_0, %dma_wait3A_97] : memref<10240x144xf32, #tpu.memory_space<hbm>> -> memref<640x144xf32, #tpu.memory_space<hbm>>
      tpu.wait_dma2 semaphore(%run_scoped3A : memref<!tpu.dma_semaphore, #tpu.memory_space<semaphore_mem>>) src(%dma_wait3A_98 : memref<640x144xf32, #tpu.memory_space<hbm>>) dst(%dma_wait3A_96 : memref<640x144xf32, #tpu.memory_space<vmem_shared>>)
      tpu.yield
    }) : () -> ()
    %barrier3A = arith.constant 0 : index
    tpu.barrier barrier_id(%barrier3A)
    %mul3A_1 = arith.constant 16 : i32
    %mul3A_2 = arith.muli %arg0, %mul3A_1 : i32
    %add3A = arith.addi %mul3A_2, %arg1 : i32
    %add3A_3 = arith.constant 0 : i32
    %add3A_4 = arith.addi %add3A, %add3A_3 : i32
    %dma_start3A = arith.constant 0 : i32
    %dma_start3A_5 = arith.constant 0 : i32
    %dma_start3A_6 = tpu.memref_slice %arg2[%add3A_4, %dma_start3A, %dma_start3A_5] : memref<4608x2x72xi32, #tpu.memory_space<hbm>> -> memref<1x2x72xi32, #tpu.memory_space<hbm>>
    %dma_start3A_7 = tpu.memref_squeeze %dma_start3A_6 : memref<1x2x72xi32, #tpu.memory_space<hbm>> -> memref<2x72xi32, #tpu.memory_space<hbm>>
    %dma_start3A_8 = arith.constant 0 : i32
    %dma_start3A_9 = arith.constant 0 : i32
    %dma_start3A_10 = tpu.memref_slice %arg2[%add3A_4, %dma_start3A_8, %dma_start3A_9] : memref<4608x2x72xi32, #tpu.memory_space<hbm>> -> memref<1x2x72xi32, #tpu.memory_space<hbm>>
    %dma_start3A_11 = tpu.memref_squeeze %dma_start3A_10 : memref<1x2x72xi32, #tpu.memory_space<hbm>> -> memref<2x72xi32, #tpu.memory_space<hbm>>
    tpu.enqueue_dma source(%dma_start3A_11 : memref<2x72xi32, #tpu.memory_space<hbm>>) target(%arg7 : memref<2x72xi32, #tpu.memory_space<vmem>>) target_semaphore(%arg19 : memref<!tpu.dma_semaphore, #tpu.memory_space<semaphore_mem>>)
    %add3A_12 = arith.constant 32 : i32
    %add3A_13 = arith.addi %add3A, %add3A_12 : i32
    %dma_start3A_14 = arith.constant 0 : i32
    %dma_start3A_15 = arith.constant 0 : i32
    %dma_start3A_16 = tpu.memref_slice %arg2[%add3A_13, %dma_start3A_14, %dma_start3A_15] : memref<4608x2x72xi32, #tpu.memory_space<hbm>> -> memref<1x2x72xi32, #tpu.memory_space<hbm>>
    %dma_start3A_17 = tpu.memref_squeeze %dma_start3A_16 : memref<1x2x72xi32, #tpu.memory_space<hbm>> -> memref<2x72xi32, #tpu.memory_space<hbm>>
    %dma_start3A_18 = arith.constant 0 : i32
    %dma_start3A_19 = arith.constant 0 : i32
    %dma_start3A_20 = tpu.memref_slice %arg2[%add3A_13, %dma_start3A_18, %dma_start3A_19] : memref<4608x2x72xi32, #tpu.memory_space<hbm>> -> memref<1x2x72xi32, #tpu.memory_space<hbm>>
    %dma_start3A_21 = tpu.memref_squeeze %dma_start3A_20 : memref<1x2x72xi32, #tpu.memory_space<hbm>> -> memref<2x72xi32, #tpu.memory_space<hbm>>
    tpu.enqueue_dma source(%dma_start3A_21 : memref<2x72xi32, #tpu.memory_space<hbm>>) target(%arg8 : memref<2x72xi32, #tpu.memory_space<vmem>>) target_semaphore(%arg20 : memref<!tpu.dma_semaphore, #tpu.memory_space<semaphore_mem>>)
    %add3A_22 = arith.constant 64 : i32
    %add3A_23 = arith.addi %add3A, %add3A_22 : i32
    %dma_start3A_24 = arith.constant 0 : i32
    %dma_start3A_25 = arith.constant 0 : i32
    %dma_start3A_26 = tpu.memref_slice %arg2[%add3A_23, %dma_start3A_24, %dma_start3A_25] : memref<4608x2x72xi32, #tpu.memory_space<hbm>> -> memref<1x2x72xi32, #tpu.memory_space<hbm>>
    %dma_start3A_27 = tpu.memref_squeeze %dma_start3A_26 : memref<1x2x72xi32, #tpu.memory_space<hbm>> -> memref<2x72xi32, #tpu.memory_space<hbm>>
    %dma_start3A_28 = arith.constant 0 : i32
    %dma_start3A_29 = arith.constant 0 : i32
    %dma_start3A_30 = tpu.memref_slice %arg2[%add3A_23, %dma_start3A_28, %dma_start3A_29] : memref<4608x2x72xi32, #tpu.memory_space<hbm>> -> memref<1x2x72xi32, #tpu.memory_space<hbm>>
    %dma_start3A_31 = tpu.memref_squeeze %dma_start3A_30 : memref<1x2x72xi32, #tpu.memory_space<hbm>> -> memref<2x72xi32, #tpu.memory_space<hbm>>
    tpu.enqueue_dma source(%dma_start3A_31 : memref<2x72xi32, #tpu.memory_space<hbm>>) target(%arg9 : memref<2x72xi32, #tpu.memory_space<vmem>>) target_semaphore(%arg21 : memref<!tpu.dma_semaphore, #tpu.memory_space<semaphore_mem>>)
    %add3A_32 = arith.constant 0 : i32
    %add3A_33 = arith.addi %add3A, %add3A_32 : i32
    %dma_wait3A = arith.constant 0 : i32
    %dma_wait3A_34 = arith.constant 0 : i32
    %dma_wait3A_35 = tpu.memref_slice %arg2[%add3A_33, %dma_wait3A, %dma_wait3A_34] : memref<4608x2x72xi32, #tpu.memory_space<hbm>> -> memref<1x2x72xi32, #tpu.memory_space<hbm>>
    %dma_wait3A_36 = tpu.memref_squeeze %dma_wait3A_35 : memref<1x2x72xi32, #tpu.memory_space<hbm>> -> memref<2x72xi32, #tpu.memory_space<hbm>>
    %dma_wait3A_37 = arith.constant 0 : i32
    %dma_wait3A_38 = arith.constant 0 : i32
    %dma_wait3A_39 = tpu.memref_slice %arg2[%add3A_33, %dma_wait3A_37, %dma_wait3A_38] : memref<4608x2x72xi32, #tpu.memory_space<hbm>> -> memref<1x2x72xi32, #tpu.memory_space<hbm>>
    %dma_wait3A_40 = tpu.memref_squeeze %dma_wait3A_39 : memref<1x2x72xi32, #tpu.memory_space<hbm>> -> memref<2x72xi32, #tpu.memory_space<hbm>>
    tpu.wait_dma2 semaphore(%arg19 : memref<!tpu.dma_semaphore, #tpu.memory_space<semaphore_mem>>) src(%dma_wait3A_40 : memref<2x72xi32, #tpu.memory_space<hbm>>) dst(%arg7 : memref<2x72xi32, #tpu.memory_space<vmem>>)
    %dma_start3A_41 = arith.constant 0 : i32
    %dma_start3A_42 = arith.constant 0 : i32
    %dma_start3A_43 = tpu.memref_slice %arg7[%dma_start3A_41, %dma_start3A_42] : memref<2x72xi32, #tpu.memory_space<vmem>> -> memref<1x72xi32, #tpu.memory_space<vmem>>
    %dma_start3A_44 = tpu.memref_squeeze %dma_start3A_43 : memref<1x72xi32, #tpu.memory_space<vmem>> -> memref<72xi32, #tpu.memory_space<vmem>>
    %dma_start3A_45 = arith.constant 0 : i32
    %dma_start3A_46 = arith.constant 0 : i32
    %dma_start3A_47 = tpu.memref_slice %arg3[%dma_start3A_45, %dma_start3A_46] : memref<10240x144xf32, #tpu.memory_space<hbm>> -> memref<10240x144xf32, #tpu.memory_space<hbm>>
    tpu.enqueue_indirect_dma source(%dma_start3A_47 : memref<10240x144xf32, #tpu.memory_space<hbm>>) target(%arg16 : memref<72x144xf32, #tpu.memory_space<vmem>>) offsets(%dma_start3A_44 : memref<72xi32, #tpu.memory_space<vmem>>) semaphore(%arg25 : memref<!tpu.dma_semaphore, #tpu.memory_space<semaphore_mem>>)
    %dma_start3A_48 = arith.constant 1 : i32
    %dma_start3A_49 = arith.constant 0 : i32
    %dma_start3A_50 = tpu.memref_slice %arg7[%dma_start3A_48, %dma_start3A_49] : memref<2x72xi32, #tpu.memory_space<vmem>> -> memref<1x72xi32, #tpu.memory_space<vmem>>
    %dma_start3A_51 = tpu.memref_squeeze %dma_start3A_50 : memref<1x72xi32, #tpu.memory_space<vmem>> -> memref<72xi32, #tpu.memory_space<vmem>>
    %dma_start3A_52 = arith.constant 0 : i32
    %dma_start3A_53 = arith.constant 0 : i32
    %dma_start3A_54 = tpu.memref_slice %arg4[%dma_start3A_52, %dma_start3A_53] : memref<10240x16xf32, #tpu.memory_space<hbm>> -> memref<10240x16xf32, #tpu.memory_space<hbm>>
    tpu.enqueue_indirect_dma source(%dma_start3A_54 : memref<10240x16xf32, #tpu.memory_space<hbm>>) target(%arg13 : memref<72x16xf32, #tpu.memory_space<vmem>>) offsets(%dma_start3A_51 : memref<72xi32, #tpu.memory_space<vmem>>) semaphore(%arg25 : memref<!tpu.dma_semaphore, #tpu.memory_space<semaphore_mem>>)
    %add3A_55 = arith.constant 32 : i32
    %add3A_56 = arith.addi %add3A, %add3A_55 : i32
    %dma_wait3A_57 = arith.constant 0 : i32
    %dma_wait3A_58 = arith.constant 0 : i32
    %dma_wait3A_59 = tpu.memref_slice %arg2[%add3A_56, %dma_wait3A_57, %dma_wait3A_58] : memref<4608x2x72xi32, #tpu.memory_space<hbm>> -> memref<1x2x72xi32, #tpu.memory_space<hbm>>
    %dma_wait3A_60 = tpu.memref_squeeze %dma_wait3A_59 : memref<1x2x72xi32, #tpu.memory_space<hbm>> -> memref<2x72xi32, #tpu.memory_space<hbm>>
    %dma_wait3A_61 = arith.constant 0 : i32
    %dma_wait3A_62 = arith.constant 0 : i32
    %dma_wait3A_63 = tpu.memref_slice %arg2[%add3A_56, %dma_wait3A_61, %dma_wait3A_62] : memref<4608x2x72xi32, #tpu.memory_space<hbm>> -> memref<1x2x72xi32, #tpu.memory_space<hbm>>
    %dma_wait3A_64 = tpu.memref_squeeze %dma_wait3A_63 : memref<1x2x72xi32, #tpu.memory_space<hbm>> -> memref<2x72xi32, #tpu.memory_space<hbm>>
    tpu.wait_dma2 semaphore(%arg20 : memref<!tpu.dma_semaphore, #tpu.memory_space<semaphore_mem>>) src(%dma_wait3A_64 : memref<2x72xi32, #tpu.memory_space<hbm>>) dst(%arg8 : memref<2x72xi32, #tpu.memory_space<vmem>>)
    %dma_start3A_65 = arith.constant 0 : i32
    %dma_start3A_66 = arith.constant 0 : i32
    %dma_start3A_67 = tpu.memref_slice %arg8[%dma_start3A_65, %dma_start3A_66] : memref<2x72xi32, #tpu.memory_space<vmem>> -> memref<1x72xi32, #tpu.memory_space<vmem>>
    %dma_start3A_68 = tpu.memref_squeeze %dma_start3A_67 : memref<1x72xi32, #tpu.memory_space<vmem>> -> memref<72xi32, #tpu.memory_space<vmem>>
    %dma_start3A_69 = arith.constant 0 : i32
    %dma_start3A_70 = arith.constant 0 : i32
    %dma_start3A_71 = tpu.memref_slice %arg3[%dma_start3A_69, %dma_start3A_70] : memref<10240x144xf32, #tpu.memory_space<hbm>> -> memref<10240x144xf32, #tpu.memory_space<hbm>>
    tpu.enqueue_indirect_dma source(%dma_start3A_71 : memref<10240x144xf32, #tpu.memory_space<hbm>>) target(%arg17 : memref<72x144xf32, #tpu.memory_space<vmem>>) offsets(%dma_start3A_68 : memref<72xi32, #tpu.memory_space<vmem>>) semaphore(%arg26 : memref<!tpu.dma_semaphore, #tpu.memory_space<semaphore_mem>>)
    %dma_start3A_72 = arith.constant 1 : i32
    %dma_start3A_73 = arith.constant 0 : i32
    %dma_start3A_74 = tpu.memref_slice %arg8[%dma_start3A_72, %dma_start3A_73] : memref<2x72xi32, #tpu.memory_space<vmem>> -> memref<1x72xi32, #tpu.memory_space<vmem>>
    %dma_start3A_75 = tpu.memref_squeeze %dma_start3A_74 : memref<1x72xi32, #tpu.memory_space<vmem>> -> memref<72xi32, #tpu.memory_space<vmem>>
    %dma_start3A_76 = arith.constant 0 : i32
    %dma_start3A_77 = arith.constant 0 : i32
    %dma_start3A_78 = tpu.memref_slice %arg4[%dma_start3A_76, %dma_start3A_77] : memref<10240x16xf32, #tpu.memory_space<hbm>> -> memref<10240x16xf32, #tpu.memory_space<hbm>>
    tpu.enqueue_indirect_dma source(%dma_start3A_78 : memref<10240x16xf32, #tpu.memory_space<hbm>>) target(%arg14 : memref<72x16xf32, #tpu.memory_space<vmem>>) offsets(%dma_start3A_75 : memref<72xi32, #tpu.memory_space<vmem>>) semaphore(%arg26 : memref<!tpu.dma_semaphore, #tpu.memory_space<semaphore_mem>>)
    %scan3A = arith.constant 0 : i32
    %scan3A_79 = arith.constant 24 : i32
    %scan3A_80 = arith.addi %scan3A, %scan3A_79 : i32
    %scan3A_81 = arith.constant 1 : i32
    scf.for %scan3A_91 = %scan3A to %scan3A_80 step %scan3A_81  : i32 {
      %mul3A_92 = arith.constant 1 : i32
      %mul3A_93 = arith.muli %scan3A_91, %mul3A_92 : i32
      %add3A_94 = arith.constant 0 : i32
      %add3A_95 = arith.addi %add3A_94, %mul3A_93 : i32
      %mul3A_96 = arith.constant 6 : i32
      %mul3A_97 = arith.muli %mul3A_96, %add3A_95 : i32
      %add3A_98 = arith.constant 0 : i32
      %add3A_99 = arith.addi %mul3A_97, %add3A_98 : i32
      %dma_wait3A_100 = arith.constant 0 : i32
      %dma_wait3A_101 = arith.constant 0 : i32
      %dma_wait3A_102 = tpu.memref_slice %arg7[%dma_wait3A_100, %dma_wait3A_101] : memref<2x72xi32, #tpu.memory_space<vmem>> -> memref<1x72xi32, #tpu.memory_space<vmem>>
      %dma_wait3A_103 = tpu.memref_squeeze %dma_wait3A_102 : memref<1x72xi32, #tpu.memory_space<vmem>> -> memref<72xi32, #tpu.memory_space<vmem>>
      %dma_wait3A_104 = arith.constant 0 : i32
      %dma_wait3A_105 = arith.constant 0 : i32
      %dma_wait3A_106 = tpu.memref_slice %arg3[%dma_wait3A_104, %dma_wait3A_105] : memref<10240x144xf32, #tpu.memory_space<hbm>> -> memref<10240x144xf32, #tpu.memory_space<hbm>>
      tpu.wait_indirect_dma semaphore(%arg25 : memref<!tpu.dma_semaphore, #tpu.memory_space<semaphore_mem>>) src(%dma_wait3A_106 : memref<10240x144xf32, #tpu.memory_space<hbm>>) dst(%arg16 : memref<72x144xf32, #tpu.memory_space<vmem>>)
      %dma_wait3A_107 = arith.constant 1 : i32
      %dma_wait3A_108 = arith.constant 0 : i32
      %dma_wait3A_109 = tpu.memref_slice %arg7[%dma_wait3A_107, %dma_wait3A_108] : memref<2x72xi32, #tpu.memory_space<vmem>> -> memref<1x72xi32, #tpu.memory_space<vmem>>
      %dma_wait3A_110 = tpu.memref_squeeze %dma_wait3A_109 : memref<1x72xi32, #tpu.memory_space<vmem>> -> memref<72xi32, #tpu.memory_space<vmem>>
      %dma_wait3A_111 = arith.constant 0 : i32
      %dma_wait3A_112 = arith.constant 0 : i32
      %dma_wait3A_113 = tpu.memref_slice %arg4[%dma_wait3A_111, %dma_wait3A_112] : memref<10240x16xf32, #tpu.memory_space<hbm>> -> memref<10240x16xf32, #tpu.memory_space<hbm>>
      tpu.wait_indirect_dma semaphore(%arg25 : memref<!tpu.dma_semaphore, #tpu.memory_space<semaphore_mem>>) src(%dma_wait3A_113 : memref<10240x16xf32, #tpu.memory_space<hbm>>) dst(%arg13 : memref<72x16xf32, #tpu.memory_space<vmem>>)
      %parallel_loop3A = arith.constant 0 : i32
      %parallel_loop3A_114 = arith.constant 72 : i32
      %parallel_loop3A_115 = arith.constant 1 : i32
      scf.for %parallel_loop3A_471 = %parallel_loop3A to %parallel_loop3A_114 step %parallel_loop3A_115  : i32 {
        %parallel_loop3A_472 = arith.index_cast %parallel_loop3A_471 : i32 to index
        %parallel_loop3A_473 = arith.constant 128 : index
        %parallel_loop3A_474 = tpu.vector_load %arg16[%parallel_loop3A_472, %parallel_loop3A_473] {strides = array<i32>} : memref<72x144xf32, #tpu.memory_space<vmem>>, vector<16xf32>,
        %parallel_loop3A_475 = arith.index_cast %parallel_loop3A_471 : i32 to index
        %parallel_loop3A_476 = arith.constant 0 : index
        %parallel_loop3A_477 = tpu.vector_load %arg13[%parallel_loop3A_475, %parallel_loop3A_476] {strides = array<i32>} : memref<72x16xf32, #tpu.memory_space<vmem>>, vector<16xf32>,
        %parallel_loop3A_478 = arith.addf %parallel_loop3A_474, %parallel_loop3A_477 : vector<16xf32>
        %parallel_loop3A_479 = arith.constant 0.000000e+00 : f32
        %parallel_loop3A_480 = vector.broadcast %parallel_loop3A_479 : f32 to vector<16xf32>
        %parallel_loop3A_481 = arith.cmpf ogt, %parallel_loop3A_478, %parallel_loop3A_480 : vector<16xf32>
        %parallel_loop3A_482 = arith.constant 2.000000e-01 : f32
        %parallel_loop3A_483 = vector.broadcast %parallel_loop3A_482 : f32 to vector<16xf32>
        %parallel_loop3A_484 = arith.mulf %parallel_loop3A_483, %parallel_loop3A_478 : vector<16xf32>
        %parallel_loop3A_485 = arith.select %parallel_loop3A_481, %parallel_loop3A_478, %parallel_loop3A_484 : vector<16xi1>, vector<16xf32>
        %parallel_loop3A_486 = math.exp %parallel_loop3A_485 : vector<16xf32>
        %parallel_loop3A_487 = arith.index_cast %parallel_loop3A_471 : i32 to index
        %parallel_loop3A_488 = arith.constant 128 : index
        %parallel_loop3A_489 = tpu.vector_load %arg16[%parallel_loop3A_487, %parallel_loop3A_488] {strides = array<i32>} : memref<72x144xf32, #tpu.memory_space<vmem>>, vector<16xf32>,
        tpu.vector_store %arg16[%parallel_loop3A_487, %parallel_loop3A_488], %parallel_loop3A_486 {strides = array<i32>} : memref<72x144xf32, #tpu.memory_space<vmem>>, vector<16xf32>,
        %parallel_loop3A_490 = arith.constant 0 : i32
        %parallel_loop3A_491 = vector.broadcast %parallel_loop3A_490 : i32 to vector<16x1xi32>
        %parallel_loop3A_492 = vector.shape_cast %parallel_loop3A_491 : vector<16x1xi32> to vector<16xi32>
        %parallel_loop3A_493 = tpu.dynamic_gather %parallel_loop3A_486[%parallel_loop3A_492] in [0] : vector<16xf32>, vector<16xi32> -> vector<16xf32>
        %parallel_loop3A_494 = arith.index_cast %parallel_loop3A_471 : i32 to index
        %parallel_loop3A_495 = arith.constant 0 : index
        %parallel_loop3A_496 = tpu.vector_load %arg16[%parallel_loop3A_494, %parallel_loop3A_495] {strides = array<i32>} : memref<72x144xf32, #tpu.memory_space<vmem>>, vector<16xf32>,
        %parallel_loop3A_497 = arith.mulf %parallel_loop3A_496, %parallel_loop3A_493 : vector<16xf32>
        %parallel_loop3A_498 = arith.index_cast %parallel_loop3A_471 : i32 to index
        %parallel_loop3A_499 = arith.constant 0 : index
        %parallel_loop3A_500 = tpu.vector_load %arg16[%parallel_loop3A_498, %parallel_loop3A_499] {strides = array<i32>} : memref<72x144xf32, #tpu.memory_space<vmem>>, vector<16xf32>,
        tpu.vector_store %arg16[%parallel_loop3A_498, %parallel_loop3A_499], %parallel_loop3A_497 {strides = array<i32>} : memref<72x144xf32, #tpu.memory_space<vmem>>, vector<16xf32>,
        %parallel_loop3A_501 = arith.constant 1 : i32
        %parallel_loop3A_502 = vector.broadcast %parallel_loop3A_501 : i32 to vector<16x1xi32>
        %parallel_loop3A_503 = vector.shape_cast %parallel_loop3A_502 : vector<16x1xi32> to vector<16xi32>
        %parallel_loop3A_504 = tpu.dynamic_gather %parallel_loop3A_486[%parallel_loop3A_503] in [0] : vector<16xf32>, vector<16xi32> -> vector<16xf32>
        %parallel_loop3A_505 = arith.index_cast %parallel_loop3A_471 : i32 to index
        %parallel_loop3A_506 = arith.constant 16 : index
        %parallel_loop3A_507 = tpu.vector_load %arg16[%parallel_loop3A_505, %parallel_loop3A_506] {strides = array<i32>} : memref<72x144xf32, #tpu.memory_space<vmem>>, vector<16xf32>,
        %parallel_loop3A_508 = arith.mulf %parallel_loop3A_507, %parallel_loop3A_504 : vector<16xf32>
        %parallel_loop3A_509 = arith.index_cast %parallel_loop3A_471 : i32 to index
        %parallel_loop3A_510 = arith.constant 16 : index
        %parallel_loop3A_511 = tpu.vector_load %arg16[%parallel_loop3A_509, %parallel_loop3A_510] {strides = array<i32>} : memref<72x144xf32, #tpu.memory_space<vmem>>, vector<16xf32>,
        tpu.vector_store %arg16[%parallel_loop3A_509, %parallel_loop3A_510], %parallel_loop3A_508 {strides = array<i32>} : memref<72x144xf32, #tpu.memory_space<vmem>>, vector<16xf32>,
        %parallel_loop3A_512 = arith.constant 2 : i32
        %parallel_loop3A_513 = vector.broadcast %parallel_loop3A_512 : i32 to vector<16x1xi32>
        %parallel_loop3A_514 = vector.shape_cast %parallel_loop3A_513 : vector<16x1xi32> to vector<16xi32>
        %parallel_loop3A_515 = tpu.dynamic_gather %parallel_loop3A_486[%parallel_loop3A_514] in [0] : vector<16xf32>, vector<16xi32> -> vector<16xf32>
        %parallel_loop3A_516 = arith.index_cast %parallel_loop3A_471 : i32 to index
        %parallel_loop3A_517 = arith.constant 32 : index
        %parallel_loop3A_518 = tpu.vector_load %arg16[%parallel_loop3A_516, %parallel_loop3A_517] {strides = array<i32>} : memref<72x144xf32, #tpu.memory_space<vmem>>, vector<16xf32>,
        %parallel_loop3A_519 = arith.mulf %parallel_loop3A_518, %parallel_loop3A_515 : vector<16xf32>
        %parallel_loop3A_520 = arith.index_cast %parallel_loop3A_471 : i32 to index
        %parallel_loop3A_521 = arith.constant 32 : index
        %parallel_loop3A_522 = tpu.vector_load %arg16[%parallel_loop3A_520, %parallel_loop3A_521] {strides = array<i32>} : memref<72x144xf32, #tpu.memory_space<vmem>>, vector<16xf32>,
        tpu.vector_store %arg16[%parallel_loop3A_520, %parallel_loop3A_521], %parallel_loop3A_519 {strides = array<i32>} : memref<72x144xf32, #tpu.memory_space<vmem>>, vector<16xf32>,
        %parallel_loop3A_523 = arith.constant 3 : i32
        %parallel_loop3A_524 = vector.broadcast %parallel_loop3A_523 : i32 to vector<16x1xi32>
        %parallel_loop3A_525 = vector.shape_cast %parallel_loop3A_524 : vector<16x1xi32> to vector<16xi32>
        %parallel_loop3A_526 = tpu.dynamic_gather %parallel_loop3A_486[%parallel_loop3A_525] in [0] : vector<16xf32>, vector<16xi32> -> vector<16xf32>
        %parallel_loop3A_527 = arith.index_cast %parallel_loop3A_471 : i32 to index
        %parallel_loop3A_528 = arith.constant 48 : index
        %parallel_loop3A_529 = tpu.vector_load %arg16[%parallel_loop3A_527, %parallel_loop3A_528] {strides = array<i32>} : memref<72x144xf32, #tpu.memory_space<vmem>>, vector<16xf32>,
        %parallel_loop3A_530 = arith.mulf %parallel_loop3A_529, %parallel_loop3A_526 : vector<16xf32>
        %parallel_loop3A_531 = arith.index_cast %parallel_loop3A_471 : i32 to index
        %parallel_loop3A_532 = arith.constant 48 : index
        %parallel_loop3A_533 = tpu.vector_load %arg16[%parallel_loop3A_531, %parallel_loop3A_532] {strides = array<i32>} : memref<72x144xf32, #tpu.memory_space<vmem>>, vector<16xf32>,
        tpu.vector_store %arg16[%parallel_loop3A_531, %parallel_loop3A_532], %parallel_loop3A_530 {strides = array<i32>} : memref<72x144xf32, #tpu.memory_space<vmem>>, vector<16xf32>,
        %parallel_loop3A_534 = arith.constant 4 : i32
        %parallel_loop3A_535 = vector.broadcast %parallel_loop3A_534 : i32 to vector<16x1xi32>
        %parallel_loop3A_536 = vector.shape_cast %parallel_loop3A_535 : vector<16x1xi32> to vector<16xi32>
        %parallel_loop3A_537 = tpu.dynamic_gather %parallel_loop3A_486[%parallel_loop3A_536] in [0] : vector<16xf32>, vector<16xi32> -> vector<16xf32>
        %parallel_loop3A_538 = arith.index_cast %parallel_loop3A_471 : i32 to index
        %parallel_loop3A_539 = arith.constant 64 : index
        %parallel_loop3A_540 = tpu.vector_load %arg16[%parallel_loop3A_538, %parallel_loop3A_539] {strides = array<i32>} : memref<72x144xf32, #tpu.memory_space<vmem>>, vector<16xf32>,
        %parallel_loop3A_541 = arith.mulf %parallel_loop3A_540, %parallel_loop3A_537 : vector<16xf32>
        %parallel_loop3A_542 = arith.index_cast %parallel_loop3A_471 : i32 to index
        %parallel_loop3A_543 = arith.constant 64 : index
        %parallel_loop3A_544 = tpu.vector_load %arg16[%parallel_loop3A_542, %parallel_loop3A_543] {strides = array<i32>} : memref<72x144xf32, #tpu.memory_space<vmem>>, vector<16xf32>,
        tpu.vector_store %arg16[%parallel_loop3A_542, %parallel_loop3A_543], %parallel_loop3A_541 {strides = array<i32>} : memref<72x144xf32, #tpu.memory_space<vmem>>, vector<16xf32>,
        %parallel_loop3A_545 = arith.constant 5 : i32
        %parallel_loop3A_546 = vector.broadcast %parallel_loop3A_545 : i32 to vector<16x1xi32>
        %parallel_loop3A_547 = vector.shape_cast %parallel_loop3A_546 : vector<16x1xi32> to vector<16xi32>
        %parallel_loop3A_548 = tpu.dynamic_gather %parallel_loop3A_486[%parallel_loop3A_547] in [0] : vector<16xf32>, vector<16xi32> -> vector<16xf32>
        %parallel_loop3A_549 = arith.index_cast %parallel_loop3A_471 : i32 to index
        %parallel_loop3A_550 = arith.constant 80 : index
        %parallel_loop3A_551 = tpu.vector_load %arg16[%parallel_loop3A_549, %parallel_loop3A_550] {strides = array<i32>} : memref<72x144xf32, #tpu.memory_space<vmem>>, vector<16xf32>,
        %parallel_loop3A_552 = arith.mulf %parallel_loop3A_551, %parallel_loop3A_548 : vector<16xf32>
        %parallel_loop3A_553 = arith.index_cast %parallel_loop3A_471 : i32 to index
        %parallel_loop3A_554 = arith.constant 80 : index
        %parallel_loop3A_555 = tpu.vector_load %arg16[%parallel_loop3A_553, %parallel_loop3A_554] {strides = array<i32>} : memref<72x144xf32, #tpu.memory_space<vmem>>, vector<16xf32>,
        tpu.vector_store %arg16[%parallel_loop3A_553, %parallel_loop3A_554], %parallel_loop3A_552 {strides = array<i32>} : memref<72x144xf32, #tpu.memory_space<vmem>>, vector<16xf32>,
        %parallel_loop3A_556 = arith.constant 6 : i32
        %parallel_loop3A_557 = vector.broadcast %parallel_loop3A_556 : i32 to vector<16x1xi32>
        %parallel_loop3A_558 = vector.shape_cast %parallel_loop3A_557 : vector<16x1xi32> to vector<16xi32>
        %parallel_loop3A_559 = tpu.dynamic_gather %parallel_loop3A_486[%parallel_loop3A_558] in [0] : vector<16xf32>, vector<16xi32> -> vector<16xf32>
        %parallel_loop3A_560 = arith.index_cast %parallel_loop3A_471 : i32 to index
        %parallel_loop3A_561 = arith.constant 96 : index
        %parallel_loop3A_562 = tpu.vector_load %arg16[%parallel_loop3A_560, %parallel_loop3A_561] {strides = array<i32>} : memref<72x144xf32, #tpu.memory_space<vmem>>, vector<16xf32>,
        %parallel_loop3A_563 = arith.mulf %parallel_loop3A_562, %parallel_loop3A_559 : vector<16xf32>
        %parallel_loop3A_564 = arith.index_cast %parallel_loop3A_471 : i32 to index
        %parallel_loop3A_565 = arith.constant 96 : index
        %parallel_loop3A_566 = tpu.vector_load %arg16[%parallel_loop3A_564, %parallel_loop3A_565] {strides = array<i32>} : memref<72x144xf32, #tpu.memory_space<vmem>>, vector<16xf32>,
        tpu.vector_store %arg16[%parallel_loop3A_564, %parallel_loop3A_565], %parallel_loop3A_563 {strides = array<i32>} : memref<72x144xf32, #tpu.memory_space<vmem>>, vector<16xf32>,
        %parallel_loop3A_567 = arith.constant 7 : i32
        %parallel_loop3A_568 = vector.broadcast %parallel_loop3A_567 : i32 to vector<16x1xi32>
        %parallel_loop3A_569 = vector.shape_cast %parallel_loop3A_568 : vector<16x1xi32> to vector<16xi32>
        %parallel_loop3A_570 = tpu.dynamic_gather %parallel_loop3A_486[%parallel_loop3A_569] in [0] : vector<16xf32>, vector<16xi32> -> vector<16xf32>
        %parallel_loop3A_571 = arith.index_cast %parallel_loop3A_471 : i32 to index
        %parallel_loop3A_572 = arith.constant 112 : index
        %parallel_loop3A_573 = tpu.vector_load %arg16[%parallel_loop3A_571, %parallel_loop3A_572] {strides = array<i32>} : memref<72x144xf32, #tpu.memory_space<vmem>>, vector<16xf32>,
        %parallel_loop3A_574 = arith.mulf %parallel_loop3A_573, %parallel_loop3A_570 : vector<16xf32>
        %parallel_loop3A_575 = arith.index_cast %parallel_loop3A_471 : i32 to index
        %parallel_loop3A_576 = arith.constant 112 : index
        %parallel_loop3A_577 = tpu.vector_load %arg16[%parallel_loop3A_575, %parallel_loop3A_576] {strides = array<i32>} : memref<72x144xf32, #tpu.memory_space<vmem>>, vector<16xf32>,
        tpu.vector_store %arg16[%parallel_loop3A_575, %parallel_loop3A_576], %parallel_loop3A_574 {strides = array<i32>} : memref<72x144xf32, #tpu.memory_space<vmem>>, vector<16xf32>,
      } {sc.loop_unroll_factor = 4 : i64, sc.parallel_access}
      %dma_start3A_116 = arith.constant 1 : i32
      %dma_start3A_117 = arith.constant 0 : i32
      %dma_start3A_118 = tpu.memref_slice %arg7[%dma_start3A_116, %dma_start3A_117] : memref<2x72xi32, #tpu.memory_space<vmem>> -> memref<1x72xi32, #tpu.memory_space<vmem>>
      %dma_start3A_119 = tpu.memref_squeeze %dma_start3A_118 : memref<1x72xi32, #tpu.memory_space<vmem>> -> memref<72xi32, #tpu.memory_space<vmem>>
      %dma_start3A_120 = arith.constant 0 : i32
      %dma_start3A_121 = arith.constant 0 : i32
      %dma_start3A_122 = tpu.memref_slice %arg31[%dma_start3A_120, %dma_start3A_121] : memref<10240x144xf32, #tpu.memory_space<vmem_shared>> -> memref<10240x144xf32, #tpu.memory_space<vmem_shared>>
      tpu.enqueue_indirect_dma source(%arg16 : memref<72x144xf32, #tpu.memory_space<vmem>>) target(%dma_start3A_122 : memref<10240x144xf32, #tpu.memory_space<vmem_shared>>) offsets(%dma_start3A_119 : memref<72xi32, #tpu.memory_space<vmem>>) semaphore(%arg28 : memref<!tpu.dma_semaphore, #tpu.memory_space<semaphore_mem>>) {add = true}
      %gt3A = arith.constant 0 : i32
      %gt3A_123 = arith.cmpi sgt, %add3A_95, %gt3A : i32
      %convert_element_type3A = arith.extui %gt3A_123 : i1 to i32
      %cond3A = arith.constant 0 : i32
      %cond3A_124 = arith.cmpi ne, %convert_element_type3A, %cond3A : i32
      scf.if %cond3A_124 {
        %dma_wait3A_471 = arith.constant 1 : i32
        %dma_wait3A_472 = arith.constant 0 : i32
        %dma_wait3A_473 = tpu.memref_slice %arg12[%dma_wait3A_471, %dma_wait3A_472] : memref<2x72xi32, #tpu.memory_space<vmem>> -> memref<1x72xi32, #tpu.memory_space<vmem>>
        %dma_wait3A_474 = tpu.memref_squeeze %dma_wait3A_473 : memref<1x72xi32, #tpu.memory_space<vmem>> -> memref<72xi32, #tpu.memory_space<vmem>>
        %dma_wait3A_475 = arith.constant 0 : i32
        %dma_wait3A_476 = arith.constant 0 : i32
        %dma_wait3A_477 = tpu.memref_slice %arg31[%dma_wait3A_475, %dma_wait3A_476] : memref<10240x144xf32, #tpu.memory_space<vmem_shared>> -> memref<10240x144xf32, #tpu.memory_space<vmem_shared>>
        tpu.wait_indirect_dma semaphore(%arg30 : memref<!tpu.dma_semaphore, #tpu.memory_space<semaphore_mem>>) src(%arg18 : memref<72x144xf32, #tpu.memory_space<vmem>>) dst(%dma_wait3A_477 : memref<10240x144xf32, #tpu.memory_space<vmem_shared>>)
      } else {
      }
      %add3A_125 = arith.constant 3 : i32
      %add3A_126 = arith.addi %add3A_99, %add3A_125 : i32
      %mul3A_127 = arith.constant 32 : i32
      %mul3A_128 = arith.muli %add3A_126, %mul3A_127 : i32
      %add3A_129 = arith.addi %add3A, %mul3A_128 : i32
      %dma_start3A_130 = arith.constant 0 : i32
      %dma_start3A_131 = arith.constant 0 : i32
      %dma_start3A_132 = tpu.memref_slice %arg2[%add3A_129, %dma_start3A_130, %dma_start3A_131] : memref<4608x2x72xi32, #tpu.memory_space<hbm>> -> memref<1x2x72xi32, #tpu.memory_space<hbm>>
      %dma_start3A_133 = tpu.memref_squeeze %dma_start3A_132 : memref<1x2x72xi32, #tpu.memory_space<hbm>> -> memref<2x72xi32, #tpu.memory_space<hbm>>
      %dma_start3A_134 = arith.constant 0 : i32
      %dma_start3A_135 = arith.constant 0 : i32
      %dma_start3A_136 = tpu.memref_slice %arg2[%add3A_129, %dma_start3A_134, %dma_start3A_135] : memref<4608x2x72xi32, #tpu.memory_space<hbm>> -> memref<1x2x72xi32, #tpu.memory_space<hbm>>
      %dma_start3A_137 = tpu.memref_squeeze %dma_start3A_136 : memref<1x2x72xi32, #tpu.memory_space<hbm>> -> memref<2x72xi32, #tpu.memory_space<hbm>>
      tpu.enqueue_dma source(%dma_start3A_137 : memref<2x72xi32, #tpu.memory_space<hbm>>) target(%arg10 : memref<2x72xi32, #tpu.memory_space<vmem>>) target_semaphore(%arg22 : memref<!tpu.dma_semaphore, #tpu.memory_space<semaphore_mem>>)
      %add3A_138 = arith.constant 2 : i32
      %add3A_139 = arith.addi %add3A_99, %add3A_138 : i32
      %mul3A_140 = arith.constant 32 : i32
      %mul3A_141 = arith.muli %add3A_139, %mul3A_140 : i32
      %add3A_142 = arith.addi %add3A, %mul3A_141 : i32
      %dma_wait3A_143 = arith.constant 0 : i32
      %dma_wait3A_144 = arith.constant 0 : i32
      %dma_wait3A_145 = tpu.memref_slice %arg2[%add3A_142, %dma_wait3A_143, %dma_wait3A_144] : memref<4608x2x72xi32, #tpu.memory_space<hbm>> -> memref<1x2x72xi32, #tpu.memory_space<hbm>>
      %dma_wait3A_146 = tpu.memref_squeeze %dma_wait3A_145 : memref<1x2x72xi32, #tpu.memory_space<hbm>> -> memref<2x72xi32, #tpu.memory_space<hbm>>
      %dma_wait3A_147 = arith.constant 0 : i32
      %dma_wait3A_148 = arith.constant 0 : i32
      %dma_wait3A_149 = tpu.memref_slice %arg2[%add3A_142, %dma_wait3A_147, %dma_wait3A_148] : memref<4608x2x72xi32, #tpu.memory_space<hbm>> -> memref<1x2x72xi32, #tpu.memory_space<hbm>>
      %dma_wait3A_150 = tpu.memref_squeeze %dma_wait3A_149 : memref<1x2x72xi32, #tpu.memory_space<hbm>> -> memref<2x72xi32, #tpu.memory_space<hbm>>
      tpu.wait_dma2 semaphore(%arg21 : memref<!tpu.dma_semaphore, #tpu.memory_space<semaphore_mem>>) src(%dma_wait3A_150 : memref<2x72xi32, #tpu.memory_space<hbm>>) dst(%arg9 : memref<2x72xi32, #tpu.memory_space<vmem>>)
      %dma_start3A_151 = arith.constant 0 : i32
      %dma_start3A_152 = arith.constant 0 : i32
      %dma_start3A_153 = tpu.memref_slice %arg9[%dma_start3A_151, %dma_start3A_152] : memref<2x72xi32, #tpu.memory_space<vmem>> -> memref<1x72xi32, #tpu.memory_space<vmem>>
      %dma_start3A_154 = tpu.memref_squeeze %dma_start3A_153 : memref<1x72xi32, #tpu.memory_space<vmem>> -> memref<72xi32, #tpu.memory_space<vmem>>
      %dma_start3A_155 = arith.constant 0 : i32
      %dma_start3A_156 = arith.constant 0 : i32
      %dma_start3A_157 = tpu.memref_slice %arg3[%dma_start3A_155, %dma_start3A_156] : memref<10240x144xf32, #tpu.memory_space<hbm>> -> memref<10240x144xf32, #tpu.memory_space<hbm>>
      tpu.enqueue_indirect_dma source(%dma_start3A_157 : memref<10240x144xf32, #tpu.memory_space<hbm>>) target(%arg18 : memref<72x144xf32, #tpu.memory_space<vmem>>) offsets(%dma_start3A_154 : memref<72xi32, #tpu.memory_space<vmem>>) semaphore(%arg27 : memref<!tpu.dma_semaphore, #tpu.memory_space<semaphore_mem>>)
      %dma_start3A_158 = arith.constant 1 : i32
      %dma_start3A_159 = arith.constant 0 : i32
      %dma_start3A_160 = tpu.memref_slice %arg9[%dma_start3A_158, %dma_start3A_159] : memref<2x72xi32, #tpu.memory_space<vmem>> -> memref<1x72xi32, #tpu.memory_space<vmem>>
      %dma_start3A_161 = tpu.memref_squeeze %dma_start3A_160 : memref<1x72xi32, #tpu.memory_space<vmem>> -> memref<72xi32, #tpu.memory_space<vmem>>
      %dma_start3A_162 = arith.constant 0 : i32
      %dma_start3A_163 = arith.constant 0 : i32
      %dma_start3A_164 = tpu.memref_slice %arg4[%dma_start3A_162, %dma_start3A_163] : memref<10240x16xf32, #tpu.memory_space<hbm>> -> memref<10240x16xf32, #tpu.memory_space<hbm>>
      tpu.enqueue_indirect_dma source(%dma_start3A_164 : memref<10240x16xf32, #tpu.memory_space<hbm>>) target(%arg15 : memref<72x16xf32, #tpu.memory_space<vmem>>) offsets(%dma_start3A_161 : memref<72xi32, #tpu.memory_space<vmem>>) semaphore(%arg27 : memref<!tpu.dma_semaphore, #tpu.memory_space<semaphore_mem>>)
      %mul3A_165 = arith.constant 6 : i32
      %mul3A_166 = arith.muli %mul3A_165, %add3A_95 : i32
      %add3A_167 = arith.constant 1 : i32
      %add3A_168 = arith.addi %mul3A_166, %add3A_167 : i32
      %dma_wait3A_169 = arith.constant 0 : i32
      %dma_wait3A_170 = arith.constant 0 : i32
      %dma_wait3A_171 = tpu.memref_slice %arg8[%dma_wait3A_169, %dma_wait3A_170] : memref<2x72xi32, #tpu.memory_space<vmem>> -> memref<1x72xi32, #tpu.memory_space<vmem>>
      %dma_wait3A_172 = tpu.memref_squeeze %dma_wait3A_171 : memref<1x72xi32, #tpu.memory_space<vmem>> -> memref<72xi32, #tpu.memory_space<vmem>>
      %dma_wait3A_173 = arith.constant 0 : i32
      %dma_wait3A_174 = arith.constant 0 : i32
      %dma_wait3A_175 = tpu.memref_slice %arg3[%dma_wait3A_173, %dma_wait3A_174] : memref<10240x144xf32, #tpu.memory_space<hbm>> -> memref<10240x144xf32, #tpu.memory_space<hbm>>
      tpu.wait_indirect_dma semaphore(%arg26 : memref<!tpu.dma_semaphore, #tpu.memory_space<semaphore_mem>>) src(%dma_wait3A_175 : memref<10240x144xf32, #tpu.memory_space<hbm>>) dst(%arg17 : memref<72x144xf32, #tpu.memory_space<vmem>>)
      %dma_wait3A_176 = arith.constant 1 : i32
      %dma_wait3A_177 = arith.constant 0 : i32
      %dma_wait3A_178 = tpu.memref_slice %arg8[%dma_wait3A_176, %dma_wait3A_177] : memref<2x72xi32, #tpu.memory_space<vmem>> -> memref<1x72xi32, #tpu.memory_space<vmem>>
      %dma_wait3A_179 = tpu.memref_squeeze %dma_wait3A_178 : memref<1x72xi32, #tpu.memory_space<vmem>> -> memref<72xi32, #tpu.memory_space<vmem>>
      %dma_wait3A_180 = arith.constant 0 : i32
      %dma_wait3A_181 = arith.constant 0 : i32
      %dma_wait3A_182 = tpu.memref_slice %arg4[%dma_wait3A_180, %dma_wait3A_181] : memref<10240x16xf32, #tpu.memory_space<hbm>> -> memref<10240x16xf32, #tpu.memory_space<hbm>>
      tpu.wait_indirect_dma semaphore(%arg26 : memref<!tpu.dma_semaphore, #tpu.memory_space<semaphore_mem>>) src(%dma_wait3A_182 : memref<10240x16xf32, #tpu.memory_space<hbm>>) dst(%arg14 : memref<72x16xf32, #tpu.memory_space<vmem>>)
      %parallel_loop3A_183 = arith.constant 0 : i32
      %parallel_loop3A_184 = arith.constant 72 : i32
      %parallel_loop3A_185 = arith.constant 1 : i32
      scf.for %parallel_loop3A_471 = %parallel_loop3A_183 to %parallel_loop3A_184 step %parallel_loop3A_185  : i32 {
        %parallel_loop3A_472 = arith.index_cast %parallel_loop3A_471 : i32 to index
        %parallel_loop3A_473 = arith.constant 128 : index
        %parallel_loop3A_474 = tpu.vector_load %arg17[%parallel_loop3A_472, %parallel_loop3A_473] {strides = array<i32>} : memref<72x144xf32, #tpu.memory_space<vmem>>, vector<16xf32>,
        %parallel_loop3A_475 = arith.index_cast %parallel_loop3A_471 : i32 to index
        %parallel_loop3A_476 = arith.constant 0 : index
        %parallel_loop3A_477 = tpu.vector_load %arg14[%parallel_loop3A_475, %parallel_loop3A_476] {strides = array<i32>} : memref<72x16xf32, #tpu.memory_space<vmem>>, vector<16xf32>,
        %parallel_loop3A_478 = arith.addf %parallel_loop3A_474, %parallel_loop3A_477 : vector<16xf32>
        %parallel_loop3A_479 = arith.constant 0.000000e+00 : f32
        %parallel_loop3A_480 = vector.broadcast %parallel_loop3A_479 : f32 to vector<16xf32>
        %parallel_loop3A_481 = arith.cmpf ogt, %parallel_loop3A_478, %parallel_loop3A_480 : vector<16xf32>
        %parallel_loop3A_482 = arith.constant 2.000000e-01 : f32
        %parallel_loop3A_483 = vector.broadcast %parallel_loop3A_482 : f32 to vector<16xf32>
        %parallel_loop3A_484 = arith.mulf %parallel_loop3A_483, %parallel_loop3A_478 : vector<16xf32>
        %parallel_loop3A_485 = arith.select %parallel_loop3A_481, %parallel_loop3A_478, %parallel_loop3A_484 : vector<16xi1>, vector<16xf32>
        %parallel_loop3A_486 = math.exp %parallel_loop3A_485 : vector<16xf32>
        %parallel_loop3A_487 = arith.index_cast %parallel_loop3A_471 : i32 to index
        %parallel_loop3A_488 = arith.constant 128 : index
        %parallel_loop3A_489 = tpu.vector_load %arg17[%parallel_loop3A_487, %parallel_loop3A_488] {strides = array<i32>} : memref<72x144xf32, #tpu.memory_space<vmem>>, vector<16xf32>,
        tpu.vector_store %arg17[%parallel_loop3A_487, %parallel_loop3A_488], %parallel_loop3A_486 {strides = array<i32>} : memref<72x144xf32, #tpu.memory_space<vmem>>, vector<16xf32>,
        %parallel_loop3A_490 = arith.constant 0 : i32
        %parallel_loop3A_491 = vector.broadcast %parallel_loop3A_490 : i32 to vector<16x1xi32>
        %parallel_loop3A_492 = vector.shape_cast %parallel_loop3A_491 : vector<16x1xi32> to vector<16xi32>
        %parallel_loop3A_493 = tpu.dynamic_gather %parallel_loop3A_486[%parallel_loop3A_492] in [0] : vector<16xf32>, vector<16xi32> -> vector<16xf32>
        %parallel_loop3A_494 = arith.index_cast %parallel_loop3A_471 : i32 to index
        %parallel_loop3A_495 = arith.constant 0 : index
        %parallel_loop3A_496 = tpu.vector_load %arg17[%parallel_loop3A_494, %parallel_loop3A_495] {strides = array<i32>} : memref<72x144xf32, #tpu.memory_space<vmem>>, vector<16xf32>,
        %parallel_loop3A_497 = arith.mulf %parallel_loop3A_496, %parallel_loop3A_493 : vector<16xf32>
        %parallel_loop3A_498 = arith.index_cast %parallel_loop3A_471 : i32 to index
        %parallel_loop3A_499 = arith.constant 0 : index
        %parallel_loop3A_500 = tpu.vector_load %arg17[%parallel_loop3A_498, %parallel_loop3A_499] {strides = array<i32>} : memref<72x144xf32, #tpu.memory_space<vmem>>, vector<16xf32>,
        tpu.vector_store %arg17[%parallel_loop3A_498, %parallel_loop3A_499], %parallel_loop3A_497 {strides = array<i32>} : memref<72x144xf32, #tpu.memory_space<vmem>>, vector<16xf32>,
        %parallel_loop3A_501 = arith.constant 1 : i32
        %parallel_loop3A_502 = vector.broadcast %parallel_loop3A_501 : i32 to vector<16x1xi32>
        %parallel_loop3A_503 = vector.shape_cast %parallel_loop3A_502 : vector<16x1xi32> to vector<16xi32>
        %parallel_loop3A_504 = tpu.dynamic_gather %parallel_loop3A_486[%parallel_loop3A_503] in [0] : vector<16xf32>, vector<16xi32> -> vector<16xf32>
        %parallel_loop3A_505 = arith.index_cast %parallel_loop3A_471 : i32 to index
        %parallel_loop3A_506 = arith.constant 16 : index
        %parallel_loop3A_507 = tpu.vector_load %arg17[%parallel_loop3A_505, %parallel_loop3A_506] {strides = array<i32>} : memref<72x144xf32, #tpu.memory_space<vmem>>, vector<16xf32>,
        %parallel_loop3A_508 = arith.mulf %parallel_loop3A_507, %parallel_loop3A_504 : vector<16xf32>
        %parallel_loop3A_509 = arith.index_cast %parallel_loop3A_471 : i32 to index
        %parallel_loop3A_510 = arith.constant 16 : index
        %parallel_loop3A_511 = tpu.vector_load %arg17[%parallel_loop3A_509, %parallel_loop3A_510] {strides = array<i32>} : memref<72x144xf32, #tpu.memory_space<vmem>>, vector<16xf32>,
        tpu.vector_store %arg17[%parallel_loop3A_509, %parallel_loop3A_510], %parallel_loop3A_508 {strides = array<i32>} : memref<72x144xf32, #tpu.memory_space<vmem>>, vector<16xf32>,
        %parallel_loop3A_512 = arith.constant 2 : i32
        %parallel_loop3A_513 = vector.broadcast %parallel_loop3A_512 : i32 to vector<16x1xi32>
        %parallel_loop3A_514 = vector.shape_cast %parallel_loop3A_513 : vector<16x1xi32> to vector<16xi32>
        %parallel_loop3A_515 = tpu.dynamic_gather %parallel_loop3A_486[%parallel_loop3A_514] in [0] : vector<16xf32>, vector<16xi32> -> vector<16xf32>
        %parallel_loop3A_516 = arith.index_cast %parallel_loop3A_471 : i32 to index
        %parallel_loop3A_517 = arith.constant 32 : index
        %parallel_loop3A_518 = tpu.vector_load %arg17[%parallel_loop3A_516, %parallel_loop3A_517] {strides = array<i32>} : memref<72x144xf32, #tpu.memory_space<vmem>>, vector<16xf32>,
        %parallel_loop3A_519 = arith.mulf %parallel_loop3A_518, %parallel_loop3A_515 : vector<16xf32>
        %parallel_loop3A_520 = arith.index_cast %parallel_loop3A_471 : i32 to index
        %parallel_loop3A_521 = arith.constant 32 : index
        %parallel_loop3A_522 = tpu.vector_load %arg17[%parallel_loop3A_520, %parallel_loop3A_521] {strides = array<i32>} : memref<72x144xf32, #tpu.memory_space<vmem>>, vector<16xf32>,
        tpu.vector_store %arg17[%parallel_loop3A_520, %parallel_loop3A_521], %parallel_loop3A_519 {strides = array<i32>} : memref<72x144xf32, #tpu.memory_space<vmem>>, vector<16xf32>,
        %parallel_loop3A_523 = arith.constant 3 : i32
        %parallel_loop3A_524 = vector.broadcast %parallel_loop3A_523 : i32 to vector<16x1xi32>
        %parallel_loop3A_525 = vector.shape_cast %parallel_loop3A_524 : vector<16x1xi32> to vector<16xi32>
        %parallel_loop3A_526 = tpu.dynamic_gather %parallel_loop3A_486[%parallel_loop3A_525] in [0] : vector<16xf32>, vector<16xi32> -> vector<16xf32>
        %parallel_loop3A_527 = arith.index_cast %parallel_loop3A_471 : i32 to index
        %parallel_loop3A_528 = arith.constant 48 : index
        %parallel_loop3A_529 = tpu.vector_load %arg17[%parallel_loop3A_527, %parallel_loop3A_528] {strides = array<i32>} : memref<72x144xf32, #tpu.memory_space<vmem>>, vector<16xf32>,
        %parallel_loop3A_530 = arith.mulf %parallel_loop3A_529, %parallel_loop3A_526 : vector<16xf32>
        %parallel_loop3A_531 = arith.index_cast %parallel_loop3A_471 : i32 to index
        %parallel_loop3A_532 = arith.constant 48 : index
        %parallel_loop3A_533 = tpu.vector_load %arg17[%parallel_loop3A_531, %parallel_loop3A_532] {strides = array<i32>} : memref<72x144xf32, #tpu.memory_space<vmem>>, vector<16xf32>,
        tpu.vector_store %arg17[%parallel_loop3A_531, %parallel_loop3A_532], %parallel_loop3A_530 {strides = array<i32>} : memref<72x144xf32, #tpu.memory_space<vmem>>, vector<16xf32>,
        %parallel_loop3A_534 = arith.constant 4 : i32
        %parallel_loop3A_535 = vector.broadcast %parallel_loop3A_534 : i32 to vector<16x1xi32>
        %parallel_loop3A_536 = vector.shape_cast %parallel_loop3A_535 : vector<16x1xi32> to vector<16xi32>
        %parallel_loop3A_537 = tpu.dynamic_gather %parallel_loop3A_486[%parallel_loop3A_536] in [0] : vector<16xf32>, vector<16xi32> -> vector<16xf32>
        %parallel_loop3A_538 = arith.index_cast %parallel_loop3A_471 : i32 to index
        %parallel_loop3A_539 = arith.constant 64 : index
        %parallel_loop3A_540 = tpu.vector_load %arg17[%parallel_loop3A_538, %parallel_loop3A_539] {strides = array<i32>} : memref<72x144xf32, #tpu.memory_space<vmem>>, vector<16xf32>,
        %parallel_loop3A_541 = arith.mulf %parallel_loop3A_540, %parallel_loop3A_537 : vector<16xf32>
        %parallel_loop3A_542 = arith.index_cast %parallel_loop3A_471 : i32 to index
        %parallel_loop3A_543 = arith.constant 64 : index
        %parallel_loop3A_544 = tpu.vector_load %arg17[%parallel_loop3A_542, %parallel_loop3A_543] {strides = array<i32>} : memref<72x144xf32, #tpu.memory_space<vmem>>, vector<16xf32>,
        tpu.vector_store %arg17[%parallel_loop3A_542, %parallel_loop3A_543], %parallel_loop3A_541 {strides = array<i32>} : memref<72x144xf32, #tpu.memory_space<vmem>>, vector<16xf32>,
        %parallel_loop3A_545 = arith.constant 5 : i32
        %parallel_loop3A_546 = vector.broadcast %parallel_loop3A_545 : i32 to vector<16x1xi32>
        %parallel_loop3A_547 = vector.shape_cast %parallel_loop3A_546 : vector<16x1xi32> to vector<16xi32>
        %parallel_loop3A_548 = tpu.dynamic_gather %parallel_loop3A_486[%parallel_loop3A_547] in [0] : vector<16xf32>, vector<16xi32> -> vector<16xf32>
        %parallel_loop3A_549 = arith.index_cast %parallel_loop3A_471 : i32 to index
        %parallel_loop3A_550 = arith.constant 80 : index
        %parallel_loop3A_551 = tpu.vector_load %arg17[%parallel_loop3A_549, %parallel_loop3A_550] {strides = array<i32>} : memref<72x144xf32, #tpu.memory_space<vmem>>, vector<16xf32>,
        %parallel_loop3A_552 = arith.mulf %parallel_loop3A_551, %parallel_loop3A_548 : vector<16xf32>
        %parallel_loop3A_553 = arith.index_cast %parallel_loop3A_471 : i32 to index
        %parallel_loop3A_554 = arith.constant 80 : index
        %parallel_loop3A_555 = tpu.vector_load %arg17[%parallel_loop3A_553, %parallel_loop3A_554] {strides = array<i32>} : memref<72x144xf32, #tpu.memory_space<vmem>>, vector<16xf32>,
        tpu.vector_store %arg17[%parallel_loop3A_553, %parallel_loop3A_554], %parallel_loop3A_552 {strides = array<i32>} : memref<72x144xf32, #tpu.memory_space<vmem>>, vector<16xf32>,
        %parallel_loop3A_556 = arith.constant 6 : i32
        %parallel_loop3A_557 = vector.broadcast %parallel_loop3A_556 : i32 to vector<16x1xi32>
        %parallel_loop3A_558 = vector.shape_cast %parallel_loop3A_557 : vector<16x1xi32> to vector<16xi32>
        %parallel_loop3A_559 = tpu.dynamic_gather %parallel_loop3A_486[%parallel_loop3A_558] in [0] : vector<16xf32>, vector<16xi32> -> vector<16xf32>
        %parallel_loop3A_560 = arith.index_cast %parallel_loop3A_471 : i32 to index
        %parallel_loop3A_561 = arith.constant 96 : index
        %parallel_loop3A_562 = tpu.vector_load %arg17[%parallel_loop3A_560, %parallel_loop3A_561] {strides = array<i32>} : memref<72x144xf32, #tpu.memory_space<vmem>>, vector<16xf32>,
        %parallel_loop3A_563 = arith.mulf %parallel_loop3A_562, %parallel_loop3A_559 : vector<16xf32>
        %parallel_loop3A_564 = arith.index_cast %parallel_loop3A_471 : i32 to index
        %parallel_loop3A_565 = arith.constant 96 : index
        %parallel_loop3A_566 = tpu.vector_load %arg17[%parallel_loop3A_564, %parallel_loop3A_565] {strides = array<i32>} : memref<72x144xf32, #tpu.memory_space<vmem>>, vector<16xf32>,
        tpu.vector_store %arg17[%parallel_loop3A_564, %parallel_loop3A_565], %parallel_loop3A_563 {strides = array<i32>} : memref<72x144xf32, #tpu.memory_space<vmem>>, vector<16xf32>,
        %parallel_loop3A_567 = arith.constant 7 : i32
        %parallel_loop3A_568 = vector.broadcast %parallel_loop3A_567 : i32 to vector<16x1xi32>
        %parallel_loop3A_569 = vector.shape_cast %parallel_loop3A_568 : vector<16x1xi32> to vector<16xi32>
        %parallel_loop3A_570 = tpu.dynamic_gather %parallel_loop3A_486[%parallel_loop3A_569] in [0] : vector<16xf32>, vector<16xi32> -> vector<16xf32>
        %parallel_loop3A_571 = arith.index_cast %parallel_loop3A_471 : i32 to index
        %parallel_loop3A_572 = arith.constant 112 : index
        %parallel_loop3A_573 = tpu.vector_load %arg17[%parallel_loop3A_571, %parallel_loop3A_572] {strides = array<i32>} : memref<72x144xf32, #tpu.memory_space<vmem>>, vector<16xf32>,
        %parallel_loop3A_574 = arith.mulf %parallel_loop3A_573, %parallel_loop3A_570 : vector<16xf32>
        %parallel_loop3A_575 = arith.index_cast %parallel_loop3A_471 : i32 to index
        %parallel_loop3A_576 = arith.constant 112 : index
        %parallel_loop3A_577 = tpu.vector_load %arg17[%parallel_loop3A_575, %parallel_loop3A_576] {strides = array<i32>} : memref<72x144xf32, #tpu.memory_space<vmem>>, vector<16xf32>,
        tpu.vector_store %arg17[%parallel_loop3A_575, %parallel_loop3A_576], %parallel_loop3A_574 {strides = array<i32>} : memref<72x144xf32, #tpu.memory_space<vmem>>, vector<16xf32>,
      } {sc.loop_unroll_factor = 4 : i64, sc.parallel_access}
      %dma_start3A_186 = arith.constant 1 : i32
      %dma_start3A_187 = arith.constant 0 : i32
      %dma_start3A_188 = tpu.memref_slice %arg8[%dma_start3A_186, %dma_start3A_187] : memref<2x72xi32, #tpu.memory_space<vmem>> -> memref<1x72xi32, #tpu.memory_space<vmem>>
      %dma_start3A_189 = tpu.memref_squeeze %dma_start3A_188 : memref<1x72xi32, #tpu.memory_space<vmem>> -> memref<72xi32, #tpu.memory_space<vmem>>
      %dma_start3A_190 = arith.constant 0 : i32
      %dma_start3A_191 = arith.constant 0 : i32
      %dma_start3A_192 = tpu.memref_slice %arg31[%dma_start3A_190, %dma_start3A_191] : memref<10240x144xf32, #tpu.memory_space<vmem_shared>> -> memref<10240x144xf32, #tpu.memory_space<vmem_shared>>
      tpu.enqueue_indirect_dma source(%arg17 : memref<72x144xf32, #tpu.memory_space<vmem>>) target(%dma_start3A_192 : memref<10240x144xf32, #tpu.memory_space<vmem_shared>>) offsets(%dma_start3A_189 : memref<72xi32, #tpu.memory_space<vmem>>) semaphore(%arg29 : memref<!tpu.dma_semaphore, #tpu.memory_space<semaphore_mem>>) {add = true}
      %dma_wait3A_193 = arith.constant 1 : i32
      %dma_wait3A_194 = arith.constant 0 : i32
      %dma_wait3A_195 = tpu.memref_slice %arg7[%dma_wait3A_193, %dma_wait3A_194] : memref<2x72xi32, #tpu.memory_space<vmem>> -> memref<1x72xi32, #tpu.memory_space<vmem>>
      %dma_wait3A_196 = tpu.memref_squeeze %dma_wait3A_195 : memref<1x72xi32, #tpu.memory_space<vmem>> -> memref<72xi32, #tpu.memory_space<vmem>>
      %dma_wait3A_197 = arith.constant 0 : i32
      %dma_wait3A_198 = arith.constant 0 : i32
      %dma_wait3A_199 = tpu.memref_slice %arg31[%dma_wait3A_197, %dma_wait3A_198] : memref<10240x144xf32, #tpu.memory_space<vmem_shared>> -> memref<10240x144xf32, #tpu.memory_space<vmem_shared>>
      tpu.wait_indirect_dma semaphore(%arg28 : memref<!tpu.dma_semaphore, #tpu.memory_space<semaphore_mem>>) src(%arg16 : memref<72x144xf32, #tpu.memory_space<vmem>>) dst(%dma_wait3A_199 : memref<10240x144xf32, #tpu.memory_space<vmem_shared>>)
      %add3A_200 = arith.constant 3 : i32
      %add3A_201 = arith.addi %add3A_168, %add3A_200 : i32
      %mul3A_202 = arith.constant 32 : i32
      %mul3A_203 = arith.muli %add3A_201, %mul3A_202 : i32
      %add3A_204 = arith.addi %add3A, %mul3A_203 : i32
      %dma_start3A_205 = arith.constant 0 : i32
      %dma_start3A_206 = arith.constant 0 : i32
      %dma_start3A_207 = tpu.memref_slice %arg2[%add3A_204, %dma_start3A_205, %dma_start3A_206] : memref<4608x2x72xi32, #tpu.memory_space<hbm>> -> memref<1x2x72xi32, #tpu.memory_space<hbm>>
      %dma_start3A_208 = tpu.memref_squeeze %dma_start3A_207 : memref<1x2x72xi32, #tpu.memory_space<hbm>> -> memref<2x72xi32, #tpu.memory_space<hbm>>
      %dma_start3A_209 = arith.constant 0 : i32
      %dma_start3A_210 = arith.constant 0 : i32
      %dma_start3A_211 = tpu.memref_slice %arg2[%add3A_204, %dma_start3A_209, %dma_start3A_210] : memref<4608x2x72xi32, #tpu.memory_space<hbm>> -> memref<1x2x72xi32, #tpu.memory_space<hbm>>
      %dma_start3A_212 = tpu.memref_squeeze %dma_start3A_211 : memref<1x2x72xi32, #tpu.memory_space<hbm>> -> memref<2x72xi32, #tpu.memory_space<hbm>>
      tpu.enqueue_dma source(%dma_start3A_212 : memref<2x72xi32, #tpu.memory_space<hbm>>) target(%arg11 : memref<2x72xi32, #tpu.memory_space<vmem>>) target_semaphore(%arg23 : memref<!tpu.dma_semaphore, #tpu.memory_space<semaphore_mem>>)
      %add3A_213 = arith.constant 2 : i32
      %add3A_214 = arith.addi %add3A_168, %add3A_213 : i32
      %mul3A_215 = arith.constant 32 : i32
      %mul3A_216 = arith.muli %add3A_214, %mul3A_215 : i32
      %add3A_217 = arith.addi %add3A, %mul3A_216 : i32
      %dma_wait3A_218 = arith.constant 0 : i32
      %dma_wait3A_219 = arith.constant 0 : i32
      %dma_wait3A_220 = tpu.memref_slice %arg2[%add3A_217, %dma_wait3A_218, %dma_wait3A_219] : memref<4608x2x72xi32, #tpu.memory_space<hbm>> -> memref<1x2x72xi32, #tpu.memory_space<hbm>>
      %dma_wait3A_221 = tpu.memref_squeeze %dma_wait3A_220 : memref<1x2x72xi32, #tpu.memory_space<hbm>> -> memref<2x72xi32, #tpu.memory_space<hbm>>
      %dma_wait3A_222 = arith.constant 0 : i32
      %dma_wait3A_223 = arith.constant 0 : i32
      %dma_wait3A_224 = tpu.memref_slice %arg2[%add3A_217, %dma_wait3A_222, %dma_wait3A_223] : memref<4608x2x72xi32, #tpu.memory_space<hbm>> -> memref<1x2x72xi32, #tpu.memory_space<hbm>>
      %dma_wait3A_225 = tpu.memref_squeeze %dma_wait3A_224 : memref<1x2x72xi32, #tpu.memory_space<hbm>> -> memref<2x72xi32, #tpu.memory_space<hbm>>
      tpu.wait_dma2 semaphore(%arg22 : memref<!tpu.dma_semaphore, #tpu.memory_space<semaphore_mem>>) src(%dma_wait3A_225 : memref<2x72xi32, #tpu.memory_space<hbm>>) dst(%arg10 : memref<2x72xi32, #tpu.memory_space<vmem>>)
      %dma_start3A_226 = arith.constant 0 : i32
      %dma_start3A_227 = arith.constant 0 : i32
      %dma_start3A_228 = tpu.memref_slice %arg10[%dma_start3A_226, %dma_start3A_227] : memref<2x72xi32, #tpu.memory_space<vmem>> -> memref<1x72xi32, #tpu.memory_space<vmem>>
      %dma_start3A_229 = tpu.memref_squeeze %dma_start3A_228 : memref<1x72xi32, #tpu.memory_space<vmem>> -> memref<72xi32, #tpu.memory_space<vmem>>
      %dma_start3A_230 = arith.constant 0 : i32
      %dma_start3A_231 = arith.constant 0 : i32
      %dma_start3A_232 = tpu.memref_slice %arg3[%dma_start3A_230, %dma_start3A_231] : memref<10240x144xf32, #tpu.memory_space<hbm>> -> memref<10240x144xf32, #tpu.memory_space<hbm>>
      tpu.enqueue_indirect_dma source(%dma_start3A_232 : memref<10240x144xf32, #tpu.memory_space<hbm>>) target(%arg16 : memref<72x144xf32, #tpu.memory_space<vmem>>) offsets(%dma_start3A_229 : memref<72xi32, #tpu.memory_space<vmem>>) semaphore(%arg25 : memref<!tpu.dma_semaphore, #tpu.memory_space<semaphore_mem>>)
      %dma_start3A_233 = arith.constant 1 : i32
      %dma_start3A_234 = arith.constant 0 : i32
      %dma_start3A_235 = tpu.memref_slice %arg10[%dma_start3A_233, %dma_start3A_234] : memref<2x72xi32, #tpu.memory_space<vmem>> -> memref<1x72xi32, #tpu.memory_space<vmem>>
      %dma_start3A_236 = tpu.memref_squeeze %dma_start3A_235 : memref<1x72xi32, #tpu.memory_space<vmem>> -> memref<72xi32, #tpu.memory_space<vmem>>
      %dma_start3A_237 = arith.constant 0 : i32
      %dma_start3A_238 = arith.constant 0 : i32
      %dma_start3A_239 = tpu.memref_slice %arg4[%dma_start3A_237, %dma_start3A_238] : memref<10240x16xf32, #tpu.memory_space<hbm>> -> memref<10240x16xf32, #tpu.memory_space<hbm>>
      tpu.enqueue_indirect_dma source(%dma_start3A_239 : memref<10240x16xf32, #tpu.memory_space<hbm>>) target(%arg13 : memref<72x16xf32, #tpu.memory_space<vmem>>) offsets(%dma_start3A_236 : memref<72xi32, #tpu.memory_space<vmem>>) semaphore(%arg25 : memref<!tpu.dma_semaphore, #tpu.memory_space<semaphore_mem>>)
      %mul3A_240 = arith.constant 6 : i32
      %mul3A_241 = arith.muli %mul3A_240, %add3A_95 : i32
      %add3A_242 = arith.constant 2 : i32
      %add3A_243 = arith.addi %mul3A_241, %add3A_242 : i32
      %dma_wait3A_244 = arith.constant 0 : i32
      %dma_wait3A_245 = arith.constant 0 : i32
      %dma_wait3A_246 = tpu.memref_slice %arg9[%dma_wait3A_244, %dma_wait3A_245] : memref<2x72xi32, #tpu.memory_space<vmem>> -> memref<1x72xi32, #tpu.memory_space<vmem>>
      %dma_wait3A_247 = tpu.memref_squeeze %dma_wait3A_246 : memref<1x72xi32, #tpu.memory_space<vmem>> -> memref<72xi32, #tpu.memory_space<vmem>>
      %dma_wait3A_248 = arith.constant 0 : i32
      %dma_wait3A_249 = arith.constant 0 : i32
      %dma_wait3A_250 = tpu.memref_slice %arg3[%dma_wait3A_248, %dma_wait3A_249] : memref<10240x144xf32, #tpu.memory_space<hbm>> -> memref<10240x144xf32, #tpu.memory_space<hbm>>
      tpu.wait_indirect_dma semaphore(%arg27 : memref<!tpu.dma_semaphore, #tpu.memory_space<semaphore_mem>>) src(%dma_wait3A_250 : memref<10240x144xf32, #tpu.memory_space<hbm>>) dst(%arg18 : memref<72x144xf32, #tpu.memory_space<vmem>>)
      %dma_wait3A_251 = arith.constant 1 : i32
      %dma_wait3A_252 = arith.constant 0 : i32
      %dma_wait3A_253 = tpu.memref_slice %arg9[%dma_wait3A_251, %dma_wait3A_252] : memref<2x72xi32, #tpu.memory_space<vmem>> -> memref<1x72xi32, #tpu.memory_space<vmem>>
      %dma_wait3A_254 = tpu.memref_squeeze %dma_wait3A_253 : memref<1x72xi32, #tpu.memory_space<vmem>> -> memref<72xi32, #tpu.memory_space<vmem>>
      %dma_wait3A_255 = arith.constant 0 : i32
      %dma_wait3A_256 = arith.constant 0 : i32
      %dma_wait3A_257 = tpu.memref_slice %arg4[%dma_wait3A_255, %dma_wait3A_256] : memref<10240x16xf32, #tpu.memory_space<hbm>> -> memref<10240x16xf32, #tpu.memory_space<hbm>>
      tpu.wait_indirect_dma semaphore(%arg27 : memref<!tpu.dma_semaphore, #tpu.memory_space<semaphore_mem>>) src(%dma_wait3A_257 : memref<10240x16xf32, #tpu.memory_space<hbm>>) dst(%arg15 : memref<72x16xf32, #tpu.memory_space<vmem>>)
      %parallel_loop3A_258 = arith.constant 0 : i32
      %parallel_loop3A_259 = arith.constant 72 : i32
      %parallel_loop3A_260 = arith.constant 1 : i32
      scf.for %parallel_loop3A_471 = %parallel_loop3A_258 to %parallel_loop3A_259 step %parallel_loop3A_260  : i32 {
        %parallel_loop3A_472 = arith.index_cast %parallel_loop3A_471 : i32 to index
        %parallel_loop3A_473 = arith.constant 128 : index
        %parallel_loop3A_474 = tpu.vector_load %arg18[%parallel_loop3A_472, %parallel_loop3A_473] {strides = array<i32>} : memref<72x144xf32, #tpu.memory_space<vmem>>, vector<16xf32>,
        %parallel_loop3A_475 = arith.index_cast %parallel_loop3A_471 : i32 to index
        %parallel_loop3A_476 = arith.constant 0 : index
        %parallel_loop3A_477 = tpu.vector_load %arg15[%parallel_loop3A_475, %parallel_loop3A_476] {strides = array<i32>} : memref<72x16xf32, #tpu.memory_space<vmem>>, vector<16xf32>,
        %parallel_loop3A_478 = arith.addf %parallel_loop3A_474, %parallel_loop3A_477 : vector<16xf32>
        %parallel_loop3A_479 = arith.constant 0.000000e+00 : f32
        %parallel_loop3A_480 = vector.broadcast %parallel_loop3A_479 : f32 to vector<16xf32>
        %parallel_loop3A_481 = arith.cmpf ogt, %parallel_loop3A_478, %parallel_loop3A_480 : vector<16xf32>
        %parallel_loop3A_482 = arith.constant 2.000000e-01 : f32
        %parallel_loop3A_483 = vector.broadcast %parallel_loop3A_482 : f32 to vector<16xf32>
        %parallel_loop3A_484 = arith.mulf %parallel_loop3A_483, %parallel_loop3A_478 : vector<16xf32>
        %parallel_loop3A_485 = arith.select %parallel_loop3A_481, %parallel_loop3A_478, %parallel_loop3A_484 : vector<16xi1>, vector<16xf32>
        %parallel_loop3A_486 = math.exp %parallel_loop3A_485 : vector<16xf32>
        %parallel_loop3A_487 = arith.index_cast %parallel_loop3A_471 : i32 to index
        %parallel_loop3A_488 = arith.constant 128 : index
        %parallel_loop3A_489 = tpu.vector_load %arg18[%parallel_loop3A_487, %parallel_loop3A_488] {strides = array<i32>} : memref<72x144xf32, #tpu.memory_space<vmem>>, vector<16xf32>,
        tpu.vector_store %arg18[%parallel_loop3A_487, %parallel_loop3A_488], %parallel_loop3A_486 {strides = array<i32>} : memref<72x144xf32, #tpu.memory_space<vmem>>, vector<16xf32>,
        %parallel_loop3A_490 = arith.constant 0 : i32
        %parallel_loop3A_491 = vector.broadcast %parallel_loop3A_490 : i32 to vector<16x1xi32>
        %parallel_loop3A_492 = vector.shape_cast %parallel_loop3A_491 : vector<16x1xi32> to vector<16xi32>
        %parallel_loop3A_493 = tpu.dynamic_gather %parallel_loop3A_486[%parallel_loop3A_492] in [0] : vector<16xf32>, vector<16xi32> -> vector<16xf32>
        %parallel_loop3A_494 = arith.index_cast %parallel_loop3A_471 : i32 to index
        %parallel_loop3A_495 = arith.constant 0 : index
        %parallel_loop3A_496 = tpu.vector_load %arg18[%parallel_loop3A_494, %parallel_loop3A_495] {strides = array<i32>} : memref<72x144xf32, #tpu.memory_space<vmem>>, vector<16xf32>,
        %parallel_loop3A_497 = arith.mulf %parallel_loop3A_496, %parallel_loop3A_493 : vector<16xf32>
        %parallel_loop3A_498 = arith.index_cast %parallel_loop3A_471 : i32 to index
        %parallel_loop3A_499 = arith.constant 0 : index
        %parallel_loop3A_500 = tpu.vector_load %arg18[%parallel_loop3A_498, %parallel_loop3A_499] {strides = array<i32>} : memref<72x144xf32, #tpu.memory_space<vmem>>, vector<16xf32>,
        tpu.vector_store %arg18[%parallel_loop3A_498, %parallel_loop3A_499], %parallel_loop3A_497 {strides = array<i32>} : memref<72x144xf32, #tpu.memory_space<vmem>>, vector<16xf32>,
        %parallel_loop3A_501 = arith.constant 1 : i32
        %parallel_loop3A_502 = vector.broadcast %parallel_loop3A_501 : i32 to vector<16x1xi32>
        %parallel_loop3A_503 = vector.shape_cast %parallel_loop3A_502 : vector<16x1xi32> to vector<16xi32>
        %parallel_loop3A_504 = tpu.dynamic_gather %parallel_loop3A_486[%parallel_loop3A_503] in [0] : vector<16xf32>, vector<16xi32> -> vector<16xf32>
        %parallel_loop3A_505 = arith.index_cast %parallel_loop3A_471 : i32 to index
        %parallel_loop3A_506 = arith.constant 16 : index
        %parallel_loop3A_507 = tpu.vector_load %arg18[%parallel_loop3A_505, %parallel_loop3A_506] {strides = array<i32>} : memref<72x144xf32, #tpu.memory_space<vmem>>, vector<16xf32>,
        %parallel_loop3A_508 = arith.mulf %parallel_loop3A_507, %parallel_loop3A_504 : vector<16xf32>
        %parallel_loop3A_509 = arith.index_cast %parallel_loop3A_471 : i32 to index
        %parallel_loop3A_510 = arith.constant 16 : index
        %parallel_loop3A_511 = tpu.vector_load %arg18[%parallel_loop3A_509, %parallel_loop3A_510] {strides = array<i32>} : memref<72x144xf32, #tpu.memory_space<vmem>>, vector<16xf32>,
        tpu.vector_store %arg18[%parallel_loop3A_509, %parallel_loop3A_510], %parallel_loop3A_508 {strides = array<i32>} : memref<72x144xf32, #tpu.memory_space<vmem>>, vector<16xf32>,
        %parallel_loop3A_512 = arith.constant 2 : i32
        %parallel_loop3A_513 = vector.broadcast %parallel_loop3A_512 : i32 to vector<16x1xi32>
        %parallel_loop3A_514 = vector.shape_cast %parallel_loop3A_513 : vector<16x1xi32> to vector<16xi32>
        %parallel_loop3A_515 = tpu.dynamic_gather %parallel_loop3A_486[%parallel_loop3A_514] in [0] : vector<16xf32>, vector<16xi32> -> vector<16xf32>
        %parallel_loop3A_516 = arith.index_cast %parallel_loop3A_471 : i32 to index
        %parallel_loop3A_517 = arith.constant 32 : index
        %parallel_loop3A_518 = tpu.vector_load %arg18[%parallel_loop3A_516, %parallel_loop3A_517] {strides = array<i32>} : memref<72x144xf32, #tpu.memory_space<vmem>>, vector<16xf32>,
        %parallel_loop3A_519 = arith.mulf %parallel_loop3A_518, %parallel_loop3A_515 : vector<16xf32>
        %parallel_loop3A_520 = arith.index_cast %parallel_loop3A_471 : i32 to index
        %parallel_loop3A_521 = arith.constant 32 : index
        %parallel_loop3A_522 = tpu.vector_load %arg18[%parallel_loop3A_520, %parallel_loop3A_521] {strides = array<i32>} : memref<72x144xf32, #tpu.memory_space<vmem>>, vector<16xf32>,
        tpu.vector_store %arg18[%parallel_loop3A_520, %parallel_loop3A_521], %parallel_loop3A_519 {strides = array<i32>} : memref<72x144xf32, #tpu.memory_space<vmem>>, vector<16xf32>,
        %parallel_loop3A_523 = arith.constant 3 : i32
        %parallel_loop3A_524 = vector.broadcast %parallel_loop3A_523 : i32 to vector<16x1xi32>
        %parallel_loop3A_525 = vector.shape_cast %parallel_loop3A_524 : vector<16x1xi32> to vector<16xi32>
        %parallel_loop3A_526 = tpu.dynamic_gather %parallel_loop3A_486[%parallel_loop3A_525] in [0] : vector<16xf32>, vector<16xi32> -> vector<16xf32>
        %parallel_loop3A_527 = arith.index_cast %parallel_loop3A_471 : i32 to index
        %parallel_loop3A_528 = arith.constant 48 : index
        %parallel_loop3A_529 = tpu.vector_load %arg18[%parallel_loop3A_527, %parallel_loop3A_528] {strides = array<i32>} : memref<72x144xf32, #tpu.memory_space<vmem>>, vector<16xf32>,
        %parallel_loop3A_530 = arith.mulf %parallel_loop3A_529, %parallel_loop3A_526 : vector<16xf32>
        %parallel_loop3A_531 = arith.index_cast %parallel_loop3A_471 : i32 to index
        %parallel_loop3A_532 = arith.constant 48 : index
        %parallel_loop3A_533 = tpu.vector_load %arg18[%parallel_loop3A_531, %parallel_loop3A_532] {strides = array<i32>} : memref<72x144xf32, #tpu.memory_space<vmem>>, vector<16xf32>,
        tpu.vector_store %arg18[%parallel_loop3A_531, %parallel_loop3A_532], %parallel_loop3A_530 {strides = array<i32>} : memref<72x144xf32, #tpu.memory_space<vmem>>, vector<16xf32>,
        %parallel_loop3A_534 = arith.constant 4 : i32
        %parallel_loop3A_535 = vector.broadcast %parallel_loop3A_534 : i32 to vector<16x1xi32>
        %parallel_loop3A_536 = vector.shape_cast %parallel_loop3A_535 : vector<16x1xi32> to vector<16xi32>
        %parallel_loop3A_537 = tpu.dynamic_gather %parallel_loop3A_486[%parallel_loop3A_536] in [0] : vector<16xf32>, vector<16xi32> -> vector<16xf32>
        %parallel_loop3A_538 = arith.index_cast %parallel_loop3A_471 : i32 to index
        %parallel_loop3A_539 = arith.constant 64 : index
        %parallel_loop3A_540 = tpu.vector_load %arg18[%parallel_loop3A_538, %parallel_loop3A_539] {strides = array<i32>} : memref<72x144xf32, #tpu.memory_space<vmem>>, vector<16xf32>,
        %parallel_loop3A_541 = arith.mulf %parallel_loop3A_540, %parallel_loop3A_537 : vector<16xf32>
        %parallel_loop3A_542 = arith.index_cast %parallel_loop3A_471 : i32 to index
        %parallel_loop3A_543 = arith.constant 64 : index
        %parallel_loop3A_544 = tpu.vector_load %arg18[%parallel_loop3A_542, %parallel_loop3A_543] {strides = array<i32>} : memref<72x144xf32, #tpu.memory_space<vmem>>, vector<16xf32>,
        tpu.vector_store %arg18[%parallel_loop3A_542, %parallel_loop3A_543], %parallel_loop3A_541 {strides = array<i32>} : memref<72x144xf32, #tpu.memory_space<vmem>>, vector<16xf32>,
        %parallel_loop3A_545 = arith.constant 5 : i32
        %parallel_loop3A_546 = vector.broadcast %parallel_loop3A_545 : i32 to vector<16x1xi32>
        %parallel_loop3A_547 = vector.shape_cast %parallel_loop3A_546 : vector<16x1xi32> to vector<16xi32>
        %parallel_loop3A_548 = tpu.dynamic_gather %parallel_loop3A_486[%parallel_loop3A_547] in [0] : vector<16xf32>, vector<16xi32> -> vector<16xf32>
        %parallel_loop3A_549 = arith.index_cast %parallel_loop3A_471 : i32 to index
        %parallel_loop3A_550 = arith.constant 80 : index
        %parallel_loop3A_551 = tpu.vector_load %arg18[%parallel_loop3A_549, %parallel_loop3A_550] {strides = array<i32>} : memref<72x144xf32, #tpu.memory_space<vmem>>, vector<16xf32>,
        %parallel_loop3A_552 = arith.mulf %parallel_loop3A_551, %parallel_loop3A_548 : vector<16xf32>
        %parallel_loop3A_553 = arith.index_cast %parallel_loop3A_471 : i32 to index
        %parallel_loop3A_554 = arith.constant 80 : index
        %parallel_loop3A_555 = tpu.vector_load %arg18[%parallel_loop3A_553, %parallel_loop3A_554] {strides = array<i32>} : memref<72x144xf32, #tpu.memory_space<vmem>>, vector<16xf32>,
        tpu.vector_store %arg18[%parallel_loop3A_553, %parallel_loop3A_554], %parallel_loop3A_552 {strides = array<i32>} : memref<72x144xf32, #tpu.memory_space<vmem>>, vector<16xf32>,
        %parallel_loop3A_556 = arith.constant 6 : i32
        %parallel_loop3A_557 = vector.broadcast %parallel_loop3A_556 : i32 to vector<16x1xi32>
        %parallel_loop3A_558 = vector.shape_cast %parallel_loop3A_557 : vector<16x1xi32> to vector<16xi32>
        %parallel_loop3A_559 = tpu.dynamic_gather %parallel_loop3A_486[%parallel_loop3A_558] in [0] : vector<16xf32>, vector<16xi32> -> vector<16xf32>
        %parallel_loop3A_560 = arith.index_cast %parallel_loop3A_471 : i32 to index
        %parallel_loop3A_561 = arith.constant 96 : index
        %parallel_loop3A_562 = tpu.vector_load %arg18[%parallel_loop3A_560, %parallel_loop3A_561] {strides = array<i32>} : memref<72x144xf32, #tpu.memory_space<vmem>>, vector<16xf32>,
        %parallel_loop3A_563 = arith.mulf %parallel_loop3A_562, %parallel_loop3A_559 : vector<16xf32>
        %parallel_loop3A_564 = arith.index_cast %parallel_loop3A_471 : i32 to index
        %parallel_loop3A_565 = arith.constant 96 : index
        %parallel_loop3A_566 = tpu.vector_load %arg18[%parallel_loop3A_564, %parallel_loop3A_565] {strides = array<i32>} : memref<72x144xf32, #tpu.memory_space<vmem>>, vector<16xf32>,
        tpu.vector_store %arg18[%parallel_loop3A_564, %parallel_loop3A_565], %parallel_loop3A_563 {strides = array<i32>} : memref<72x144xf32, #tpu.memory_space<vmem>>, vector<16xf32>,
        %parallel_loop3A_567 = arith.constant 7 : i32
        %parallel_loop3A_568 = vector.broadcast %parallel_loop3A_567 : i32 to vector<16x1xi32>
        %parallel_loop3A_569 = vector.shape_cast %parallel_loop3A_568 : vector<16x1xi32> to vector<16xi32>
        %parallel_loop3A_570 = tpu.dynamic_gather %parallel_loop3A_486[%parallel_loop3A_569] in [0] : vector<16xf32>, vector<16xi32> -> vector<16xf32>
        %parallel_loop3A_571 = arith.index_cast %parallel_loop3A_471 : i32 to index
        %parallel_loop3A_572 = arith.constant 112 : index
        %parallel_loop3A_573 = tpu.vector_load %arg18[%parallel_loop3A_571, %parallel_loop3A_572] {strides = array<i32>} : memref<72x144xf32, #tpu.memory_space<vmem>>, vector<16xf32>,
        %parallel_loop3A_574 = arith.mulf %parallel_loop3A_573, %parallel_loop3A_570 : vector<16xf32>
        %parallel_loop3A_575 = arith.index_cast %parallel_loop3A_471 : i32 to index
        %parallel_loop3A_576 = arith.constant 112 : index
        %parallel_loop3A_577 = tpu.vector_load %arg18[%parallel_loop3A_575, %parallel_loop3A_576] {strides = array<i32>} : memref<72x144xf32, #tpu.memory_space<vmem>>, vector<16xf32>,
        tpu.vector_store %arg18[%parallel_loop3A_575, %parallel_loop3A_576], %parallel_loop3A_574 {strides = array<i32>} : memref<72x144xf32, #tpu.memory_space<vmem>>, vector<16xf32>,
      } {sc.loop_unroll_factor = 4 : i64, sc.parallel_access}
      %dma_start3A_261 = arith.constant 1 : i32
      %dma_start3A_262 = arith.constant 0 : i32
      %dma_start3A_263 = tpu.memref_slice %arg9[%dma_start3A_261, %dma_start3A_262] : memref<2x72xi32, #tpu.memory_space<vmem>> -> memref<1x72xi32, #tpu.memory_space<vmem>>
      %dma_start3A_264 = tpu.memref_squeeze %dma_start3A_263 : memref<1x72xi32, #tpu.memory_space<vmem>> -> memref<72xi32, #tpu.memory_space<vmem>>
      %dma_start3A_265 = arith.constant 0 : i32
      %dma_start3A_266 = arith.constant 0 : i32
      %dma_start3A_267 = tpu.memref_slice %arg31[%dma_start3A_265, %dma_start3A_266] : memref<10240x144xf32, #tpu.memory_space<vmem_shared>> -> memref<10240x144xf32, #tpu.memory_space<vmem_shared>>
      tpu.enqueue_indirect_dma source(%arg18 : memref<72x144xf32, #tpu.memory_space<vmem>>) target(%dma_start3A_267 : memref<10240x144xf32, #tpu.memory_space<vmem_shared>>) offsets(%dma_start3A_264 : memref<72xi32, #tpu.memory_space<vmem>>) semaphore(%arg30 : memref<!tpu.dma_semaphore, #tpu.memory_space<semaphore_mem>>) {add = true}
      %dma_wait3A_268 = arith.constant 1 : i32
      %dma_wait3A_269 = arith.constant 0 : i32
      %dma_wait3A_270 = tpu.memref_slice %arg8[%dma_wait3A_268, %dma_wait3A_269] : memref<2x72xi32, #tpu.memory_space<vmem>> -> memref<1x72xi32, #tpu.memory_space<vmem>>
      %dma_wait3A_271 = tpu.memref_squeeze %dma_wait3A_270 : memref<1x72xi32, #tpu.memory_space<vmem>> -> memref<72xi32, #tpu.memory_space<vmem>>
      %dma_wait3A_272 = arith.constant 0 : i32
      %dma_wait3A_273 = arith.constant 0 : i32
      %dma_wait3A_274 = tpu.memref_slice %arg31[%dma_wait3A_272, %dma_wait3A_273] : memref<10240x144xf32, #tpu.memory_space<vmem_shared>> -> memref<10240x144xf32, #tpu.memory_space<vmem_shared>>
      tpu.wait_indirect_dma semaphore(%arg29 : memref<!tpu.dma_semaphore, #tpu.memory_space<semaphore_mem>>) src(%arg17 : memref<72x144xf32, #tpu.memory_space<vmem>>) dst(%dma_wait3A_274 : memref<10240x144xf32, #tpu.memory_space<vmem_shared>>)
      %add3A_275 = arith.constant 3 : i32
      %add3A_276 = arith.addi %add3A_243, %add3A_275 : i32
      %mul3A_277 = arith.constant 32 : i32
      %mul3A_278 = arith.muli %add3A_276, %mul3A_277 : i32
      %add3A_279 = arith.addi %add3A, %mul3A_278 : i32
      %dma_start3A_280 = arith.constant 0 : i32
      %dma_start3A_281 = arith.constant 0 : i32
      %dma_start3A_282 = tpu.memref_slice %arg2[%add3A_279, %dma_start3A_280, %dma_start3A_281] : memref<4608x2x72xi32, #tpu.memory_space<hbm>> -> memref<1x2x72xi32, #tpu.memory_space<hbm>>
      %dma_start3A_283 = tpu.memref_squeeze %dma_start3A_282 : memref<1x2x72xi32, #tpu.memory_space<hbm>> -> memref<2x72xi32, #tpu.memory_space<hbm>>
      %dma_start3A_284 = arith.constant 0 : i32
      %dma_start3A_285 = arith.constant 0 : i32
      %dma_start3A_286 = tpu.memref_slice %arg2[%add3A_279, %dma_start3A_284, %dma_start3A_285] : memref<4608x2x72xi32, #tpu.memory_space<hbm>> -> memref<1x2x72xi32, #tpu.memory_space<hbm>>
      %dma_start3A_287 = tpu.memref_squeeze %dma_start3A_286 : memref<1x2x72xi32, #tpu.memory_space<hbm>> -> memref<2x72xi32, #tpu.memory_space<hbm>>
      tpu.enqueue_dma source(%dma_start3A_287 : memref<2x72xi32, #tpu.memory_space<hbm>>) target(%arg12 : memref<2x72xi32, #tpu.memory_space<vmem>>) target_semaphore(%arg24 : memref<!tpu.dma_semaphore, #tpu.memory_space<semaphore_mem>>)
      %add3A_288 = arith.constant 2 : i32
      %add3A_289 = arith.addi %add3A_243, %add3A_288 : i32
      %mul3A_290 = arith.constant 32 : i32
      %mul3A_291 = arith.muli %add3A_289, %mul3A_290 : i32
      %add3A_292 = arith.addi %add3A, %mul3A_291 : i32
      %dma_wait3A_293 = arith.constant 0 : i32
      %dma_wait3A_294 = arith.constant 0 : i32
      %dma_wait3A_295 = tpu.memref_slice %arg2[%add3A_292, %dma_wait3A_293, %dma_wait3A_294] : memref<4608x2x72xi32, #tpu.memory_space<hbm>> -> memref<1x2x72xi32, #tpu.memory_space<hbm>>
      %dma_wait3A_296 = tpu.memref_squeeze %dma_wait3A_295 : memref<1x2x72xi32, #tpu.memory_space<hbm>> -> memref<2x72xi32, #tpu.memory_space<hbm>>
      %dma_wait3A_297 = arith.constant 0 : i32
      %dma_wait3A_298 = arith.constant 0 : i32
      %dma_wait3A_299 = tpu.memref_slice %arg2[%add3A_292, %dma_wait3A_297, %dma_wait3A_298] : memref<4608x2x72xi32, #tpu.memory_space<hbm>> -> memref<1x2x72xi32, #tpu.memory_space<hbm>>
      %dma_wait3A_300 = tpu.memref_squeeze %dma_wait3A_299 : memref<1x2x72xi32, #tpu.memory_space<hbm>> -> memref<2x72xi32, #tpu.memory_space<hbm>>
      tpu.wait_dma2 semaphore(%arg23 : memref<!tpu.dma_semaphore, #tpu.memory_space<semaphore_mem>>) src(%dma_wait3A_300 : memref<2x72xi32, #tpu.memory_space<hbm>>) dst(%arg11 : memref<2x72xi32, #tpu.memory_space<vmem>>)
      %dma_start3A_301 = arith.constant 0 : i32
      %dma_start3A_302 = arith.constant 0 : i32
      %dma_start3A_303 = tpu.memref_slice %arg11[%dma_start3A_301, %dma_start3A_302] : memref<2x72xi32, #tpu.memory_space<vmem>> -> memref<1x72xi32, #tpu.memory_space<vmem>>
      %dma_start3A_304 = tpu.memref_squeeze %dma_start3A_303 : memref<1x72xi32, #tpu.memory_space<vmem>> -> memref<72xi32, #tpu.memory_space<vmem>>
      %dma_start3A_305 = arith.constant 0 : i32
      %dma_start3A_306 = arith.constant 0 : i32
      %dma_start3A_307 = tpu.memref_slice %arg3[%dma_start3A_305, %dma_start3A_306] : memref<10240x144xf32, #tpu.memory_space<hbm>> -> memref<10240x144xf32, #tpu.memory_space<hbm>>
      tpu.enqueue_indirect_dma source(%dma_start3A_307 : memref<10240x144xf32, #tpu.memory_space<hbm>>) target(%arg17 : memref<72x144xf32, #tpu.memory_space<vmem>>) offsets(%dma_start3A_304 : memref<72xi32, #tpu.memory_space<vmem>>) semaphore(%arg26 : memref<!tpu.dma_semaphore, #tpu.memory_space<semaphore_mem>>)
      %dma_start3A_308 = arith.constant 1 : i32
      %dma_start3A_309 = arith.constant 0 : i32
      %dma_start3A_310 = tpu.memref_slice %arg11[%dma_start3A_308, %dma_start3A_309] : memref<2x72xi32, #tpu.memory_space<vmem>> -> memref<1x72xi32, #tpu.memory_space<vmem>>
      %dma_start3A_311 = tpu.memref_squeeze %dma_start3A_310 : memref<1x72xi32, #tpu.memory_space<vmem>> -> memref<72xi32, #tpu.memory_space<vmem>>
      %dma_start3A_312 = arith.constant 0 : i32
      %dma_start3A_313 = arith.constant 0 : i32
      %dma_start3A_314 = tpu.memref_slice %arg4[%dma_start3A_312, %dma_start3A_313] : memref<10240x16xf32, #tpu.memory_space<hbm>> -> memref<10240x16xf32, #tpu.memory_space<hbm>>
      tpu.enqueue_indirect_dma source(%dma_start3A_314 : memref<10240x16xf32, #tpu.memory_space<hbm>>) target(%arg14 : memref<72x16xf32, #tpu.memory_space<vmem>>) offsets(%dma_start3A_311 : memref<72xi32, #tpu.memory_space<vmem>>) semaphore(%arg26 : memref<!tpu.dma_semaphore, #tpu.memory_space<semaphore_mem>>)
      %mul3A_315 = arith.constant 6 : i32
      %mul3A_316 = arith.muli %mul3A_315, %add3A_95 : i32
      %add3A_317 = arith.constant 3 : i32
      %add3A_318 = arith.addi %mul3A_316, %add3A_317 : i32
      %dma_wait3A_319 = arith.constant 0 : i32
      %dma_wait3A_320 = arith.constant 0 : i32
      %dma_wait3A_321 = tpu.memref_slice %arg10[%dma_wait3A_319, %dma_wait3A_320] : memref<2x72xi32, #tpu.memory_space<vmem>> -> memref<1x72xi32, #tpu.memory_space<vmem>>
      %dma_wait3A_322 = tpu.memref_squeeze %dma_wait3A_321 : memref<1x72xi32, #tpu.memory_space<vmem>> -> memref<72xi32, #tpu.memory_space<vmem>>
      %dma_wait3A_323 = arith.constant 0 : i32
      %dma_wait3A_324 = arith.constant 0 : i32
      %dma_wait3A_325 = tpu.memref_slice %arg3[%dma_wait3A_323, %dma_wait3A_324] : memref<10240x144xf32, #tpu.memory_space<hbm>> -> memref<10240x144xf32, #tpu.memory_space<hbm>>
      tpu.wait_indirect_dma semaphore(%arg25 : memref<!tpu.dma_semaphore, #tpu.memory_space<semaphore_mem>>) src(%dma_wait3A_325 : memref<10240x144xf32, #tpu.memory_space<hbm>>) dst(%arg16 : memref<72x144xf32, #tpu.memory_space<vmem>>)
      %dma_wait3A_326 = arith.constant 1 : i32
      %dma_wait3A_327 = arith.constant 0 : i32
      %dma_wait3A_328 = tpu.memref_slice %arg10[%dma_wait3A_326, %dma_wait3A_327] : memref<2x72xi32, #tpu.memory_space<vmem>> -> memref<1x72xi32, #tpu.memory_space<vmem>>
      %dma_wait3A_329 = tpu.memref_squeeze %dma_wait3A_328 : memref<1x72xi32, #tpu.memory_space<vmem>> -> memref<72xi32, #tpu.memory_space<vmem>>
      %dma_wait3A_330 = arith.constant 0 : i32
      %dma_wait3A_331 = arith.constant 0 : i32
      %dma_wait3A_332 = tpu.memref_slice %arg4[%dma_wait3A_330, %dma_wait3A_331] : memref<10240x16xf32, #tpu.memory_space<hbm>> -> memref<10240x16xf32, #tpu.memory_space<hbm>>
      tpu.wait_indirect_dma semaphore(%arg25 : memref<!tpu.dma_semaphore, #tpu.memory_space<semaphore_mem>>) src(%dma_wait3A_332 : memref<10240x16xf32, #tpu.memory_space<hbm>>) dst(%arg13 : memref<72x16xf32, #tpu.memory_space<vmem>>)
      %parallel_loop3A_333 = arith.constant 0 : i32
      %parallel_loop3A_334 = arith.constant 72 : i32
      %parallel_loop3A_335 = arith.constant 1 : i32
      scf.for %parallel_loop3A_471 = %parallel_loop3A_333 to %parallel_loop3A_334 step %parallel_loop3A_335  : i32 {
        %parallel_loop3A_472 = arith.index_cast %parallel_loop3A_471 : i32 to index
        %parallel_loop3A_473 = arith.constant 128 : index
        %parallel_loop3A_474 = tpu.vector_load %arg16[%parallel_loop3A_472, %parallel_loop3A_473] {strides = array<i32>} : memref<72x144xf32, #tpu.memory_space<vmem>>, vector<16xf32>,
        %parallel_loop3A_475 = arith.index_cast %parallel_loop3A_471 : i32 to index
        %parallel_loop3A_476 = arith.constant 0 : index
        %parallel_loop3A_477 = tpu.vector_load %arg13[%parallel_loop3A_475, %parallel_loop3A_476] {strides = array<i32>} : memref<72x16xf32, #tpu.memory_space<vmem>>, vector<16xf32>,
        %parallel_loop3A_478 = arith.addf %parallel_loop3A_474, %parallel_loop3A_477 : vector<16xf32>
        %parallel_loop3A_479 = arith.constant 0.000000e+00 : f32
        %parallel_loop3A_480 = vector.broadcast %parallel_loop3A_479 : f32 to vector<16xf32>
        %parallel_loop3A_481 = arith.cmpf ogt, %parallel_loop3A_478, %parallel_loop3A_480 : vector<16xf32>
        %parallel_loop3A_482 = arith.constant 2.000000e-01 : f32
        %parallel_loop3A_483 = vector.broadcast %parallel_loop3A_482 : f32 to vector<16xf32>
        %parallel_loop3A_484 = arith.mulf %parallel_loop3A_483, %parallel_loop3A_478 : vector<16xf32>
        %parallel_loop3A_485 = arith.select %parallel_loop3A_481, %parallel_loop3A_478, %parallel_loop3A_484 : vector<16xi1>, vector<16xf32>
        %parallel_loop3A_486 = math.exp %parallel_loop3A_485 : vector<16xf32>
        %parallel_loop3A_487 = arith.index_cast %parallel_loop3A_471 : i32 to index
        %parallel_loop3A_488 = arith.constant 128 : index
        %parallel_loop3A_489 = tpu.vector_load %arg16[%parallel_loop3A_487, %parallel_loop3A_488] {strides = array<i32>} : memref<72x144xf32, #tpu.memory_space<vmem>>, vector<16xf32>,
        tpu.vector_store %arg16[%parallel_loop3A_487, %parallel_loop3A_488], %parallel_loop3A_486 {strides = array<i32>} : memref<72x144xf32, #tpu.memory_space<vmem>>, vector<16xf32>,
        %parallel_loop3A_490 = arith.constant 0 : i32
        %parallel_loop3A_491 = vector.broadcast %parallel_loop3A_490 : i32 to vector<16x1xi32>
        %parallel_loop3A_492 = vector.shape_cast %parallel_loop3A_491 : vector<16x1xi32> to vector<16xi32>
        %parallel_loop3A_493 = tpu.dynamic_gather %parallel_loop3A_486[%parallel_loop3A_492] in [0] : vector<16xf32>, vector<16xi32> -> vector<16xf32>
        %parallel_loop3A_494 = arith.index_cast %parallel_loop3A_471 : i32 to index
        %parallel_loop3A_495 = arith.constant 0 : index
        %parallel_loop3A_496 = tpu.vector_load %arg16[%parallel_loop3A_494, %parallel_loop3A_495] {strides = array<i32>} : memref<72x144xf32, #tpu.memory_space<vmem>>, vector<16xf32>,
        %parallel_loop3A_497 = arith.mulf %parallel_loop3A_496, %parallel_loop3A_493 : vector<16xf32>
        %parallel_loop3A_498 = arith.index_cast %parallel_loop3A_471 : i32 to index
        %parallel_loop3A_499 = arith.constant 0 : index
        %parallel_loop3A_500 = tpu.vector_load %arg16[%parallel_loop3A_498, %parallel_loop3A_499] {strides = array<i32>} : memref<72x144xf32, #tpu.memory_space<vmem>>, vector<16xf32>,
        tpu.vector_store %arg16[%parallel_loop3A_498, %parallel_loop3A_499], %parallel_loop3A_497 {strides = array<i32>} : memref<72x144xf32, #tpu.memory_space<vmem>>, vector<16xf32>,
        %parallel_loop3A_501 = arith.constant 1 : i32
        %parallel_loop3A_502 = vector.broadcast %parallel_loop3A_501 : i32 to vector<16x1xi32>
        %parallel_loop3A_503 = vector.shape_cast %parallel_loop3A_502 : vector<16x1xi32> to vector<16xi32>
        %parallel_loop3A_504 = tpu.dynamic_gather %parallel_loop3A_486[%parallel_loop3A_503] in [0] : vector<16xf32>, vector<16xi32> -> vector<16xf32>
        %parallel_loop3A_505 = arith.index_cast %parallel_loop3A_471 : i32 to index
        %parallel_loop3A_506 = arith.constant 16 : index
        %parallel_loop3A_507 = tpu.vector_load %arg16[%parallel_loop3A_505, %parallel_loop3A_506] {strides = array<i32>} : memref<72x144xf32, #tpu.memory_space<vmem>>, vector<16xf32>,
        %parallel_loop3A_508 = arith.mulf %parallel_loop3A_507, %parallel_loop3A_504 : vector<16xf32>
        %parallel_loop3A_509 = arith.index_cast %parallel_loop3A_471 : i32 to index
        %parallel_loop3A_510 = arith.constant 16 : index
        %parallel_loop3A_511 = tpu.vector_load %arg16[%parallel_loop3A_509, %parallel_loop3A_510] {strides = array<i32>} : memref<72x144xf32, #tpu.memory_space<vmem>>, vector<16xf32>,
        tpu.vector_store %arg16[%parallel_loop3A_509, %parallel_loop3A_510], %parallel_loop3A_508 {strides = array<i32>} : memref<72x144xf32, #tpu.memory_space<vmem>>, vector<16xf32>,
        %parallel_loop3A_512 = arith.constant 2 : i32
        %parallel_loop3A_513 = vector.broadcast %parallel_loop3A_512 : i32 to vector<16x1xi32>
        %parallel_loop3A_514 = vector.shape_cast %parallel_loop3A_513 : vector<16x1xi32> to vector<16xi32>
        %parallel_loop3A_515 = tpu.dynamic_gather %parallel_loop3A_486[%parallel_loop3A_514] in [0] : vector<16xf32>, vector<16xi32> -> vector<16xf32>
        %parallel_loop3A_516 = arith.index_cast %parallel_loop3A_471 : i32 to index
        %parallel_loop3A_517 = arith.constant 32 : index
        %parallel_loop3A_518 = tpu.vector_load %arg16[%parallel_loop3A_516, %parallel_loop3A_517] {strides = array<i32>} : memref<72x144xf32, #tpu.memory_space<vmem>>, vector<16xf32>,
        %parallel_loop3A_519 = arith.mulf %parallel_loop3A_518, %parallel_loop3A_515 : vector<16xf32>
        %parallel_loop3A_520 = arith.index_cast %parallel_loop3A_471 : i32 to index
        %parallel_loop3A_521 = arith.constant 32 : index
        %parallel_loop3A_522 = tpu.vector_load %arg16[%parallel_loop3A_520, %parallel_loop3A_521] {strides = array<i32>} : memref<72x144xf32, #tpu.memory_space<vmem>>, vector<16xf32>,
        tpu.vector_store %arg16[%parallel_loop3A_520, %parallel_loop3A_521], %parallel_loop3A_519 {strides = array<i32>} : memref<72x144xf32, #tpu.memory_space<vmem>>, vector<16xf32>,
        %parallel_loop3A_523 = arith.constant 3 : i32
        %parallel_loop3A_524 = vector.broadcast %parallel_loop3A_523 : i32 to vector<16x1xi32>
        %parallel_loop3A_525 = vector.shape_cast %parallel_loop3A_524 : vector<16x1xi32> to vector<16xi32>
        %parallel_loop3A_526 = tpu.dynamic_gather %parallel_loop3A_486[%parallel_loop3A_525] in [0] : vector<16xf32>, vector<16xi32> -> vector<16xf32>
        %parallel_loop3A_527 = arith.index_cast %parallel_loop3A_471 : i32 to index
        %parallel_loop3A_528 = arith.constant 48 : index
        %parallel_loop3A_529 = tpu.vector_load %arg16[%parallel_loop3A_527, %parallel_loop3A_528] {strides = array<i32>} : memref<72x144xf32, #tpu.memory_space<vmem>>, vector<16xf32>,
        %parallel_loop3A_530 = arith.mulf %parallel_loop3A_529, %parallel_loop3A_526 : vector<16xf32>
        %parallel_loop3A_531 = arith.index_cast %parallel_loop3A_471 : i32 to index
        %parallel_loop3A_532 = arith.constant 48 : index
        %parallel_loop3A_533 = tpu.vector_load %arg16[%parallel_loop3A_531, %parallel_loop3A_532] {strides = array<i32>} : memref<72x144xf32, #tpu.memory_space<vmem>>, vector<16xf32>,
        tpu.vector_store %arg16[%parallel_loop3A_531, %parallel_loop3A_532], %parallel_loop3A_530 {strides = array<i32>} : memref<72x144xf32, #tpu.memory_space<vmem>>, vector<16xf32>,
        %parallel_loop3A_534 = arith.constant 4 : i32
        %parallel_loop3A_535 = vector.broadcast %parallel_loop3A_534 : i32 to vector<16x1xi32>
        %parallel_loop3A_536 = vector.shape_cast %parallel_loop3A_535 : vector<16x1xi32> to vector<16xi32>
        %parallel_loop3A_537 = tpu.dynamic_gather %parallel_loop3A_486[%parallel_loop3A_536] in [0] : vector<16xf32>, vector<16xi32> -> vector<16xf32>
        %parallel_loop3A_538 = arith.index_cast %parallel_loop3A_471 : i32 to index
        %parallel_loop3A_539 = arith.constant 64 : index
        %parallel_loop3A_540 = tpu.vector_load %arg16[%parallel_loop3A_538, %parallel_loop3A_539] {strides = array<i32>} : memref<72x144xf32, #tpu.memory_space<vmem>>, vector<16xf32>,
        %parallel_loop3A_541 = arith.mulf %parallel_loop3A_540, %parallel_loop3A_537 : vector<16xf32>
        %parallel_loop3A_542 = arith.index_cast %parallel_loop3A_471 : i32 to index
        %parallel_loop3A_543 = arith.constant 64 : index
        %parallel_loop3A_544 = tpu.vector_load %arg16[%parallel_loop3A_542, %parallel_loop3A_543] {strides = array<i32>} : memref<72x144xf32, #tpu.memory_space<vmem>>, vector<16xf32>,
        tpu.vector_store %arg16[%parallel_loop3A_542, %parallel_loop3A_543], %parallel_loop3A_541 {strides = array<i32>} : memref<72x144xf32, #tpu.memory_space<vmem>>, vector<16xf32>,
        %parallel_loop3A_545 = arith.constant 5 : i32
        %parallel_loop3A_546 = vector.broadcast %parallel_loop3A_545 : i32 to vector<16x1xi32>
        %parallel_loop3A_547 = vector.shape_cast %parallel_loop3A_546 : vector<16x1xi32> to vector<16xi32>
        %parallel_loop3A_548 = tpu.dynamic_gather %parallel_loop3A_486[%parallel_loop3A_547] in [0] : vector<16xf32>, vector<16xi32> -> vector<16xf32>
        %parallel_loop3A_549 = arith.index_cast %parallel_loop3A_471 : i32 to index
        %parallel_loop3A_550 = arith.constant 80 : index
        %parallel_loop3A_551 = tpu.vector_load %arg16[%parallel_loop3A_549, %parallel_loop3A_550] {strides = array<i32>} : memref<72x144xf32, #tpu.memory_space<vmem>>, vector<16xf32>,
        %parallel_loop3A_552 = arith.mulf %parallel_loop3A_551, %parallel_loop3A_548 : vector<16xf32>
        %parallel_loop3A_553 = arith.index_cast %parallel_loop3A_471 : i32 to index
        %parallel_loop3A_554 = arith.constant 80 : index
        %parallel_loop3A_555 = tpu.vector_load %arg16[%parallel_loop3A_553, %parallel_loop3A_554] {strides = array<i32>} : memref<72x144xf32, #tpu.memory_space<vmem>>, vector<16xf32>,
        tpu.vector_store %arg16[%parallel_loop3A_553, %parallel_loop3A_554], %parallel_loop3A_552 {strides = array<i32>} : memref<72x144xf32, #tpu.memory_space<vmem>>, vector<16xf32>,
        %parallel_loop3A_556 = arith.constant 6 : i32
        %parallel_loop3A_557 = vector.broadcast %parallel_loop3A_556 : i32 to vector<16x1xi32>
        %parallel_loop3A_558 = vector.shape_cast %parallel_loop3A_557 : vector<16x1xi32> to vector<16xi32>
        %parallel_loop3A_559 = tpu.dynamic_gather %parallel_loop3A_486[%parallel_loop3A_558] in [0] : vector<16xf32>, vector<16xi32> -> vector<16xf32>
        %parallel_loop3A_560 = arith.index_cast %parallel_loop3A_471 : i32 to index
        %parallel_loop3A_561 = arith.constant 96 : index
        %parallel_loop3A_562 = tpu.vector_load %arg16[%parallel_loop3A_560, %parallel_loop3A_561] {strides = array<i32>} : memref<72x144xf32, #tpu.memory_space<vmem>>, vector<16xf32>,
        %parallel_loop3A_563 = arith.mulf %parallel_loop3A_562, %parallel_loop3A_559 : vector<16xf32>
        %parallel_loop3A_564 = arith.index_cast %parallel_loop3A_471 : i32 to index
        %parallel_loop3A_565 = arith.constant 96 : index
        %parallel_loop3A_566 = tpu.vector_load %arg16[%parallel_loop3A_564, %parallel_loop3A_565] {strides = array<i32>} : memref<72x144xf32, #tpu.memory_space<vmem>>, vector<16xf32>,
        tpu.vector_store %arg16[%parallel_loop3A_564, %parallel_loop3A_565], %parallel_loop3A_563 {strides = array<i32>} : memref<72x144xf32, #tpu.memory_space<vmem>>, vector<16xf32>,
        %parallel_loop3A_567 = arith.constant 7 : i32
        %parallel_loop3A_568 = vector.broadcast %parallel_loop3A_567 : i32 to vector<16x1xi32>
        %parallel_loop3A_569 = vector.shape_cast %parallel_loop3A_568 : vector<16x1xi32> to vector<16xi32>
        %parallel_loop3A_570 = tpu.dynamic_gather %parallel_loop3A_486[%parallel_loop3A_569] in [0] : vector<16xf32>, vector<16xi32> -> vector<16xf32>
        %parallel_loop3A_571 = arith.index_cast %parallel_loop3A_471 : i32 to index
        %parallel_loop3A_572 = arith.constant 112 : index
        %parallel_loop3A_573 = tpu.vector_load %arg16[%parallel_loop3A_571, %parallel_loop3A_572] {strides = array<i32>} : memref<72x144xf32, #tpu.memory_space<vmem>>, vector<16xf32>,
        %parallel_loop3A_574 = arith.mulf %parallel_loop3A_573, %parallel_loop3A_570 : vector<16xf32>
        %parallel_loop3A_575 = arith.index_cast %parallel_loop3A_471 : i32 to index
        %parallel_loop3A_576 = arith.constant 112 : index
        %parallel_loop3A_577 = tpu.vector_load %arg16[%parallel_loop3A_575, %parallel_loop3A_576] {strides = array<i32>} : memref<72x144xf32, #tpu.memory_space<vmem>>, vector<16xf32>,
        tpu.vector_store %arg16[%parallel_loop3A_575, %parallel_loop3A_576], %parallel_loop3A_574 {strides = array<i32>} : memref<72x144xf32, #tpu.memory_space<vmem>>, vector<16xf32>,
      } {sc.loop_unroll_factor = 4 : i64, sc.parallel_access}
      %dma_start3A_336 = arith.constant 1 : i32
      %dma_start3A_337 = arith.constant 0 : i32
      %dma_start3A_338 = tpu.memref_slice %arg10[%dma_start3A_336, %dma_start3A_337] : memref<2x72xi32, #tpu.memory_space<vmem>> -> memref<1x72xi32, #tpu.memory_space<vmem>>
      %dma_start3A_339 = tpu.memref_squeeze %dma_start3A_338 : memref<1x72xi32, #tpu.memory_space<vmem>> -> memref<72xi32, #tpu.memory_space<vmem>>
      %dma_start3A_340 = arith.constant 0 : i32
      %dma_start3A_341 = arith.constant 0 : i32
      %dma_start3A_342 = tpu.memref_slice %arg31[%dma_start3A_340, %dma_start3A_341] : memref<10240x144xf32, #tpu.memory_space<vmem_shared>> -> memref<10240x144xf32, #tpu.memory_space<vmem_shared>>
      tpu.enqueue_indirect_dma source(%arg16 : memref<72x144xf32, #tpu.memory_space<vmem>>) target(%dma_start3A_342 : memref<10240x144xf32, #tpu.memory_space<vmem_shared>>) offsets(%dma_start3A_339 : memref<72xi32, #tpu.memory_space<vmem>>) semaphore(%arg28 : memref<!tpu.dma_semaphore, #tpu.memory_space<semaphore_mem>>) {add = true}
      %dma_wait3A_343 = arith.constant 1 : i32
      %dma_wait3A_344 = arith.constant 0 : i32
      %dma_wait3A_345 = tpu.memref_slice %arg9[%dma_wait3A_343, %dma_wait3A_344] : memref<2x72xi32, #tpu.memory_space<vmem>> -> memref<1x72xi32, #tpu.memory_space<vmem>>
      %dma_wait3A_346 = tpu.memref_squeeze %dma_wait3A_345 : memref<1x72xi32, #tpu.memory_space<vmem>> -> memref<72xi32, #tpu.memory_space<vmem>>
      %dma_wait3A_347 = arith.constant 0 : i32
      %dma_wait3A_348 = arith.constant 0 : i32
      %dma_wait3A_349 = tpu.memref_slice %arg31[%dma_wait3A_347, %dma_wait3A_348] : memref<10240x144xf32, #tpu.memory_space<vmem_shared>> -> memref<10240x144xf32, #tpu.memory_space<vmem_shared>>
      tpu.wait_indirect_dma semaphore(%arg30 : memref<!tpu.dma_semaphore, #tpu.memory_space<semaphore_mem>>) src(%arg18 : memref<72x144xf32, #tpu.memory_space<vmem>>) dst(%dma_wait3A_349 : memref<10240x144xf32, #tpu.memory_space<vmem_shared>>)
      %lt3A = arith.constant 23 : i32
      %lt3A_350 = arith.cmpi slt, %add3A_95, %lt3A : i32
      %convert_element_type3A_351 = arith.extui %lt3A_350 : i1 to i32
      %cond3A_352 = arith.constant 0 : i32
      %cond3A_353 = arith.cmpi ne, %convert_element_type3A_351, %cond3A_352 : i32
      scf.if %cond3A_353 {
        %add3A_471 = arith.constant 3 : i32
        %add3A_472 = arith.addi %add3A_318, %add3A_471 : i32
        %mul3A_473 = arith.constant 32 : i32
        %mul3A_474 = arith.muli %add3A_472, %mul3A_473 : i32
        %add3A_475 = arith.addi %add3A, %mul3A_474 : i32
        %dma_start3A_476 = arith.constant 0 : i32
        %dma_start3A_477 = arith.constant 0 : i32
        %dma_start3A_478 = tpu.memref_slice %arg2[%add3A_475, %dma_start3A_476, %dma_start3A_477] : memref<4608x2x72xi32, #tpu.memory_space<hbm>> -> memref<1x2x72xi32, #tpu.memory_space<hbm>>
        %dma_start3A_479 = tpu.memref_squeeze %dma_start3A_478 : memref<1x2x72xi32, #tpu.memory_space<hbm>> -> memref<2x72xi32, #tpu.memory_space<hbm>>
        %dma_start3A_480 = arith.constant 0 : i32
        %dma_start3A_481 = arith.constant 0 : i32
        %dma_start3A_482 = tpu.memref_slice %arg2[%add3A_475, %dma_start3A_480, %dma_start3A_481] : memref<4608x2x72xi32, #tpu.memory_space<hbm>> -> memref<1x2x72xi32, #tpu.memory_space<hbm>>
        %dma_start3A_483 = tpu.memref_squeeze %dma_start3A_482 : memref<1x2x72xi32, #tpu.memory_space<hbm>> -> memref<2x72xi32, #tpu.memory_space<hbm>>
        tpu.enqueue_dma source(%dma_start3A_483 : memref<2x72xi32, #tpu.memory_space<hbm>>) target(%arg7 : memref<2x72xi32, #tpu.memory_space<vmem>>) target_semaphore(%arg19 : memref<!tpu.dma_semaphore, #tpu.memory_space<semaphore_mem>>)
      } else {
      }
      %add3A_354 = arith.constant 2 : i32
      %add3A_355 = arith.addi %add3A_318, %add3A_354 : i32
      %mul3A_356 = arith.constant 32 : i32
      %mul3A_357 = arith.muli %add3A_355, %mul3A_356 : i32
      %add3A_358 = arith.addi %add3A, %mul3A_357 : i32
      %dma_wait3A_359 = arith.constant 0 : i32
      %dma_wait3A_360 = arith.constant 0 : i32
      %dma_wait3A_361 = tpu.memref_slice %arg2[%add3A_358, %dma_wait3A_359, %dma_wait3A_360] : memref<4608x2x72xi32, #tpu.memory_space<hbm>> -> memref<1x2x72xi32, #tpu.memory_space<hbm>>
      %dma_wait3A_362 = tpu.memref_squeeze %dma_wait3A_361 : memref<1x2x72xi32, #tpu.memory_space<hbm>> -> memref<2x72xi32, #tpu.memory_space<hbm>>
      %dma_wait3A_363 = arith.constant 0 : i32
      %dma_wait3A_364 = arith.constant 0 : i32
      %dma_wait3A_365 = tpu.memref_slice %arg2[%add3A_358, %dma_wait3A_363, %dma_wait3A_364] : memref<4608x2x72xi32, #tpu.memory_space<hbm>> -> memref<1x2x72xi32, #tpu.memory_space<hbm>>
      %dma_wait3A_366 = tpu.memref_squeeze %dma_wait3A_365 : memref<1x2x72xi32, #tpu.memory_space<hbm>> -> memref<2x72xi32, #tpu.memory_space<hbm>>
      tpu.wait_dma2 semaphore(%arg24 : memref<!tpu.dma_semaphore, #tpu.memory_space<semaphore_mem>>) src(%dma_wait3A_366 : memref<2x72xi32, #tpu.memory_space<hbm>>) dst(%arg12 : memref<2x72xi32, #tpu.memory_space<vmem>>)
      %dma_start3A_367 = arith.constant 0 : i32
      %dma_start3A_368 = arith.constant 0 : i32
      %dma_start3A_369 = tpu.memref_slice %arg12[%dma_start3A_367, %dma_start3A_368] : memref<2x72xi32, #tpu.memory_space<vmem>> -> memref<1x72xi32, #tpu.memory_space<vmem>>
      %dma_start3A_370 = tpu.memref_squeeze %dma_start3A_369 : memref<1x72xi32, #tpu.memory_space<vmem>> -> memref<72xi32, #tpu.memory_space<vmem>>
      %dma_start3A_371 = arith.constant 0 : i32
      %dma_start3A_372 = arith.constant 0 : i32
      %dma_start3A_373 = tpu.memref_slice %arg3[%dma_start3A_371, %dma_start3A_372] : memref<10240x144xf32, #tpu.memory_space<hbm>> -> memref<10240x144xf32, #tpu.memory_space<hbm>>
      tpu.enqueue_indirect_dma source(%dma_start3A_373 : memref<10240x144xf32, #tpu.memory_space<hbm>>) target(%arg18 : memref<72x144xf32, #tpu.memory_space<vmem>>) offsets(%dma_start3A_370 : memref<72xi32, #tpu.memory_space<vmem>>) semaphore(%arg27 : memref<!tpu.dma_semaphore, #tpu.memory_space<semaphore_mem>>)
      %dma_start3A_374 = arith.constant 1 : i32
      %dma_start3A_375 = arith.constant 0 : i32
      %dma_start3A_376 = tpu.memref_slice %arg12[%dma_start3A_374, %dma_start3A_375] : memref<2x72xi32, #tpu.memory_space<vmem>> -> memref<1x72xi32, #tpu.memory_space<vmem>>
      %dma_start3A_377 = tpu.memref_squeeze %dma_start3A_376 : memref<1x72xi32, #tpu.memory_space<vmem>> -> memref<72xi32, #tpu.memory_space<vmem>>
      %dma_start3A_378 = arith.constant 0 : i32
      %dma_start3A_379 = arith.constant 0 : i32
      %dma_start3A_380 = tpu.memref_slice %arg4[%dma_start3A_378, %dma_start3A_379] : memref<10240x16xf32, #tpu.memory_space<hbm>> -> memref<10240x16xf32, #tpu.memory_space<hbm>>
      tpu.enqueue_indirect_dma source(%dma_start3A_380 : memref<10240x16xf32, #tpu.memory_space<hbm>>) target(%arg15 : memref<72x16xf32, #tpu.memory_space<vmem>>) offsets(%dma_start3A_377 : memref<72xi32, #tpu.memory_space<vmem>>) semaphore(%arg27 : memref<!tpu.dma_semaphore, #tpu.memory_space<semaphore_mem>>)
      %mul3A_381 = arith.constant 6 : i32
      %mul3A_382 = arith.muli %mul3A_381, %add3A_95 : i32
      %add3A_383 = arith.constant 4 : i32
      %add3A_384 = arith.addi %mul3A_382, %add3A_383 : i32
      %dma_wait3A_385 = arith.constant 0 : i32
      %dma_wait3A_386 = arith.constant 0 : i32
      %dma_wait3A_387 = tpu.memref_slice %arg11[%dma_wait3A_385, %dma_wait3A_386] : memref<2x72xi32, #tpu.memory_space<vmem>> -> memref<1x72xi32, #tpu.memory_space<vmem>>
      %dma_wait3A_388 = tpu.memref_squeeze %dma_wait3A_387 : memref<1x72xi32, #tpu.memory_space<vmem>> -> memref<72xi32, #tpu.memory_space<vmem>>
      %dma_wait3A_389 = arith.constant 0 : i32
      %dma_wait3A_390 = arith.constant 0 : i32
      %dma_wait3A_391 = tpu.memref_slice %arg3[%dma_wait3A_389, %dma_wait3A_390] : memref<10240x144xf32, #tpu.memory_space<hbm>> -> memref<10240x144xf32, #tpu.memory_space<hbm>>
      tpu.wait_indirect_dma semaphore(%arg26 : memref<!tpu.dma_semaphore, #tpu.memory_space<semaphore_mem>>) src(%dma_wait3A_391 : memref<10240x144xf32, #tpu.memory_space<hbm>>) dst(%arg17 : memref<72x144xf32, #tpu.memory_space<vmem>>)
      %dma_wait3A_392 = arith.constant 1 : i32
      %dma_wait3A_393 = arith.constant 0 : i32
      %dma_wait3A_394 = tpu.memref_slice %arg11[%dma_wait3A_392, %dma_wait3A_393] : memref<2x72xi32, #tpu.memory_space<vmem>> -> memref<1x72xi32, #tpu.memory_space<vmem>>
      %dma_wait3A_395 = tpu.memref_squeeze %dma_wait3A_394 : memref<1x72xi32, #tpu.memory_space<vmem>> -> memref<72xi32, #tpu.memory_space<vmem>>
      %dma_wait3A_396 = arith.constant 0 : i32
      %dma_wait3A_397 = arith.constant 0 : i32
      %dma_wait3A_398 = tpu.memref_slice %arg4[%dma_wait3A_396, %dma_wait3A_397] : memref<10240x16xf32, #tpu.memory_space<hbm>> -> memref<10240x16xf32, #tpu.memory_space<hbm>>
      tpu.wait_indirect_dma semaphore(%arg26 : memref<!tpu.dma_semaphore, #tpu.memory_space<semaphore_mem>>) src(%dma_wait3A_398 : memref<10240x16xf32, #tpu.memory_space<hbm>>) dst(%arg14 : memref<72x16xf32, #tpu.memory_space<vmem>>)
      %parallel_loop3A_399 = arith.constant 0 : i32
      %parallel_loop3A_400 = arith.constant 72 : i32
      %parallel_loop3A_401 = arith.constant 1 : i32
      scf.for %parallel_loop3A_471 = %parallel_loop3A_399 to %parallel_loop3A_400 step %parallel_loop3A_401  : i32 {
        %parallel_loop3A_472 = arith.index_cast %parallel_loop3A_471 : i32 to index
        %parallel_loop3A_473 = arith.constant 128 : index
        %parallel_loop3A_474 = tpu.vector_load %arg17[%parallel_loop3A_472, %parallel_loop3A_473] {strides = array<i32>} : memref<72x144xf32, #tpu.memory_space<vmem>>, vector<16xf32>,
        %parallel_loop3A_475 = arith.index_cast %parallel_loop3A_471 : i32 to index
        %parallel_loop3A_476 = arith.constant 0 : index
        %parallel_loop3A_477 = tpu.vector_load %arg14[%parallel_loop3A_475, %parallel_loop3A_476] {strides = array<i32>} : memref<72x16xf32, #tpu.memory_space<vmem>>, vector<16xf32>,
        %parallel_loop3A_478 = arith.addf %parallel_loop3A_474, %parallel_loop3A_477 : vector<16xf32>
        %parallel_loop3A_479 = arith.constant 0.000000e+00 : f32
        %parallel_loop3A_480 = vector.broadcast %parallel_loop3A_479 : f32 to vector<16xf32>
        %parallel_loop3A_481 = arith.cmpf ogt, %parallel_loop3A_478, %parallel_loop3A_480 : vector<16xf32>
        %parallel_loop3A_482 = arith.constant 2.000000e-01 : f32
        %parallel_loop3A_483 = vector.broadcast %parallel_loop3A_482 : f32 to vector<16xf32>
        %parallel_loop3A_484 = arith.mulf %parallel_loop3A_483, %parallel_loop3A_478 : vector<16xf32>
        %parallel_loop3A_485 = arith.select %parallel_loop3A_481, %parallel_loop3A_478, %parallel_loop3A_484 : vector<16xi1>, vector<16xf32>
        %parallel_loop3A_486 = math.exp %parallel_loop3A_485 : vector<16xf32>
        %parallel_loop3A_487 = arith.index_cast %parallel_loop3A_471 : i32 to index
        %parallel_loop3A_488 = arith.constant 128 : index
        %parallel_loop3A_489 = tpu.vector_load %arg17[%parallel_loop3A_487, %parallel_loop3A_488] {strides = array<i32>} : memref<72x144xf32, #tpu.memory_space<vmem>>, vector<16xf32>,
        tpu.vector_store %arg17[%parallel_loop3A_487, %parallel_loop3A_488], %parallel_loop3A_486 {strides = array<i32>} : memref<72x144xf32, #tpu.memory_space<vmem>>, vector<16xf32>,
        %parallel_loop3A_490 = arith.constant 0 : i32
        %parallel_loop3A_491 = vector.broadcast %parallel_loop3A_490 : i32 to vector<16x1xi32>
        %parallel_loop3A_492 = vector.shape_cast %parallel_loop3A_491 : vector<16x1xi32> to vector<16xi32>
        %parallel_loop3A_493 = tpu.dynamic_gather %parallel_loop3A_486[%parallel_loop3A_492] in [0] : vector<16xf32>, vector<16xi32> -> vector<16xf32>
        %parallel_loop3A_494 = arith.index_cast %parallel_loop3A_471 : i32 to index
        %parallel_loop3A_495 = arith.constant 0 : index
        %parallel_loop3A_496 = tpu.vector_load %arg17[%parallel_loop3A_494, %parallel_loop3A_495] {strides = array<i32>} : memref<72x144xf32, #tpu.memory_space<vmem>>, vector<16xf32>,
        %parallel_loop3A_497 = arith.mulf %parallel_loop3A_496, %parallel_loop3A_493 : vector<16xf32>
        %parallel_loop3A_498 = arith.index_cast %parallel_loop3A_471 : i32 to index
        %parallel_loop3A_499 = arith.constant 0 : index
        %parallel_loop3A_500 = tpu.vector_load %arg17[%parallel_loop3A_498, %parallel_loop3A_499] {strides = array<i32>} : memref<72x144xf32, #tpu.memory_space<vmem>>, vector<16xf32>,
        tpu.vector_store %arg17[%parallel_loop3A_498, %parallel_loop3A_499], %parallel_loop3A_497 {strides = array<i32>} : memref<72x144xf32, #tpu.memory_space<vmem>>, vector<16xf32>,
        %parallel_loop3A_501 = arith.constant 1 : i32
        %parallel_loop3A_502 = vector.broadcast %parallel_loop3A_501 : i32 to vector<16x1xi32>
        %parallel_loop3A_503 = vector.shape_cast %parallel_loop3A_502 : vector<16x1xi32> to vector<16xi32>
        %parallel_loop3A_504 = tpu.dynamic_gather %parallel_loop3A_486[%parallel_loop3A_503] in [0] : vector<16xf32>, vector<16xi32> -> vector<16xf32>
        %parallel_loop3A_505 = arith.index_cast %parallel_loop3A_471 : i32 to index
        %parallel_loop3A_506 = arith.constant 16 : index
        %parallel_loop3A_507 = tpu.vector_load %arg17[%parallel_loop3A_505, %parallel_loop3A_506] {strides = array<i32>} : memref<72x144xf32, #tpu.memory_space<vmem>>, vector<16xf32>,
        %parallel_loop3A_508 = arith.mulf %parallel_loop3A_507, %parallel_loop3A_504 : vector<16xf32>
        %parallel_loop3A_509 = arith.index_cast %parallel_loop3A_471 : i32 to index
        %parallel_loop3A_510 = arith.constant 16 : index
        %parallel_loop3A_511 = tpu.vector_load %arg17[%parallel_loop3A_509, %parallel_loop3A_510] {strides = array<i32>} : memref<72x144xf32, #tpu.memory_space<vmem>>, vector<16xf32>,
        tpu.vector_store %arg17[%parallel_loop3A_509, %parallel_loop3A_510], %parallel_loop3A_508 {strides = array<i32>} : memref<72x144xf32, #tpu.memory_space<vmem>>, vector<16xf32>,
        %parallel_loop3A_512 = arith.constant 2 : i32
        %parallel_loop3A_513 = vector.broadcast %parallel_loop3A_512 : i32 to vector<16x1xi32>
        %parallel_loop3A_514 = vector.shape_cast %parallel_loop3A_513 : vector<16x1xi32> to vector<16xi32>
        %parallel_loop3A_515 = tpu.dynamic_gather %parallel_loop3A_486[%parallel_loop3A_514] in [0] : vector<16xf32>, vector<16xi32> -> vector<16xf32>
        %parallel_loop3A_516 = arith.index_cast %parallel_loop3A_471 : i32 to index
        %parallel_loop3A_517 = arith.constant 32 : index
        %parallel_loop3A_518 = tpu.vector_load %arg17[%parallel_loop3A_516, %parallel_loop3A_517] {strides = array<i32>} : memref<72x144xf32, #tpu.memory_space<vmem>>, vector<16xf32>,
        %parallel_loop3A_519 = arith.mulf %parallel_loop3A_518, %parallel_loop3A_515 : vector<16xf32>
        %parallel_loop3A_520 = arith.index_cast %parallel_loop3A_471 : i32 to index
        %parallel_loop3A_521 = arith.constant 32 : index
        %parallel_loop3A_522 = tpu.vector_load %arg17[%parallel_loop3A_520, %parallel_loop3A_521] {strides = array<i32>} : memref<72x144xf32, #tpu.memory_space<vmem>>, vector<16xf32>,
        tpu.vector_store %arg17[%parallel_loop3A_520, %parallel_loop3A_521], %parallel_loop3A_519 {strides = array<i32>} : memref<72x144xf32, #tpu.memory_space<vmem>>, vector<16xf32>,
        %parallel_loop3A_523 = arith.constant 3 : i32
        %parallel_loop3A_524 = vector.broadcast %parallel_loop3A_523 : i32 to vector<16x1xi32>
        %parallel_loop3A_525 = vector.shape_cast %parallel_loop3A_524 : vector<16x1xi32> to vector<16xi32>
        %parallel_loop3A_526 = tpu.dynamic_gather %parallel_loop3A_486[%parallel_loop3A_525] in [0] : vector<16xf32>, vector<16xi32> -> vector<16xf32>
        %parallel_loop3A_527 = arith.index_cast %parallel_loop3A_471 : i32 to index
        %parallel_loop3A_528 = arith.constant 48 : index
        %parallel_loop3A_529 = tpu.vector_load %arg17[%parallel_loop3A_527, %parallel_loop3A_528] {strides = array<i32>} : memref<72x144xf32, #tpu.memory_space<vmem>>, vector<16xf32>,
        %parallel_loop3A_530 = arith.mulf %parallel_loop3A_529, %parallel_loop3A_526 : vector<16xf32>
        %parallel_loop3A_531 = arith.index_cast %parallel_loop3A_471 : i32 to index
        %parallel_loop3A_532 = arith.constant 48 : index
        %parallel_loop3A_533 = tpu.vector_load %arg17[%parallel_loop3A_531, %parallel_loop3A_532] {strides = array<i32>} : memref<72x144xf32, #tpu.memory_space<vmem>>, vector<16xf32>,
        tpu.vector_store %arg17[%parallel_loop3A_531, %parallel_loop3A_532], %parallel_loop3A_530 {strides = array<i32>} : memref<72x144xf32, #tpu.memory_space<vmem>>, vector<16xf32>,
        %parallel_loop3A_534 = arith.constant 4 : i32
        %parallel_loop3A_535 = vector.broadcast %parallel_loop3A_534 : i32 to vector<16x1xi32>
        %parallel_loop3A_536 = vector.shape_cast %parallel_loop3A_535 : vector<16x1xi32> to vector<16xi32>
        %parallel_loop3A_537 = tpu.dynamic_gather %parallel_loop3A_486[%parallel_loop3A_536] in [0] : vector<16xf32>, vector<16xi32> -> vector<16xf32>
        %parallel_loop3A_538 = arith.index_cast %parallel_loop3A_471 : i32 to index
        %parallel_loop3A_539 = arith.constant 64 : index
        %parallel_loop3A_540 = tpu.vector_load %arg17[%parallel_loop3A_538, %parallel_loop3A_539] {strides = array<i32>} : memref<72x144xf32, #tpu.memory_space<vmem>>, vector<16xf32>,
        %parallel_loop3A_541 = arith.mulf %parallel_loop3A_540, %parallel_loop3A_537 : vector<16xf32>
        %parallel_loop3A_542 = arith.index_cast %parallel_loop3A_471 : i32 to index
        %parallel_loop3A_543 = arith.constant 64 : index
        %parallel_loop3A_544 = tpu.vector_load %arg17[%parallel_loop3A_542, %parallel_loop3A_543] {strides = array<i32>} : memref<72x144xf32, #tpu.memory_space<vmem>>, vector<16xf32>,
        tpu.vector_store %arg17[%parallel_loop3A_542, %parallel_loop3A_543], %parallel_loop3A_541 {strides = array<i32>} : memref<72x144xf32, #tpu.memory_space<vmem>>, vector<16xf32>,
        %parallel_loop3A_545 = arith.constant 5 : i32
        %parallel_loop3A_546 = vector.broadcast %parallel_loop3A_545 : i32 to vector<16x1xi32>
        %parallel_loop3A_547 = vector.shape_cast %parallel_loop3A_546 : vector<16x1xi32> to vector<16xi32>
        %parallel_loop3A_548 = tpu.dynamic_gather %parallel_loop3A_486[%parallel_loop3A_547] in [0] : vector<16xf32>, vector<16xi32> -> vector<16xf32>
        %parallel_loop3A_549 = arith.index_cast %parallel_loop3A_471 : i32 to index
        %parallel_loop3A_550 = arith.constant 80 : index
        %parallel_loop3A_551 = tpu.vector_load %arg17[%parallel_loop3A_549, %parallel_loop3A_550] {strides = array<i32>} : memref<72x144xf32, #tpu.memory_space<vmem>>, vector<16xf32>,
        %parallel_loop3A_552 = arith.mulf %parallel_loop3A_551, %parallel_loop3A_548 : vector<16xf32>
        %parallel_loop3A_553 = arith.index_cast %parallel_loop3A_471 : i32 to index
        %parallel_loop3A_554 = arith.constant 80 : index
        %parallel_loop3A_555 = tpu.vector_load %arg17[%parallel_loop3A_553, %parallel_loop3A_554] {strides = array<i32>} : memref<72x144xf32, #tpu.memory_space<vmem>>, vector<16xf32>,
        tpu.vector_store %arg17[%parallel_loop3A_553, %parallel_loop3A_554], %parallel_loop3A_552 {strides = array<i32>} : memref<72x144xf32, #tpu.memory_space<vmem>>, vector<16xf32>,
        %parallel_loop3A_556 = arith.constant 6 : i32
        %parallel_loop3A_557 = vector.broadcast %parallel_loop3A_556 : i32 to vector<16x1xi32>
        %parallel_loop3A_558 = vector.shape_cast %parallel_loop3A_557 : vector<16x1xi32> to vector<16xi32>
        %parallel_loop3A_559 = tpu.dynamic_gather %parallel_loop3A_486[%parallel_loop3A_558] in [0] : vector<16xf32>, vector<16xi32> -> vector<16xf32>
        %parallel_loop3A_560 = arith.index_cast %parallel_loop3A_471 : i32 to index
        %parallel_loop3A_561 = arith.constant 96 : index
        %parallel_loop3A_562 = tpu.vector_load %arg17[%parallel_loop3A_560, %parallel_loop3A_561] {strides = array<i32>} : memref<72x144xf32, #tpu.memory_space<vmem>>, vector<16xf32>,
        %parallel_loop3A_563 = arith.mulf %parallel_loop3A_562, %parallel_loop3A_559 : vector<16xf32>
        %parallel_loop3A_564 = arith.index_cast %parallel_loop3A_471 : i32 to index
        %parallel_loop3A_565 = arith.constant 96 : index
        %parallel_loop3A_566 = tpu.vector_load %arg17[%parallel_loop3A_564, %parallel_loop3A_565] {strides = array<i32>} : memref<72x144xf32, #tpu.memory_space<vmem>>, vector<16xf32>,
        tpu.vector_store %arg17[%parallel_loop3A_564, %parallel_loop3A_565], %parallel_loop3A_563 {strides = array<i32>} : memref<72x144xf32, #tpu.memory_space<vmem>>, vector<16xf32>,
        %parallel_loop3A_567 = arith.constant 7 : i32
        %parallel_loop3A_568 = vector.broadcast %parallel_loop3A_567 : i32 to vector<16x1xi32>
        %parallel_loop3A_569 = vector.shape_cast %parallel_loop3A_568 : vector<16x1xi32> to vector<16xi32>
        %parallel_loop3A_570 = tpu.dynamic_gather %parallel_loop3A_486[%parallel_loop3A_569] in [0] : vector<16xf32>, vector<16xi32> -> vector<16xf32>
        %parallel_loop3A_571 = arith.index_cast %parallel_loop3A_471 : i32 to index
        %parallel_loop3A_572 = arith.constant 112 : index
        %parallel_loop3A_573 = tpu.vector_load %arg17[%parallel_loop3A_571, %parallel_loop3A_572] {strides = array<i32>} : memref<72x144xf32, #tpu.memory_space<vmem>>, vector<16xf32>,
        %parallel_loop3A_574 = arith.mulf %parallel_loop3A_573, %parallel_loop3A_570 : vector<16xf32>
        %parallel_loop3A_575 = arith.index_cast %parallel_loop3A_471 : i32 to index
        %parallel_loop3A_576 = arith.constant 112 : index
        %parallel_loop3A_577 = tpu.vector_load %arg17[%parallel_loop3A_575, %parallel_loop3A_576] {strides = array<i32>} : memref<72x144xf32, #tpu.memory_space<vmem>>, vector<16xf32>,
        tpu.vector_store %arg17[%parallel_loop3A_575, %parallel_loop3A_576], %parallel_loop3A_574 {strides = array<i32>} : memref<72x144xf32, #tpu.memory_space<vmem>>, vector<16xf32>,
      } {sc.loop_unroll_factor = 4 : i64, sc.parallel_access}
      %dma_start3A_402 = arith.constant 1 : i32
      %dma_start3A_403 = arith.constant 0 : i32
      %dma_start3A_404 = tpu.memref_slice %arg11[%dma_start3A_402, %dma_start3A_403] : memref<2x72xi32, #tpu.memory_space<vmem>> -> memref<1x72xi32, #tpu.memory_space<vmem>>
      %dma_start3A_405 = tpu.memref_squeeze %dma_start3A_404 : memref<1x72xi32, #tpu.memory_space<vmem>> -> memref<72xi32, #tpu.memory_space<vmem>>
      %dma_start3A_406 = arith.constant 0 : i32
      %dma_start3A_407 = arith.constant 0 : i32
      %dma_start3A_408 = tpu.memref_slice %arg31[%dma_start3A_406, %dma_start3A_407] : memref<10240x144xf32, #tpu.memory_space<vmem_shared>> -> memref<10240x144xf32, #tpu.memory_space<vmem_shared>>
      tpu.enqueue_indirect_dma source(%arg17 : memref<72x144xf32, #tpu.memory_space<vmem>>) target(%dma_start3A_408 : memref<10240x144xf32, #tpu.memory_space<vmem_shared>>) offsets(%dma_start3A_405 : memref<72xi32, #tpu.memory_space<vmem>>) semaphore(%arg29 : memref<!tpu.dma_semaphore, #tpu.memory_space<semaphore_mem>>) {add = true}
      %dma_wait3A_409 = arith.constant 1 : i32
      %dma_wait3A_410 = arith.constant 0 : i32
      %dma_wait3A_411 = tpu.memref_slice %arg10[%dma_wait3A_409, %dma_wait3A_410] : memref<2x72xi32, #tpu.memory_space<vmem>> -> memref<1x72xi32, #tpu.memory_space<vmem>>
      %dma_wait3A_412 = tpu.memref_squeeze %dma_wait3A_411 : memref<1x72xi32, #tpu.memory_space<vmem>> -> memref<72xi32, #tpu.memory_space<vmem>>
      %dma_wait3A_413 = arith.constant 0 : i32
      %dma_wait3A_414 = arith.constant 0 : i32
      %dma_wait3A_415 = tpu.memref_slice %arg31[%dma_wait3A_413, %dma_wait3A_414] : memref<10240x144xf32, #tpu.memory_space<vmem_shared>> -> memref<10240x144xf32, #tpu.memory_space<vmem_shared>>
      tpu.wait_indirect_dma semaphore(%arg28 : memref<!tpu.dma_semaphore, #tpu.memory_space<semaphore_mem>>) src(%arg16 : memref<72x144xf32, #tpu.memory_space<vmem>>) dst(%dma_wait3A_415 : memref<10240x144xf32, #tpu.memory_space<vmem_shared>>)
      %lt3A_416 = arith.constant 23 : i32
      %lt3A_417 = arith.cmpi slt, %add3A_95, %lt3A_416 : i32
      %convert_element_type3A_418 = arith.extui %lt3A_417 : i1 to i32
      %cond3A_419 = arith.constant 0 : i32
      %cond3A_420 = arith.cmpi ne, %convert_element_type3A_418, %cond3A_419 : i32
      scf.if %cond3A_420 {
        %add3A_471 = arith.constant 3 : i32
        %add3A_472 = arith.addi %add3A_384, %add3A_471 : i32
        %mul3A_473 = arith.constant 32 : i32
        %mul3A_474 = arith.muli %add3A_472, %mul3A_473 : i32
        %add3A_475 = arith.addi %add3A, %mul3A_474 : i32
        %dma_start3A_476 = arith.constant 0 : i32
        %dma_start3A_477 = arith.constant 0 : i32
        %dma_start3A_478 = tpu.memref_slice %arg2[%add3A_475, %dma_start3A_476, %dma_start3A_477] : memref<4608x2x72xi32, #tpu.memory_space<hbm>> -> memref<1x2x72xi32, #tpu.memory_space<hbm>>
        %dma_start3A_479 = tpu.memref_squeeze %dma_start3A_478 : memref<1x2x72xi32, #tpu.memory_space<hbm>> -> memref<2x72xi32, #tpu.memory_space<hbm>>
        %dma_start3A_480 = arith.constant 0 : i32
        %dma_start3A_481 = arith.constant 0 : i32
        %dma_start3A_482 = tpu.memref_slice %arg2[%add3A_475, %dma_start3A_480, %dma_start3A_481] : memref<4608x2x72xi32, #tpu.memory_space<hbm>> -> memref<1x2x72xi32, #tpu.memory_space<hbm>>
        %dma_start3A_483 = tpu.memref_squeeze %dma_start3A_482 : memref<1x2x72xi32, #tpu.memory_space<hbm>> -> memref<2x72xi32, #tpu.memory_space<hbm>>
        tpu.enqueue_dma source(%dma_start3A_483 : memref<2x72xi32, #tpu.memory_space<hbm>>) target(%arg8 : memref<2x72xi32, #tpu.memory_space<vmem>>) target_semaphore(%arg20 : memref<!tpu.dma_semaphore, #tpu.memory_space<semaphore_mem>>)
      } else {
      }
      %lt3A_421 = arith.constant 23 : i32
      %lt3A_422 = arith.cmpi slt, %add3A_95, %lt3A_421 : i32
      %convert_element_type3A_423 = arith.extui %lt3A_422 : i1 to i32
      %cond3A_424 = arith.constant 0 : i32
      %cond3A_425 = arith.cmpi ne, %convert_element_type3A_423, %cond3A_424 : i32
      scf.if %cond3A_425 {
        %add3A_471 = arith.constant 2 : i32
        %add3A_472 = arith.addi %add3A_384, %add3A_471 : i32
        %mul3A_473 = arith.constant 32 : i32
        %mul3A_474 = arith.muli %add3A_472, %mul3A_473 : i32
        %add3A_475 = arith.addi %add3A, %mul3A_474 : i32
        %dma_wait3A_476 = arith.constant 0 : i32
        %dma_wait3A_477 = arith.constant 0 : i32
        %dma_wait3A_478 = tpu.memref_slice %arg2[%add3A_475, %dma_wait3A_476, %dma_wait3A_477] : memref<4608x2x72xi32, #tpu.memory_space<hbm>> -> memref<1x2x72xi32, #tpu.memory_space<hbm>>
        %dma_wait3A_479 = tpu.memref_squeeze %dma_wait3A_478 : memref<1x2x72xi32, #tpu.memory_space<hbm>> -> memref<2x72xi32, #tpu.memory_space<hbm>>
        %dma_wait3A_480 = arith.constant 0 : i32
        %dma_wait3A_481 = arith.constant 0 : i32
        %dma_wait3A_482 = tpu.memref_slice %arg2[%add3A_475, %dma_wait3A_480, %dma_wait3A_481] : memref<4608x2x72xi32, #tpu.memory_space<hbm>> -> memref<1x2x72xi32, #tpu.memory_space<hbm>>
        %dma_wait3A_483 = tpu.memref_squeeze %dma_wait3A_482 : memref<1x2x72xi32, #tpu.memory_space<hbm>> -> memref<2x72xi32, #tpu.memory_space<hbm>>
        tpu.wait_dma2 semaphore(%arg19 : memref<!tpu.dma_semaphore, #tpu.memory_space<semaphore_mem>>) src(%dma_wait3A_483 : memref<2x72xi32, #tpu.memory_space<hbm>>) dst(%arg7 : memref<2x72xi32, #tpu.memory_space<vmem>>)
        %dma_start3A_484 = arith.constant 0 : i32
        %dma_start3A_485 = arith.constant 0 : i32
        %dma_start3A_486 = tpu.memref_slice %arg7[%dma_start3A_484, %dma_start3A_485] : memref<2x72xi32, #tpu.memory_space<vmem>> -> memref<1x72xi32, #tpu.memory_space<vmem>>
        %dma_start3A_487 = tpu.memref_squeeze %dma_start3A_486 : memref<1x72xi32, #tpu.memory_space<vmem>> -> memref<72xi32, #tpu.memory_space<vmem>>
        %dma_start3A_488 = arith.constant 0 : i32
        %dma_start3A_489 = arith.constant 0 : i32
        %dma_start3A_490 = tpu.memref_slice %arg3[%dma_start3A_488, %dma_start3A_489] : memref<10240x144xf32, #tpu.memory_space<hbm>> -> memref<10240x144xf32, #tpu.memory_space<hbm>>
        tpu.enqueue_indirect_dma source(%dma_start3A_490 : memref<10240x144xf32, #tpu.memory_space<hbm>>) target(%arg16 : memref<72x144xf32, #tpu.memory_space<vmem>>) offsets(%dma_start3A_487 : memref<72xi32, #tpu.memory_space<vmem>>) semaphore(%arg25 : memref<!tpu.dma_semaphore, #tpu.memory_space<semaphore_mem>>)
        %dma_start3A_491 = arith.constant 1 : i32
        %dma_start3A_492 = arith.constant 0 : i32
        %dma_start3A_493 = tpu.memref_slice %arg7[%dma_start3A_491, %dma_start3A_492] : memref<2x72xi32, #tpu.memory_space<vmem>> -> memref<1x72xi32, #tpu.memory_space<vmem>>
        %dma_start3A_494 = tpu.memref_squeeze %dma_start3A_493 : memref<1x72xi32, #tpu.memory_space<vmem>> -> memref<72xi32, #tpu.memory_space<vmem>>
        %dma_start3A_495 = arith.constant 0 : i32
        %dma_start3A_496 = arith.constant 0 : i32
        %dma_start3A_497 = tpu.memref_slice %arg4[%dma_start3A_495, %dma_start3A_496] : memref<10240x16xf32, #tpu.memory_space<hbm>> -> memref<10240x16xf32, #tpu.memory_space<hbm>>
        tpu.enqueue_indirect_dma source(%dma_start3A_497 : memref<10240x16xf32, #tpu.memory_space<hbm>>) target(%arg13 : memref<72x16xf32, #tpu.memory_space<vmem>>) offsets(%dma_start3A_494 : memref<72xi32, #tpu.memory_space<vmem>>) semaphore(%arg25 : memref<!tpu.dma_semaphore, #tpu.memory_space<semaphore_mem>>)
      } else {
      }
      %mul3A_426 = arith.constant 6 : i32
      %mul3A_427 = arith.muli %mul3A_426, %add3A_95 : i32
      %add3A_428 = arith.constant 5 : i32
      %add3A_429 = arith.addi %mul3A_427, %add3A_428 : i32
      %dma_wait3A_430 = arith.constant 0 : i32
      %dma_wait3A_431 = arith.constant 0 : i32
      %dma_wait3A_432 = tpu.memref_slice %arg12[%dma_wait3A_430, %dma_wait3A_431] : memref<2x72xi32, #tpu.memory_space<vmem>> -> memref<1x72xi32, #tpu.memory_space<vmem>>
      %dma_wait3A_433 = tpu.memref_squeeze %dma_wait3A_432 : memref<1x72xi32, #tpu.memory_space<vmem>> -> memref<72xi32, #tpu.memory_space<vmem>>
      %dma_wait3A_434 = arith.constant 0 : i32
      %dma_wait3A_435 = arith.constant 0 : i32
      %dma_wait3A_436 = tpu.memref_slice %arg3[%dma_wait3A_434, %dma_wait3A_435] : memref<10240x144xf32, #tpu.memory_space<hbm>> -> memref<10240x144xf32, #tpu.memory_space<hbm>>
      tpu.wait_indirect_dma semaphore(%arg27 : memref<!tpu.dma_semaphore, #tpu.memory_space<semaphore_mem>>) src(%dma_wait3A_436 : memref<10240x144xf32, #tpu.memory_space<hbm>>) dst(%arg18 : memref<72x144xf32, #tpu.memory_space<vmem>>)
      %dma_wait3A_437 = arith.constant 1 : i32
      %dma_wait3A_438 = arith.constant 0 : i32
      %dma_wait3A_439 = tpu.memref_slice %arg12[%dma_wait3A_437, %dma_wait3A_438] : memref<2x72xi32, #tpu.memory_space<vmem>> -> memref<1x72xi32, #tpu.memory_space<vmem>>
      %dma_wait3A_440 = tpu.memref_squeeze %dma_wait3A_439 : memref<1x72xi32, #tpu.memory_space<vmem>> -> memref<72xi32, #tpu.memory_space<vmem>>
      %dma_wait3A_441 = arith.constant 0 : i32
      %dma_wait3A_442 = arith.constant 0 : i32
      %dma_wait3A_443 = tpu.memref_slice %arg4[%dma_wait3A_441, %dma_wait3A_442] : memref<10240x16xf32, #tpu.memory_space<hbm>> -> memref<10240x16xf32, #tpu.memory_space<hbm>>
      tpu.wait_indirect_dma semaphore(%arg27 : memref<!tpu.dma_semaphore, #tpu.memory_space<semaphore_mem>>) src(%dma_wait3A_443 : memref<10240x16xf32, #tpu.memory_space<hbm>>) dst(%arg15 : memref<72x16xf32, #tpu.memory_space<vmem>>)
      %parallel_loop3A_444 = arith.constant 0 : i32
      %parallel_loop3A_445 = arith.constant 72 : i32
      %parallel_loop3A_446 = arith.constant 1 : i32
      scf.for %parallel_loop3A_471 = %parallel_loop3A_444 to %parallel_loop3A_445 step %parallel_loop3A_446  : i32 {
        %parallel_loop3A_472 = arith.index_cast %parallel_loop3A_471 : i32 to index
        %parallel_loop3A_473 = arith.constant 128 : index
        %parallel_loop3A_474 = tpu.vector_load %arg18[%parallel_loop3A_472, %parallel_loop3A_473] {strides = array<i32>} : memref<72x144xf32, #tpu.memory_space<vmem>>, vector<16xf32>,
        %parallel_loop3A_475 = arith.index_cast %parallel_loop3A_471 : i32 to index
        %parallel_loop3A_476 = arith.constant 0 : index
        %parallel_loop3A_477 = tpu.vector_load %arg15[%parallel_loop3A_475, %parallel_loop3A_476] {strides = array<i32>} : memref<72x16xf32, #tpu.memory_space<vmem>>, vector<16xf32>,
        %parallel_loop3A_478 = arith.addf %parallel_loop3A_474, %parallel_loop3A_477 : vector<16xf32>
        %parallel_loop3A_479 = arith.constant 0.000000e+00 : f32
        %parallel_loop3A_480 = vector.broadcast %parallel_loop3A_479 : f32 to vector<16xf32>
        %parallel_loop3A_481 = arith.cmpf ogt, %parallel_loop3A_478, %parallel_loop3A_480 : vector<16xf32>
        %parallel_loop3A_482 = arith.constant 2.000000e-01 : f32
        %parallel_loop3A_483 = vector.broadcast %parallel_loop3A_482 : f32 to vector<16xf32>
        %parallel_loop3A_484 = arith.mulf %parallel_loop3A_483, %parallel_loop3A_478 : vector<16xf32>
        %parallel_loop3A_485 = arith.select %parallel_loop3A_481, %parallel_loop3A_478, %parallel_loop3A_484 : vector<16xi1>, vector<16xf32>
        %parallel_loop3A_486 = math.exp %parallel_loop3A_485 : vector<16xf32>
        %parallel_loop3A_487 = arith.index_cast %parallel_loop3A_471 : i32 to index
        %parallel_loop3A_488 = arith.constant 128 : index
        %parallel_loop3A_489 = tpu.vector_load %arg18[%parallel_loop3A_487, %parallel_loop3A_488] {strides = array<i32>} : memref<72x144xf32, #tpu.memory_space<vmem>>, vector<16xf32>,
        tpu.vector_store %arg18[%parallel_loop3A_487, %parallel_loop3A_488], %parallel_loop3A_486 {strides = array<i32>} : memref<72x144xf32, #tpu.memory_space<vmem>>, vector<16xf32>,
        %parallel_loop3A_490 = arith.constant 0 : i32
        %parallel_loop3A_491 = vector.broadcast %parallel_loop3A_490 : i32 to vector<16x1xi32>
        %parallel_loop3A_492 = vector.shape_cast %parallel_loop3A_491 : vector<16x1xi32> to vector<16xi32>
        %parallel_loop3A_493 = tpu.dynamic_gather %parallel_loop3A_486[%parallel_loop3A_492] in [0] : vector<16xf32>, vector<16xi32> -> vector<16xf32>
        %parallel_loop3A_494 = arith.index_cast %parallel_loop3A_471 : i32 to index
        %parallel_loop3A_495 = arith.constant 0 : index
        %parallel_loop3A_496 = tpu.vector_load %arg18[%parallel_loop3A_494, %parallel_loop3A_495] {strides = array<i32>} : memref<72x144xf32, #tpu.memory_space<vmem>>, vector<16xf32>,
        %parallel_loop3A_497 = arith.mulf %parallel_loop3A_496, %parallel_loop3A_493 : vector<16xf32>
        %parallel_loop3A_498 = arith.index_cast %parallel_loop3A_471 : i32 to index
        %parallel_loop3A_499 = arith.constant 0 : index
        %parallel_loop3A_500 = tpu.vector_load %arg18[%parallel_loop3A_498, %parallel_loop3A_499] {strides = array<i32>} : memref<72x144xf32, #tpu.memory_space<vmem>>, vector<16xf32>,
        tpu.vector_store %arg18[%parallel_loop3A_498, %parallel_loop3A_499], %parallel_loop3A_497 {strides = array<i32>} : memref<72x144xf32, #tpu.memory_space<vmem>>, vector<16xf32>,
        %parallel_loop3A_501 = arith.constant 1 : i32
        %parallel_loop3A_502 = vector.broadcast %parallel_loop3A_501 : i32 to vector<16x1xi32>
        %parallel_loop3A_503 = vector.shape_cast %parallel_loop3A_502 : vector<16x1xi32> to vector<16xi32>
        %parallel_loop3A_504 = tpu.dynamic_gather %parallel_loop3A_486[%parallel_loop3A_503] in [0] : vector<16xf32>, vector<16xi32> -> vector<16xf32>
        %parallel_loop3A_505 = arith.index_cast %parallel_loop3A_471 : i32 to index
        %parallel_loop3A_506 = arith.constant 16 : index
        %parallel_loop3A_507 = tpu.vector_load %arg18[%parallel_loop3A_505, %parallel_loop3A_506] {strides = array<i32>} : memref<72x144xf32, #tpu.memory_space<vmem>>, vector<16xf32>,
        %parallel_loop3A_508 = arith.mulf %parallel_loop3A_507, %parallel_loop3A_504 : vector<16xf32>
        %parallel_loop3A_509 = arith.index_cast %parallel_loop3A_471 : i32 to index
        %parallel_loop3A_510 = arith.constant 16 : index
        %parallel_loop3A_511 = tpu.vector_load %arg18[%parallel_loop3A_509, %parallel_loop3A_510] {strides = array<i32>} : memref<72x144xf32, #tpu.memory_space<vmem>>, vector<16xf32>,
        tpu.vector_store %arg18[%parallel_loop3A_509, %parallel_loop3A_510], %parallel_loop3A_508 {strides = array<i32>} : memref<72x144xf32, #tpu.memory_space<vmem>>, vector<16xf32>,
        %parallel_loop3A_512 = arith.constant 2 : i32
        %parallel_loop3A_513 = vector.broadcast %parallel_loop3A_512 : i32 to vector<16x1xi32>
        %parallel_loop3A_514 = vector.shape_cast %parallel_loop3A_513 : vector<16x1xi32> to vector<16xi32>
        %parallel_loop3A_515 = tpu.dynamic_gather %parallel_loop3A_486[%parallel_loop3A_514] in [0] : vector<16xf32>, vector<16xi32> -> vector<16xf32>
        %parallel_loop3A_516 = arith.index_cast %parallel_loop3A_471 : i32 to index
        %parallel_loop3A_517 = arith.constant 32 : index
        %parallel_loop3A_518 = tpu.vector_load %arg18[%parallel_loop3A_516, %parallel_loop3A_517] {strides = array<i32>} : memref<72x144xf32, #tpu.memory_space<vmem>>, vector<16xf32>,
        %parallel_loop3A_519 = arith.mulf %parallel_loop3A_518, %parallel_loop3A_515 : vector<16xf32>
        %parallel_loop3A_520 = arith.index_cast %parallel_loop3A_471 : i32 to index
        %parallel_loop3A_521 = arith.constant 32 : index
        %parallel_loop3A_522 = tpu.vector_load %arg18[%parallel_loop3A_520, %parallel_loop3A_521] {strides = array<i32>} : memref<72x144xf32, #tpu.memory_space<vmem>>, vector<16xf32>,
        tpu.vector_store %arg18[%parallel_loop3A_520, %parallel_loop3A_521], %parallel_loop3A_519 {strides = array<i32>} : memref<72x144xf32, #tpu.memory_space<vmem>>, vector<16xf32>,
        %parallel_loop3A_523 = arith.constant 3 : i32
        %parallel_loop3A_524 = vector.broadcast %parallel_loop3A_523 : i32 to vector<16x1xi32>
        %parallel_loop3A_525 = vector.shape_cast %parallel_loop3A_524 : vector<16x1xi32> to vector<16xi32>
        %parallel_loop3A_526 = tpu.dynamic_gather %parallel_loop3A_486[%parallel_loop3A_525] in [0] : vector<16xf32>, vector<16xi32> -> vector<16xf32>
        %parallel_loop3A_527 = arith.index_cast %parallel_loop3A_471 : i32 to index
        %parallel_loop3A_528 = arith.constant 48 : index
        %parallel_loop3A_529 = tpu.vector_load %arg18[%parallel_loop3A_527, %parallel_loop3A_528] {strides = array<i32>} : memref<72x144xf32, #tpu.memory_space<vmem>>, vector<16xf32>,
        %parallel_loop3A_530 = arith.mulf %parallel_loop3A_529, %parallel_loop3A_526 : vector<16xf32>
        %parallel_loop3A_531 = arith.index_cast %parallel_loop3A_471 : i32 to index
        %parallel_loop3A_532 = arith.constant 48 : index
        %parallel_loop3A_533 = tpu.vector_load %arg18[%parallel_loop3A_531, %parallel_loop3A_532] {strides = array<i32>} : memref<72x144xf32, #tpu.memory_space<vmem>>, vector<16xf32>,
        tpu.vector_store %arg18[%parallel_loop3A_531, %parallel_loop3A_532], %parallel_loop3A_530 {strides = array<i32>} : memref<72x144xf32, #tpu.memory_space<vmem>>, vector<16xf32>,
        %parallel_loop3A_534 = arith.constant 4 : i32
        %parallel_loop3A_535 = vector.broadcast %parallel_loop3A_534 : i32 to vector<16x1xi32>
        %parallel_loop3A_536 = vector.shape_cast %parallel_loop3A_535 : vector<16x1xi32> to vector<16xi32>
        %parallel_loop3A_537 = tpu.dynamic_gather %parallel_loop3A_486[%parallel_loop3A_536] in [0] : vector<16xf32>, vector<16xi32> -> vector<16xf32>
        %parallel_loop3A_538 = arith.index_cast %parallel_loop3A_471 : i32 to index
        %parallel_loop3A_539 = arith.constant 64 : index
        %parallel_loop3A_540 = tpu.vector_load %arg18[%parallel_loop3A_538, %parallel_loop3A_539] {strides = array<i32>} : memref<72x144xf32, #tpu.memory_space<vmem>>, vector<16xf32>,
        %parallel_loop3A_541 = arith.mulf %parallel_loop3A_540, %parallel_loop3A_537 : vector<16xf32>
        %parallel_loop3A_542 = arith.index_cast %parallel_loop3A_471 : i32 to index
        %parallel_loop3A_543 = arith.constant 64 : index
        %parallel_loop3A_544 = tpu.vector_load %arg18[%parallel_loop3A_542, %parallel_loop3A_543] {strides = array<i32>} : memref<72x144xf32, #tpu.memory_space<vmem>>, vector<16xf32>,
        tpu.vector_store %arg18[%parallel_loop3A_542, %parallel_loop3A_543], %parallel_loop3A_541 {strides = array<i32>} : memref<72x144xf32, #tpu.memory_space<vmem>>, vector<16xf32>,
        %parallel_loop3A_545 = arith.constant 5 : i32
        %parallel_loop3A_546 = vector.broadcast %parallel_loop3A_545 : i32 to vector<16x1xi32>
        %parallel_loop3A_547 = vector.shape_cast %parallel_loop3A_546 : vector<16x1xi32> to vector<16xi32>
        %parallel_loop3A_548 = tpu.dynamic_gather %parallel_loop3A_486[%parallel_loop3A_547] in [0] : vector<16xf32>, vector<16xi32> -> vector<16xf32>
        %parallel_loop3A_549 = arith.index_cast %parallel_loop3A_471 : i32 to index
        %parallel_loop3A_550 = arith.constant 80 : index
        %parallel_loop3A_551 = tpu.vector_load %arg18[%parallel_loop3A_549, %parallel_loop3A_550] {strides = array<i32>} : memref<72x144xf32, #tpu.memory_space<vmem>>, vector<16xf32>,
        %parallel_loop3A_552 = arith.mulf %parallel_loop3A_551, %parallel_loop3A_548 : vector<16xf32>
        %parallel_loop3A_553 = arith.index_cast %parallel_loop3A_471 : i32 to index
        %parallel_loop3A_554 = arith.constant 80 : index
        %parallel_loop3A_555 = tpu.vector_load %arg18[%parallel_loop3A_553, %parallel_loop3A_554] {strides = array<i32>} : memref<72x144xf32, #tpu.memory_space<vmem>>, vector<16xf32>,
        tpu.vector_store %arg18[%parallel_loop3A_553, %parallel_loop3A_554], %parallel_loop3A_552 {strides = array<i32>} : memref<72x144xf32, #tpu.memory_space<vmem>>, vector<16xf32>,
        %parallel_loop3A_556 = arith.constant 6 : i32
        %parallel_loop3A_557 = vector.broadcast %parallel_loop3A_556 : i32 to vector<16x1xi32>
        %parallel_loop3A_558 = vector.shape_cast %parallel_loop3A_557 : vector<16x1xi32> to vector<16xi32>
        %parallel_loop3A_559 = tpu.dynamic_gather %parallel_loop3A_486[%parallel_loop3A_558] in [0] : vector<16xf32>, vector<16xi32> -> vector<16xf32>
        %parallel_loop3A_560 = arith.index_cast %parallel_loop3A_471 : i32 to index
        %parallel_loop3A_561 = arith.constant 96 : index
        %parallel_loop3A_562 = tpu.vector_load %arg18[%parallel_loop3A_560, %parallel_loop3A_561] {strides = array<i32>} : memref<72x144xf32, #tpu.memory_space<vmem>>, vector<16xf32>,
        %parallel_loop3A_563 = arith.mulf %parallel_loop3A_562, %parallel_loop3A_559 : vector<16xf32>
        %parallel_loop3A_564 = arith.index_cast %parallel_loop3A_471 : i32 to index
        %parallel_loop3A_565 = arith.constant 96 : index
        %parallel_loop3A_566 = tpu.vector_load %arg18[%parallel_loop3A_564, %parallel_loop3A_565] {strides = array<i32>} : memref<72x144xf32, #tpu.memory_space<vmem>>, vector<16xf32>,
        tpu.vector_store %arg18[%parallel_loop3A_564, %parallel_loop3A_565], %parallel_loop3A_563 {strides = array<i32>} : memref<72x144xf32, #tpu.memory_space<vmem>>, vector<16xf32>,
        %parallel_loop3A_567 = arith.constant 7 : i32
        %parallel_loop3A_568 = vector.broadcast %parallel_loop3A_567 : i32 to vector<16x1xi32>
        %parallel_loop3A_569 = vector.shape_cast %parallel_loop3A_568 : vector<16x1xi32> to vector<16xi32>
        %parallel_loop3A_570 = tpu.dynamic_gather %parallel_loop3A_486[%parallel_loop3A_569] in [0] : vector<16xf32>, vector<16xi32> -> vector<16xf32>
        %parallel_loop3A_571 = arith.index_cast %parallel_loop3A_471 : i32 to index
        %parallel_loop3A_572 = arith.constant 112 : index
        %parallel_loop3A_573 = tpu.vector_load %arg18[%parallel_loop3A_571, %parallel_loop3A_572] {strides = array<i32>} : memref<72x144xf32, #tpu.memory_space<vmem>>, vector<16xf32>,
        %parallel_loop3A_574 = arith.mulf %parallel_loop3A_573, %parallel_loop3A_570 : vector<16xf32>
        %parallel_loop3A_575 = arith.index_cast %parallel_loop3A_471 : i32 to index
        %parallel_loop3A_576 = arith.constant 112 : index
        %parallel_loop3A_577 = tpu.vector_load %arg18[%parallel_loop3A_575, %parallel_loop3A_576] {strides = array<i32>} : memref<72x144xf32, #tpu.memory_space<vmem>>, vector<16xf32>,
        tpu.vector_store %arg18[%parallel_loop3A_575, %parallel_loop3A_576], %parallel_loop3A_574 {strides = array<i32>} : memref<72x144xf32, #tpu.memory_space<vmem>>, vector<16xf32>,
      } {sc.loop_unroll_factor = 4 : i64, sc.parallel_access}
      %dma_start3A_447 = arith.constant 1 : i32
      %dma_start3A_448 = arith.constant 0 : i32
      %dma_start3A_449 = tpu.memref_slice %arg12[%dma_start3A_447, %dma_start3A_448] : memref<2x72xi32, #tpu.memory_space<vmem>> -> memref<1x72xi32, #tpu.memory_space<vmem>>
      %dma_start3A_450 = tpu.memref_squeeze %dma_start3A_449 : memref<1x72xi32, #tpu.memory_space<vmem>> -> memref<72xi32, #tpu.memory_space<vmem>>
      %dma_start3A_451 = arith.constant 0 : i32
      %dma_start3A_452 = arith.constant 0 : i32
      %dma_start3A_453 = tpu.memref_slice %arg31[%dma_start3A_451, %dma_start3A_452] : memref<10240x144xf32, #tpu.memory_space<vmem_shared>> -> memref<10240x144xf32, #tpu.memory_space<vmem_shared>>
      tpu.enqueue_indirect_dma source(%arg18 : memref<72x144xf32, #tpu.memory_space<vmem>>) target(%dma_start3A_453 : memref<10240x144xf32, #tpu.memory_space<vmem_shared>>) offsets(%dma_start3A_450 : memref<72xi32, #tpu.memory_space<vmem>>) semaphore(%arg30 : memref<!tpu.dma_semaphore, #tpu.memory_space<semaphore_mem>>) {add = true}
      %dma_wait3A_454 = arith.constant 1 : i32
      %dma_wait3A_455 = arith.constant 0 : i32
      %dma_wait3A_456 = tpu.memref_slice %arg11[%dma_wait3A_454, %dma_wait3A_455] : memref<2x72xi32, #tpu.memory_space<vmem>> -> memref<1x72xi32, #tpu.memory_space<vmem>>
      %dma_wait3A_457 = tpu.memref_squeeze %dma_wait3A_456 : memref<1x72xi32, #tpu.memory_space<vmem>> -> memref<72xi32, #tpu.memory_space<vmem>>
      %dma_wait3A_458 = arith.constant 0 : i32
      %dma_wait3A_459 = arith.constant 0 : i32
      %dma_wait3A_460 = tpu.memref_slice %arg31[%dma_wait3A_458, %dma_wait3A_459] : memref<10240x144xf32, #tpu.memory_space<vmem_shared>> -> memref<10240x144xf32, #tpu.memory_space<vmem_shared>>
      tpu.wait_indirect_dma semaphore(%arg29 : memref<!tpu.dma_semaphore, #tpu.memory_space<semaphore_mem>>) src(%arg17 : memref<72x144xf32, #tpu.memory_space<vmem>>) dst(%dma_wait3A_460 : memref<10240x144xf32, #tpu.memory_space<vmem_shared>>)
      %lt3A_461 = arith.constant 23 : i32
      %lt3A_462 = arith.cmpi slt, %add3A_95, %lt3A_461 : i32
      %convert_element_type3A_463 = arith.extui %lt3A_462 : i1 to i32
      %cond3A_464 = arith.constant 0 : i32
      %cond3A_465 = arith.cmpi ne, %convert_element_type3A_463, %cond3A_464 : i32
      scf.if %cond3A_465 {
        %add3A_471 = arith.constant 3 : i32
        %add3A_472 = arith.addi %add3A_429, %add3A_471 : i32
        %mul3A_473 = arith.constant 32 : i32
        %mul3A_474 = arith.muli %add3A_472, %mul3A_473 : i32
        %add3A_475 = arith.addi %add3A, %mul3A_474 : i32
        %dma_start3A_476 = arith.constant 0 : i32
        %dma_start3A_477 = arith.constant 0 : i32
        %dma_start3A_478 = tpu.memref_slice %arg2[%add3A_475, %dma_start3A_476, %dma_start3A_477] : memref<4608x2x72xi32, #tpu.memory_space<hbm>> -> memref<1x2x72xi32, #tpu.memory_space<hbm>>
        %dma_start3A_479 = tpu.memref_squeeze %dma_start3A_478 : memref<1x2x72xi32, #tpu.memory_space<hbm>> -> memref<2x72xi32, #tpu.memory_space<hbm>>
        %dma_start3A_480 = arith.constant 0 : i32
        %dma_start3A_481 = arith.constant 0 : i32
        %dma_start3A_482 = tpu.memref_slice %arg2[%add3A_475, %dma_start3A_480, %dma_start3A_481] : memref<4608x2x72xi32, #tpu.memory_space<hbm>> -> memref<1x2x72xi32, #tpu.memory_space<hbm>>
        %dma_start3A_483 = tpu.memref_squeeze %dma_start3A_482 : memref<1x2x72xi32, #tpu.memory_space<hbm>> -> memref<2x72xi32, #tpu.memory_space<hbm>>
        tpu.enqueue_dma source(%dma_start3A_483 : memref<2x72xi32, #tpu.memory_space<hbm>>) target(%arg9 : memref<2x72xi32, #tpu.memory_space<vmem>>) target_semaphore(%arg21 : memref<!tpu.dma_semaphore, #tpu.memory_space<semaphore_mem>>)
      } else {
      }
      %lt3A_466 = arith.constant 23 : i32
      %lt3A_467 = arith.cmpi slt, %add3A_95, %lt3A_466 : i32
      %convert_element_type3A_468 = arith.extui %lt3A_467 : i1 to i32
      %cond3A_469 = arith.constant 0 : i32
      %cond3A_470 = arith.cmpi ne, %convert_element_type3A_468, %cond3A_469 : i32
      scf.if %cond3A_470 {
        %add3A_471 = arith.constant 2 : i32
        %add3A_472 = arith.addi %add3A_429, %add3A_471 : i32
        %mul3A_473 = arith.constant 32 : i32
        %mul3A_474 = arith.muli %add3A_472, %mul3A_473 : i32
        %add3A_475 = arith.addi %add3A, %mul3A_474 : i32
        %dma_wait3A_476 = arith.constant 0 : i32
        %dma_wait3A_477 = arith.constant 0 : i32
        %dma_wait3A_478 = tpu.memref_slice %arg2[%add3A_475, %dma_wait3A_476, %dma_wait3A_477] : memref<4608x2x72xi32, #tpu.memory_space<hbm>> -> memref<1x2x72xi32, #tpu.memory_space<hbm>>
        %dma_wait3A_479 = tpu.memref_squeeze %dma_wait3A_478 : memref<1x2x72xi32, #tpu.memory_space<hbm>> -> memref<2x72xi32, #tpu.memory_space<hbm>>
        %dma_wait3A_480 = arith.constant 0 : i32
        %dma_wait3A_481 = arith.constant 0 : i32
        %dma_wait3A_482 = tpu.memref_slice %arg2[%add3A_475, %dma_wait3A_480, %dma_wait3A_481] : memref<4608x2x72xi32, #tpu.memory_space<hbm>> -> memref<1x2x72xi32, #tpu.memory_space<hbm>>
        %dma_wait3A_483 = tpu.memref_squeeze %dma_wait3A_482 : memref<1x2x72xi32, #tpu.memory_space<hbm>> -> memref<2x72xi32, #tpu.memory_space<hbm>>
        tpu.wait_dma2 semaphore(%arg20 : memref<!tpu.dma_semaphore, #tpu.memory_space<semaphore_mem>>) src(%dma_wait3A_483 : memref<2x72xi32, #tpu.memory_space<hbm>>) dst(%arg8 : memref<2x72xi32, #tpu.memory_space<vmem>>)
        %dma_start3A_484 = arith.constant 0 : i32
        %dma_start3A_485 = arith.constant 0 : i32
        %dma_start3A_486 = tpu.memref_slice %arg8[%dma_start3A_484, %dma_start3A_485] : memref<2x72xi32, #tpu.memory_space<vmem>> -> memref<1x72xi32, #tpu.memory_space<vmem>>
        %dma_start3A_487 = tpu.memref_squeeze %dma_start3A_486 : memref<1x72xi32, #tpu.memory_space<vmem>> -> memref<72xi32, #tpu.memory_space<vmem>>
        %dma_start3A_488 = arith.constant 0 : i32
        %dma_start3A_489 = arith.constant 0 : i32
        %dma_start3A_490 = tpu.memref_slice %arg3[%dma_start3A_488, %dma_start3A_489] : memref<10240x144xf32, #tpu.memory_space<hbm>> -> memref<10240x144xf32, #tpu.memory_space<hbm>>
        tpu.enqueue_indirect_dma source(%dma_start3A_490 : memref<10240x144xf32, #tpu.memory_space<hbm>>) target(%arg17 : memref<72x144xf32, #tpu.memory_space<vmem>>) offsets(%dma_start3A_487 : memref<72xi32, #tpu.memory_space<vmem>>) semaphore(%arg26 : memref<!tpu.dma_semaphore, #tpu.memory_space<semaphore_mem>>)
        %dma_start3A_491 = arith.constant 1 : i32
        %dma_start3A_492 = arith.constant 0 : i32
        %dma_start3A_493 = tpu.memref_slice %arg8[%dma_start3A_491, %dma_start3A_492] : memref<2x72xi32, #tpu.memory_space<vmem>> -> memref<1x72xi32, #tpu.memory_space<vmem>>
        %dma_start3A_494 = tpu.memref_squeeze %dma_start3A_493 : memref<1x72xi32, #tpu.memory_space<vmem>> -> memref<72xi32, #tpu.memory_space<vmem>>
        %dma_start3A_495 = arith.constant 0 : i32
        %dma_start3A_496 = arith.constant 0 : i32
        %dma_start3A_497 = tpu.memref_slice %arg4[%dma_start3A_495, %dma_start3A_496] : memref<10240x16xf32, #tpu.memory_space<hbm>> -> memref<10240x16xf32, #tpu.memory_space<hbm>>
        tpu.enqueue_indirect_dma source(%dma_start3A_497 : memref<10240x16xf32, #tpu.memory_space<hbm>>) target(%arg14 : memref<72x16xf32, #tpu.memory_space<vmem>>) offsets(%dma_start3A_494 : memref<72xi32, #tpu.memory_space<vmem>>) semaphore(%arg26 : memref<!tpu.dma_semaphore, #tpu.memory_space<semaphore_mem>>)
      } else {
      }
    }
    %scan3A_82 = arith.constant 24 : i32
    %dma_wait3A_83 = arith.constant 1 : i32
    %dma_wait3A_84 = arith.constant 0 : i32
    %dma_wait3A_85 = tpu.memref_slice %arg12[%dma_wait3A_83, %dma_wait3A_84] : memref<2x72xi32, #tpu.memory_space<vmem>> -> memref<1x72xi32, #tpu.memory_space<vmem>>
    %dma_wait3A_86 = tpu.memref_squeeze %dma_wait3A_85 : memref<1x72xi32, #tpu.memory_space<vmem>> -> memref<72xi32, #tpu.memory_space<vmem>>
    %dma_wait3A_87 = arith.constant 0 : i32
    %dma_wait3A_88 = arith.constant 0 : i32
    %dma_wait3A_89 = tpu.memref_slice %arg31[%dma_wait3A_87, %dma_wait3A_88] : memref<10240x144xf32, #tpu.memory_space<vmem_shared>> -> memref<10240x144xf32, #tpu.memory_space<vmem_shared>>
    tpu.wait_indirect_dma semaphore(%arg30 : memref<!tpu.dma_semaphore, #tpu.memory_space<semaphore_mem>>) src(%arg18 : memref<72x144xf32, #tpu.memory_space<vmem>>) dst(%dma_wait3A_89 : memref<10240x144xf32, #tpu.memory_space<vmem_shared>>)
    %barrier3A_90 = arith.constant 0 : index
    tpu.barrier barrier_id(%barrier3A_90)
    "tpu.region"() ({
      %run_scoped3A = tpu.sem_alloc : memref<!tpu.dma_semaphore, #tpu.memory_space<semaphore_mem>>
      %dma_start3A_91 = arith.constant 0 : i32
      %dma_start3A_92 = tpu.memref_slice %arg6[%arg0, %mul3A_0, %dma_start3A_91] : memref<2x10240x144xf32, #tpu.memory_space<hbm>> -> memref<1x640x144xf32, #tpu.memory_space<hbm>>
      %dma_start3A_93 = tpu.memref_squeeze %dma_start3A_92 : memref<1x640x144xf32, #tpu.memory_space<hbm>> -> memref<640x144xf32, #tpu.memory_space<hbm>>
      %dma_start3A_94 = arith.constant 0 : i32
      %dma_start3A_95 = tpu.memref_slice %arg31[%mul3A_0, %dma_start3A_94] : memref<10240x144xf32, #tpu.memory_space<vmem_shared>> -> memref<640x144xf32, #tpu.memory_space<vmem_shared>>
      tpu.enqueue_dma source(%dma_start3A_95 : memref<640x144xf32, #tpu.memory_space<vmem_shared>>) target(%dma_start3A_93 : memref<640x144xf32, #tpu.memory_space<hbm>>) target_semaphore(%run_scoped3A : memref<!tpu.dma_semaphore, #tpu.memory_space<semaphore_mem>>)
      %dma_wait3A_96 = arith.constant 0 : i32
      %dma_wait3A_97 = tpu.memref_slice %arg6[%arg0, %mul3A_0, %dma_wait3A_96] : memref<2x10240x144xf32, #tpu.memory_space<hbm>> -> memref<1x640x144xf32, #tpu.memory_space<hbm>>
      %dma_wait3A_98 = tpu.memref_squeeze %dma_wait3A_97 : memref<1x640x144xf32, #tpu.memory_space<hbm>> -> memref<640x144xf32, #tpu.memory_space<hbm>>
      %dma_wait3A_99 = arith.constant 0 : i32
      %dma_wait3A_100 = tpu.memref_slice %arg31[%mul3A_0, %dma_wait3A_99] : memref<10240x144xf32, #tpu.memory_space<vmem_shared>> -> memref<640x144xf32, #tpu.memory_space<vmem_shared>>
      tpu.wait_dma2 semaphore(%run_scoped3A : memref<!tpu.dma_semaphore, #tpu.memory_space<semaphore_mem>>) src(%dma_wait3A_100 : memref<640x144xf32, #tpu.memory_space<vmem_shared>>) dst(%dma_wait3A_98 : memref<640x144xf32, #tpu.memory_space<hbm>>)
      tpu.yield
    }) : () -> ()
    return
  }
}

module attributes {stable_mosaic.version = 14 : i64} {
  func.func @_tc_a_body(%arg0: i32, %arg1: memref<512x128xf32, #tpu.memory_space<vmem>>, %arg2: memref<128x128xf32, #tpu.memory_space<vmem>>, %arg3: memref<1x128xf32, #tpu.memory_space<vmem>>, %arg4: memref<1x128xf32, #tpu.memory_space<vmem>>, %arg5: memref<128x16xf32, #tpu.memory_space<vmem>>, %arg6: memref<512x144xf32, #tpu.memory_space<vmem>>, %arg7: memref<512x16xf32, #tpu.memory_space<vmem>>) attributes {dimension_semantics = [#tpu.dimension_semantics<arbitrary>], iteration_bounds = array<i64: 20>, scalar_prefetch = 0 : i64, scratch_operands = 0 : i64, tpu.core_type = #tpu.core_type<tc>, window_params = [{transform_indices = @transform_0, window_bounds = array<i64: 512, 128>}, {pipeline_mode = #tpu.pipeline_mode<synchronous>, transform_indices = @transform_1, window_bounds = array<i64: 128, 128>}, {pipeline_mode = #tpu.pipeline_mode<synchronous>, transform_indices = @transform_2, window_bounds = array<i64: 1, 128>}, {pipeline_mode = #tpu.pipeline_mode<synchronous>, transform_indices = @transform_3, window_bounds = array<i64: 1, 128>}, {pipeline_mode = #tpu.pipeline_mode<synchronous>, transform_indices = @transform_4, window_bounds = array<i64: 128, 16>}, {transform_indices = @transform_5, window_bounds = array<i64: 512, 144>}, {transform_indices = @transform_6, window_bounds = array<i64: 512, 16>}]} {
    %get3A = arith.constant 0 : index
    %get3A_0 = arith.constant 0 : index
    %get3A_1 = vector.load %arg1[%get3A, %get3A_0] : memref<512x128xf32, #tpu.memory_space<vmem>>, vector<512x128xf32>
    %get3A_2 = arith.constant 0 : index
    %get3A_3 = arith.constant 0 : index
    %get3A_4 = vector.load %arg2[%get3A_2, %get3A_3] : memref<128x128xf32, #tpu.memory_space<vmem>>, vector<128x128xf32>
    %dot_general3A = arith.constant dense<0.000000e+00> : vector<512x128xf32>
    %dot_general3A_5 = tpu.matmul %get3A_1, %get3A_4, %dot_general3A {dimension_numbers = #tpu.dot_dimension_numbers<[1], [0], [0], [1], [0, 0, 1, 1], [], []>, precision = #tpu.contract_precision<fp32>, transpose_lhs_hint = false} : vector<512x128xf32>, vector<128x128xf32>, vector<512x128xf32> -> vector<512x128xf32>
    %get3A_6 = arith.constant 0 : index
    %get3A_7 = arith.constant 0 : index
    %get3A_8 = vector.load %arg3[%get3A_6, %get3A_7] : memref<1x128xf32, #tpu.memory_space<vmem>>, vector<1x128xf32>
    %mul3A = vector.broadcast %get3A_8 : vector<1x128xf32> to vector<512x128xf32>
    %mul3A_9 = arith.mulf %dot_general3A_5, %mul3A : vector<512x128xf32>
    %get3A_10 = arith.constant 0 : index
    %get3A_11 = arith.constant 0 : index
    %get3A_12 = vector.load %arg5[%get3A_10, %get3A_11] : memref<128x16xf32, #tpu.memory_space<vmem>>, vector<128x16xf32>
    %dot_general3A_13 = arith.constant dense<0.000000e+00> : vector<512x16xf32>
    %dot_general3A_14 = tpu.matmul %mul3A_9, %get3A_12, %dot_general3A_13 {dimension_numbers = #tpu.dot_dimension_numbers<[1], [0], [0], [1], [0, 0, 1, 1], [], []>, precision = #tpu.contract_precision<fp32>, transpose_lhs_hint = false} : vector<512x128xf32>, vector<128x16xf32>, vector<512x16xf32> -> vector<512x16xf32>
    %concatenate3A = tpu.concatenate %dot_general3A_5, %dot_general3A_14 in 1 : vector<512x128xf32>, vector<512x16xf32> -> vector<512x144xf32>
    %swap3A = arith.constant 0 : index
    %swap3A_15 = arith.constant 0 : index
    %swap3A_16 = vector.load %arg6[%swap3A, %swap3A_15] : memref<512x144xf32, #tpu.memory_space<vmem>>, vector<512x144xf32>
    tpu.vector_store %arg6[%swap3A, %swap3A_15], %concatenate3A {strides = array<i32>} : memref<512x144xf32, #tpu.memory_space<vmem>>, vector<512x144xf32>,
    %get3A_17 = arith.constant 0 : index
    %get3A_18 = arith.constant 0 : index
    %get3A_19 = vector.load %arg4[%get3A_17, %get3A_18] : memref<1x128xf32, #tpu.memory_space<vmem>>, vector<1x128xf32>
    %mul3A_20 = vector.broadcast %get3A_19 : vector<1x128xf32> to vector<512x128xf32>
    %mul3A_21 = arith.mulf %dot_general3A_5, %mul3A_20 : vector<512x128xf32>
    %get3A_22 = arith.constant 0 : index
    %get3A_23 = arith.constant 0 : index
    %get3A_24 = vector.load %arg5[%get3A_22, %get3A_23] : memref<128x16xf32, #tpu.memory_space<vmem>>, vector<128x16xf32>
    %dot_general3A_25 = arith.constant dense<0.000000e+00> : vector<512x16xf32>
    %dot_general3A_26 = tpu.matmul %mul3A_21, %get3A_24, %dot_general3A_25 {dimension_numbers = #tpu.dot_dimension_numbers<[1], [0], [0], [1], [0, 0, 1, 1], [], []>, precision = #tpu.contract_precision<fp32>, transpose_lhs_hint = false} : vector<512x128xf32>, vector<128x16xf32>, vector<512x16xf32> -> vector<512x16xf32>
    %swap3A_27 = arith.constant 0 : index
    %swap3A_28 = arith.constant 0 : index
    %swap3A_29 = vector.load %arg7[%swap3A_27, %swap3A_28] : memref<512x16xf32, #tpu.memory_space<vmem>>, vector<512x16xf32>
    tpu.vector_store %arg7[%swap3A_27, %swap3A_28], %dot_general3A_26 {strides = array<i32>} : memref<512x16xf32, #tpu.memory_space<vmem>>, vector<512x16xf32>,
    return
  }
  func.func @transform_0(%arg0: i32) -> (i32, i32) {
    %c0_i32 = arith.constant 0 : i32
    %c0_i32_0 = arith.constant 0 : i32
    return %arg0, %c0_i32 : i32, i32
  }
  func.func @transform_1(%arg0: i32) -> (i32, i32) {
    %c0_i32 = arith.constant 0 : i32
    %c0_i32_0 = arith.constant 0 : i32
    %c0_i32_1 = arith.constant 0 : i32
    return %c0_i32, %c0_i32_0 : i32, i32
  }
  func.func @transform_2(%arg0: i32) -> (i32, i32) {
    %c0_i32 = arith.constant 0 : i32
    %c0_i32_0 = arith.constant 0 : i32
    %c0_i32_1 = arith.constant 0 : i32
    return %c0_i32, %c0_i32_0 : i32, i32
  }
  func.func @transform_3(%arg0: i32) -> (i32, i32) {
    %c0_i32 = arith.constant 0 : i32
    %c0_i32_0 = arith.constant 0 : i32
    %c0_i32_1 = arith.constant 0 : i32
    return %c0_i32, %c0_i32_0 : i32, i32
  }
  func.func @transform_4(%arg0: i32) -> (i32, i32) {
    %c0_i32 = arith.constant 0 : i32
    %c0_i32_0 = arith.constant 0 : i32
    %c0_i32_1 = arith.constant 0 : i32
    return %c0_i32, %c0_i32_0 : i32, i32
  }
  func.func @transform_5(%arg0: i32) -> (i32, i32) {
    %c0_i32 = arith.constant 0 : i32
    %c0_i32_0 = arith.constant 0 : i32
    return %arg0, %c0_i32 : i32, i32
  }
  func.func @transform_6(%arg0: i32) -> (i32, i32) {
    %c0_i32 = arith.constant 0 : i32
    %c0_i32_0 = arith.constant 0 : i32
    return %arg0, %c0_i32 : i32, i32
  }
}

module attributes {stable_mosaic.version = 14 : i64} {
  func.func @_tc_b_body(%arg0: i32, %arg1: memref<2x512x144xf32, #tpu.memory_space<vmem>>, %arg2: memref<128x48xf32, #tpu.memory_space<vmem>>, %arg3: memref<1x128xf32, #tpu.memory_space<vmem>>, %arg4: memref<1x48xf32, #tpu.memory_space<vmem>>, %arg5: memref<1x48xf32, #tpu.memory_space<vmem>>, %arg6: memref<48x16xf32, #tpu.memory_space<vmem>>, %arg7: memref<16x128xf32, #tpu.memory_space<vmem>>, %arg8: memref<512x64xf32, #tpu.memory_space<vmem>>, %arg9: memref<512x16xf32, #tpu.memory_space<vmem>>) attributes {dimension_semantics = [#tpu.dimension_semantics<arbitrary>], iteration_bounds = array<i64: 20>, scalar_prefetch = 0 : i64, scratch_operands = 0 : i64, tpu.core_type = #tpu.core_type<tc>, window_params = [{transform_indices = @transform_0, window_bounds = array<i64: 2, 512, 144>}, {pipeline_mode = #tpu.pipeline_mode<synchronous>, transform_indices = @transform_1, window_bounds = array<i64: 128, 48>}, {pipeline_mode = #tpu.pipeline_mode<synchronous>, transform_indices = @transform_2, window_bounds = array<i64: 1, 128>}, {pipeline_mode = #tpu.pipeline_mode<synchronous>, transform_indices = @transform_3, window_bounds = array<i64: 1, 48>}, {pipeline_mode = #tpu.pipeline_mode<synchronous>, transform_indices = @transform_4, window_bounds = array<i64: 1, 48>}, {pipeline_mode = #tpu.pipeline_mode<synchronous>, transform_indices = @transform_5, window_bounds = array<i64: 48, 16>}, {pipeline_mode = #tpu.pipeline_mode<synchronous>, transform_indices = @transform_6, window_bounds = array<i64: 16, 128>}, {transform_indices = @transform_7, window_bounds = array<i64: 512, 64>}, {transform_indices = @transform_8, window_bounds = array<i64: 512, 16>}]} {
    %get3A = arith.constant 0 : index
    %get3A_0 = arith.constant 0 : index
    %get3A_1 = arith.constant 0 : index
    %get3A_2 = vector.load %arg1[%get3A, %get3A_0, %get3A_1] : memref<2x512x144xf32, #tpu.memory_space<vmem>>, vector<1x512x144xf32>
    %get3A_3 = vector.shape_cast %get3A_2 : vector<1x512x144xf32> to vector<512x144xf32>
    %get3A_4 = arith.constant 1 : index
    %get3A_5 = arith.constant 0 : index
    %get3A_6 = arith.constant 0 : index
    %get3A_7 = vector.load %arg1[%get3A_4, %get3A_5, %get3A_6] : memref<2x512x144xf32, #tpu.memory_space<vmem>>, vector<1x512x144xf32>
    %get3A_8 = vector.shape_cast %get3A_7 : vector<1x512x144xf32> to vector<512x144xf32>
    %add3A = arith.addf %get3A_3, %get3A_8 : vector<512x144xf32>
    %slice3A = vector.extract_strided_slice %add3A {offsets = [0, 128], sizes = [512, 16], strides = [1, 1]} : vector<512x144xf32> to vector<512x16xf32>
    %get3A_9 = arith.constant 0 : index
    %get3A_10 = arith.constant 0 : index
    %get3A_11 = vector.load %arg7[%get3A_9, %get3A_10] : memref<16x128xf32, #tpu.memory_space<vmem>>, vector<16x128xf32>
    %dot_general3A = arith.constant dense<0.000000e+00> : vector<512x128xf32>
    %dot_general3A_12 = tpu.matmul %slice3A, %get3A_11, %dot_general3A {dimension_numbers = #tpu.dot_dimension_numbers<[1], [0], [0], [1], [0, 0, 1, 1], [], []>, precision = #tpu.contract_precision<fp32>, transpose_lhs_hint = false} : vector<512x16xf32>, vector<16x128xf32>, vector<512x128xf32> -> vector<512x128xf32>
    %slice3A_13 = vector.extract_strided_slice %add3A {offsets = [0, 0], sizes = [512, 128], strides = [1, 1]} : vector<512x144xf32> to vector<512x128xf32>
    %add3A_14 = arith.constant 1.000000e-16 : f32
    %add3A_15 = vector.broadcast %add3A_14 : f32 to vector<512x128xf32>
    %add3A_16 = arith.addf %dot_general3A_12, %add3A_15 : vector<512x128xf32>
    %div3A = arith.divf %slice3A_13, %add3A_16 : vector<512x128xf32>
    %get3A_17 = arith.constant 0 : index
    %get3A_18 = arith.constant 0 : index
    %get3A_19 = vector.load %arg3[%get3A_17, %get3A_18] : memref<1x128xf32, #tpu.memory_space<vmem>>, vector<1x128xf32>
    %add3A_20 = vector.broadcast %get3A_19 : vector<1x128xf32> to vector<512x128xf32>
    %add3A_21 = arith.addf %div3A, %add3A_20 : vector<512x128xf32>
    %max3A = arith.constant 0.000000e+00 : f32
    %max3A_22 = vector.broadcast %max3A : f32 to vector<512x128xf32>
    %max3A_23 = arith.maximumf %add3A_21, %max3A_22 : vector<512x128xf32>
    %get3A_24 = arith.constant 0 : index
    %get3A_25 = arith.constant 0 : index
    %get3A_26 = vector.load %arg2[%get3A_24, %get3A_25] : memref<128x48xf32, #tpu.memory_space<vmem>>, vector<128x48xf32>
    %dot_general3A_27 = arith.constant dense<0.000000e+00> : vector<512x48xf32>
    %dot_general3A_28 = tpu.matmul %max3A_23, %get3A_26, %dot_general3A_27 {dimension_numbers = #tpu.dot_dimension_numbers<[1], [0], [0], [1], [0, 0, 1, 1], [], []>, precision = #tpu.contract_precision<fp32>, transpose_lhs_hint = false} : vector<512x128xf32>, vector<128x48xf32>, vector<512x48xf32> -> vector<512x48xf32>
    %get3A_29 = arith.constant 0 : index
    %get3A_30 = arith.constant 0 : index
    %get3A_31 = vector.load %arg4[%get3A_29, %get3A_30] : memref<1x48xf32, #tpu.memory_space<vmem>>, vector<1x48xf32>
    %mul3A = vector.broadcast %get3A_31 : vector<1x48xf32> to vector<512x48xf32>
    %mul3A_32 = arith.mulf %dot_general3A_28, %mul3A : vector<512x48xf32>
    %get3A_33 = arith.constant 0 : index
    %get3A_34 = arith.constant 0 : index
    %get3A_35 = vector.load %arg6[%get3A_33, %get3A_34] : memref<48x16xf32, #tpu.memory_space<vmem>>, vector<48x16xf32>
    %dot_general3A_36 = arith.constant dense<0.000000e+00> : vector<512x16xf32>
    %dot_general3A_37 = tpu.matmul %mul3A_32, %get3A_35, %dot_general3A_36 {dimension_numbers = #tpu.dot_dimension_numbers<[1], [0], [0], [1], [0, 0, 1, 1], [], []>, precision = #tpu.contract_precision<fp32>, transpose_lhs_hint = false} : vector<512x48xf32>, vector<48x16xf32>, vector<512x16xf32> -> vector<512x16xf32>
    %concatenate3A = tpu.concatenate %dot_general3A_28, %dot_general3A_37 in 1 : vector<512x48xf32>, vector<512x16xf32> -> vector<512x64xf32>
    %swap3A = arith.constant 0 : index
    %swap3A_38 = arith.constant 0 : index
    %swap3A_39 = vector.load %arg8[%swap3A, %swap3A_38] : memref<512x64xf32, #tpu.memory_space<vmem>>, vector<512x64xf32>
    tpu.vector_store %arg8[%swap3A, %swap3A_38], %concatenate3A {strides = array<i32>} : memref<512x64xf32, #tpu.memory_space<vmem>>, vector<512x64xf32>,
    %get3A_40 = arith.constant 0 : index
    %get3A_41 = arith.constant 0 : index
    %get3A_42 = vector.load %arg5[%get3A_40, %get3A_41] : memref<1x48xf32, #tpu.memory_space<vmem>>, vector<1x48xf32>
    %mul3A_43 = vector.broadcast %get3A_42 : vector<1x48xf32> to vector<512x48xf32>
    %mul3A_44 = arith.mulf %dot_general3A_28, %mul3A_43 : vector<512x48xf32>
    %get3A_45 = arith.constant 0 : index
    %get3A_46 = arith.constant 0 : index
    %get3A_47 = vector.load %arg6[%get3A_45, %get3A_46] : memref<48x16xf32, #tpu.memory_space<vmem>>, vector<48x16xf32>
    %dot_general3A_48 = arith.constant dense<0.000000e+00> : vector<512x16xf32>
    %dot_general3A_49 = tpu.matmul %mul3A_44, %get3A_47, %dot_general3A_48 {dimension_numbers = #tpu.dot_dimension_numbers<[1], [0], [0], [1], [0, 0, 1, 1], [], []>, precision = #tpu.contract_precision<fp32>, transpose_lhs_hint = false} : vector<512x48xf32>, vector<48x16xf32>, vector<512x16xf32> -> vector<512x16xf32>
    %swap3A_50 = arith.constant 0 : index
    %swap3A_51 = arith.constant 0 : index
    %swap3A_52 = vector.load %arg9[%swap3A_50, %swap3A_51] : memref<512x16xf32, #tpu.memory_space<vmem>>, vector<512x16xf32>
    tpu.vector_store %arg9[%swap3A_50, %swap3A_51], %dot_general3A_49 {strides = array<i32>} : memref<512x16xf32, #tpu.memory_space<vmem>>, vector<512x16xf32>,
    return
  }
  func.func @transform_0(%arg0: i32) -> (i32, i32, i32) {
    %c0_i32 = arith.constant 0 : i32
    %c0_i32_0 = arith.constant 0 : i32
    %c0_i32_1 = arith.constant 0 : i32
    return %c0_i32, %arg0, %c0_i32_0 : i32, i32, i32
  }
  func.func @transform_1(%arg0: i32) -> (i32, i32) {
    %c0_i32 = arith.constant 0 : i32
    %c0_i32_0 = arith.constant 0 : i32
    %c0_i32_1 = arith.constant 0 : i32
    return %c0_i32, %c0_i32_0 : i32, i32
  }
  func.func @transform_2(%arg0: i32) -> (i32, i32) {
    %c0_i32 = arith.constant 0 : i32
    %c0_i32_0 = arith.constant 0 : i32
    %c0_i32_1 = arith.constant 0 : i32
    return %c0_i32, %c0_i32_0 : i32, i32
  }
  func.func @transform_3(%arg0: i32) -> (i32, i32) {
    %c0_i32 = arith.constant 0 : i32
    %c0_i32_0 = arith.constant 0 : i32
    %c0_i32_1 = arith.constant 0 : i32
    return %c0_i32, %c0_i32_0 : i32, i32
  }
  func.func @transform_4(%arg0: i32) -> (i32, i32) {
    %c0_i32 = arith.constant 0 : i32
    %c0_i32_0 = arith.constant 0 : i32
    %c0_i32_1 = arith.constant 0 : i32
    return %c0_i32, %c0_i32_0 : i32, i32
  }
  func.func @transform_5(%arg0: i32) -> (i32, i32) {
    %c0_i32 = arith.constant 0 : i32
    %c0_i32_0 = arith.constant 0 : i32
    %c0_i32_1 = arith.constant 0 : i32
    return %c0_i32, %c0_i32_0 : i32, i32
  }
  func.func @transform_6(%arg0: i32) -> (i32, i32) {
    %c0_i32 = arith.constant 0 : i32
    %c0_i32_0 = arith.constant 0 : i32
    %c0_i32_1 = arith.constant 0 : i32
    return %c0_i32, %c0_i32_0 : i32, i32
  }
  func.func @transform_7(%arg0: i32) -> (i32, i32) {
    %c0_i32 = arith.constant 0 : i32
    %c0_i32_0 = arith.constant 0 : i32
    return %arg0, %c0_i32 : i32, i32
  }
  func.func @transform_8(%arg0: i32) -> (i32, i32) {
    %c0_i32 = arith.constant 0 : i32
    %c0_i32_0 = arith.constant 0 : i32
    return %arg0, %c0_i32 : i32, i32
  }
}

module attributes {stable_mosaic.version = 14 : i64} {
  func.func @_tc_c_body(%arg0: i32, %arg1: memref<2x512x64xf32, #tpu.memory_space<vmem>>, %arg2: memref<1x48xf32, #tpu.memory_space<vmem>>, %arg3: memref<16x48xf32, #tpu.memory_space<vmem>>, %arg4: memref<1x48xf32, #tpu.memory_space<vmem>>, %arg5: memref<512x48xf32, #tpu.memory_space<vmem>>) attributes {dimension_semantics = [#tpu.dimension_semantics<arbitrary>], iteration_bounds = array<i64: 20>, scalar_prefetch = 0 : i64, scratch_operands = 0 : i64, tpu.core_type = #tpu.core_type<tc>, window_params = [{transform_indices = @transform_0, window_bounds = array<i64: 2, 512, 64>}, {pipeline_mode = #tpu.pipeline_mode<synchronous>, transform_indices = @transform_1, window_bounds = array<i64: 1, 48>}, {pipeline_mode = #tpu.pipeline_mode<synchronous>, transform_indices = @transform_2, window_bounds = array<i64: 16, 48>}, {pipeline_mode = #tpu.pipeline_mode<synchronous>, transform_indices = @transform_3, window_bounds = array<i64: 1, 48>}, {transform_indices = @transform_4, window_bounds = array<i64: 512, 48>}]} {
    %get3A = arith.constant 0 : index
    %get3A_0 = arith.constant 0 : index
    %get3A_1 = arith.constant 0 : index
    %get3A_2 = vector.load %arg1[%get3A, %get3A_0, %get3A_1] : memref<2x512x64xf32, #tpu.memory_space<vmem>>, vector<1x512x64xf32>
    %get3A_3 = vector.shape_cast %get3A_2 : vector<1x512x64xf32> to vector<512x64xf32>
    %get3A_4 = arith.constant 1 : index
    %get3A_5 = arith.constant 0 : index
    %get3A_6 = arith.constant 0 : index
    %get3A_7 = vector.load %arg1[%get3A_4, %get3A_5, %get3A_6] : memref<2x512x64xf32, #tpu.memory_space<vmem>>, vector<1x512x64xf32>
    %get3A_8 = vector.shape_cast %get3A_7 : vector<1x512x64xf32> to vector<512x64xf32>
    %add3A = arith.addf %get3A_3, %get3A_8 : vector<512x64xf32>
    %slice3A = vector.extract_strided_slice %add3A {offsets = [0, 48], sizes = [512, 16], strides = [1, 1]} : vector<512x64xf32> to vector<512x16xf32>
    %get3A_9 = arith.constant 0 : index
    %get3A_10 = arith.constant 0 : index
    %get3A_11 = vector.load %arg3[%get3A_9, %get3A_10] : memref<16x48xf32, #tpu.memory_space<vmem>>, vector<16x48xf32>
    %dot_general3A = arith.constant dense<0.000000e+00> : vector<512x48xf32>
    %dot_general3A_12 = tpu.matmul %slice3A, %get3A_11, %dot_general3A {dimension_numbers = #tpu.dot_dimension_numbers<[1], [0], [0], [1], [0, 0, 1, 1], [], []>, precision = #tpu.contract_precision<fp32>, transpose_lhs_hint = false} : vector<512x16xf32>, vector<16x48xf32>, vector<512x48xf32> -> vector<512x48xf32>
    %slice3A_13 = vector.extract_strided_slice %add3A {offsets = [0, 0], sizes = [512, 48], strides = [1, 1]} : vector<512x64xf32> to vector<512x48xf32>
    %add3A_14 = arith.constant 1.000000e-16 : f32
    %add3A_15 = vector.broadcast %add3A_14 : f32 to vector<512x48xf32>
    %add3A_16 = arith.addf %dot_general3A_12, %add3A_15 : vector<512x48xf32>
    %div3A = arith.divf %slice3A_13, %add3A_16 : vector<512x48xf32>
    %get3A_17 = arith.constant 0 : index
    %get3A_18 = arith.constant 0 : index
    %get3A_19 = vector.load %arg2[%get3A_17, %get3A_18] : memref<1x48xf32, #tpu.memory_space<vmem>>, vector<1x48xf32>
    %add3A_20 = vector.broadcast %get3A_19 : vector<1x48xf32> to vector<512x48xf32>
    %add3A_21 = arith.addf %div3A, %add3A_20 : vector<512x48xf32>
    %get3A_22 = arith.constant 0 : index
    %get3A_23 = arith.constant 0 : index
    %get3A_24 = vector.load %arg4[%get3A_22, %get3A_23] : memref<1x48xf32, #tpu.memory_space<vmem>>, vector<1x48xf32>
    %add3A_25 = vector.broadcast %get3A_24 : vector<1x48xf32> to vector<512x48xf32>
    %add3A_26 = arith.addf %add3A_21, %add3A_25 : vector<512x48xf32>
    %reduce_max3A = arith.constant dense<0xFF800000> : vector<512xf32>
    %reduce_max3A_27 = vector.multi_reduction <maximumf>, %add3A_26, %reduce_max3A [1] : vector<512x48xf32> to vector<512xf32>
    %broadcast_in_dim3A = vector.shape_cast %reduce_max3A_27 : vector<512xf32> to vector<512x1xf32>
    %sub3A = vector.broadcast %broadcast_in_dim3A : vector<512x1xf32> to vector<512x48xf32>
    %sub3A_28 = arith.subf %add3A_26, %sub3A : vector<512x48xf32>
    %exp3A = math.exp %sub3A_28 : vector<512x48xf32>
    %reduce_sum3A = arith.constant dense<0.000000e+00> : vector<512xf32>
    %reduce_sum3A_29 = vector.multi_reduction <add>, %exp3A, %reduce_sum3A [1] : vector<512x48xf32> to vector<512xf32>
    %broadcast_in_dim3A_30 = vector.shape_cast %reduce_sum3A_29 : vector<512xf32> to vector<512x1xf32>
    %log3A = math.log %broadcast_in_dim3A_30 : vector<512x1xf32>
    %sub3A_31 = vector.broadcast %log3A : vector<512x1xf32> to vector<512x48xf32>
    %sub3A_32 = arith.subf %sub3A_28, %sub3A_31 : vector<512x48xf32>
    %swap3A = arith.constant 0 : index
    %swap3A_33 = arith.constant 0 : index
    %swap3A_34 = vector.load %arg5[%swap3A, %swap3A_33] : memref<512x48xf32, #tpu.memory_space<vmem>>, vector<512x48xf32>
    tpu.vector_store %arg5[%swap3A, %swap3A_33], %sub3A_32 {strides = array<i32>} : memref<512x48xf32, #tpu.memory_space<vmem>>, vector<512x48xf32>,
    return
  }
  func.func @transform_0(%arg0: i32) -> (i32, i32, i32) {
    %c0_i32 = arith.constant 0 : i32
    %c0_i32_0 = arith.constant 0 : i32
    %c0_i32_1 = arith.constant 0 : i32
    return %c0_i32, %arg0, %c0_i32_0 : i32, i32, i32
  }
  func.func @transform_1(%arg0: i32) -> (i32, i32) {
    %c0_i32 = arith.constant 0 : i32
    %c0_i32_0 = arith.constant 0 : i32
    %c0_i32_1 = arith.constant 0 : i32
    return %c0_i32, %c0_i32_0 : i32, i32
  }
  func.func @transform_2(%arg0: i32) -> (i32, i32) {
    %c0_i32 = arith.constant 0 : i32
    %c0_i32_0 = arith.constant 0 : i32
    %c0_i32_1 = arith.constant 0 : i32
    return %c0_i32, %c0_i32_0 : i32, i32
  }
  func.func @transform_3(%arg0: i32) -> (i32, i32) {
    %c0_i32 = arith.constant 0 : i32
    %c0_i32_0 = arith.constant 0 : i32
    %c0_i32_1 = arith.constant 0 : i32
    return %c0_i32, %c0_i32_0 : i32, i32
  }
  func.func @transform_4(%arg0: i32) -> (i32, i32) {
    %c0_i32 = arith.constant 0 : i32
    %c0_i32_0 = arith.constant 0 : i32
    return %arg0, %c0_i32 : i32, i32
  }
}

</mosaic_0001>

<sc_bundles>
// kernel: kernel.10.cloned.1.call-start
scs
__scs_entry_jumppad:
0x0: {  	(pc) =	sbr.rel $0x88, $3  }
0x1: {  	(tag) =	ssettag $0x0;
	lr =	simm.s32 $0x1  }
0x2: {  	[smem:$0x3F97] =	sst lr;
	_ =	strace $0xD0000000  }
0x3: {  	_ = 	snop  }
0x4: {  	_ = 	snop  }
0x5: {  	_ = 	snop  }
0x6: {  	_ = 	snop  }
0x7: {  	_ = 	snop  }
__scs_overlays_trampoline_lowered:
0x8: {  	[smem:$0x3FA6] =	sst s0  }
0x9: {  	[smem:$0x3FA7] =	sst s1  }
0xa: {  	[smem:$0x3FA8] =	sst s2  }
0xb: {  	[smem:$0x3FA9] =	sst s3  }
0xc: {  	[smem:$0x3FAA] =	sst s4  }
0xd: {  	[smem:$0x3FAB] =	sst s5  }
0xe: {  	[smem:$0x3FAC] =	sst s6  }
0xf: {  	[smem:$0x3FAD] =	sst s7  }
0x10: {  	[smem:$0x3FAE] =	sst s8  }
0x11: {  	[smem:$0x3FAF] =	sst s9;
	s0 =	simm.s32 @!p0 $0x0  }
0x12: {  	s1 =	sld [smem:$0x3F95];
	s0 =	simm.s32 @p0 $0x1  }
0x13: {  	[smem:$0x3FB0] =	sst s0;
	s0 =	simm.s32 @!p1 $0x0  }
0x14: {  	s2 =	sld [smem:$0x3F94];
	s0 =	simm.s32 @p1 $0x1  }
0x15: {  	[smem:$0x3FB1] =	sst s0;
	s0 =	simm.s32 @!p2 $0x0  }
0x16: {  	s3 =	sld [smem:$0x3FDB];
	s0 =	simm.s32 @p2 $0x1  }
0x17: {  	s4 =	simm.s32 $0x1BF5;
	[smem:$0x3FB3] =	sst s0  }
0x18: {  	s0 =	sld [smem:$0x3F96];
	_ =	swait.ge [sflag:s4], $0x0  }
0x19: {  	s7 =	sld [smem:$0x3F97]  }
0x1a: {  	s8 =	sadd.s32 $0xFFFFE003, lr  }
0x1b: {  	s9 =	sadd.s32 $0xFFFFFEF7, lr;
	s5 =	simm.s32 $0xFFFFFFFF;
	p2 =	slt.u32 s8, $0xFFFFF086  }
0x1c: {  	p1 =	slt.u32 s9, $0xF7A;
	s5 =	simm.s32 @!p2 $0x0  }
0x1d: {  	s5 =	simm.s32 @p1 $0x1;
	p0 =	seq.s32 s7, s2  }
0x1e: {  	s7 =	smul.u32 @!p0 $0xF7A, s2;
	p2 =	seq.s32 @!p0 s5, $0x0  }
0x1f: {  	s9 =	smul.u32 $0xF7A, s1;
	s8 =	simm.s32 @!p0 $0x1BF5;
	p2 =	por !p2, p0  }
0x20: {  	[sflag:s8] =	ssyncset.s32 @!p0 $0xFFFFF086;
	s6 =	sadd.s32 @!p0 s3, s7;
	s7 =	simm.s32 @!p0 $0x108  }
0x21: {  	s3 =	sadd.s32 s3, s9;
	s6 =	sadd.s32 @!p0 $0x88, s6;
	s7 =	simm.s32 @p2 $0x1082  }
0x22: {  	[simem:s7], [sflag:s8] =	dma.local @!p0 [hbm:s6], $0xF7A  }
0x23: {  	s9 =	sor.u32 $0xD0000000, s2;
	s6 =	simm.s32 $0x108;
	_ =	swait.ge @!p0 [sflag:s8], $0x0  }
0x24: {  	s3 =	sadd.s32 $0x88, s3;
	s6 =	simm.s32 @!p1 $0x1082;
	[sflag:s4] =	ssyncset.s32 $0xFFFFF086  }
0x25: {  	[simem:s6], [sflag:s4] =	dma.local [hbm:s3], $0xF7A  }
0x26: {  	[smem:$0x3F97] =	sst s1;
	(tag) =	ssettag s2;
	_ =	strace s9  }
0x27: {  	s1 =	sld [smem:$0x3FA7]  }
0x28: {  	s2 =	sld [smem:$0x3FA8]  }
0x29: {  	s4 =	sld [smem:$0x3FAA]  }
0x2a: {  	p0 =	seq.s32 s5, $0x0;
	s5 =	sld [smem:$0x3FAB]  }
0x2b: {  	s6 =	sld [smem:$0x3FAC]  }
0x2c: {  	s7 =	sld [smem:$0x3FAD]  }
0x2d: {  	s3 =	simm.s32 $0x108;
	s8 =	sld [smem:$0x3FAE]  }
0x2e: {  	s3 =	simm.s32 @!p0 $0x1082;
	s9 =	sld [smem:$0x3FAF]  }
0x2f: {  	lr =	sadd.s32 s0, s3;
	s0 =	sld [smem:$0x3FA6]  }
0x30: {  	s3 =	sld [smem:$0x3FA9]  }
0x31: {  	[smem:$0x3FB2] =	sst s10  }
0x32: {  	s10 =	sld [smem:$0x3FB0];
	_ =	sdelay $0x3  }
0x33: {  	p0 =	seq.s32 s10, $0x1;
	s10 =	sld [smem:$0x3FB2];
	_ =	sdelay $0x3  }
0x34: {  	[smem:$0x3FB2] =	sst s10  }
0x35: {  	s10 =	sld [smem:$0x3FB1];
	_ =	sdelay $0x3  }
0x36: {  	p1 =	seq.s32 s10, $0x1;
	s10 =	sld [smem:$0x3FB2];
	_ =	sdelay $0x3  }
0x37: {  	[smem:$0x3FB2] =	sst s10  }
0x38: {  	s10 =	sld [smem:$0x3FB3]  }
0x39: {  	_ = 	snop;
	(pc) =	sbr.ind lr, $3  }
0x3a: {  	_ = 	snop  }
0x3b: {  	_ = 	snop  }
0x3c: {  	p2 =	seq.s32 s10, $0x1;
	s10 =	sld [smem:$0x3FB2]  }
0x3d: {  	_ =	shalt  }
0x3e: {  	_ =	shalt  }
0x3f: {  	_ =	shalt  }
0x40: {  	_ =	shalt  }
0x41: {  	_ =	shalt  }
0x42: {  	_ =	shalt  }
0x43: {  	_ =	shalt  }
0x44: {  	_ =	shalt  }
0x45: {  	_ =	shalt  }
0x46: {  	_ =	shalt  }
0x47: {  	_ =	shalt  }
0x48: {  	_ =	shalt  }
0x49: {  	_ =	shalt  }
0x4a: {  	_ =	shalt  }
0x4b: {  	_ =	shalt  }
0x4c: {  	_ =	shalt  }
0x4d: {  	_ =	shalt  }
0x4e: {  	_ =	shalt  }
0x4f: {  	_ =	shalt  }
0x50: {  	_ =	shalt  }
0x51: {  	_ =	shalt  }
0x52: {  	_ =	shalt  }
0x53: {  	_ =	shalt  }
0x54: {  	_ =	shalt  }
0x55: {  	_ =	shalt  }
0x56: {  	_ =	shalt  }
0x57: {  	_ =	shalt  }
0x58: {  	_ =	shalt  }
0x59: {  	_ =	shalt  }
0x5a: {  	_ =	shalt  }
0x5b: {  	_ =	shalt  }
0x5c: {  	_ =	shalt  }
0x5d: {  	_ =	shalt  }
0x5e: {  	_ =	shalt  }
0x5f: {  	_ =	shalt  }
0x60: {  	_ =	shalt  }
0x61: {  	_ =	shalt  }
0x62: {  	_ =	shalt  }
0x63: {  	_ =	shalt  }
0x64: {  	_ =	shalt  }
0x65: {  	_ =	shalt  }
0x66: {  	_ =	shalt  }
0x67: {  	_ =	shalt  }
0x68: {  	_ =	shalt  }
0x69: {  	_ =	shalt  }
0x6a: {  	_ =	shalt  }
0x6b: {  	_ =	shalt  }
0x6c: {  	_ =	shalt  }
0x6d: {  	_ =	shalt  }
0x6e: {  	_ =	shalt  }
0x6f: {  	_ =	shalt  }
0x70: {  	_ =	shalt  }
0x71: {  	_ =	shalt  }
0x72: {  	_ =	shalt  }
0x73: {  	_ =	shalt  }
0x74: {  	_ =	shalt  }
0x75: {  	_ =	shalt  }
0x76: {  	_ =	shalt  }
0x77: {  	_ =	shalt  }
0x78: {  	_ =	shalt  }
0x79: {  	_ =	shalt  }
0x7a: {  	_ =	shalt  }
0x7b: {  	_ =	shalt  }
0x7c: {  	_ =	shalt  }
0x7d: {  	_ =	shalt  }
0x7e: {  	_ =	shalt  }
0x7f: {  	_ =	shalt  }
0x80: {  	_ =	shalt  }
0x81: {  	_ =	shalt  }
0x82: {  	_ =	shalt  }
0x83: {  	_ =	shalt  }
0x84: {  	_ =	shalt  }
0x85: {  	_ =	shalt  }
0x86: {  	_ =	shalt  }
0x87: {  	_ =	shalt  }
.Lfunc_end0:
.L_simem_size_0:
called_computation.1_lowered:
.L_overlay_start_0:
0x88: {  	s2 =	sld [smem:$0x3FD9]  }
0x89: {  	s3 =	sld [smem:$0x3FFE];
	_ =	sdelay $0x1  }
0x8a: {  	s1 =	srdreg.scid  }
0x8b: {  	s0 =	sand.u32 $0x1, s1  }
0x8c: {  	s17 =	sshll.u32 s0, $0xA;
	s2 =	sadd.s32 s3, s2  }
0x8d: {  	s2 =	sadd.s32 s2, s17  }
0x8e: {  	[smem:$0x3FBE] =	sst s2  }
0x8f: {  	_ = 	snop  }
0x90: {  	s2 =	sld [smem:$0x3FD0];
	(tm) =	ssettm $0x1  }
0x91: {  	s18 =	sld [smem:$0x3FFB];
	_ =	sdelay $0x3  }
0x92: {  	_ =	strace s18  }
0x93: {  	s3 =	sld [smem:$0x3FFC];
	_ =	sdelay $0x3  }
0x94: {  	_ =	strace s3  }
0x95: {  	s3 =	sld [smem:$0x3FFD];
	_ =	sdelay $0x3  }
0x96: {  	_ =	strace s3  }
0x97: {  	_ =	strace $0x8FFFFFFF  }
0x98: {  	s19 =	sld [smem:$0x3FDB];
	_ =	sdelay $0x1  }
0x99: {  	s4 =	simm.s32 $_scs_section_size  }
0x9a: {  	s5 =	simm.s32 $_size__tile_overlayer_lowered;
	s6 =	simm.s32 $_tile_overlayer_lowered  }
0x9b: {  	s22 =	simm.s32 $0x1BFF;
	s21 =	sshll.u32 s6, $0x1;
	s3 =	sadd.s32 s4, s19  }
0x9c: {  	s7 =	simm.s32 $0x0;
	s20 =	sshll.u32 s5, $0x1;
	s5 =	sadd.s32 s21, s3  }
0x9d: {  	[timem:s7], [sflag:s22] =	dma.local [hbm:s5], s20  }
0x9e: {  	_ =	swait.ge [sflag:s22], s20  }
0x9f: {  	s4 =	ssub.s32 $0x0, s20;
	[sflag:s22] =	ssyncset.done $0x0  }
0xa0: {  	[sflag:s22] =	ssyncadd.s32 s4;
	_ =	sdelay $0x1  }
0xa1: {  	s23 =	simm.s32 $0x1B8B  }
0xa2: {  	_ =	swait.ge [sflag:s23], $0x1  }
0xa3: {  	[sflag:s23] =	ssyncset.done $0x0  }
0xa4: {  	s25 =	simm.s32 $0x1B8E;
	s24 =	sld [smem:$0x3FFE];
	[sflag:s23] =	ssyncadd.s32 $0xFFFFFFFF  }
0xa5: {  	s26 =	simm.s32 $execute0_lowered;
	[smem:$0x3FD2] =	sst s25  }
0xa6: {  	s5 =	sshll.u32 s26, $0x1;
	_ =	strace $0x80000049;
	[dreg:$0x1] =	wrdreg $0xFFFFFFFF  }
0xa7: {  	s28 =	simm.s32 $_size_execute0_lowered;
	s3 =	sadd.s32 s3, s5;
	[dreg:$0x0] =	wrdreg $0x0  }
0xa8: {  	s5 =	sshll.u32 s28, $0x1;
	[dreg:$0x2] =	wrdreg s3  }
0xa9: {  	[dreg:$0x3] =	wrdreg s5  }
0xaa: {  	[dreg:$0x4] =	wrdreg $0xC0  }
0xab: {  	_ =	task [dreg:s7], $0x5FFFF  }
0xac: {  	[dreg:$0x1] =	wrdreg $0xFFFFFFFF  }
0xad: {  	[dreg:$0x0] =	wrdreg $0x60  }
0xae: {  	[dreg:$0x2] =	wrdreg s24  }
0xaf: {  	[dreg:$0x3] =	wrdreg s2  }
0xb0: {  	[dreg:$0x4] =	wrdreg $0x46E00  }
0xb1: {  	[dreg:$0x5] =	wrdreg $0x9  }
0xb2: {  	_ =	task.clear_ibuf [dreg:s7], $0x6FFFF;
	_ =	strace $0x90000049  }
0xb3: {  	s29 =	simm.s32 $0x9;
	_ =	strace $0x8000004B  }
0xb4: {  	_ =	swait.ge [sflag:s29], $0x1  }
0xb5: {  	[sflag:s29] =	ssyncadd.s32 $0xFFFFFFFF  }
0xb6: {  	_ =	strace $0x9000004B  }
0xb7: {  	_ =	sfence  }
0xb8: {  	s30 =	sld [smem:$0x0];
	_ =	sdelay $0x2  }
0xb9: {  	s31 =	sshll.u32 s1, $0xD;
	s1 =	sshrl.u32 s1, $0x2  }
0xba: {  	s3 =	sand.u32 $0x4000, s31;
	s1 =	sadd.s32 s1, s30  }
0xbb: {  	s0 =	sor.u32 s3, s0;
	s1 =	sshll.u32 s1, $0x11  }
0xbc: {  	s0 =	sor.u32 s1, s0  }
0xbd: {  	s0 =	sadd.s32 $0x8F2B, s0  }
0xbe: {  	[sflag:s0] =	ssyncadd.remote.s32 $0x1  }
0xbf: {  	_ =	sfence.sel $0xFFFF  }
0xc0: {  	[dreg:$0x0] =	wrdreg $0xFFFFFFFF;
	(pc) =	sbr.abs _section_cstart, $3  }
0xc1: {  	[dreg:$0x1] =	wrdreg $0xFFFFFFFF  }
0xc2: {  	_ =	task.clear_ibuf [dreg:s7], $0x2FFFF;
	_ =	strace $0x9FFFFFFF  }
0xc3: {  	(tm) =	ssettm $0x7FFFFFFF  }
tec
execute0_lowered:
.L_overlay_start_1:
0x0: {  	(tag) =	ssettag $0x1  }
0x1: {  	s0 =	rddreg [dreg:$0x0]  }
0x2: {  	s2 =	rddreg [dreg:$0x1]  }
0x3: {  	s3 =	rddreg [dreg:$0x2];
	s4 =	simm.s32 $0x0  }
0x4: {  	s12 =	stileid.u32;
	s1 =	srdreg.scid;
	s29 =	simm.s32 $0x2  }
0x5: {  	s30 =	simm.s32 $0x22E0;
	s28 =	simm.s32 $0xB;
	s13 =	simm.s32 $0x288  }
0x6: {  	s14 =	simm.s32 $0xC;
	s15 =	simm.s32 $0x6;
	[smem:$0x7FF] =	sst s4  }
0x7: {  	s7 =	smul.u32 $0xA000, s12;
	s1 =	sand.u32 $0x1, s1;
	s5 =	sadd.s32 $0x1C00, s0  }
0x8: {  	s6 =	sadd.s32 $0x16000, s0;
	s18 =	sshll.u32 s12, $0x6;
	_ =	strace $0x8000004A  }
0x9: {  	s8 =	smul.u32 $0xA0000, s1;
	s10 =	sshll.u32 s1, $0x4;
	s1 =	ssub.s32 $0x2, s1  }
0xa: {  	s18 =	sor.u32 $0x1C0D, s18;
	s9 =	sshrl.u32 s7, $0x3;
	s10 =	sor.u32 s12, s10  }
0xb: {  	s16 =	sshrl.u32 s1, $0x1;
	s12 =	simm.s32 $0x5;
	[dreg:$0x5] =	wrdreg s18  }
0xc: {  	s9 =	sadd.s32 s9, s0;
	s8 =	sadd.s32 s7, s8;
	s11 =	smul.u32 $0x90, s10  }
0xd: {  	s1 =	ssub.s32 s1, s16;
	s7 =	sadd.s32 s7, s3;
	s21 =	sor.u32 $0x60, s10  }
0xe: {  	s17 =	smul.u32 $0x12, s10;
	s22 =	sor.u32 $0x80, s10;
	[dreg:$0x9] =	wrdreg s21  }
0xf: {  	s23 =	sor.u32 $0xA0, s10;
	s24 =	sor.u32 $0xC0, s10;
	[dreg:$0xa] =	wrdreg s22  }
0x10: {  	s25 =	sor.u32 $0xE0, s10;
	s26 =	sor.u32 $0x100, s10;
	[dreg:$0xb] =	wrdreg s23  }
0x11: {  	s10 =	simm.s32 $0x34E0;
	s16 =	simm.s32 $0x318;
	[dreg:$0xc] =	wrdreg s24  }
0x12: {  	s8 =	sshrl.u32 s8, $0x3;
	s9 =	sadd.s32 $0x2A000, s9;
	[dreg:$0xd] =	wrdreg s25  }
0x13: {  	[dreg:$0xe] =	wrdreg s26;
	s31 =	smax.u32 s1, $0x1;
	s7 =	sshrl.u32 s7, $0x3  }
0x14: {  	s25 =	simm.s32 $0x48;
	s26 =	simm.s32 $0x10E0;
	s1 =	simm.s32 $0x7  }
0x15: {  	s24 =	simm.s32 $0xA;
	s21 =	simm.s32 $0x1F8;
	s22 =	simm.s32 $0x9  }
0x16: {  	s0 =	sadd.s32 s8, s0;
	[dreg:$0x4] =	wrdreg s9;
	s11 =	sshrl.u32 s11, $0x3  }
0x17: {  	s8 =	sadd.s32 s5, s17;
	[dreg:$0x10] =	wrdreg s31;
	s9 =	simm.s32 $0x3  }
.Ltmp0:
0x18: {  	s17 =	simm.s32 $0x2D0;
	[dreg:$0x11] =	wrdreg s7;
	(pc) =	sbr.rel .LBB2_1-.Ltmp0, $4  }
0x19: {  	[dreg:$0x6] =	wrdreg s8;
	s19 =	sadd.s32 s5, s11;
	s0 =	sadd.s32 $0x3E000, s0  }
0x1a: {  	s11 =	simm.s32 $0x0;
	s20 =	sadd.s32 $0x240, s19;
	[dreg:$0xf] =	wrdreg s0  }
0x1b: {  	s8 =	sadd.s32 $0x480, s19;
	s19 =	simm.s32 $0x8;
	[dreg:$0x7] =	wrdreg s20  }
0x1c: {  	v0 =	vimm.s32 $0x0;
	[dreg:$0x8] =	wrdreg s8;
	s8 =	simm.s32 $0xD;
	s20 =	simm.s32 $0x4  }
.LBB2_16:
0x1d: {  	_ =	swait.ge [sflag:s14], $0x1200  }
0x1e: {  	[sflag:s14] =	ssyncset.done $0x0  }
0x1f: {  	[sflag:s14] =	ssyncadd.s32 $0xFFFFEE00  }
0x20: {  	[bflag:$0x0] =	sbarrier.arrive $0xFFFF  }
0x21: {  	s18 =	rddreg [dreg:$0x5]  }
0x22: {  	s0 =	rddreg [dreg:$0xf]  }
0x23: {  	s8 =	simm.s32 $0xD;
	s7 =	rddreg [dreg:$0x11]  }
0x24: {  	[hbm:s0], [sflag:s18] =	dma.local [spmem:s7], $0x1400  }
0x25: {  	_ =	swait.ge [sflag:s8], $0x1400  }
0x26: {  	s11 =	rddreg [dreg:$0x12]  }
0x27: {  	s31 =	rddreg [dreg:$0x10];
	s11 =	sadd.s32 $0x1, s11  }
0x28: {  	p0 =	sne.s32 s11, s31  }
.Ltmp1:
0x29: {  	_ = 	snop;
	(pc) =	sbr.rel @!p0 .LBB2_17-.Ltmp1, $3  }
0x2a: {  	_ =	sdelay $0x1  }
0x2b: {  	[sflag:s8] =	ssyncset.done $0x0  }
0x2c: {  	[sflag:s8] =	ssyncadd.s32 $0xFFFFEC00  }
.LBB2_1:
0x2d: {  	[dreg:$0x12] =	wrdreg s11  }
0x2e: {  	s0 =	rddreg [dreg:$0x4]  }
0x2f: {  	[spmem:s7], [sflag:s18] =	dma.local [hbm:s0], $0x1400  }
0x30: {  	_ =	swait.ge [sflag:s8], $0x1400  }
0x31: {  	[sflag:s8] =	ssyncset.done $0x0  }
0x32: {  	[sflag:s8] =	ssyncadd.s32 $0xFFFFEC00  }
0x33: {  	[bflag:$0x0] =	sbarrier.arrive $0xFFFF  }
0x34: {  	s11 =	rddreg [dreg:$0x6]  }
0x35: {  	[tilespmem:s4], [sflag:$0x1] =	stream.linear.gather [hbm4b:s11+s4], $0x90, $0x38;
	[tilespmem:$0xE6E0] =	vst v63  }
0x36: {  	s7 =	simm.s32 $0x90;
	s18 =	rddreg [dreg:$0x7]  }
0x37: {  	[tilespmem:s7], [sflag:$0x2] =	stream.linear.gather [hbm4b:s18+s4], $0x90, $0x38;
	[tilespmem:$0xE6E0] =	vst v63  }
0x38: {  	s31 =	simm.s32 $0x120;
	s23 =	rddreg [dreg:$0x8];
	s11 =	simm.s32 $0x1  }
0x39: {  	[tilespmem:s31], [sflag:$0x3] =	stream.linear.gather [hbm4b:s23+s4], $0x90, $0x38;
	[tilespmem:$0xE6E0] =	vst v63  }
0x3a: {  	_ =	swait.ge [sflag:s11], $0x90  }
0x3b: {  	[sflag:s11] =	ssyncset.done $0x0  }
0x3c: {  	[sflag:s11] =	ssyncadd.s32 $0xFFFFFF70  }
0x3d: {  	[tilespmem:s26], [sflag:$0x7] =	stream.indirect.gather [hbm4b:s6+s25], $0x40, s4, s25, $0xb8;
	[tilespmem:$0xE6E0] =	vst v63  }
0x3e: {  	s18 =	simm.s32 $0x360  }
0x3f: {  	[tilespmem:s18], [sflag:$0x7] =	stream.indirect.gather [hbm4b:s2+s25], $0x10, s25, s25, $0xb8;
	[tilespmem:$0xE6E0] =	vst v63  }
0x40: {  	_ =	swait.ge [sflag:s29], $0x90  }
0x41: {  	[sflag:s29] =	ssyncset.done $0x0  }
0x42: {  	[sflag:s29] =	ssyncadd.s32 $0xFFFFFF70  }
0x43: {  	[tilespmem:s30], [sflag:$0x8] =	stream.indirect.gather [hbm4b:s6+s25], $0x40, s7, s25, $0xb8;
	[tilespmem:$0xE6E0] =	vst v63  }
0x44: {  	s23 =	simm.s32 $0xD8;
	s31 =	simm.s32 $0x7E0  }
0x45: {  	[tilespmem:s31], [sflag:$0x8] =	stream.indirect.gather [hbm4b:s2+s25], $0x10, s23, s25, $0xb8;
	[tilespmem:$0xE6E0] =	vst v63  }
0x46: {  	s23 =	simm.s32 $0x0  }
.LBB2_2:
0x47: {  	_ =	swait.ge [sflag:s1], $0x1200  }
0x48: {  	[sflag:s1] =	ssyncset.done $0x0  }
0x49: {  	[sflag:s1] =	ssyncadd.s32 $0xFFFFEE00  }
0x4a: {  	_ =	swait.ge [sflag:s1], $0x480  }
0x4b: {  	[sflag:s1] =	ssyncset.done $0x0  }
0x4c: {  	s31 =	simm.s32 $0x1160;
	[sflag:s1] =	ssyncadd.s32 $0xFFFFFB80  }
0x4d: {  	s0 =	simm.s32 $0x380;
	v1 =	vld [tilespmem:s31+$0x70]  }
0x4e: {  	v2 =	vld [tilespmem:s0+$0x10]  }
0x4f: {  	v3 =	vld [tilespmem:s0+$0xFFFFFFE0]  }
0x50: {  	v4 =	vld [tilespmem:s31+$0xFFFFFFF0]  }
0x51: {  	v5 =	vld [tilespmem:s0+$0xFFFFFFF0]  }
0x52: {  	v6 =	vld [tilespmem:s31+$0x30]  }
0x53: {  	v7 =	vld [tilespmem:s0+$0x0]  }
0x54: {  	v11 =	vld [tilespmem:s31+$0xFFFFFF80];
	v1 =	vadd.f32 v2, v1  }
0x55: {  	v2 =	vld [tilespmem:s31+$0xFFFFFFB0]  }
0x56: {  	v12 =	vld [tilespmem:s31+$0xFFFFFF90];
	v8 =	vmul.f32 $2.000000030e-01, v1  }
0x57: {  	v13 =	vld [tilespmem:s31+$0xFFFFFFA0];
	vm0 =	vgt.f32 v1, $0.0e+00  }
0x58: {  	v15 =	vld [tilespmem:s31+$0xFFFFFFE0];
	v4 =	vadd.f32 v5, v4;
	v1 =	vsel vm0, v1, v8  }
0x59: {  	s7 =	simm.s32 $0x3C0;
	v17 =	vld [tilespmem:s31+$0x0];
	v5 =	vadd.f32 v7, v6;
	v1 =	vmul.f32 $1.442695020e+00, v1  }
0x5a: {  	v14 =	vld [tilespmem:s7+$0xFFFFFFE0];
	v6 =	vmul.f32 $2.000000030e-01, v4;
	v2 =	vadd.f32 v3, v2  }
0x5b: {  	v19 =	vld [tilespmem:s7+$0xFFFFFFF0];
	vm11 =	vgt.f32 v4, $0.0e+00;
	v3 =	vmul.f32 $2.000000030e-01, v5;
	(erf) = vpow2.f32 v1  }
0x5c: {  	s0 =	simm.s32 $0x1260;
	v21 =	vld [tilespmem:s7+$0x0];
	vm1 =	vgt.f32 v5, $0.0e+00;
	v9 =	vmul.f32 $2.000000030e-01, v2;
	v1 =	vsel vm11, v4, v6  }
0x5d: {  	v16 =	vld [tilespmem:s0+$0xFFFFFFF0];
	vm12 =	vgt.f32 v2, $0.0e+00;
	v3 =	vsel vm1, v5, v3;
	v4 =	vmul.f32 $1.442695020e+00, v1  }
0x5e: {  	v23 =	vld [tilespmem:s0+$0xFFFFFFB0];
	v3 =	vmul.f32 $1.442695020e+00, v3;
	v5 =	vsel vm12, v2, v9  }
0x5f: {  	v6 =	vld [tilespmem:s31+$0x40];
	v5 =	vmul.f32 $1.442695020e+00, v5;
	(erf) = vpow2.f32 v4  }
0x60: {  	v9 =	vld [tilespmem:s7+$0x10];
	(erf) = vpow2.f32 v3  }
0x61: {  	v3 =	vld [tilespmem:s31+$0x60];
	(erf) = vpow2.f32 v5  }
0x62: {  	v5 =	vld [tilespmem:s0+$0x70]  }
0x63: {  	v4 =	vld [tilespmem:s31+$0x50]  }
0x64: {  	v20 =	vld [tilespmem:s0+$0x30];
	v10 =	vpop (erf)  }
0x65: {  	v7 =	vld [tilespmem:s31+$0xFFFFFFD0];
	v14 =	vadd.f32 v14, v23;
	v18 =	vperm.xlane v10, v0  }
0x66: {  	v16 =	vadd.f32 v19, v16;
	v8 =	vld [tilespmem:s31+$0xFFFFFFC0]  }
0x67: {  	v62 =	vmul.f32 $2.000000030e-01, v14;
	v1 =	vld [tilespmem:s31+$0x10];
	v9 =	vadd.f32 v9, v5;
	v3 =	vmul.f32 v3, v18  }
0x68: {  	vm2 =	vgt.f32 v14, $0.0e+00;
	v2 =	vld [tilespmem:s31+$0x20];
	v6 =	vmul.f32 v6, v18;
	v22 =	vpop (erf);
	v18 =	vmul.f32 v4, v18  }
0x69: {  	v14 =	vsel vm2, v14, v62;
	v5 =	vld [tilespmem:s0+$0xFFFFFF80];
	v4 =	vmul.f32 $2.000000030e-01, v9;
	v24 =	vperm.xlane v22, v0;
	v25 =	vpop (erf);
	[tilespmem:s31+$0x60] =	vst v3  }
0x6a: {  	vm13 =	vgt.f32 v9, $0.0e+00;
	v26 =	vpop (erf);
	v3 =	vld [tilespmem:s0+$0xFFFFFF90];
	[tilespmem:s31+$0x50] =	vst v18;
	v18 =	vadd.f32 v21, v20;
	v20 =	vmul.f32 $1.442695020e+00, v14  }
0x6b: {  	[tilespmem:s31+$0x40] =	vst v6;
	v6 =	vsel vm13, v9, v4;
	v4 =	vld [tilespmem:s0+$0xFFFFFFA0];
	v19 =	vperm.xlane v26, v0;
	v27 =	vmul.f32 v8, v24  }
0x6c: {  	[tilespmem:s31+$0x70] =	vst v10;
	v9 =	vld [tilespmem:s0+$0xFFFFFFD0];
	v28 =	vmul.f32 v7, v24;
	v60 =	vmul.f32 $1.442695020e+00, v6  }
0x6d: {  	[tilespmem:s31+$0xFFFFFFF0] =	vst v22;
	v14 =	vld [tilespmem:s0+$0x50];
	v7 =	vmul.f32 $2.000000030e-01, v16;
	v61 =	vmul.f32 v11, v19  }
0x6e: {  	vm14 =	vgt.f32 v16, $0.0e+00;
	[tilespmem:s31+$0x30] =	vst v25;
	v8 =	vld [tilespmem:s0+$0xFFFFFFC0];
	(erf) = vpow2.f32 v60;
	v11 =	vmul.f32 $2.000000030e-01, v18  }
0x6f: {  	[tilespmem:s31+$0xFFFFFFB0] =	vst v26;
	v6 =	vld [tilespmem:s0+$0xFFFFFFE0];
	vm15 =	vgt.f32 v18, $0.0e+00;
	v16 =	vsel vm14, v16, v7  }
0x70: {  	v10 =	vperm.xlane v25, v0;
	[tilespmem:s31+$0xFFFFFFC0] =	vst v27;
	v16 =	vmul.f32 $1.442695020e+00, v16;
	v18 =	vsel vm15, v18, v11;
	v11 =	vld [tilespmem:s0+$0x10]  }
0x71: {  	[tilespmem:s31+$0xFFFFFFD0] =	vst v28;
	v63 =	vmul.f32 v12, v19;
	v12 =	vld [tilespmem:s0+$0x20];
	v18 =	vmul.f32 $1.442695020e+00, v18  }
0x72: {  	v7 =	vld [tilespmem:s0+$0x0];
	v19 =	vmul.f32 v13, v19;
	[tilespmem:s31+$0xFFFFFF80] =	vst v61;
	(erf) = vpow2.f32 v16  }
0x73: {  	v13 =	vld [tilespmem:s0+$0x40];
	[tilespmem:s31+$0xFFFFFF90] =	vst v63;
	v16 =	vmul.f32 v15, v24;
	(erf) = vpow2.f32 v18  }
0x74: {  	s11 =	simm.s32 $0x4;
	s18 =	simm.s32 $0x1360;
	v17 =	vmul.f32 v17, v10;
	[tilespmem:s31+$0xFFFFFFA0] =	vst v19;
	v15 =	vld [tilespmem:s0+$0x60];
	(erf) = vpow2.f32 v20  }
.LBB2_3:
0x75: {  	v18 =	vld [tilespmem:s18+$0x70];
	s7 =	sadd.s32 $0x40, s7;
	[tilespmem:s31+$0xFFFFFFE0] =	vst v16;
	v16 =	vmul.f32 v1, v10;
	v10 =	vmul.f32 v2, v10;
	v1 =	vmov v11  }
0x76: {  	s11 =	sadd.s32 $0x4, s11;
	v11 =	vld [tilespmem:s7+$0x10];
	[tilespmem:s31+$0x0] =	vst v17;
	v2 =	vmov v12  }
0x77: {  	p0 =	slt.u32 s11, $0x44;
	v12 =	vld [tilespmem:s7+$0xFFFFFFE0];
	v17 =	vpop (erf);
	[tilespmem:s31+$0x10] =	vst v16  }
0x78: {  	v16 =	vld [tilespmem:s18+$0xFFFFFFF0];
	v19 =	vperm.xlane v17, v0;
	[tilespmem:s31+$0x20] =	vst v10;
	s31 =	smov.u32 s0;
	s0 =	smov.u32 s18  }
0x79: {  	v20 =	vld [tilespmem:s7+$0xFFFFFFF0];
	[tilespmem:s31+$0x70] =	vst v17  }
0x7a: {  	v17 =	vld [tilespmem:s18+$0x30];
	v25 =	vmul.f32 v13, v19;
	v10 =	vmul.f32 v15, v19  }
0x7b: {  	v14 =	vmul.f32 v14, v19;
	v15 =	vld [tilespmem:s7+$0x0];
	v11 =	vadd.f32 v11, v18;
	v18 =	vpop (erf)  }
0x7c: {  	v19 =	vld [tilespmem:s18+$0xFFFFFFB0];
	v21 =	vperm.xlane v18, v0;
	[tilespmem:s31+$0x60] =	vst v10;
	v22 =	vpop (erf)  }
0x7d: {  	v23 =	vld [tilespmem:s18+$0xFFFFFF80];
	v24 =	vmul.f32 $2.000000030e-01, v11;
	v10 =	vperm.xlane v22, v0;
	[tilespmem:s31+$0x40] =	vst v25;
	v13 =	vpop (erf)  }
0x7e: {  	vm0 =	vgt.f32 v11, $0.0e+00;
	v25 =	vld [tilespmem:s18+$0xFFFFFF90];
	v16 =	vadd.f32 v20, v16;
	v20 =	vperm.xlane v13, v0;
	[tilespmem:s31+$0x50] =	vst v14  }
0x7f: {  	v14 =	vld [tilespmem:s18+$0xFFFFFFA0];
	v11 =	vsel vm0, v11, v24;
	[tilespmem:s31+$0xFFFFFFB0] =	vst v13;
	v13 =	vmul.f32 v8, v21;
	v24 =	vmul.f32 v9, v21  }
0x80: {  	v26 =	vmul.f32 $2.000000030e-01, v16;
	v8 =	vld [tilespmem:s18+$0xFFFFFFC0];
	v15 =	vadd.f32 v15, v17;
	v11 =	vmul.f32 $1.442695020e+00, v11;
	[tilespmem:s31+$0xFFFFFFF0] =	vst v18  }
0x81: {  	vm0 =	vgt.f32 v16, $0.0e+00;
	v17 =	vmul.f32 v5, v20;
	v12 =	vadd.f32 v12, v19;
	v9 =	vld [tilespmem:s18+$0xFFFFFFD0];
	[tilespmem:s31+$0xFFFFFFC0] =	vst v13  }
0x82: {  	v18 =	vld [tilespmem:s18+$0xFFFFFFE0];
	vm1 =	vgt.f32 v15, $0.0e+00;
	v13 =	vmul.f32 $2.000000030e-01, v15;
	(erf) = vpow2.f32 v11;
	[tilespmem:s31+$0xFFFFFFD0] =	vst v24;
	v5 =	vmovc v23  }
0x83: {  	v11 =	vsel vm0, v16, v26;
	vm2 =	vgt.f32 v12, $0.0e+00;
	v19 =	vmul.f32 $2.000000030e-01, v12;
	v23 =	vld [tilespmem:s18+$0x0];
	[tilespmem:s31+$0xFFFFFF80] =	vst v17  }
.Ltmp2:
0x84: {  	v16 =	vmul.f32 $1.442695020e+00, v11;
	v13 =	vsel vm1, v15, v13;
	v11 =	vld [tilespmem:s18+$0x10];
	v15 =	vmul.f32 v3, v20;
	[tilespmem:s31+$0x30] =	vst v22;
	v3 =	vmovc v25;
	(pc) =	sbr.rel @p0 .LBB2_3-.Ltmp2, $4  }
0x85: {  	v20 =	vmul.f32 v4, v20;
	v4 =	vmovc v14;
	v17 =	vsel vm2, v12, v19;
	v19 =	vmul.f32 $1.442695020e+00, v13;
	v12 =	vld [tilespmem:s18+$0x20]  }
0x86: {  	v17 =	vmul.f32 $1.442695020e+00, v17;
	v13 =	vld [tilespmem:s18+$0x40];
	(erf) = vpow2.f32 v16;
	[tilespmem:s31+$0xFFFFFF90] =	vst v15  }
0x87: {  	v16 =	vmul.f32 v6, v21;
	v14 =	vld [tilespmem:s18+$0x50];
	(erf) = vpow2.f32 v19;
	[tilespmem:s31+$0xFFFFFFA0] =	vst v20;
	v6 =	vmov v18  }
0x88: {  	s18 =	sadd.s32 $0x100, s18;
	v15 =	vld [tilespmem:s0+$0x60];
	(erf) = vpow2.f32 v17;
	v17 =	vmul.f32 v7, v10;
	v7 =	vmov v23  }
0x89: {  	_ =	sdelay $0x1  }
0x8a: {  	[tilespmem:s31+$0xFFFFFFE0] =	vst v16;
	v1 =	vmul.f32 v1, v10;
	v16 =	vpop (erf)  }
0x8b: {  	v2 =	vmul.f32 v2, v10;
	[tilespmem:s31+$0x0] =	vst v17;
	v10 =	vperm.xlane v16, v0  }
0x8c: {  	[tilespmem:s31+$0x10] =	vst v1  }
0x8d: {  	[tilespmem:s31+$0x20] =	vst v2;
	v1 =	vmul.f32 v15, v10  }
0x8e: {  	[tilespmem:s0+$0x70] =	vst v16;
	v2 =	vmul.f32 v13, v10  }
0x8f: {  	v10 =	vmul.f32 v14, v10;
	[tilespmem:s0+$0x60] =	vst v1  }
0x90: {  	v13 =	vpop (erf);
	[tilespmem:s0+$0x40] =	vst v2  }
0x91: {  	v1 =	vperm.xlane v13, v0;
	v14 =	vpop (erf);
	[tilespmem:s0+$0x50] =	vst v10  }
0x92: {  	[tilespmem:s0+$0xFFFFFFF0] =	vst v13;
	v2 =	vpop (erf)  }
0x93: {  	v10 =	vperm.xlane v2, v0;
	[tilespmem:s0+$0xFFFFFFB0] =	vst v2;
	v2 =	vmul.f32 v8, v1  }
0x94: {  	[tilespmem:s0+$0x30] =	vst v14;
	v8 =	vmul.f32 v9, v1  }
0x95: {  	v1 =	vmul.f32 v6, v1;
	[tilespmem:s0+$0xFFFFFFC0] =	vst v2  }
0x96: {  	v5 =	vmul.f32 v5, v10;
	[tilespmem:s0+$0xFFFFFFD0] =	vst v8  }
0x97: {  	v2 =	vmul.f32 v3, v10;
	v3 =	vperm.xlane v14, v0;
	[tilespmem:s0+$0xFFFFFFE0] =	vst v1  }
0x98: {  	v4 =	vmul.f32 v4, v10;
	[tilespmem:s0+$0xFFFFFF80] =	vst v5  }
0x99: {  	[tilespmem:s0+$0xFFFFFF90] =	vst v2;
	v2 =	vmul.f32 v7, v3  }
0x9a: {  	[tilespmem:s0+$0xFFFFFFA0] =	vst v4;
	v1 =	vmul.f32 v11, v3  }
0x9b: {  	v3 =	vmul.f32 v12, v3;
	[tilespmem:s0+$0x0] =	vst v2  }
0x9c: {  	[tilespmem:s0+$0x10] =	vst v1  }
0x9d: {  	s31 =	smul.u32 $0xC0, s23;
	[tilespmem:s0+$0x20] =	vst v3  }
0x9e: {  	[spmem:s3] =	stream.indirect.scatter.add.f32 [tilespmem:s26], [sflag:$0xA], $0x40, s25, s25, $0xb8;
	[tilespmem:$0xE6E0] =	vst v63  }
0x9f: {  	p0 =	seq.s32 s23, $0x0;
	s7 =	rddreg [dreg:$0x9]  }
0xa0: {  	s0 =	simm.s32 @!p0 $0xC;
	s7 =	sadd.s32 s7, s31  }
0xa1: {  	_ =	swait.ge @!p0 [sflag:s0], $0x1200;
	s7 =	smul.u32 $0x12, s7  }
0xa2: {  	[sflag:s0] =	ssyncset.done @!p0 $0x0  }
0xa3: {  	s18 =	simm.s32 $0x1B0;
	[sflag:s0] =	ssyncadd.s32 @!p0 $0xFFFFEE00;
	s11 =	sadd.s32 s5, s7  }
0xa4: {  	[tilespmem:s18], [sflag:$0x4] =	stream.linear.gather [hbm4b:s11+s4], $0x90, $0x38;
	[tilespmem:$0xE6E0] =	vst v63  }
0xa5: {  	_ =	swait.ge [sflag:s9], $0x90  }
0xa6: {  	[sflag:s9] =	ssyncset.done $0x0  }
0xa7: {  	s7 =	simm.s32 $0x120;
	[sflag:s9] =	ssyncadd.s32 $0xFFFFFF70  }
0xa8: {  	[tilespmem:s10], [sflag:$0x9] =	stream.indirect.gather [hbm4b:s6+s25], $0x40, s7, s25, $0xb8;
	[tilespmem:$0xE6E0] =	vst v63  }
0xa9: {  	s8 =	simm.s32 $0x168;
	s11 =	simm.s32 $0xC60  }
0xaa: {  	[tilespmem:s11], [sflag:$0x9] =	stream.indirect.gather [hbm4b:s2+s25], $0x10, s8, s25, $0xb8;
	[tilespmem:$0xE6E0] =	vst v63  }
0xab: {  	_ =	swait.ge [sflag:s19], $0x1200  }
0xac: {  	[sflag:s19] =	ssyncset.done $0x0  }
0xad: {  	[sflag:s19] =	ssyncadd.s32 $0xFFFFEE00  }
0xae: {  	_ =	swait.ge [sflag:s19], $0x480  }
0xaf: {  	[sflag:s19] =	ssyncset.done $0x0  }
0xb0: {  	s0 =	simm.s32 $0x2360;
	[sflag:s19] =	ssyncadd.s32 $0xFFFFFB80  }
0xb1: {  	s18 =	simm.s32 $0x800;
	v1 =	vld [tilespmem:s0+$0x70]  }
0xb2: {  	v2 =	vld [tilespmem:s18+$0x10]  }
0xb3: {  	v3 =	vld [tilespmem:s18+$0xFFFFFFE0]  }
0xb4: {  	v4 =	vld [tilespmem:s0+$0xFFFFFFF0]  }
0xb5: {  	v5 =	vld [tilespmem:s18+$0xFFFFFFF0]  }
0xb6: {  	v6 =	vld [tilespmem:s0+$0x30]  }
0xb7: {  	v7 =	vld [tilespmem:s18+$0x0]  }
0xb8: {  	v11 =	vld [tilespmem:s0+$0xFFFFFF80];
	v1 =	vadd.f32 v2, v1  }
0xb9: {  	v2 =	vld [tilespmem:s0+$0xFFFFFFB0]  }
0xba: {  	v12 =	vld [tilespmem:s0+$0xFFFFFF90];
	v8 =	vmul.f32 $2.000000030e-01, v1  }
0xbb: {  	v13 =	vld [tilespmem:s0+$0xFFFFFFA0];
	vm0 =	vgt.f32 v1, $0.0e+00  }
0xbc: {  	v15 =	vld [tilespmem:s0+$0xFFFFFFE0];
	v4 =	vadd.f32 v5, v4;
	v1 =	vsel vm0, v1, v8  }
0xbd: {  	s11 =	simm.s32 $0x840;
	v17 =	vld [tilespmem:s0+$0x0];
	v5 =	vadd.f32 v7, v6;
	v1 =	vmul.f32 $1.442695020e+00, v1  }
0xbe: {  	s7 =	simm.s32 $0x2460;
	v14 =	vld [tilespmem:s11+$0xFFFFFFE0];
	v6 =	vmul.f32 $2.000000030e-01, v4;
	v2 =	vadd.f32 v3, v2  }
0xbf: {  	v16 =	vld [tilespmem:s7+$0xFFFFFFF0];
	vm11 =	vgt.f32 v4, $0.0e+00;
	v3 =	vmul.f32 $2.000000030e-01, v5;
	(erf) = vpow2.f32 v1  }
0xc0: {  	v19 =	vld [tilespmem:s11+$0xFFFFFFF0];
	vm1 =	vgt.f32 v5, $0.0e+00;
	v9 =	vmul.f32 $2.000000030e-01, v2;
	v1 =	vsel vm11, v4, v6  }
0xc1: {  	v20 =	vld [tilespmem:s7+$0x30];
	vm12 =	vgt.f32 v2, $0.0e+00;
	v3 =	vsel vm1, v5, v3;
	v4 =	vmul.f32 $1.442695020e+00, v1  }
0xc2: {  	v23 =	vld [tilespmem:s7+$0xFFFFFFB0];
	v3 =	vmul.f32 $1.442695020e+00, v3;
	v5 =	vsel vm12, v2, v9  }
0xc3: {  	v6 =	vld [tilespmem:s0+$0x40];
	v5 =	vmul.f32 $1.442695020e+00, v5;
	(erf) = vpow2.f32 v4  }
0xc4: {  	v9 =	vld [tilespmem:s11+$0x10];
	(erf) = vpow2.f32 v3  }
0xc5: {  	v3 =	vld [tilespmem:s0+$0x60];
	(erf) = vpow2.f32 v5  }
0xc6: {  	v5 =	vld [tilespmem:s7+$0x70]  }
0xc7: {  	v4 =	vld [tilespmem:s0+$0x50]  }
0xc8: {  	v21 =	vld [tilespmem:s11+$0x0];
	v10 =	vpop (erf)  }
0xc9: {  	v7 =	vld [tilespmem:s0+$0xFFFFFFD0];
	v14 =	vadd.f32 v14, v23;
	v18 =	vperm.xlane v10, v0  }
0xca: {  	v16 =	vadd.f32 v19, v16;
	v8 =	vld [tilespmem:s0+$0xFFFFFFC0]  }
0xcb: {  	v62 =	vmul.f32 $2.000000030e-01, v14;
	v1 =	vld [tilespmem:s0+$0x10];
	v9 =	vadd.f32 v9, v5;
	v3 =	vmul.f32 v3, v18  }
0xcc: {  	vm2 =	vgt.f32 v14, $0.0e+00;
	v2 =	vld [tilespmem:s0+$0x20];
	v6 =	vmul.f32 v6, v18;
	v22 =	vpop (erf);
	v18 =	vmul.f32 v4, v18  }
0xcd: {  	v14 =	vsel vm2, v14, v62;
	v5 =	vld [tilespmem:s7+$0xFFFFFF80];
	v4 =	vmul.f32 $2.000000030e-01, v9;
	v24 =	vperm.xlane v22, v0;
	v25 =	vpop (erf);
	[tilespmem:s0+$0x60] =	vst v3  }
0xce: {  	vm13 =	vgt.f32 v9, $0.0e+00;
	v26 =	vpop (erf);
	v3 =	vld [tilespmem:s7+$0xFFFFFF90];
	[tilespmem:s0+$0x50] =	vst v18;
	v18 =	vadd.f32 v21, v20;
	v20 =	vmul.f32 $1.442695020e+00, v14  }
0xcf: {  	[tilespmem:s0+$0x40] =	vst v6;
	v6 =	vsel vm13, v9, v4;
	v4 =	vld [tilespmem:s7+$0xFFFFFFA0];
	v19 =	vperm.xlane v26, v0;
	v27 =	vmul.f32 v8, v24  }
0xd0: {  	[tilespmem:s0+$0x70] =	vst v10;
	v9 =	vld [tilespmem:s7+$0xFFFFFFD0];
	v28 =	vmul.f32 v7, v24;
	v60 =	vmul.f32 $1.442695020e+00, v6  }
0xd1: {  	[tilespmem:s0+$0xFFFFFFF0] =	vst v22;
	v14 =	vld [tilespmem:s7+$0x50];
	v7 =	vmul.f32 $2.000000030e-01, v16;
	v61 =	vmul.f32 v11, v19  }
0xd2: {  	vm14 =	vgt.f32 v16, $0.0e+00;
	[tilespmem:s0+$0x30] =	vst v25;
	v8 =	vld [tilespmem:s7+$0xFFFFFFC0];
	(erf) = vpow2.f32 v60;
	v11 =	vmul.f32 $2.000000030e-01, v18  }
0xd3: {  	[tilespmem:s0+$0xFFFFFFB0] =	vst v26;
	v6 =	vld [tilespmem:s7+$0xFFFFFFE0];
	vm15 =	vgt.f32 v18, $0.0e+00;
	v16 =	vsel vm14, v16, v7  }
0xd4: {  	v10 =	vperm.xlane v25, v0;
	[tilespmem:s0+$0xFFFFFFC0] =	vst v27;
	v16 =	vmul.f32 $1.442695020e+00, v16;
	v18 =	vsel vm15, v18, v11;
	v11 =	vld [tilespmem:s7+$0x10]  }
0xd5: {  	[tilespmem:s0+$0xFFFFFFD0] =	vst v28;
	v63 =	vmul.f32 v12, v19;
	v12 =	vld [tilespmem:s7+$0x20];
	v18 =	vmul.f32 $1.442695020e+00, v18  }
0xd6: {  	v7 =	vld [tilespmem:s7+$0x0];
	v19 =	vmul.f32 v13, v19;
	[tilespmem:s0+$0xFFFFFF80] =	vst v61;
	(erf) = vpow2.f32 v16  }
0xd7: {  	v13 =	vld [tilespmem:s7+$0x40];
	[tilespmem:s0+$0xFFFFFF90] =	vst v63;
	v16 =	vmul.f32 v15, v24;
	(erf) = vpow2.f32 v18  }
0xd8: {  	s8 =	simm.s32 $0x2560;
	s18 =	simm.s32 $0x4;
	v17 =	vmul.f32 v17, v10;
	[tilespmem:s0+$0xFFFFFFA0] =	vst v19;
	v15 =	vld [tilespmem:s7+$0x60];
	(erf) = vpow2.f32 v20  }
.LBB2_5:
0xd9: {  	v18 =	vld [tilespmem:s8+$0x70];
	s11 =	sadd.s32 $0x40, s11;
	[tilespmem:s0+$0xFFFFFFE0] =	vst v16;
	v16 =	vmul.f32 v1, v10;
	v10 =	vmul.f32 v2, v10;
	v1 =	vmov v11  }
0xda: {  	s18 =	sadd.s32 $0x4, s18;
	v11 =	vld [tilespmem:s11+$0x10];
	[tilespmem:s0+$0x0] =	vst v17;
	v2 =	vmov v12  }
0xdb: {  	p0 =	slt.u32 s18, $0x44;
	v12 =	vld [tilespmem:s11+$0xFFFFFFE0];
	v17 =	vpop (erf);
	[tilespmem:s0+$0x10] =	vst v16  }
0xdc: {  	v16 =	vld [tilespmem:s8+$0xFFFFFFF0];
	v19 =	vperm.xlane v17, v0;
	[tilespmem:s0+$0x20] =	vst v10;
	s0 =	smov.u32 s7;
	s7 =	smov.u32 s8  }
0xdd: {  	v20 =	vld [tilespmem:s11+$0xFFFFFFF0];
	[tilespmem:s0+$0x70] =	vst v17  }
0xde: {  	v17 =	vld [tilespmem:s8+$0x30];
	v25 =	vmul.f32 v13, v19;
	v10 =	vmul.f32 v15, v19  }
0xdf: {  	v14 =	vmul.f32 v14, v19;
	v15 =	vld [tilespmem:s11+$0x0];
	v11 =	vadd.f32 v11, v18;
	v18 =	vpop (erf)  }
0xe0: {  	v19 =	vld [tilespmem:s8+$0xFFFFFFB0];
	v21 =	vperm.xlane v18, v0;
	[tilespmem:s0+$0x60] =	vst v10;
	v22 =	vpop (erf)  }
0xe1: {  	v23 =	vld [tilespmem:s8+$0xFFFFFF80];
	v24 =	vmul.f32 $2.000000030e-01, v11;
	v10 =	vperm.xlane v22, v0;
	[tilespmem:s0+$0x40] =	vst v25;
	v13 =	vpop (erf)  }
0xe2: {  	vm0 =	vgt.f32 v11, $0.0e+00;
	v25 =	vld [tilespmem:s8+$0xFFFFFF90];
	v16 =	vadd.f32 v20, v16;
	v20 =	vperm.xlane v13, v0;
	[tilespmem:s0+$0x50] =	vst v14  }
0xe3: {  	v14 =	vld [tilespmem:s8+$0xFFFFFFA0];
	v11 =	vsel vm0, v11, v24;
	[tilespmem:s0+$0xFFFFFFB0] =	vst v13;
	v13 =	vmul.f32 v8, v21;
	v24 =	vmul.f32 v9, v21  }
0xe4: {  	v26 =	vmul.f32 $2.000000030e-01, v16;
	v8 =	vld [tilespmem:s8+$0xFFFFFFC0];
	v15 =	vadd.f32 v15, v17;
	v11 =	vmul.f32 $1.442695020e+00, v11;
	[tilespmem:s0+$0xFFFFFFF0] =	vst v18  }
0xe5: {  	vm0 =	vgt.f32 v16, $0.0e+00;
	v17 =	vmul.f32 v5, v20;
	v12 =	vadd.f32 v12, v19;
	v9 =	vld [tilespmem:s8+$0xFFFFFFD0];
	[tilespmem:s0+$0xFFFFFFC0] =	vst v13  }
0xe6: {  	v18 =	vld [tilespmem:s8+$0xFFFFFFE0];
	vm1 =	vgt.f32 v15, $0.0e+00;
	v13 =	vmul.f32 $2.000000030e-01, v15;
	(erf) = vpow2.f32 v11;
	[tilespmem:s0+$0xFFFFFFD0] =	vst v24;
	v5 =	vmovc v23  }
0xe7: {  	v11 =	vsel vm0, v16, v26;
	vm2 =	vgt.f32 v12, $0.0e+00;
	v19 =	vmul.f32 $2.000000030e-01, v12;
	v23 =	vld [tilespmem:s8+$0x0];
	[tilespmem:s0+$0xFFFFFF80] =	vst v17  }
.Ltmp3:
0xe8: {  	v16 =	vmul.f32 $1.442695020e+00, v11;
	v13 =	vsel vm1, v15, v13;
	v11 =	vld [tilespmem:s8+$0x10];
	v15 =	vmul.f32 v3, v20;
	[tilespmem:s0+$0x30] =	vst v22;
	v3 =	vmovc v25;
	(pc) =	sbr.rel @p0 .LBB2_5-.Ltmp3, $4  }
0xe9: {  	v20 =	vmul.f32 v4, v20;
	v4 =	vmovc v14;
	v17 =	vsel vm2, v12, v19;
	v19 =	vmul.f32 $1.442695020e+00, v13;
	v12 =	vld [tilespmem:s8+$0x20]  }
0xea: {  	v17 =	vmul.f32 $1.442695020e+00, v17;
	v13 =	vld [tilespmem:s8+$0x40];
	(erf) = vpow2.f32 v16;
	[tilespmem:s0+$0xFFFFFF90] =	vst v15  }
0xeb: {  	v16 =	vmul.f32 v6, v21;
	v14 =	vld [tilespmem:s8+$0x50];
	(erf) = vpow2.f32 v19;
	[tilespmem:s0+$0xFFFFFFA0] =	vst v20;
	v6 =	vmov v18  }
0xec: {  	s8 =	sadd.s32 $0x100, s8;
	v15 =	vld [tilespmem:s7+$0x60];
	(erf) = vpow2.f32 v17;
	v17 =	vmul.f32 v7, v10;
	v7 =	vmov v23  }
0xed: {  	_ =	sdelay $0x1  }
0xee: {  	[tilespmem:s0+$0xFFFFFFE0] =	vst v16;
	v1 =	vmul.f32 v1, v10;
	v16 =	vpop (erf)  }
0xef: {  	v2 =	vmul.f32 v2, v10;
	[tilespmem:s0+$0x0] =	vst v17;
	v10 =	vperm.xlane v16, v0  }
0xf0: {  	[tilespmem:s0+$0x10] =	vst v1  }
0xf1: {  	[tilespmem:s0+$0x20] =	vst v2;
	v1 =	vmul.f32 v15, v10  }
0xf2: {  	[tilespmem:s7+$0x70] =	vst v16;
	v2 =	vmul.f32 v13, v10  }
0xf3: {  	v10 =	vmul.f32 v14, v10;
	[tilespmem:s7+$0x60] =	vst v1  }
0xf4: {  	v13 =	vpop (erf);
	[tilespmem:s7+$0x40] =	vst v2  }
0xf5: {  	v1 =	vperm.xlane v13, v0;
	v14 =	vpop (erf);
	[tilespmem:s7+$0x50] =	vst v10  }
0xf6: {  	[tilespmem:s7+$0xFFFFFFF0] =	vst v13;
	v2 =	vpop (erf)  }
0xf7: {  	v10 =	vperm.xlane v2, v0;
	[tilespmem:s7+$0xFFFFFFB0] =	vst v2;
	v2 =	vmul.f32 v8, v1  }
0xf8: {  	[tilespmem:s7+$0x30] =	vst v14;
	v8 =	vmul.f32 v9, v1  }
0xf9: {  	v1 =	vmul.f32 v6, v1;
	[tilespmem:s7+$0xFFFFFFC0] =	vst v2  }
0xfa: {  	v5 =	vmul.f32 v5, v10;
	[tilespmem:s7+$0xFFFFFFD0] =	vst v8  }
0xfb: {  	v2 =	vmul.f32 v3, v10;
	v3 =	vperm.xlane v14, v0;
	[tilespmem:s7+$0xFFFFFFE0] =	vst v1  }
0xfc: {  	v4 =	vmul.f32 v4, v10;
	[tilespmem:s7+$0xFFFFFF80] =	vst v5  }
0xfd: {  	[tilespmem:s7+$0xFFFFFF90] =	vst v2;
	v2 =	vmul.f32 v7, v3  }
0xfe: {  	[tilespmem:s7+$0xFFFFFFA0] =	vst v4;
	v1 =	vmul.f32 v11, v3  }
0xff: {  	v3 =	vmul.f32 v12, v3;
	[tilespmem:s7+$0x0] =	vst v2  }
0x100: {  	[tilespmem:s7+$0x10] =	vst v1  }
0x101: {  	s8 =	simm.s32 $0xD8;
	[tilespmem:s7+$0x20] =	vst v3  }
0x102: {  	[spmem:s3] =	stream.indirect.scatter.add.f32 [tilespmem:s30], [sflag:$0xB], $0x40, s8, s25, $0xb8;
	[tilespmem:$0xE6E0] =	vst v63  }
0x103: {  	s11 =	rddreg [dreg:$0xa]  }
0x104: {  	s0 =	sadd.s32 s11, s31  }
0x105: {  	_ =	swait.ge [sflag:s24], $0x1200;
	s0 =	smul.u32 $0x12, s0  }
0x106: {  	[sflag:s24] =	ssyncset.done $0x0  }
0x107: {  	s18 =	simm.s32 $0x240;
	[sflag:s24] =	ssyncadd.s32 $0xFFFFEE00;
	s0 =	sadd.s32 s5, s0  }
0x108: {  	[tilespmem:s18], [sflag:$0x5] =	stream.linear.gather [hbm4b:s0+s4], $0x90, $0x38;
	[tilespmem:$0xE6E0] =	vst v63  }
0x109: {  	_ =	swait.ge [sflag:s20], $0x90  }
0x10a: {  	[sflag:s20] =	ssyncset.done $0x0  }
0x10b: {  	s8 =	simm.s32 $0x1B0;
	[sflag:s20] =	ssyncadd.s32 $0xFFFFFF70  }
0x10c: {  	[tilespmem:s26], [sflag:$0x7] =	stream.indirect.gather [hbm4b:s6+s25], $0x40, s8, s25, $0xb8;
	[tilespmem:$0xE6E0] =	vst v63  }
0x10d: {  	s11 =	simm.s32 $0x360  }
0x10e: {  	[tilespmem:s11], [sflag:$0x7] =	stream.indirect.gather [hbm4b:s2+s25], $0x10, s21, s25, $0xb8;
	[tilespmem:$0xE6E0] =	vst v63  }
0x10f: {  	_ =	swait.ge [sflag:s22], $0x1200  }
0x110: {  	[sflag:s22] =	ssyncset.done $0x0  }
0x111: {  	[sflag:s22] =	ssyncadd.s32 $0xFFFFEE00  }
0x112: {  	_ =	swait.ge [sflag:s22], $0x480  }
0x113: {  	[sflag:s22] =	ssyncset.done $0x0  }
0x114: {  	s0 =	simm.s32 $0x3560;
	[sflag:s22] =	ssyncadd.s32 $0xFFFFFB80  }
0x115: {  	s18 =	simm.s32 $0xC80;
	v1 =	vld [tilespmem:s0+$0x70]  }
0x116: {  	v2 =	vld [tilespmem:s18+$0x10]  }
0x117: {  	v3 =	vld [tilespmem:s18+$0xFFFFFFE0]  }
0x118: {  	v4 =	vld [tilespmem:s0+$0xFFFFFFF0]  }
0x119: {  	v5 =	vld [tilespmem:s18+$0xFFFFFFF0]  }
0x11a: {  	v6 =	vld [tilespmem:s0+$0x30]  }
0x11b: {  	v7 =	vld [tilespmem:s18+$0x0]  }
0x11c: {  	v11 =	vld [tilespmem:s0+$0xFFFFFF80];
	v1 =	vadd.f32 v2, v1  }
0x11d: {  	v2 =	vld [tilespmem:s0+$0xFFFFFFB0]  }
0x11e: {  	v12 =	vld [tilespmem:s0+$0xFFFFFF90];
	v8 =	vmul.f32 $2.000000030e-01, v1  }
0x11f: {  	v13 =	vld [tilespmem:s0+$0xFFFFFFA0];
	vm0 =	vgt.f32 v1, $0.0e+00  }
0x120: {  	v15 =	vld [tilespmem:s0+$0xFFFFFFE0];
	v4 =	vadd.f32 v5, v4;
	v1 =	vsel vm0, v1, v8  }
0x121: {  	s11 =	simm.s32 $0xCC0;
	v17 =	vld [tilespmem:s0+$0x0];
	v5 =	vadd.f32 v7, v6;
	v1 =	vmul.f32 $1.442695020e+00, v1  }
0x122: {  	s7 =	simm.s32 $0x3660;
	v14 =	vld [tilespmem:s11+$0xFFFFFFE0];
	v6 =	vmul.f32 $2.000000030e-01, v4;
	v2 =	vadd.f32 v3, v2  }
0x123: {  	v16 =	vld [tilespmem:s7+$0xFFFFFFF0];
	vm11 =	vgt.f32 v4, $0.0e+00;
	v3 =	vmul.f32 $2.000000030e-01, v5;
	(erf) = vpow2.f32 v1  }
0x124: {  	v19 =	vld [tilespmem:s11+$0xFFFFFFF0];
	vm1 =	vgt.f32 v5, $0.0e+00;
	v9 =	vmul.f32 $2.000000030e-01, v2;
	v1 =	vsel vm11, v4, v6  }
0x125: {  	v20 =	vld [tilespmem:s7+$0x30];
	vm12 =	vgt.f32 v2, $0.0e+00;
	v3 =	vsel vm1, v5, v3;
	v4 =	vmul.f32 $1.442695020e+00, v1  }
0x126: {  	v23 =	vld [tilespmem:s7+$0xFFFFFFB0];
	v3 =	vmul.f32 $1.442695020e+00, v3;
	v5 =	vsel vm12, v2, v9  }
0x127: {  	v6 =	vld [tilespmem:s0+$0x40];
	v5 =	vmul.f32 $1.442695020e+00, v5;
	(erf) = vpow2.f32 v4  }
0x128: {  	v9 =	vld [tilespmem:s11+$0x10];
	(erf) = vpow2.f32 v3  }
0x129: {  	v3 =	vld [tilespmem:s0+$0x60];
	(erf) = vpow2.f32 v5  }
0x12a: {  	v5 =	vld [tilespmem:s7+$0x70]  }
0x12b: {  	v4 =	vld [tilespmem:s0+$0x50]  }
0x12c: {  	v21 =	vld [tilespmem:s11+$0x0];
	v10 =	vpop (erf)  }
0x12d: {  	v7 =	vld [tilespmem:s0+$0xFFFFFFD0];
	v14 =	vadd.f32 v14, v23;
	v18 =	vperm.xlane v10, v0  }
0x12e: {  	v16 =	vadd.f32 v19, v16;
	v8 =	vld [tilespmem:s0+$0xFFFFFFC0]  }
0x12f: {  	v62 =	vmul.f32 $2.000000030e-01, v14;
	v1 =	vld [tilespmem:s0+$0x10];
	v9 =	vadd.f32 v9, v5;
	v3 =	vmul.f32 v3, v18  }
0x130: {  	vm2 =	vgt.f32 v14, $0.0e+00;
	v2 =	vld [tilespmem:s0+$0x20];
	v6 =	vmul.f32 v6, v18;
	v22 =	vpop (erf);
	v18 =	vmul.f32 v4, v18  }
0x131: {  	v14 =	vsel vm2, v14, v62;
	v5 =	vld [tilespmem:s7+$0xFFFFFF80];
	v4 =	vmul.f32 $2.000000030e-01, v9;
	v24 =	vperm.xlane v22, v0;
	v25 =	vpop (erf);
	[tilespmem:s0+$0x60] =	vst v3  }
0x132: {  	vm13 =	vgt.f32 v9, $0.0e+00;
	v26 =	vpop (erf);
	v3 =	vld [tilespmem:s7+$0xFFFFFF90];
	[tilespmem:s0+$0x50] =	vst v18;
	v18 =	vadd.f32 v21, v20;
	v20 =	vmul.f32 $1.442695020e+00, v14  }
0x133: {  	[tilespmem:s0+$0x40] =	vst v6;
	v6 =	vsel vm13, v9, v4;
	v4 =	vld [tilespmem:s7+$0xFFFFFFA0];
	v19 =	vperm.xlane v26, v0;
	v27 =	vmul.f32 v8, v24  }
0x134: {  	[tilespmem:s0+$0x70] =	vst v10;
	v9 =	vld [tilespmem:s7+$0xFFFFFFD0];
	v28 =	vmul.f32 v7, v24;
	v60 =	vmul.f32 $1.442695020e+00, v6  }
0x135: {  	[tilespmem:s0+$0xFFFFFFF0] =	vst v22;
	v14 =	vld [tilespmem:s7+$0x50];
	v7 =	vmul.f32 $2.000000030e-01, v16;
	v61 =	vmul.f32 v11, v19  }
0x136: {  	vm14 =	vgt.f32 v16, $0.0e+00;
	[tilespmem:s0+$0x30] =	vst v25;
	v8 =	vld [tilespmem:s7+$0xFFFFFFC0];
	(erf) = vpow2.f32 v60;
	v11 =	vmul.f32 $2.000000030e-01, v18  }
0x137: {  	[tilespmem:s0+$0xFFFFFFB0] =	vst v26;
	v6 =	vld [tilespmem:s7+$0xFFFFFFE0];
	vm15 =	vgt.f32 v18, $0.0e+00;
	v16 =	vsel vm14, v16, v7  }
0x138: {  	v10 =	vperm.xlane v25, v0;
	[tilespmem:s0+$0xFFFFFFC0] =	vst v27;
	v16 =	vmul.f32 $1.442695020e+00, v16;
	v18 =	vsel vm15, v18, v11;
	v11 =	vld [tilespmem:s7+$0x10]  }
0x139: {  	[tilespmem:s0+$0xFFFFFFD0] =	vst v28;
	v63 =	vmul.f32 v12, v19;
	v12 =	vld [tilespmem:s7+$0x20];
	v18 =	vmul.f32 $1.442695020e+00, v18  }
0x13a: {  	v7 =	vld [tilespmem:s7+$0x0];
	v19 =	vmul.f32 v13, v19;
	[tilespmem:s0+$0xFFFFFF80] =	vst v61;
	(erf) = vpow2.f32 v16  }
0x13b: {  	v13 =	vld [tilespmem:s7+$0x40];
	[tilespmem:s0+$0xFFFFFF90] =	vst v63;
	v16 =	vmul.f32 v15, v24;
	(erf) = vpow2.f32 v18  }
0x13c: {  	s8 =	simm.s32 $0x3760;
	s18 =	simm.s32 $0x4;
	v17 =	vmul.f32 v17, v10;
	[tilespmem:s0+$0xFFFFFFA0] =	vst v19;
	v15 =	vld [tilespmem:s7+$0x60];
	(erf) = vpow2.f32 v20  }
.LBB2_7:
0x13d: {  	v18 =	vld [tilespmem:s8+$0x70];
	s11 =	sadd.s32 $0x40, s11;
	[tilespmem:s0+$0xFFFFFFE0] =	vst v16;
	v16 =	vmul.f32 v1, v10;
	v10 =	vmul.f32 v2, v10;
	v1 =	vmov v11  }
0x13e: {  	s18 =	sadd.s32 $0x4, s18;
	v11 =	vld [tilespmem:s11+$0x10];
	[tilespmem:s0+$0x0] =	vst v17;
	v2 =	vmov v12  }
0x13f: {  	p0 =	slt.u32 s18, $0x44;
	v12 =	vld [tilespmem:s11+$0xFFFFFFE0];
	v17 =	vpop (erf);
	[tilespmem:s0+$0x10] =	vst v16  }
0x140: {  	v16 =	vld [tilespmem:s8+$0xFFFFFFF0];
	v19 =	vperm.xlane v17, v0;
	[tilespmem:s0+$0x20] =	vst v10;
	s0 =	smov.u32 s7;
	s7 =	smov.u32 s8  }
0x141: {  	v20 =	vld [tilespmem:s11+$0xFFFFFFF0];
	[tilespmem:s0+$0x70] =	vst v17  }
0x142: {  	v17 =	vld [tilespmem:s8+$0x30];
	v25 =	vmul.f32 v13, v19;
	v10 =	vmul.f32 v15, v19  }
0x143: {  	v14 =	vmul.f32 v14, v19;
	v15 =	vld [tilespmem:s11+$0x0];
	v11 =	vadd.f32 v11, v18;
	v18 =	vpop (erf)  }
0x144: {  	v19 =	vld [tilespmem:s8+$0xFFFFFFB0];
	v21 =	vperm.xlane v18, v0;
	[tilespmem:s0+$0x60] =	vst v10;
	v22 =	vpop (erf)  }
0x145: {  	v23 =	vld [tilespmem:s8+$0xFFFFFF80];
	v24 =	vmul.f32 $2.000000030e-01, v11;
	v10 =	vperm.xlane v22, v0;
	[tilespmem:s0+$0x40] =	vst v25;
	v13 =	vpop (erf)  }
0x146: {  	vm0 =	vgt.f32 v11, $0.0e+00;
	v25 =	vld [tilespmem:s8+$0xFFFFFF90];
	v16 =	vadd.f32 v20, v16;
	v20 =	vperm.xlane v13, v0;
	[tilespmem:s0+$0x50] =	vst v14  }
0x147: {  	v14 =	vld [tilespmem:s8+$0xFFFFFFA0];
	v11 =	vsel vm0, v11, v24;
	[tilespmem:s0+$0xFFFFFFB0] =	vst v13;
	v13 =	vmul.f32 v8, v21;
	v24 =	vmul.f32 v9, v21  }
0x148: {  	v26 =	vmul.f32 $2.000000030e-01, v16;
	v8 =	vld [tilespmem:s8+$0xFFFFFFC0];
	v15 =	vadd.f32 v15, v17;
	v11 =	vmul.f32 $1.442695020e+00, v11;
	[tilespmem:s0+$0xFFFFFFF0] =	vst v18  }
0x149: {  	vm0 =	vgt.f32 v16, $0.0e+00;
	v17 =	vmul.f32 v5, v20;
	v12 =	vadd.f32 v12, v19;
	v9 =	vld [tilespmem:s8+$0xFFFFFFD0];
	[tilespmem:s0+$0xFFFFFFC0] =	vst v13  }
0x14a: {  	v18 =	vld [tilespmem:s8+$0xFFFFFFE0];
	vm1 =	vgt.f32 v15, $0.0e+00;
	v13 =	vmul.f32 $2.000000030e-01, v15;
	(erf) = vpow2.f32 v11;
	[tilespmem:s0+$0xFFFFFFD0] =	vst v24;
	v5 =	vmovc v23  }
0x14b: {  	v11 =	vsel vm0, v16, v26;
	vm2 =	vgt.f32 v12, $0.0e+00;
	v19 =	vmul.f32 $2.000000030e-01, v12;
	v23 =	vld [tilespmem:s8+$0x0];
	[tilespmem:s0+$0xFFFFFF80] =	vst v17  }
.Ltmp4:
0x14c: {  	v16 =	vmul.f32 $1.442695020e+00, v11;
	v13 =	vsel vm1, v15, v13;
	v11 =	vld [tilespmem:s8+$0x10];
	v15 =	vmul.f32 v3, v20;
	[tilespmem:s0+$0x30] =	vst v22;
	v3 =	vmovc v25;
	(pc) =	sbr.rel @p0 .LBB2_7-.Ltmp4, $4  }
0x14d: {  	v20 =	vmul.f32 v4, v20;
	v4 =	vmovc v14;
	v17 =	vsel vm2, v12, v19;
	v19 =	vmul.f32 $1.442695020e+00, v13;
	v12 =	vld [tilespmem:s8+$0x20]  }
0x14e: {  	v17 =	vmul.f32 $1.442695020e+00, v17;
	v13 =	vld [tilespmem:s8+$0x40];
	(erf) = vpow2.f32 v16;
	[tilespmem:s0+$0xFFFFFF90] =	vst v15  }
0x14f: {  	v16 =	vmul.f32 v6, v21;
	v14 =	vld [tilespmem:s8+$0x50];
	(erf) = vpow2.f32 v19;
	[tilespmem:s0+$0xFFFFFFA0] =	vst v20;
	v6 =	vmov v18  }
0x150: {  	s8 =	sadd.s32 $0x100, s8;
	v15 =	vld [tilespmem:s7+$0x60];
	(erf) = vpow2.f32 v17;
	v17 =	vmul.f32 v7, v10;
	v7 =	vmov v23  }
0x151: {  	_ =	sdelay $0x1  }
0x152: {  	[tilespmem:s0+$0xFFFFFFE0] =	vst v16;
	v1 =	vmul.f32 v1, v10;
	v16 =	vpop (erf)  }
0x153: {  	v2 =	vmul.f32 v2, v10;
	[tilespmem:s0+$0x0] =	vst v17;
	v10 =	vperm.xlane v16, v0  }
0x154: {  	[tilespmem:s0+$0x10] =	vst v1  }
0x155: {  	[tilespmem:s0+$0x20] =	vst v2;
	v1 =	vmul.f32 v15, v10  }
0x156: {  	[tilespmem:s7+$0x70] =	vst v16;
	v2 =	vmul.f32 v13, v10  }
0x157: {  	v10 =	vmul.f32 v14, v10;
	[tilespmem:s7+$0x60] =	vst v1  }
0x158: {  	v13 =	vpop (erf);
	[tilespmem:s7+$0x40] =	vst v2  }
0x159: {  	v1 =	vperm.xlane v13, v0;
	v14 =	vpop (erf);
	[tilespmem:s7+$0x50] =	vst v10  }
0x15a: {  	[tilespmem:s7+$0xFFFFFFF0] =	vst v13;
	v2 =	vpop (erf)  }
0x15b: {  	v10 =	vperm.xlane v2, v0;
	[tilespmem:s7+$0xFFFFFFB0] =	vst v2;
	v2 =	vmul.f32 v8, v1  }
0x15c: {  	[tilespmem:s7+$0x30] =	vst v14;
	v8 =	vmul.f32 v9, v1  }
0x15d: {  	v1 =	vmul.f32 v6, v1;
	[tilespmem:s7+$0xFFFFFFC0] =	vst v2  }
0x15e: {  	v5 =	vmul.f32 v5, v10;
	[tilespmem:s7+$0xFFFFFFD0] =	vst v8  }
0x15f: {  	v2 =	vmul.f32 v3, v10;
	v3 =	vperm.xlane v14, v0;
	[tilespmem:s7+$0xFFFFFFE0] =	vst v1  }
0x160: {  	v4 =	vmul.f32 v4, v10;
	[tilespmem:s7+$0xFFFFFF80] =	vst v5  }
0x161: {  	[tilespmem:s7+$0xFFFFFF90] =	vst v2;
	v2 =	vmul.f32 v7, v3  }
0x162: {  	[tilespmem:s7+$0xFFFFFFA0] =	vst v4;
	v1 =	vmul.f32 v11, v3  }
0x163: {  	v3 =	vmul.f32 v12, v3;
	[tilespmem:s7+$0x0] =	vst v2  }
0x164: {  	[tilespmem:s7+$0x10] =	vst v1  }
0x165: {  	s18 =	simm.s32 $0x168;
	[tilespmem:s7+$0x20] =	vst v3  }
0x166: {  	[spmem:s3] =	stream.indirect.scatter.add.f32 [tilespmem:s10], [sflag:$0xC], $0x40, s18, s25, $0xb8;
	[tilespmem:$0xE6E0] =	vst v63  }
0x167: {  	s7 =	rddreg [dreg:$0xb]  }
0x168: {  	s0 =	sadd.s32 s7, s31  }
0x169: {  	_ =	swait.ge [sflag:s28], $0x1200;
	s0 =	smul.u32 $0x12, s0  }
0x16a: {  	[sflag:s28] =	ssyncset.done $0x0  }
0x16b: {  	[sflag:s28] =	ssyncadd.s32 $0xFFFFEE00;
	s0 =	sadd.s32 s5, s0  }
0x16c: {  	[tilespmem:s17], [sflag:$0x6] =	stream.linear.gather [hbm4b:s0+s4], $0x90, $0x38;
	[tilespmem:$0xE6E0] =	vst v63  }
0x16d: {  	_ =	swait.ge [sflag:s12], $0x90  }
0x16e: {  	[sflag:s12] =	ssyncset.done $0x0  }
0x16f: {  	s8 =	simm.s32 $0x240;
	[sflag:s12] =	ssyncadd.s32 $0xFFFFFF70  }
0x170: {  	[tilespmem:s30], [sflag:$0x8] =	stream.indirect.gather [hbm4b:s6+s25], $0x40, s8, s25, $0xb8;
	[tilespmem:$0xE6E0] =	vst v63  }
0x171: {  	s11 =	simm.s32 $0x7E0  }
0x172: {  	[tilespmem:s11], [sflag:$0x8] =	stream.indirect.gather [hbm4b:s2+s25], $0x10, s13, s25, $0xb8;
	[tilespmem:$0xE6E0] =	vst v63  }
0x173: {  	_ =	swait.ge [sflag:s1], $0x1200  }
0x174: {  	[sflag:s1] =	ssyncset.done $0x0  }
0x175: {  	[sflag:s1] =	ssyncadd.s32 $0xFFFFEE00  }
0x176: {  	_ =	swait.ge [sflag:s1], $0x480  }
0x177: {  	[sflag:s1] =	ssyncset.done $0x0  }
0x178: {  	s0 =	simm.s32 $0x1160;
	[sflag:s1] =	ssyncadd.s32 $0xFFFFFB80  }
0x179: {  	s18 =	simm.s32 $0x380;
	v1 =	vld [tilespmem:s0+$0x70]  }
0x17a: {  	v2 =	vld [tilespmem:s18+$0x10]  }
0x17b: {  	v3 =	vld [tilespmem:s18+$0xFFFFFFE0]  }
0x17c: {  	v4 =	vld [tilespmem:s0+$0xFFFFFFF0]  }
0x17d: {  	v5 =	vld [tilespmem:s18+$0xFFFFFFF0]  }
0x17e: {  	v6 =	vld [tilespmem:s0+$0x30]  }
0x17f: {  	v7 =	vld [tilespmem:s18+$0x0]  }
0x180: {  	v11 =	vld [tilespmem:s0+$0xFFFFFF80];
	v1 =	vadd.f32 v2, v1  }
0x181: {  	v2 =	vld [tilespmem:s0+$0xFFFFFFB0]  }
0x182: {  	v12 =	vld [tilespmem:s0+$0xFFFFFF90];
	v8 =	vmul.f32 $2.000000030e-01, v1  }
0x183: {  	v13 =	vld [tilespmem:s0+$0xFFFFFFA0];
	vm0 =	vgt.f32 v1, $0.0e+00  }
0x184: {  	v15 =	vld [tilespmem:s0+$0xFFFFFFE0];
	v4 =	vadd.f32 v5, v4;
	v1 =	vsel vm0, v1, v8  }
0x185: {  	s11 =	simm.s32 $0x3C0;
	v17 =	vld [tilespmem:s0+$0x0];
	v5 =	vadd.f32 v7, v6;
	v1 =	vmul.f32 $1.442695020e+00, v1  }
0x186: {  	s7 =	simm.s32 $0x1260;
	v14 =	vld [tilespmem:s11+$0xFFFFFFE0];
	v6 =	vmul.f32 $2.000000030e-01, v4;
	v2 =	vadd.f32 v3, v2  }
0x187: {  	v16 =	vld [tilespmem:s7+$0xFFFFFFF0];
	vm11 =	vgt.f32 v4, $0.0e+00;
	v3 =	vmul.f32 $2.000000030e-01, v5;
	(erf) = vpow2.f32 v1  }
0x188: {  	v19 =	vld [tilespmem:s11+$0xFFFFFFF0];
	vm1 =	vgt.f32 v5, $0.0e+00;
	v9 =	vmul.f32 $2.000000030e-01, v2;
	v1 =	vsel vm11, v4, v6  }
0x189: {  	v20 =	vld [tilespmem:s7+$0x30];
	vm12 =	vgt.f32 v2, $0.0e+00;
	v3 =	vsel vm1, v5, v3;
	v4 =	vmul.f32 $1.442695020e+00, v1  }
0x18a: {  	v23 =	vld [tilespmem:s7+$0xFFFFFFB0];
	v3 =	vmul.f32 $1.442695020e+00, v3;
	v5 =	vsel vm12, v2, v9  }
0x18b: {  	v6 =	vld [tilespmem:s0+$0x40];
	v5 =	vmul.f32 $1.442695020e+00, v5;
	(erf) = vpow2.f32 v4  }
0x18c: {  	v9 =	vld [tilespmem:s11+$0x10];
	(erf) = vpow2.f32 v3  }
0x18d: {  	v3 =	vld [tilespmem:s0+$0x60];
	(erf) = vpow2.f32 v5  }
0x18e: {  	v5 =	vld [tilespmem:s7+$0x70]  }
0x18f: {  	v4 =	vld [tilespmem:s0+$0x50]  }
0x190: {  	v21 =	vld [tilespmem:s11+$0x0];
	v10 =	vpop (erf)  }
0x191: {  	v7 =	vld [tilespmem:s0+$0xFFFFFFD0];
	v14 =	vadd.f32 v14, v23;
	v18 =	vperm.xlane v10, v0  }
0x192: {  	v16 =	vadd.f32 v19, v16;
	v8 =	vld [tilespmem:s0+$0xFFFFFFC0]  }
0x193: {  	v62 =	vmul.f32 $2.000000030e-01, v14;
	v1 =	vld [tilespmem:s0+$0x10];
	v9 =	vadd.f32 v9, v5;
	v3 =	vmul.f32 v3, v18  }
0x194: {  	vm2 =	vgt.f32 v14, $0.0e+00;
	v2 =	vld [tilespmem:s0+$0x20];
	v6 =	vmul.f32 v6, v18;
	v22 =	vpop (erf);
	v18 =	vmul.f32 v4, v18  }
0x195: {  	v14 =	vsel vm2, v14, v62;
	v5 =	vld [tilespmem:s7+$0xFFFFFF80];
	v4 =	vmul.f32 $2.000000030e-01, v9;
	v24 =	vperm.xlane v22, v0;
	v25 =	vpop (erf);
	[tilespmem:s0+$0x60] =	vst v3  }
0x196: {  	vm13 =	vgt.f32 v9, $0.0e+00;
	v26 =	vpop (erf);
	v3 =	vld [tilespmem:s7+$0xFFFFFF90];
	[tilespmem:s0+$0x50] =	vst v18;
	v18 =	vadd.f32 v21, v20;
	v20 =	vmul.f32 $1.442695020e+00, v14  }
0x197: {  	[tilespmem:s0+$0x40] =	vst v6;
	v6 =	vsel vm13, v9, v4;
	v4 =	vld [tilespmem:s7+$0xFFFFFFA0];
	v19 =	vperm.xlane v26, v0;
	v27 =	vmul.f32 v8, v24  }
0x198: {  	[tilespmem:s0+$0x70] =	vst v10;
	v9 =	vld [tilespmem:s7+$0xFFFFFFD0];
	v28 =	vmul.f32 v7, v24;
	v60 =	vmul.f32 $1.442695020e+00, v6  }
0x199: {  	[tilespmem:s0+$0xFFFFFFF0] =	vst v22;
	v14 =	vld [tilespmem:s7+$0x50];
	v7 =	vmul.f32 $2.000000030e-01, v16;
	v61 =	vmul.f32 v11, v19  }
0x19a: {  	vm14 =	vgt.f32 v16, $0.0e+00;
	[tilespmem:s0+$0x30] =	vst v25;
	v8 =	vld [tilespmem:s7+$0xFFFFFFC0];
	(erf) = vpow2.f32 v60;
	v11 =	vmul.f32 $2.000000030e-01, v18  }
0x19b: {  	[tilespmem:s0+$0xFFFFFFB0] =	vst v26;
	v6 =	vld [tilespmem:s7+$0xFFFFFFE0];
	vm15 =	vgt.f32 v18, $0.0e+00;
	v16 =	vsel vm14, v16, v7  }
0x19c: {  	v10 =	vperm.xlane v25, v0;
	[tilespmem:s0+$0xFFFFFFC0] =	vst v27;
	v16 =	vmul.f32 $1.442695020e+00, v16;
	v18 =	vsel vm15, v18, v11;
	v11 =	vld [tilespmem:s7+$0x10]  }
0x19d: {  	[tilespmem:s0+$0xFFFFFFD0] =	vst v28;
	v63 =	vmul.f32 v12, v19;
	v12 =	vld [tilespmem:s7+$0x20];
	v18 =	vmul.f32 $1.442695020e+00, v18  }
0x19e: {  	v7 =	vld [tilespmem:s7+$0x0];
	v19 =	vmul.f32 v13, v19;
	[tilespmem:s0+$0xFFFFFF80] =	vst v61;
	(erf) = vpow2.f32 v16  }
0x19f: {  	v13 =	vld [tilespmem:s7+$0x40];
	[tilespmem:s0+$0xFFFFFF90] =	vst v63;
	v16 =	vmul.f32 v15, v24;
	(erf) = vpow2.f32 v18  }
0x1a0: {  	s8 =	simm.s32 $0x1360;
	s18 =	simm.s32 $0x4;
	v17 =	vmul.f32 v17, v10;
	[tilespmem:s0+$0xFFFFFFA0] =	vst v19;
	v15 =	vld [tilespmem:s7+$0x60];
	(erf) = vpow2.f32 v20  }
.LBB2_9:
0x1a1: {  	v18 =	vld [tilespmem:s8+$0x70];
	s11 =	sadd.s32 $0x40, s11;
	[tilespmem:s0+$0xFFFFFFE0] =	vst v16;
	v16 =	vmul.f32 v1, v10;
	v10 =	vmul.f32 v2, v10;
	v1 =	vmov v11  }
0x1a2: {  	s18 =	sadd.s32 $0x4, s18;
	v11 =	vld [tilespmem:s11+$0x10];
	[tilespmem:s0+$0x0] =	vst v17;
	v2 =	vmov v12  }
0x1a3: {  	p0 =	slt.u32 s18, $0x44;
	v12 =	vld [tilespmem:s11+$0xFFFFFFE0];
	v17 =	vpop (erf);
	[tilespmem:s0+$0x10] =	vst v16  }
0x1a4: {  	v16 =	vld [tilespmem:s8+$0xFFFFFFF0];
	v19 =	vperm.xlane v17, v0;
	[tilespmem:s0+$0x20] =	vst v10;
	s0 =	smov.u32 s7;
	s7 =	smov.u32 s8  }
0x1a5: {  	v20 =	vld [tilespmem:s11+$0xFFFFFFF0];
	[tilespmem:s0+$0x70] =	vst v17  }
0x1a6: {  	v17 =	vld [tilespmem:s8+$0x30];
	v25 =	vmul.f32 v13, v19;
	v10 =	vmul.f32 v15, v19  }
0x1a7: {  	v14 =	vmul.f32 v14, v19;
	v15 =	vld [tilespmem:s11+$0x0];
	v11 =	vadd.f32 v11, v18;
	v18 =	vpop (erf)  }
0x1a8: {  	v19 =	vld [tilespmem:s8+$0xFFFFFFB0];
	v21 =	vperm.xlane v18, v0;
	[tilespmem:s0+$0x60] =	vst v10;
	v22 =	vpop (erf)  }
0x1a9: {  	v23 =	vld [tilespmem:s8+$0xFFFFFF80];
	v24 =	vmul.f32 $2.000000030e-01, v11;
	v10 =	vperm.xlane v22, v0;
	[tilespmem:s0+$0x40] =	vst v25;
	v13 =	vpop (erf)  }
0x1aa: {  	vm0 =	vgt.f32 v11, $0.0e+00;
	v25 =	vld [tilespmem:s8+$0xFFFFFF90];
	v16 =	vadd.f32 v20, v16;
	v20 =	vperm.xlane v13, v0;
	[tilespmem:s0+$0x50] =	vst v14  }
0x1ab: {  	v14 =	vld [tilespmem:s8+$0xFFFFFFA0];
	v11 =	vsel vm0, v11, v24;
	[tilespmem:s0+$0xFFFFFFB0] =	vst v13;
	v13 =	vmul.f32 v8, v21;
	v24 =	vmul.f32 v9, v21  }
0x1ac: {  	v26 =	vmul.f32 $2.000000030e-01, v16;
	v8 =	vld [tilespmem:s8+$0xFFFFFFC0];
	v15 =	vadd.f32 v15, v17;
	v11 =	vmul.f32 $1.442695020e+00, v11;
	[tilespmem:s0+$0xFFFFFFF0] =	vst v18  }
0x1ad: {  	vm0 =	vgt.f32 v16, $0.0e+00;
	v17 =	vmul.f32 v5, v20;
	v12 =	vadd.f32 v12, v19;
	v9 =	vld [tilespmem:s8+$0xFFFFFFD0];
	[tilespmem:s0+$0xFFFFFFC0] =	vst v13  }
0x1ae: {  	v18 =	vld [tilespmem:s8+$0xFFFFFFE0];
	vm1 =	vgt.f32 v15, $0.0e+00;
	v13 =	vmul.f32 $2.000000030e-01, v15;
	(erf) = vpow2.f32 v11;
	[tilespmem:s0+$0xFFFFFFD0] =	vst v24;
	v5 =	vmovc v23  }
0x1af: {  	v11 =	vsel vm0, v16, v26;
	vm2 =	vgt.f32 v12, $0.0e+00;
	v19 =	vmul.f32 $2.000000030e-01, v12;
	v23 =	vld [tilespmem:s8+$0x0];
	[tilespmem:s0+$0xFFFFFF80] =	vst v17  }
.Ltmp5:
0x1b0: {  	v16 =	vmul.f32 $1.442695020e+00, v11;
	v13 =	vsel vm1, v15, v13;
	v11 =	vld [tilespmem:s8+$0x10];
	v15 =	vmul.f32 v3, v20;
	[tilespmem:s0+$0x30] =	vst v22;
	v3 =	vmovc v25;
	(pc) =	sbr.rel @p0 .LBB2_9-.Ltmp5, $4  }
0x1b1: {  	v20 =	vmul.f32 v4, v20;
	v4 =	vmovc v14;
	v17 =	vsel vm2, v12, v19;
	v19 =	vmul.f32 $1.442695020e+00, v13;
	v12 =	vld [tilespmem:s8+$0x20]  }
0x1b2: {  	v17 =	vmul.f32 $1.442695020e+00, v17;
	v13 =	vld [tilespmem:s8+$0x40];
	(erf) = vpow2.f32 v16;
	[tilespmem:s0+$0xFFFFFF90] =	vst v15  }
0x1b3: {  	v16 =	vmul.f32 v6, v21;
	v14 =	vld [tilespmem:s8+$0x50];
	(erf) = vpow2.f32 v19;
	[tilespmem:s0+$0xFFFFFFA0] =	vst v20;
	v6 =	vmov v18  }
0x1b4: {  	s8 =	sadd.s32 $0x100, s8;
	v15 =	vld [tilespmem:s7+$0x60];
	(erf) = vpow2.f32 v17;
	v17 =	vmul.f32 v7, v10;
	v7 =	vmov v23  }
0x1b5: {  	_ =	sdelay $0x1  }
0x1b6: {  	[tilespmem:s0+$0xFFFFFFE0] =	vst v16;
	v1 =	vmul.f32 v1, v10;
	v16 =	vpop (erf)  }
0x1b7: {  	v2 =	vmul.f32 v2, v10;
	[tilespmem:s0+$0x0] =	vst v17;
	v10 =	vperm.xlane v16, v0  }
0x1b8: {  	[tilespmem:s0+$0x10] =	vst v1  }
0x1b9: {  	[tilespmem:s0+$0x20] =	vst v2;
	v1 =	vmul.f32 v15, v10  }
0x1ba: {  	[tilespmem:s7+$0x70] =	vst v16;
	v2 =	vmul.f32 v13, v10  }
0x1bb: {  	v10 =	vmul.f32 v14, v10;
	[tilespmem:s7+$0x60] =	vst v1  }
0x1bc: {  	v13 =	vpop (erf);
	[tilespmem:s7+$0x40] =	vst v2  }
0x1bd: {  	v1 =	vperm.xlane v13, v0;
	v14 =	vpop (erf);
	[tilespmem:s7+$0x50] =	vst v10  }
0x1be: {  	[tilespmem:s7+$0xFFFFFFF0] =	vst v13;
	v2 =	vpop (erf)  }
0x1bf: {  	v10 =	vperm.xlane v2, v0;
	[tilespmem:s7+$0xFFFFFFB0] =	vst v2;
	v2 =	vmul.f32 v8, v1  }
0x1c0: {  	[tilespmem:s7+$0x30] =	vst v14;
	v8 =	vmul.f32 v9, v1  }
0x1c1: {  	v1 =	vmul.f32 v6, v1;
	[tilespmem:s7+$0xFFFFFFC0] =	vst v2  }
0x1c2: {  	v5 =	vmul.f32 v5, v10;
	[tilespmem:s7+$0xFFFFFFD0] =	vst v8  }
0x1c3: {  	v2 =	vmul.f32 v3, v10;
	v3 =	vperm.xlane v14, v0;
	[tilespmem:s7+$0xFFFFFFE0] =	vst v1  }
0x1c4: {  	v4 =	vmul.f32 v4, v10;
	[tilespmem:s7+$0xFFFFFF80] =	vst v5  }
0x1c5: {  	[tilespmem:s7+$0xFFFFFF90] =	vst v2;
	v2 =	vmul.f32 v7, v3  }
0x1c6: {  	[tilespmem:s7+$0xFFFFFFA0] =	vst v4;
	v1 =	vmul.f32 v11, v3  }
0x1c7: {  	v3 =	vmul.f32 v12, v3;
	[tilespmem:s7+$0x0] =	vst v2  }
0x1c8: {  	[tilespmem:s7+$0x10] =	vst v1  }
0x1c9: {  	[tilespmem:s7+$0x20] =	vst v3  }
0x1ca: {  	[spmem:s3] =	stream.indirect.scatter.add.f32 [tilespmem:s26], [sflag:$0xA], $0x40, s21, s25, $0xb8;
	[tilespmem:$0xE6E0] =	vst v63  }
0x1cb: {  	p0 =	seq.s32 s23, $0x17;
	s0 =	rddreg [dreg:$0xc]  }
0x1cc: {  	s0 =	sadd.s32 @!p0 s0, s31  }
0x1cd: {  	_ =	swait.ge [sflag:s14], $0x1200;
	s0 =	smul.u32 @!p0 $0x12, s0  }
0x1ce: {  	[sflag:s14] =	ssyncset.done $0x0  }
0x1cf: {  	s7 =	simm.s32 @!p0 $0x0;
	[sflag:s14] =	ssyncadd.s32 $0xFFFFEE00;
	s0 =	sadd.s32 @!p0 s5, s0  }
0x1d0: {  	[tilespmem:s7], [sflag:$0x1] =	stream.linear.gather @!p0 [hbm4b:s0+s7], $0x90, $0x38;
	[tilespmem:$0xE6E0] =	vst v63  }
0x1d1: {  	_ =	swait.ge [sflag:s15], $0x90  }
0x1d2: {  	[sflag:s15] =	ssyncset.done $0x0  }
0x1d3: {  	[sflag:s15] =	ssyncadd.s32 $0xFFFFFF70  }
0x1d4: {  	[tilespmem:s10], [sflag:$0x9] =	stream.indirect.gather [hbm4b:s6+s25], $0x40, s17, s25, $0xb8;
	[tilespmem:$0xE6E0] =	vst v63  }
0x1d5: {  	s11 =	simm.s32 $0xC60  }
0x1d6: {  	[tilespmem:s11], [sflag:$0x9] =	stream.indirect.gather [hbm4b:s2+s25], $0x10, s16, s25, $0xb8;
	[tilespmem:$0xE6E0] =	vst v63  }
0x1d7: {  	_ =	swait.ge [sflag:s19], $0x1200  }
0x1d8: {  	[sflag:s19] =	ssyncset.done $0x0  }
0x1d9: {  	[sflag:s19] =	ssyncadd.s32 $0xFFFFEE00  }
0x1da: {  	_ =	swait.ge [sflag:s19], $0x480  }
0x1db: {  	[sflag:s19] =	ssyncset.done $0x0  }
0x1dc: {  	s0 =	simm.s32 $0x2360;
	[sflag:s19] =	ssyncadd.s32 $0xFFFFFB80  }
0x1dd: {  	s18 =	simm.s32 $0x800;
	v1 =	vld [tilespmem:s0+$0x70]  }
0x1de: {  	v2 =	vld [tilespmem:s18+$0x10]  }
0x1df: {  	v3 =	vld [tilespmem:s18+$0xFFFFFFE0]  }
0x1e0: {  	v4 =	vld [tilespmem:s0+$0xFFFFFFF0]  }
0x1e1: {  	v5 =	vld [tilespmem:s18+$0xFFFFFFF0]  }
0x1e2: {  	v6 =	vld [tilespmem:s0+$0x30]  }
0x1e3: {  	v7 =	vld [tilespmem:s18+$0x0]  }
0x1e4: {  	v11 =	vld [tilespmem:s0+$0xFFFFFF80];
	v1 =	vadd.f32 v2, v1  }
0x1e5: {  	v2 =	vld [tilespmem:s0+$0xFFFFFFB0]  }
0x1e6: {  	v12 =	vld [tilespmem:s0+$0xFFFFFF90];
	v8 =	vmul.f32 $2.000000030e-01, v1  }
0x1e7: {  	v13 =	vld [tilespmem:s0+$0xFFFFFFA0];
	vm0 =	vgt.f32 v1, $0.0e+00  }
0x1e8: {  	v15 =	vld [tilespmem:s0+$0xFFFFFFE0];
	v4 =	vadd.f32 v5, v4;
	v1 =	vsel vm0, v1, v8  }
0x1e9: {  	s11 =	simm.s32 $0x840;
	v17 =	vld [tilespmem:s0+$0x0];
	v5 =	vadd.f32 v7, v6;
	v1 =	vmul.f32 $1.442695020e+00, v1  }
0x1ea: {  	s7 =	simm.s32 $0x2460;
	v14 =	vld [tilespmem:s11+$0xFFFFFFE0];
	v6 =	vmul.f32 $2.000000030e-01, v4;
	v2 =	vadd.f32 v3, v2  }
0x1eb: {  	v16 =	vld [tilespmem:s7+$0xFFFFFFF0];
	vm11 =	vgt.f32 v4, $0.0e+00;
	v3 =	vmul.f32 $2.000000030e-01, v5;
	(erf) = vpow2.f32 v1  }
0x1ec: {  	v19 =	vld [tilespmem:s11+$0xFFFFFFF0];
	vm1 =	vgt.f32 v5, $0.0e+00;
	v9 =	vmul.f32 $2.000000030e-01, v2;
	v1 =	vsel vm11, v4, v6  }
0x1ed: {  	v20 =	vld [tilespmem:s7+$0x30];
	vm12 =	vgt.f32 v2, $0.0e+00;
	v3 =	vsel vm1, v5, v3;
	v4 =	vmul.f32 $1.442695020e+00, v1  }
0x1ee: {  	v23 =	vld [tilespmem:s7+$0xFFFFFFB0];
	v3 =	vmul.f32 $1.442695020e+00, v3;
	v5 =	vsel vm12, v2, v9  }
0x1ef: {  	v6 =	vld [tilespmem:s0+$0x40];
	v5 =	vmul.f32 $1.442695020e+00, v5;
	(erf) = vpow2.f32 v4  }
0x1f0: {  	v9 =	vld [tilespmem:s11+$0x10];
	(erf) = vpow2.f32 v3  }
0x1f1: {  	v3 =	vld [tilespmem:s0+$0x60];
	(erf) = vpow2.f32 v5  }
0x1f2: {  	v5 =	vld [tilespmem:s7+$0x70]  }
0x1f3: {  	v4 =	vld [tilespmem:s0+$0x50]  }
0x1f4: {  	v21 =	vld [tilespmem:s11+$0x0];
	v10 =	vpop (erf)  }
0x1f5: {  	v7 =	vld [tilespmem:s0+$0xFFFFFFD0];
	v14 =	vadd.f32 v14, v23;
	v18 =	vperm.xlane v10, v0  }
0x1f6: {  	v16 =	vadd.f32 v19, v16;
	v8 =	vld [tilespmem:s0+$0xFFFFFFC0]  }
0x1f7: {  	v62 =	vmul.f32 $2.000000030e-01, v14;
	v1 =	vld [tilespmem:s0+$0x10];
	v9 =	vadd.f32 v9, v5;
	v3 =	vmul.f32 v3, v18  }
0x1f8: {  	vm2 =	vgt.f32 v14, $0.0e+00;
	v2 =	vld [tilespmem:s0+$0x20];
	v6 =	vmul.f32 v6, v18;
	v22 =	vpop (erf);
	v18 =	vmul.f32 v4, v18  }
0x1f9: {  	v14 =	vsel vm2, v14, v62;
	v5 =	vld [tilespmem:s7+$0xFFFFFF80];
	v4 =	vmul.f32 $2.000000030e-01, v9;
	v24 =	vperm.xlane v22, v0;
	v25 =	vpop (erf);
	[tilespmem:s0+$0x60] =	vst v3  }
0x1fa: {  	vm13 =	vgt.f32 v9, $0.0e+00;
	v26 =	vpop (erf);
	v3 =	vld [tilespmem:s7+$0xFFFFFF90];
	[tilespmem:s0+$0x50] =	vst v18;
	v18 =	vadd.f32 v21, v20;
	v20 =	vmul.f32 $1.442695020e+00, v14  }
0x1fb: {  	[tilespmem:s0+$0x40] =	vst v6;
	v6 =	vsel vm13, v9, v4;
	v4 =	vld [tilespmem:s7+$0xFFFFFFA0];
	v19 =	vperm.xlane v26, v0;
	v27 =	vmul.f32 v8, v24  }
0x1fc: {  	[tilespmem:s0+$0x70] =	vst v10;
	v9 =	vld [tilespmem:s7+$0xFFFFFFD0];
	v28 =	vmul.f32 v7, v24;
	v60 =	vmul.f32 $1.442695020e+00, v6  }
0x1fd: {  	[tilespmem:s0+$0xFFFFFFF0] =	vst v22;
	v14 =	vld [tilespmem:s7+$0x50];
	v7 =	vmul.f32 $2.000000030e-01, v16;
	v61 =	vmul.f32 v11, v19  }
0x1fe: {  	vm14 =	vgt.f32 v16, $0.0e+00;
	[tilespmem:s0+$0x30] =	vst v25;
	v8 =	vld [tilespmem:s7+$0xFFFFFFC0];
	(erf) = vpow2.f32 v60;
	v11 =	vmul.f32 $2.000000030e-01, v18  }
0x1ff: {  	[tilespmem:s0+$0xFFFFFFB0] =	vst v26;
	v6 =	vld [tilespmem:s7+$0xFFFFFFE0];
	vm15 =	vgt.f32 v18, $0.0e+00;
	v16 =	vsel vm14, v16, v7  }
0x200: {  	v10 =	vperm.xlane v25, v0;
	[tilespmem:s0+$0xFFFFFFC0] =	vst v27;
	v16 =	vmul.f32 $1.442695020e+00, v16;
	v18 =	vsel vm15, v18, v11;
	v11 =	vld [tilespmem:s7+$0x10]  }
0x201: {  	[tilespmem:s0+$0xFFFFFFD0] =	vst v28;
	v63 =	vmul.f32 v12, v19;
	v12 =	vld [tilespmem:s7+$0x20];
	v18 =	vmul.f32 $1.442695020e+00, v18  }
0x202: {  	v7 =	vld [tilespmem:s7+$0x0];
	v19 =	vmul.f32 v13, v19;
	[tilespmem:s0+$0xFFFFFF80] =	vst v61;
	(erf) = vpow2.f32 v16  }
0x203: {  	v13 =	vld [tilespmem:s7+$0x40];
	[tilespmem:s0+$0xFFFFFF90] =	vst v63;
	v16 =	vmul.f32 v15, v24;
	(erf) = vpow2.f32 v18  }
0x204: {  	s8 =	simm.s32 $0x2560;
	s18 =	simm.s32 $0x4;
	v17 =	vmul.f32 v17, v10;
	[tilespmem:s0+$0xFFFFFFA0] =	vst v19;
	v15 =	vld [tilespmem:s7+$0x60];
	(erf) = vpow2.f32 v20  }
.LBB2_11:
0x205: {  	v18 =	vld [tilespmem:s8+$0x70];
	s11 =	sadd.s32 $0x40, s11;
	[tilespmem:s0+$0xFFFFFFE0] =	vst v16;
	v16 =	vmul.f32 v1, v10;
	v10 =	vmul.f32 v2, v10;
	v1 =	vmov v11  }
0x206: {  	s18 =	sadd.s32 $0x4, s18;
	v11 =	vld [tilespmem:s11+$0x10];
	[tilespmem:s0+$0x0] =	vst v17;
	v2 =	vmov v12  }
0x207: {  	p1 =	slt.u32 s18, $0x44;
	v12 =	vld [tilespmem:s11+$0xFFFFFFE0];
	v17 =	vpop (erf);
	[tilespmem:s0+$0x10] =	vst v16  }
0x208: {  	v16 =	vld [tilespmem:s8+$0xFFFFFFF0];
	v19 =	vperm.xlane v17, v0;
	[tilespmem:s0+$0x20] =	vst v10;
	s0 =	smov.u32 s7;
	s7 =	smov.u32 s8  }
0x209: {  	v20 =	vld [tilespmem:s11+$0xFFFFFFF0];
	[tilespmem:s0+$0x70] =	vst v17  }
0x20a: {  	v17 =	vld [tilespmem:s8+$0x30];
	v25 =	vmul.f32 v13, v19;
	v10 =	vmul.f32 v15, v19  }
0x20b: {  	v14 =	vmul.f32 v14, v19;
	v15 =	vld [tilespmem:s11+$0x0];
	v11 =	vadd.f32 v11, v18;
	v18 =	vpop (erf)  }
0x20c: {  	v19 =	vld [tilespmem:s8+$0xFFFFFFB0];
	v21 =	vperm.xlane v18, v0;
	[tilespmem:s0+$0x60] =	vst v10;
	v22 =	vpop (erf)  }
0x20d: {  	v23 =	vld [tilespmem:s8+$0xFFFFFF80];
	v24 =	vmul.f32 $2.000000030e-01, v11;
	v10 =	vperm.xlane v22, v0;
	[tilespmem:s0+$0x40] =	vst v25;
	v13 =	vpop (erf)  }
0x20e: {  	vm0 =	vgt.f32 v11, $0.0e+00;
	v25 =	vld [tilespmem:s8+$0xFFFFFF90];
	v16 =	vadd.f32 v20, v16;
	v20 =	vperm.xlane v13, v0;
	[tilespmem:s0+$0x50] =	vst v14  }
0x20f: {  	v14 =	vld [tilespmem:s8+$0xFFFFFFA0];
	v11 =	vsel vm0, v11, v24;
	[tilespmem:s0+$0xFFFFFFB0] =	vst v13;
	v13 =	vmul.f32 v8, v21;
	v24 =	vmul.f32 v9, v21  }
0x210: {  	v26 =	vmul.f32 $2.000000030e-01, v16;
	v8 =	vld [tilespmem:s8+$0xFFFFFFC0];
	v15 =	vadd.f32 v15, v17;
	v11 =	vmul.f32 $1.442695020e+00, v11;
	[tilespmem:s0+$0xFFFFFFF0] =	vst v18  }
0x211: {  	vm0 =	vgt.f32 v16, $0.0e+00;
	v17 =	vmul.f32 v5, v20;
	v12 =	vadd.f32 v12, v19;
	v9 =	vld [tilespmem:s8+$0xFFFFFFD0];
	[tilespmem:s0+$0xFFFFFFC0] =	vst v13  }
0x212: {  	v18 =	vld [tilespmem:s8+$0xFFFFFFE0];
	vm1 =	vgt.f32 v15, $0.0e+00;
	v13 =	vmul.f32 $2.000000030e-01, v15;
	(erf) = vpow2.f32 v11;
	[tilespmem:s0+$0xFFFFFFD0] =	vst v24;
	v5 =	vmovc v23  }
0x213: {  	v11 =	vsel vm0, v16, v26;
	vm2 =	vgt.f32 v12, $0.0e+00;
	v19 =	vmul.f32 $2.000000030e-01, v12;
	v23 =	vld [tilespmem:s8+$0x0];
	[tilespmem:s0+$0xFFFFFF80] =	vst v17  }
.Ltmp6:
0x214: {  	v16 =	vmul.f32 $1.442695020e+00, v11;
	v13 =	vsel vm1, v15, v13;
	v11 =	vld [tilespmem:s8+$0x10];
	v15 =	vmul.f32 v3, v20;
	[tilespmem:s0+$0x30] =	vst v22;
	v3 =	vmovc v25;
	(pc) =	sbr.rel @p1 .LBB2_11-.Ltmp6, $4  }
0x215: {  	v20 =	vmul.f32 v4, v20;
	v4 =	vmovc v14;
	v17 =	vsel vm2, v12, v19;
	v19 =	vmul.f32 $1.442695020e+00, v13;
	v12 =	vld [tilespmem:s8+$0x20]  }
0x216: {  	v17 =	vmul.f32 $1.442695020e+00, v17;
	v13 =	vld [tilespmem:s8+$0x40];
	(erf) = vpow2.f32 v16;
	[tilespmem:s0+$0xFFFFFF90] =	vst v15  }
0x217: {  	v16 =	vmul.f32 v6, v21;
	v14 =	vld [tilespmem:s8+$0x50];
	(erf) = vpow2.f32 v19;
	[tilespmem:s0+$0xFFFFFFA0] =	vst v20;
	v6 =	vmov v18  }
0x218: {  	s8 =	sadd.s32 $0x100, s8;
	v15 =	vld [tilespmem:s7+$0x60];
	(erf) = vpow2.f32 v17;
	v17 =	vmul.f32 v7, v10;
	v7 =	vmov v23  }
0x219: {  	_ =	sdelay $0x1  }
0x21a: {  	[tilespmem:s0+$0xFFFFFFE0] =	vst v16;
	v1 =	vmul.f32 v1, v10;
	v16 =	vpop (erf)  }
0x21b: {  	v2 =	vmul.f32 v2, v10;
	[tilespmem:s0+$0x0] =	vst v17;
	v10 =	vperm.xlane v16, v0  }
0x21c: {  	[tilespmem:s0+$0x10] =	vst v1  }
0x21d: {  	[tilespmem:s0+$0x20] =	vst v2;
	v1 =	vmul.f32 v15, v10  }
0x21e: {  	[tilespmem:s7+$0x70] =	vst v16;
	v2 =	vmul.f32 v13, v10  }
0x21f: {  	v10 =	vmul.f32 v14, v10;
	[tilespmem:s7+$0x60] =	vst v1  }
0x220: {  	v13 =	vpop (erf);
	[tilespmem:s7+$0x40] =	vst v2  }
0x221: {  	v1 =	vperm.xlane v13, v0;
	v14 =	vpop (erf);
	[tilespmem:s7+$0x50] =	vst v10  }
0x222: {  	[tilespmem:s7+$0xFFFFFFF0] =	vst v13;
	v2 =	vpop (erf)  }
0x223: {  	v10 =	vperm.xlane v2, v0;
	[tilespmem:s7+$0xFFFFFFB0] =	vst v2;
	v2 =	vmul.f32 v8, v1  }
0x224: {  	[tilespmem:s7+$0x30] =	vst v14;
	v8 =	vmul.f32 v9, v1  }
0x225: {  	v1 =	vmul.f32 v6, v1;
	[tilespmem:s7+$0xFFFFFFC0] =	vst v2  }
0x226: {  	v5 =	vmul.f32 v5, v10;
	[tilespmem:s7+$0xFFFFFFD0] =	vst v8  }
0x227: {  	v2 =	vmul.f32 v3, v10;
	v3 =	vperm.xlane v14, v0;
	[tilespmem:s7+$0xFFFFFFE0] =	vst v1  }
0x228: {  	v4 =	vmul.f32 v4, v10;
	[tilespmem:s7+$0xFFFFFF80] =	vst v5  }
0x229: {  	[tilespmem:s7+$0xFFFFFF90] =	vst v2;
	v2 =	vmul.f32 v7, v3  }
0x22a: {  	[tilespmem:s7+$0xFFFFFFA0] =	vst v4;
	v1 =	vmul.f32 v11, v3  }
0x22b: {  	v3 =	vmul.f32 v12, v3;
	[tilespmem:s7+$0x0] =	vst v2  }
0x22c: {  	[tilespmem:s7+$0x10] =	vst v1  }
0x22d: {  	[tilespmem:s7+$0x20] =	vst v3  }
0x22e: {  	[spmem:s3] =	stream.indirect.scatter.add.f32 [tilespmem:s30], [sflag:$0xB], $0x40, s13, s25, $0xb8;
	[tilespmem:$0xE6E0] =	vst v63  }
0x22f: {  	_ =	swait.ge [sflag:s24], $0x1200  }
0x230: {  	s0 =	rddreg [dreg:$0xd]  }
0x231: {  	s0 =	sadd.s32 @!p0 s0, s31  }
0x232: {  	s0 =	smul.u32 @!p0 $0x12, s0  }
0x233: {  	s8 =	simm.s32 @!p0 $0x90;
	[sflag:s24] =	ssyncset.done $0x0  }
0x234: {  	s7 =	simm.s32 @!p0 $0x0;
	[sflag:s24] =	ssyncadd.s32 $0xFFFFEE00;
	s0 =	sadd.s32 @!p0 s5, s0  }
0x235: {  	[tilespmem:s8], [sflag:$0x2] =	stream.linear.gather @!p0 [hbm4b:s0+s7], $0x90, $0x38;
	[tilespmem:$0xE6E0] =	vst v63  }
0x236: {  	s0 =	simm.s32 @!p0 $0x1  }
0x237: {  	_ =	swait.ge @!p0 [sflag:s0], $0x90  }
0x238: {  	[sflag:s0] =	ssyncset.done @!p0 $0x0  }
0x239: {  	s8 =	simm.s32 @!p0 $0x10E0;
	[sflag:s0] =	ssyncadd.s32 @!p0 $0xFFFFFF70;
	s0 =	simm.s32 @!p0 $0x48  }
0x23a: {  	[tilespmem:s8], [sflag:$0x7] =	stream.indirect.gather @!p0 [hbm4b:s6+s0], $0x40, s7, s0, $0xb8;
	[tilespmem:$0xE6E0] =	vst v63  }
0x23b: {  	s7 =	simm.s32 @!p0 $0x360  }
0x23c: {  	[tilespmem:s7], [sflag:$0x7] =	stream.indirect.gather @!p0 [hbm4b:s2+s0], $0x10, s0, s0, $0xb8;
	[tilespmem:$0xE6E0] =	vst v63  }
0x23d: {  	_ =	swait.ge [sflag:s22], $0x1200  }
0x23e: {  	[sflag:s22] =	ssyncset.done $0x0  }
0x23f: {  	[sflag:s22] =	ssyncadd.s32 $0xFFFFEE00  }
0x240: {  	_ =	swait.ge [sflag:s22], $0x480  }
0x241: {  	[sflag:s22] =	ssyncset.done $0x0  }
0x242: {  	s0 =	simm.s32 $0x3560;
	[sflag:s22] =	ssyncadd.s32 $0xFFFFFB80  }
0x243: {  	s18 =	simm.s32 $0xC80;
	v1 =	vld [tilespmem:s0+$0x70]  }
0x244: {  	v2 =	vld [tilespmem:s18+$0x10]  }
0x245: {  	v3 =	vld [tilespmem:s18+$0xFFFFFFE0]  }
0x246: {  	v4 =	vld [tilespmem:s0+$0xFFFFFFF0]  }
0x247: {  	v5 =	vld [tilespmem:s18+$0xFFFFFFF0]  }
0x248: {  	v6 =	vld [tilespmem:s0+$0x30]  }
0x249: {  	v7 =	vld [tilespmem:s18+$0x0]  }
0x24a: {  	v11 =	vld [tilespmem:s0+$0xFFFFFF80];
	v1 =	vadd.f32 v2, v1  }
0x24b: {  	v2 =	vld [tilespmem:s0+$0xFFFFFFB0]  }
0x24c: {  	v12 =	vld [tilespmem:s0+$0xFFFFFF90];
	v8 =	vmul.f32 $2.000000030e-01, v1  }
0x24d: {  	v13 =	vld [tilespmem:s0+$0xFFFFFFA0];
	vm0 =	vgt.f32 v1, $0.0e+00  }
0x24e: {  	v15 =	vld [tilespmem:s0+$0xFFFFFFE0];
	v4 =	vadd.f32 v5, v4;
	v1 =	vsel vm0, v1, v8  }
0x24f: {  	s11 =	simm.s32 $0xCC0;
	v17 =	vld [tilespmem:s0+$0x0];
	v5 =	vadd.f32 v7, v6;
	v1 =	vmul.f32 $1.442695020e+00, v1  }
0x250: {  	s7 =	simm.s32 $0x3660;
	v14 =	vld [tilespmem:s11+$0xFFFFFFE0];
	v6 =	vmul.f32 $2.000000030e-01, v4;
	v2 =	vadd.f32 v3, v2  }
0x251: {  	v16 =	vld [tilespmem:s7+$0xFFFFFFF0];
	vm11 =	vgt.f32 v4, $0.0e+00;
	v3 =	vmul.f32 $2.000000030e-01, v5;
	(erf) = vpow2.f32 v1  }
0x252: {  	v19 =	vld [tilespmem:s11+$0xFFFFFFF0];
	vm1 =	vgt.f32 v5, $0.0e+00;
	v9 =	vmul.f32 $2.000000030e-01, v2;
	v1 =	vsel vm11, v4, v6  }
0x253: {  	v20 =	vld [tilespmem:s7+$0x30];
	vm12 =	vgt.f32 v2, $0.0e+00;
	v3 =	vsel vm1, v5, v3;
	v4 =	vmul.f32 $1.442695020e+00, v1  }
0x254: {  	v23 =	vld [tilespmem:s7+$0xFFFFFFB0];
	v3 =	vmul.f32 $1.442695020e+00, v3;
	v5 =	vsel vm12, v2, v9  }
0x255: {  	v6 =	vld [tilespmem:s0+$0x40];
	v5 =	vmul.f32 $1.442695020e+00, v5;
	(erf) = vpow2.f32 v4  }
0x256: {  	v9 =	vld [tilespmem:s11+$0x10];
	(erf) = vpow2.f32 v3  }
0x257: {  	v3 =	vld [tilespmem:s0+$0x60];
	(erf) = vpow2.f32 v5  }
0x258: {  	v5 =	vld [tilespmem:s7+$0x70]  }
0x259: {  	v4 =	vld [tilespmem:s0+$0x50]  }
0x25a: {  	v21 =	vld [tilespmem:s11+$0x0];
	v10 =	vpop (erf)  }
0x25b: {  	v7 =	vld [tilespmem:s0+$0xFFFFFFD0];
	v14 =	vadd.f32 v14, v23;
	v18 =	vperm.xlane v10, v0  }
0x25c: {  	v16 =	vadd.f32 v19, v16;
	v8 =	vld [tilespmem:s0+$0xFFFFFFC0]  }
0x25d: {  	v62 =	vmul.f32 $2.000000030e-01, v14;
	v1 =	vld [tilespmem:s0+$0x10];
	v9 =	vadd.f32 v9, v5;
	v3 =	vmul.f32 v3, v18  }
0x25e: {  	vm2 =	vgt.f32 v14, $0.0e+00;
	v2 =	vld [tilespmem:s0+$0x20];
	v6 =	vmul.f32 v6, v18;
	v22 =	vpop (erf);
	v18 =	vmul.f32 v4, v18  }
0x25f: {  	v14 =	vsel vm2, v14, v62;
	v5 =	vld [tilespmem:s7+$0xFFFFFF80];
	v4 =	vmul.f32 $2.000000030e-01, v9;
	v24 =	vperm.xlane v22, v0;
	v25 =	vpop (erf);
	[tilespmem:s0+$0x60] =	vst v3  }
0x260: {  	vm13 =	vgt.f32 v9, $0.0e+00;
	v26 =	vpop (erf);
	v3 =	vld [tilespmem:s7+$0xFFFFFF90];
	[tilespmem:s0+$0x50] =	vst v18;
	v18 =	vadd.f32 v21, v20;
	v20 =	vmul.f32 $1.442695020e+00, v14  }
0x261: {  	[tilespmem:s0+$0x40] =	vst v6;
	v6 =	vsel vm13, v9, v4;
	v4 =	vld [tilespmem:s7+$0xFFFFFFA0];
	v19 =	vperm.xlane v26, v0;
	v27 =	vmul.f32 v8, v24  }
0x262: {  	[tilespmem:s0+$0x70] =	vst v10;
	v9 =	vld [tilespmem:s7+$0xFFFFFFD0];
	v28 =	vmul.f32 v7, v24;
	v60 =	vmul.f32 $1.442695020e+00, v6  }
0x263: {  	[tilespmem:s0+$0xFFFFFFF0] =	vst v22;
	v14 =	vld [tilespmem:s7+$0x50];
	v7 =	vmul.f32 $2.000000030e-01, v16;
	v61 =	vmul.f32 v11, v19  }
0x264: {  	vm14 =	vgt.f32 v16, $0.0e+00;
	[tilespmem:s0+$0x30] =	vst v25;
	v8 =	vld [tilespmem:s7+$0xFFFFFFC0];
	(erf) = vpow2.f32 v60;
	v11 =	vmul.f32 $2.000000030e-01, v18  }
0x265: {  	[tilespmem:s0+$0xFFFFFFB0] =	vst v26;
	v6 =	vld [tilespmem:s7+$0xFFFFFFE0];
	vm15 =	vgt.f32 v18, $0.0e+00;
	v16 =	vsel vm14, v16, v7  }
0x266: {  	v10 =	vperm.xlane v25, v0;
	[tilespmem:s0+$0xFFFFFFC0] =	vst v27;
	v16 =	vmul.f32 $1.442695020e+00, v16;
	v18 =	vsel vm15, v18, v11;
	v11 =	vld [tilespmem:s7+$0x10]  }
0x267: {  	[tilespmem:s0+$0xFFFFFFD0] =	vst v28;
	v63 =	vmul.f32 v12, v19;
	v12 =	vld [tilespmem:s7+$0x20];
	v18 =	vmul.f32 $1.442695020e+00, v18  }
0x268: {  	v7 =	vld [tilespmem:s7+$0x0];
	v19 =	vmul.f32 v13, v19;
	[tilespmem:s0+$0xFFFFFF80] =	vst v61;
	(erf) = vpow2.f32 v16  }
0x269: {  	v13 =	vld [tilespmem:s7+$0x40];
	[tilespmem:s0+$0xFFFFFF90] =	vst v63;
	v16 =	vmul.f32 v15, v24;
	(erf) = vpow2.f32 v18  }
0x26a: {  	s8 =	simm.s32 $0x3760;
	s18 =	simm.s32 $0x4;
	v17 =	vmul.f32 v17, v10;
	[tilespmem:s0+$0xFFFFFFA0] =	vst v19;
	v15 =	vld [tilespmem:s7+$0x60];
	(erf) = vpow2.f32 v20  }
.LBB2_13:
0x26b: {  	v18 =	vld [tilespmem:s8+$0x70];
	s11 =	sadd.s32 $0x40, s11;
	[tilespmem:s0+$0xFFFFFFE0] =	vst v16;
	v16 =	vmul.f32 v1, v10;
	v10 =	vmul.f32 v2, v10;
	v1 =	vmov v11  }
0x26c: {  	s18 =	sadd.s32 $0x4, s18;
	v11 =	vld [tilespmem:s11+$0x10];
	[tilespmem:s0+$0x0] =	vst v17;
	v2 =	vmov v12  }
0x26d: {  	p1 =	slt.u32 s18, $0x44;
	v12 =	vld [tilespmem:s11+$0xFFFFFFE0];
	v17 =	vpop (erf);
	[tilespmem:s0+$0x10] =	vst v16  }
0x26e: {  	v16 =	vld [tilespmem:s8+$0xFFFFFFF0];
	v19 =	vperm.xlane v17, v0;
	[tilespmem:s0+$0x20] =	vst v10;
	s0 =	smov.u32 s7;
	s7 =	smov.u32 s8  }
0x26f: {  	v20 =	vld [tilespmem:s11+$0xFFFFFFF0];
	[tilespmem:s0+$0x70] =	vst v17  }
0x270: {  	v17 =	vld [tilespmem:s8+$0x30];
	v25 =	vmul.f32 v13, v19;
	v10 =	vmul.f32 v15, v19  }
0x271: {  	v14 =	vmul.f32 v14, v19;
	v15 =	vld [tilespmem:s11+$0x0];
	v11 =	vadd.f32 v11, v18;
	v18 =	vpop (erf)  }
0x272: {  	v19 =	vld [tilespmem:s8+$0xFFFFFFB0];
	v21 =	vperm.xlane v18, v0;
	[tilespmem:s0+$0x60] =	vst v10;
	v22 =	vpop (erf)  }
0x273: {  	v23 =	vld [tilespmem:s8+$0xFFFFFF80];
	v24 =	vmul.f32 $2.000000030e-01, v11;
	v10 =	vperm.xlane v22, v0;
	[tilespmem:s0+$0x40] =	vst v25;
	v13 =	vpop (erf)  }
0x274: {  	vm0 =	vgt.f32 v11, $0.0e+00;
	v25 =	vld [tilespmem:s8+$0xFFFFFF90];
	v16 =	vadd.f32 v20, v16;
	v20 =	vperm.xlane v13, v0;
	[tilespmem:s0+$0x50] =	vst v14  }
0x275: {  	v14 =	vld [tilespmem:s8+$0xFFFFFFA0];
	v11 =	vsel vm0, v11, v24;
	[tilespmem:s0+$0xFFFFFFB0] =	vst v13;
	v13 =	vmul.f32 v8, v21;
	v24 =	vmul.f32 v9, v21  }
0x276: {  	v26 =	vmul.f32 $2.000000030e-01, v16;
	v8 =	vld [tilespmem:s8+$0xFFFFFFC0];
	v15 =	vadd.f32 v15, v17;
	v11 =	vmul.f32 $1.442695020e+00, v11;
	[tilespmem:s0+$0xFFFFFFF0] =	vst v18  }
0x277: {  	vm0 =	vgt.f32 v16, $0.0e+00;
	v17 =	vmul.f32 v5, v20;
	v12 =	vadd.f32 v12, v19;
	v9 =	vld [tilespmem:s8+$0xFFFFFFD0];
	[tilespmem:s0+$0xFFFFFFC0] =	vst v13  }
0x278: {  	v18 =	vld [tilespmem:s8+$0xFFFFFFE0];
	vm1 =	vgt.f32 v15, $0.0e+00;
	v13 =	vmul.f32 $2.000000030e-01, v15;
	(erf) = vpow2.f32 v11;
	[tilespmem:s0+$0xFFFFFFD0] =	vst v24;
	v5 =	vmovc v23  }
0x279: {  	v11 =	vsel vm0, v16, v26;
	vm2 =	vgt.f32 v12, $0.0e+00;
	v19 =	vmul.f32 $2.000000030e-01, v12;
	v23 =	vld [tilespmem:s8+$0x0];
	[tilespmem:s0+$0xFFFFFF80] =	vst v17  }
.Ltmp7:
0x27a: {  	v16 =	vmul.f32 $1.442695020e+00, v11;
	v13 =	vsel vm1, v15, v13;
	v11 =	vld [tilespmem:s8+$0x10];
	v15 =	vmul.f32 v3, v20;
	[tilespmem:s0+$0x30] =	vst v22;
	v3 =	vmovc v25;
	(pc) =	sbr.rel @p1 .LBB2_13-.Ltmp7, $4  }
0x27b: {  	v20 =	vmul.f32 v4, v20;
	v4 =	vmovc v14;
	v17 =	vsel vm2, v12, v19;
	v19 =	vmul.f32 $1.442695020e+00, v13;
	v12 =	vld [tilespmem:s8+$0x20]  }
0x27c: {  	v17 =	vmul.f32 $1.442695020e+00, v17;
	v13 =	vld [tilespmem:s8+$0x40];
	(erf) = vpow2.f32 v16;
	[tilespmem:s0+$0xFFFFFF90] =	vst v15  }
0x27d: {  	v16 =	vmul.f32 v6, v21;
	v14 =	vld [tilespmem:s8+$0x50];
	(erf) = vpow2.f32 v19;
	[tilespmem:s0+$0xFFFFFFA0] =	vst v20;
	v6 =	vmov v18  }
0x27e: {  	s8 =	sadd.s32 $0x100, s8;
	v15 =	vld [tilespmem:s7+$0x60];
	(erf) = vpow2.f32 v17;
	v17 =	vmul.f32 v7, v10;
	v7 =	vmov v23  }
0x27f: {  	_ =	sdelay $0x1  }
0x280: {  	[tilespmem:s0+$0xFFFFFFE0] =	vst v16;
	v1 =	vmul.f32 v1, v10;
	v58 =	vpop (erf)  }
0x281: {  	v2 =	vmul.f32 v2, v10;
	[tilespmem:s0+$0x0] =	vst v17;
	v59 =	vperm.xlane v58, v0  }
0x282: {  	[tilespmem:s0+$0x10] =	vst v1  }
0x283: {  	[tilespmem:s0+$0x20] =	vst v2;
	v1 =	vmul.f32 v15, v59  }
0x284: {  	[tilespmem:s7+$0x70] =	vst v58;
	v2 =	vmul.f32 v13, v59  }
0x285: {  	v10 =	vmul.f32 v14, v59;
	[tilespmem:s7+$0x60] =	vst v1  }
0x286: {  	v60 =	vpop (erf);
	[tilespmem:s7+$0x40] =	vst v2  }
0x287: {  	v1 =	vperm.xlane v60, v0;
	[tilespmem:s7+$0x50] =	vst v10  }
0x288: {  	v61 =	vpop (erf);
	[tilespmem:s7+$0xFFFFFFF0] =	vst v60  }
0x289: {  	[tilespmem:s7+$0x30] =	vst v61;
	v2 =	vpop (erf);
	v63 =	vmul.f32 v9, v1  }
0x28a: {  	v62 =	vperm.xlane v2, v0;
	[tilespmem:s7+$0xFFFFFFB0] =	vst v2;
	v2 =	vmul.f32 v8, v1  }
0x28b: {  	v1 =	vmul.f32 v6, v1;
	[tilespmem:s7+$0xFFFFFFD0] =	vst v63  }
0x28c: {  	v5 =	vmul.f32 v5, v62;
	[tilespmem:s7+$0xFFFFFFC0] =	vst v2  }
0x28d: {  	v2 =	vmul.f32 v3, v62;
	v3 =	vperm.xlane v61, v0;
	[tilespmem:s7+$0xFFFFFFE0] =	vst v1  }
0x28e: {  	v4 =	vmul.f32 v4, v62;
	[tilespmem:s7+$0xFFFFFF80] =	vst v5  }
0x28f: {  	[tilespmem:s7+$0xFFFFFF90] =	vst v2;
	v2 =	vmul.f32 v7, v3  }
0x290: {  	[tilespmem:s7+$0xFFFFFFA0] =	vst v4;
	v1 =	vmul.f32 v11, v3  }
0x291: {  	v3 =	vmul.f32 v12, v3;
	[tilespmem:s7+$0x0] =	vst v2  }
0x292: {  	[tilespmem:s7+$0x10] =	vst v1  }
.Ltmp8:
0x293: {  	[tilespmem:s7+$0x20] =	vst v3;
	(pc) =	sbr.rel @p0 .LBB2_16-.Ltmp8, $4  }
0x294: {  	[spmem:s3] =	stream.indirect.scatter.add.f32 [tilespmem:s10], [sflag:$0xC], $0x40, s16, s25, $0xb8;
	[tilespmem:$0xE6E0] =	vst v63  }
0x295: {  	_ =	swait.ge [sflag:s28], $0x1200  }
0x296: {  	[sflag:s28] =	ssyncset.done $0x0  }
0x297: {  	[sflag:s28] =	ssyncadd.s32 $0xFFFFEE00  }
0x298: {  	s0 =	rddreg [dreg:$0xe]  }
0x299: {  	s0 =	sadd.s32 s0, s31  }
0x29a: {  	s0 =	smul.u32 $0x12, s0;
	_ =	sdelay $0x1  }
0x29b: {  	s7 =	simm.s32 $0x120;
	s0 =	sadd.s32 s5, s0  }
0x29c: {  	[tilespmem:s7], [sflag:$0x3] =	stream.linear.gather [hbm4b:s0+s4], $0x90, $0x38;
	[tilespmem:$0xE6E0] =	vst v63  }
0x29d: {  	_ =	swait.ge [sflag:s29], $0x90  }
.Ltmp9:
0x29e: {  	[sflag:s29] =	ssyncset.done $0x0;
	(pc) =	sbr.rel .LBB2_2-.Ltmp9, $4  }
0x29f: {  	s11 =	simm.s32 $0x90;
	[sflag:s29] =	ssyncadd.s32 $0xFFFFFF70  }
0x2a0: {  	[tilespmem:s30], [sflag:$0x8] =	stream.indirect.gather [hbm4b:s6+s25], $0x40, s11, s25, $0xb8;
	[tilespmem:$0xE6E0] =	vst v63  }
0x2a1: {  	s18 =	simm.s32 $0xD8;
	s23 =	sadd.s32 $0x1, s23;
	s31 =	simm.s32 $0x7E0  }
0x2a2: {  	[tilespmem:s31], [sflag:$0x8] =	stream.indirect.gather [hbm4b:s2+s25], $0x10, s18, s25, $0xb8;
	[tilespmem:$0xE6E0] =	vst v63  }
.LBB2_17:
0x2a3: {  	_ =	sfence.sel $0x180000  }
0x2a4: {  	[bflag:$0x0] =	sbarrier.arrive $0xFFFF  }
0x2a5: {  	_ =	strace $0x9000004A  }
0x2a6: {  	s0 =	stileid.u32;
	[bflag:$0x2] =	sbarrier.arrive $0xFFFF  }
0x2a7: {  	p0 =	sne.s32 s0, $0x0;
	s0 =	rddreg [dreg:$0x3]  }
0x2a8: {  	s0 =	sadd.s32 @!p0 $0x100000, s0  }
0x2a9: {  	[sflag:s0] =	ssyncadd.tile.s32 @!p0 $0x1;
	_ =	shalt  }
.Lfunc_end2:
_tile_overlayer_lowered:
.L_overlay_start_2:
0x2aa: {  	(tag) =	ssettag $0x2  }
0x2ab: {  	s0 =	rddreg [dreg:$0x0];
	s2 =	stileid.u32  }
0x2ac: {  	s1 =	rddreg [dreg:$0x1];
	p0 =	sne.s32 s2, $0x0  }
0x2ad: {  	s3 =	rddreg [dreg:$0x2];
	[bflag:$0x3] =	sbarrier.arrive $0xFFFF;
	s2 =	simm.s32 @!p0 $0x1C0D  }
0x2ae: {  	[timem:s3], [sflag:s2] =	dma.local @!p0 [hbm:s0], s1  }
0x2af: {  	s0 =	simm.s32 @!p0 $0xD  }
0x2b0: {  	_ =	swait.ge @!p0 [sflag:s0], s1  }
0x2b1: {  	s1 =	ssub.s32 @!p0 $0x0, s1;
	[sflag:s0] =	ssyncset.done @!p0 $0x0  }
0x2b2: {  	[sflag:s0] =	ssyncadd.s32 @!p0 s1  }
0x2b3: {  	[bflag:$0x3] =	sbarrier.arrive $0xFFFF  }
0x2b4: {  	_ =	shalt  }

// kernel: kernel.7.cloned.1.call-start
scs
__scs_entry_jumppad:
0x0: {  	(pc) =	sbr.rel $0x88, $3  }
0x1: {  	(tag) =	ssettag $0x0;
	lr =	simm.s32 $0x1  }
0x2: {  	[smem:$0x3F97] =	sst lr;
	_ =	strace $0xD0000000  }
0x3: {  	_ = 	snop  }
0x4: {  	_ = 	snop  }
0x5: {  	_ = 	snop  }
0x6: {  	_ = 	snop  }
0x7: {  	_ = 	snop  }
__scs_overlays_trampoline_lowered:
0x8: {  	[smem:$0x3FA6] =	sst s0  }
0x9: {  	[smem:$0x3FA7] =	sst s1  }
0xa: {  	[smem:$0x3FA8] =	sst s2  }
0xb: {  	[smem:$0x3FA9] =	sst s3  }
0xc: {  	[smem:$0x3FAA] =	sst s4  }
0xd: {  	[smem:$0x3FAB] =	sst s5  }
0xe: {  	[smem:$0x3FAC] =	sst s6  }
0xf: {  	[smem:$0x3FAD] =	sst s7  }
0x10: {  	[smem:$0x3FAE] =	sst s8  }
0x11: {  	[smem:$0x3FAF] =	sst s9;
	s0 =	simm.s32 @!p0 $0x0  }
0x12: {  	s1 =	sld [smem:$0x3F95];
	s0 =	simm.s32 @p0 $0x1  }
0x13: {  	[smem:$0x3FB0] =	sst s0;
	s0 =	simm.s32 @!p1 $0x0  }
0x14: {  	s2 =	sld [smem:$0x3F94];
	s0 =	simm.s32 @p1 $0x1  }
0x15: {  	[smem:$0x3FB1] =	sst s0;
	s0 =	simm.s32 @!p2 $0x0  }
0x16: {  	s3 =	sld [smem:$0x3FDB];
	s0 =	simm.s32 @p2 $0x1  }
0x17: {  	s4 =	simm.s32 $0x1BF5;
	[smem:$0x3FB3] =	sst s0  }
0x18: {  	s0 =	sld [smem:$0x3F96];
	_ =	swait.ge [sflag:s4], $0x0  }
0x19: {  	s7 =	sld [smem:$0x3F97]  }
0x1a: {  	s8 =	sadd.s32 $0xFFFFE003, lr  }
0x1b: {  	s9 =	sadd.s32 $0xFFFFFEF7, lr;
	s5 =	simm.s32 $0xFFFFFFFF;
	p2 =	slt.u32 s8, $0xFFFFF086  }
0x1c: {  	p1 =	slt.u32 s9, $0xF7A;
	s5 =	simm.s32 @!p2 $0x0  }
0x1d: {  	s5 =	simm.s32 @p1 $0x1;
	p0 =	seq.s32 s7, s2  }
0x1e: {  	s7 =	smul.u32 @!p0 $0xF7A, s2;
	p2 =	seq.s32 @!p0 s5, $0x0  }
0x1f: {  	s9 =	smul.u32 $0xF7A, s1;
	s8 =	simm.s32 @!p0 $0x1BF5;
	p2 =	por !p2, p0  }
0x20: {  	[sflag:s8] =	ssyncset.s32 @!p0 $0xFFFFF086;
	s6 =	sadd.s32 @!p0 s3, s7;
	s7 =	simm.s32 @!p0 $0x108  }
0x21: {  	s3 =	sadd.s32 s3, s9;
	s6 =	sadd.s32 @!p0 $0x88, s6;
	s7 =	simm.s32 @p2 $0x1082  }
0x22: {  	[simem:s7], [sflag:s8] =	dma.local @!p0 [hbm:s6], $0xF7A  }
0x23: {  	s9 =	sor.u32 $0xD0000000, s2;
	s6 =	simm.s32 $0x108;
	_ =	swait.ge @!p0 [sflag:s8], $0x0  }
0x24: {  	s3 =	sadd.s32 $0x88, s3;
	s6 =	simm.s32 @!p1 $0x1082;
	[sflag:s4] =	ssyncset.s32 $0xFFFFF086  }
0x25: {  	[simem:s6], [sflag:s4] =	dma.local [hbm:s3], $0xF7A  }
0x26: {  	[smem:$0x3F97] =	sst s1;
	(tag) =	ssettag s2;
	_ =	strace s9  }
0x27: {  	s1 =	sld [smem:$0x3FA7]  }
0x28: {  	s2 =	sld [smem:$0x3FA8]  }
0x29: {  	s4 =	sld [smem:$0x3FAA]  }
0x2a: {  	p0 =	seq.s32 s5, $0x0;
	s5 =	sld [smem:$0x3FAB]  }
0x2b: {  	s6 =	sld [smem:$0x3FAC]  }
0x2c: {  	s7 =	sld [smem:$0x3FAD]  }
0x2d: {  	s3 =	simm.s32 $0x108;
	s8 =	sld [smem:$0x3FAE]  }
0x2e: {  	s3 =	simm.s32 @!p0 $0x1082;
	s9 =	sld [smem:$0x3FAF]  }
0x2f: {  	lr =	sadd.s32 s0, s3;
	s0 =	sld [smem:$0x3FA6]  }
0x30: {  	s3 =	sld [smem:$0x3FA9]  }
0x31: {  	[smem:$0x3FB2] =	sst s10  }
0x32: {  	s10 =	sld [smem:$0x3FB0];
	_ =	sdelay $0x3  }
0x33: {  	p0 =	seq.s32 s10, $0x1;
	s10 =	sld [smem:$0x3FB2];
	_ =	sdelay $0x3  }
0x34: {  	[smem:$0x3FB2] =	sst s10  }
0x35: {  	s10 =	sld [smem:$0x3FB1];
	_ =	sdelay $0x3  }
0x36: {  	p1 =	seq.s32 s10, $0x1;
	s10 =	sld [smem:$0x3FB2];
	_ =	sdelay $0x3  }
0x37: {  	[smem:$0x3FB2] =	sst s10  }
0x38: {  	s10 =	sld [smem:$0x3FB3]  }
0x39: {  	_ = 	snop;
	(pc) =	sbr.ind lr, $3  }
0x3a: {  	_ = 	snop  }
0x3b: {  	_ = 	snop  }
0x3c: {  	p2 =	seq.s32 s10, $0x1;
	s10 =	sld [smem:$0x3FB2]  }
0x3d: {  	_ =	shalt  }
0x3e: {  	_ =	shalt  }
0x3f: {  	_ =	shalt  }
0x40: {  	_ =	shalt  }
0x41: {  	_ =	shalt  }
0x42: {  	_ =	shalt  }
0x43: {  	_ =	shalt  }
0x44: {  	_ =	shalt  }
0x45: {  	_ =	shalt  }
0x46: {  	_ =	shalt  }
0x47: {  	_ =	shalt  }
0x48: {  	_ =	shalt  }
0x49: {  	_ =	shalt  }
0x4a: {  	_ =	shalt  }
0x4b: {  	_ =	shalt  }
0x4c: {  	_ =	shalt  }
0x4d: {  	_ =	shalt  }
0x4e: {  	_ =	shalt  }
0x4f: {  	_ =	shalt  }
0x50: {  	_ =	shalt  }
0x51: {  	_ =	shalt  }
0x52: {  	_ =	shalt  }
0x53: {  	_ =	shalt  }
0x54: {  	_ =	shalt  }
0x55: {  	_ =	shalt  }
0x56: {  	_ =	shalt  }
0x57: {  	_ =	shalt  }
0x58: {  	_ =	shalt  }
0x59: {  	_ =	shalt  }
0x5a: {  	_ =	shalt  }
0x5b: {  	_ =	shalt  }
0x5c: {  	_ =	shalt  }
0x5d: {  	_ =	shalt  }
0x5e: {  	_ =	shalt  }
0x5f: {  	_ =	shalt  }
0x60: {  	_ =	shalt  }
0x61: {  	_ =	shalt  }
0x62: {  	_ =	shalt  }
0x63: {  	_ =	shalt  }
0x64: {  	_ =	shalt  }
0x65: {  	_ =	shalt  }
0x66: {  	_ =	shalt  }
0x67: {  	_ =	shalt  }
0x68: {  	_ =	shalt  }
0x69: {  	_ =	shalt  }
0x6a: {  	_ =	shalt  }
0x6b: {  	_ =	shalt  }
0x6c: {  	_ =	shalt  }
0x6d: {  	_ =	shalt  }
0x6e: {  	_ =	shalt  }
0x6f: {  	_ =	shalt  }
0x70: {  	_ =	shalt  }
0x71: {  	_ =	shalt  }
0x72: {  	_ =	shalt  }
0x73: {  	_ =	shalt  }
0x74: {  	_ =	shalt  }
0x75: {  	_ =	shalt  }
0x76: {  	_ =	shalt  }
0x77: {  	_ =	shalt  }
0x78: {  	_ =	shalt  }
0x79: {  	_ =	shalt  }
0x7a: {  	_ =	shalt  }
0x7b: {  	_ =	shalt  }
0x7c: {  	_ =	shalt  }
0x7d: {  	_ =	shalt  }
0x7e: {  	_ =	shalt  }
0x7f: {  	_ =	shalt  }
0x80: {  	_ =	shalt  }
0x81: {  	_ =	shalt  }
0x82: {  	_ =	shalt  }
0x83: {  	_ =	shalt  }
0x84: {  	_ =	shalt  }
0x85: {  	_ =	shalt  }
0x86: {  	_ =	shalt  }
0x87: {  	_ =	shalt  }
.Lfunc_end0:
.L_simem_size_0:
called_computation_lowered:
.L_overlay_start_0:
0x88: {  	s2 =	sld [smem:$0x3FD9]  }
0x89: {  	s3 =	sld [smem:$0x3FFE];
	_ =	sdelay $0x1  }
0x8a: {  	s1 =	srdreg.scid  }
0x8b: {  	s0 =	sand.u32 $0x1, s1  }
0x8c: {  	s17 =	sshll.u32 s0, $0xA;
	s2 =	sadd.s32 s3, s2  }
0x8d: {  	s2 =	sadd.s32 s2, s17  }
0x8e: {  	[smem:$0x3FBE] =	sst s2  }
0x8f: {  	_ = 	snop  }
0x90: {  	s2 =	sld [smem:$0x3FD0];
	(tm) =	ssettm $0x1  }
0x91: {  	s18 =	sld [smem:$0x3FFB];
	_ =	sdelay $0x3  }
0x92: {  	_ =	strace s18  }
0x93: {  	s3 =	sld [smem:$0x3FFC];
	_ =	sdelay $0x3  }
0x94: {  	_ =	strace s3  }
0x95: {  	s3 =	sld [smem:$0x3FFD];
	_ =	sdelay $0x3  }
0x96: {  	_ =	strace s3  }
0x97: {  	_ =	strace $0x8FFFFFFF  }
0x98: {  	s19 =	sld [smem:$0x3FDB];
	_ =	sdelay $0x1  }
0x99: {  	s4 =	simm.s32 $_scs_section_size  }
0x9a: {  	s5 =	simm.s32 $_size__tile_overlayer_lowered;
	s6 =	simm.s32 $_tile_overlayer_lowered  }
0x9b: {  	s22 =	simm.s32 $0x1BFF;
	s21 =	sshll.u32 s6, $0x1;
	s3 =	sadd.s32 s4, s19  }
0x9c: {  	s7 =	simm.s32 $0x0;
	s20 =	sshll.u32 s5, $0x1;
	s5 =	sadd.s32 s21, s3  }
0x9d: {  	[timem:s7], [sflag:s22] =	dma.local [hbm:s5], s20  }
0x9e: {  	_ =	swait.ge [sflag:s22], s20  }
0x9f: {  	s4 =	ssub.s32 $0x0, s20;
	[sflag:s22] =	ssyncset.done $0x0  }
0xa0: {  	[sflag:s22] =	ssyncadd.s32 s4;
	_ =	sdelay $0x1  }
0xa1: {  	s23 =	simm.s32 $0x1B8B  }
0xa2: {  	_ =	swait.ge [sflag:s23], $0x1  }
0xa3: {  	[sflag:s23] =	ssyncset.done $0x0  }
0xa4: {  	s25 =	simm.s32 $0x1B8E;
	s24 =	sld [smem:$0x3FFE];
	[sflag:s23] =	ssyncadd.s32 $0xFFFFFFFF  }
0xa5: {  	s26 =	simm.s32 $execute0_lowered;
	[smem:$0x3FD2] =	sst s25  }
0xa6: {  	s5 =	sshll.u32 s26, $0x1;
	_ =	strace $0x80000046;
	[dreg:$0x1] =	wrdreg $0xFFFFFFFF  }
0xa7: {  	s28 =	simm.s32 $_size_execute0_lowered;
	s3 =	sadd.s32 s3, s5;
	[dreg:$0x0] =	wrdreg $0x0  }
0xa8: {  	s5 =	sshll.u32 s28, $0x1;
	[dreg:$0x2] =	wrdreg s3  }
0xa9: {  	[dreg:$0x3] =	wrdreg s5  }
0xaa: {  	[dreg:$0x4] =	wrdreg $0xC0  }
0xab: {  	_ =	task [dreg:s7], $0x5FFFF  }
0xac: {  	[dreg:$0x1] =	wrdreg $0xFFFFFFFF  }
0xad: {  	[dreg:$0x0] =	wrdreg $0x60  }
0xae: {  	[dreg:$0x2] =	wrdreg s24  }
0xaf: {  	[dreg:$0x3] =	wrdreg s2  }
0xb0: {  	[dreg:$0x4] =	wrdreg $0x8A600  }
0xb1: {  	[dreg:$0x5] =	wrdreg $0x9  }
0xb2: {  	_ =	task.clear_ibuf [dreg:s7], $0x6FFFF;
	_ =	strace $0x90000046  }
0xb3: {  	s29 =	simm.s32 $0x9;
	_ =	strace $0x80000048  }
0xb4: {  	_ =	swait.ge [sflag:s29], $0x1  }
0xb5: {  	[sflag:s29] =	ssyncadd.s32 $0xFFFFFFFF  }
0xb6: {  	_ =	strace $0x90000048  }
0xb7: {  	_ =	sfence  }
0xb8: {  	s30 =	sld [smem:$0x0];
	_ =	sdelay $0x2  }
0xb9: {  	s31 =	sshll.u32 s1, $0xD;
	s1 =	sshrl.u32 s1, $0x2  }
0xba: {  	s3 =	sand.u32 $0x4000, s31;
	s1 =	sadd.s32 s1, s30  }
0xbb: {  	s0 =	sor.u32 s3, s0;
	s1 =	sshll.u32 s1, $0x11  }
0xbc: {  	s0 =	sor.u32 s1, s0  }
0xbd: {  	s0 =	sadd.s32 $0x8F2B, s0  }
0xbe: {  	[sflag:s0] =	ssyncadd.remote.s32 $0x1  }
0xbf: {  	_ =	sfence.sel $0xFFFF  }
0xc0: {  	[dreg:$0x0] =	wrdreg $0xFFFFFFFF;
	(pc) =	sbr.abs _section_cstart, $3  }
0xc1: {  	[dreg:$0x1] =	wrdreg $0xFFFFFFFF  }
0xc2: {  	_ =	task.clear_ibuf [dreg:s7], $0x2FFFF;
	_ =	strace $0x9FFFFFFF  }
0xc3: {  	(tm) =	ssettm $0x7FFFFFFF  }
tec
execute0_lowered:
.L_overlay_start_1:
0x0: {  	(tag) =	ssettag $0x1  }
0x1: {  	s0 =	rddreg [dreg:$0x0]  }
0x2: {  	s2 =	rddreg [dreg:$0x1]  }
0x3: {  	s3 =	rddreg [dreg:$0x2];
	s4 =	simm.s32 $0x0;
	s12 =	stileid.u32  }
0x4: {  	s1 =	srdreg.scid;
	s29 =	simm.s32 $0x2;
	s30 =	simm.s32 $0x3960  }
0x5: {  	s28 =	simm.s32 $0xB;
	s13 =	simm.s32 $0x288;
	s14 =	simm.s32 $0xC  }
0x6: {  	s15 =	simm.s32 $0x6;
	[smem:$0x7FF] =	sst s4;
	s7 =	smul.u32 $0x16800, s12  }
0x7: {  	s1 =	sand.u32 $0x1, s1;
	s5 =	sadd.s32 $0x1C00, s0;
	s6 =	sadd.s32 $0x16000, s0  }
0x8: {  	s18 =	sshll.u32 s12, $0x6;
	_ =	strace $0x80000047;
	s8 =	smul.u32 $0x168000, s1  }
0x9: {  	s10 =	sshll.u32 s1, $0x4;
	s1 =	ssub.s32 $0x2, s1;
	s18 =	sor.u32 $0x1C0D, s18  }
0xa: {  	s9 =	sshrl.u32 s7, $0x3;
	s10 =	sor.u32 s12, s10;
	s16 =	sshrl.u32 s1, $0x1  }
0xb: {  	s12 =	simm.s32 $0x5;
	[dreg:$0x5] =	wrdreg s18;
	s9 =	sadd.s32 s9, s0  }
0xc: {  	s8 =	sadd.s32 s7, s8;
	s11 =	smul.u32 $0x90, s10;
	s21 =	sor.u32 $0x60, s10  }
0xd: {  	s1 =	ssub.s32 s1, s16;
	s22 =	sor.u32 $0x80, s10;
	[dreg:$0x9] =	wrdreg s21  }
0xe: {  	s7 =	sadd.s32 s7, s3;
	s23 =	sor.u32 $0xA0, s10;
	[dreg:$0xa] =	wrdreg s22  }
0xf: {  	s17 =	smul.u32 $0x12, s10;
	s24 =	sor.u32 $0xC0, s10;
	[dreg:$0xb] =	wrdreg s23  }
0x10: {  	s25 =	sor.u32 $0xE0, s10;
	s26 =	sor.u32 $0x100, s10;
	[dreg:$0xc] =	wrdreg s24  }
0x11: {  	s10 =	simm.s32 $0x61E0;
	s16 =	simm.s32 $0x318;
	[dreg:$0xd] =	wrdreg s25  }
0x12: {  	s8 =	sshrl.u32 s8, $0x3;
	s9 =	sadd.s32 $0x43000, s9;
	[dreg:$0xe] =	wrdreg s26  }
0x13: {  	s31 =	smax.u32 s1, $0x1;
	s7 =	sshrl.u32 s7, $0x3;
	s25 =	simm.s32 $0x48  }
0x14: {  	s26 =	simm.s32 $0x10E0;
	s1 =	simm.s32 $0x7;
	s24 =	simm.s32 $0xA  }
0x15: {  	s21 =	simm.s32 $0x1F8;
	s22 =	simm.s32 $0x9;
	s23 =	simm.s32 $0x0  }
0x16: {  	s0 =	sadd.s32 s8, s0;
	[dreg:$0x4] =	wrdreg s9;
	s11 =	sshrl.u32 s11, $0x3  }
0x17: {  	s8 =	sadd.s32 s5, s17;
	[dreg:$0x10] =	wrdreg s31;
	s9 =	simm.s32 $0x3  }
.Ltmp0:
0x18: {  	s17 =	simm.s32 $0x2D0;
	[dreg:$0x11] =	wrdreg s7;
	(pc) =	sbr.rel .LBB2_1-.Ltmp0, $4  }
0x19: {  	[dreg:$0x6] =	wrdreg s8;
	s19 =	sadd.s32 s5, s11;
	s0 =	sadd.s32 $0x70000, s0  }
0x1a: {  	v5 =	vimm.s32 $0x0;
	s11 =	simm.s32 $0xD;
	s20 =	sadd.s32 $0x240, s19;
	[dreg:$0xf] =	wrdreg s0  }
0x1b: {  	v6 =	vimm.s32 $0x1;
	v7 =	vimm.s32 $0x2;
	v37 =	vimm.s32 $0x3;
	s8 =	sadd.s32 $0x480, s19;
	s19 =	simm.s32 $0x8;
	[dreg:$0x7] =	wrdreg s20  }
0x1c: {  	v46 =	vimm.s32 $0x4;
	v50 =	vimm.s32 $0x5;
	v11 =	vimm.s32 $0x7;
	[dreg:$0x8] =	wrdreg s8;
	s8 =	simm.s32 $0x240;
	s20 =	simm.s32 $0x4  }
.LBB2_16:
0x1d: {  	_ =	swait.ge [sflag:s14], $0x2880  }
0x1e: {  	[sflag:s14] =	ssyncset.done $0x0  }
0x1f: {  	[sflag:s14] =	ssyncadd.s32 $0xFFFFD780  }
0x20: {  	[bflag:$0x0] =	sbarrier.arrive $0xFFFF  }
0x21: {  	s18 =	rddreg [dreg:$0x5]  }
0x22: {  	s0 =	rddreg [dreg:$0xf]  }
0x23: {  	s11 =	simm.s32 $0xD;
	s7 =	rddreg [dreg:$0x11]  }
0x24: {  	[hbm:s0], [sflag:s18] =	dma.local [spmem:s7], $0x2D00  }
0x25: {  	_ =	swait.ge [sflag:s11], $0x2D00  }
0x26: {  	s23 =	rddreg [dreg:$0x12]  }
0x27: {  	s31 =	rddreg [dreg:$0x10];
	s23 =	sadd.s32 $0x1, s23  }
0x28: {  	p0 =	sne.s32 s23, s31  }
.Ltmp1:
0x29: {  	_ = 	snop;
	(pc) =	sbr.rel @!p0 .LBB2_17-.Ltmp1, $4  }
0x2a: {  	_ = 	snop  }
0x2b: {  	v5 =	vimm.s32 $0x0  }
0x2c: {  	v6 =	vimm.s32 $0x1;
	v7 =	vimm.s32 $0x2;
	v37 =	vimm.s32 $0x3;
	[sflag:s11] =	ssyncset.done $0x0  }
0x2d: {  	v46 =	vimm.s32 $0x4;
	v50 =	vimm.s32 $0x5;
	v11 =	vimm.s32 $0x7;
	[sflag:s11] =	ssyncadd.s32 $0xFFFFD300  }
.LBB2_1:
0x2e: {  	[dreg:$0x12] =	wrdreg s23  }
0x2f: {  	s0 =	rddreg [dreg:$0x4]  }
0x30: {  	[spmem:s7], [sflag:s18] =	dma.local [hbm:s0], $0x2D00  }
0x31: {  	_ =	swait.ge [sflag:s11], $0x2D00  }
0x32: {  	[sflag:s11] =	ssyncset.done $0x0  }
0x33: {  	[sflag:s11] =	ssyncadd.s32 $0xFFFFD300  }
0x34: {  	[bflag:$0x0] =	sbarrier.arrive $0xFFFF  }
0x35: {  	s11 =	rddreg [dreg:$0x6]  }
0x36: {  	[tilespmem:s4], [sflag:$0x1] =	stream.linear.gather [hbm4b:s11+s4], $0x90, $0x38;
	[tilespmem:$0x1F260] =	vst v63  }
0x37: {  	s7 =	simm.s32 $0x90;
	s18 =	rddreg [dreg:$0x7]  }
0x38: {  	[tilespmem:s7], [sflag:$0x2] =	stream.linear.gather [hbm4b:s18+s4], $0x90, $0x38;
	[tilespmem:$0x1F260] =	vst v63  }
0x39: {  	s31 =	simm.s32 $0x120;
	s23 =	rddreg [dreg:$0x8];
	s11 =	simm.s32 $0x1  }
0x3a: {  	[tilespmem:s31], [sflag:$0x3] =	stream.linear.gather [hbm4b:s23+s4], $0x90, $0x38;
	[tilespmem:$0x1F260] =	vst v63  }
0x3b: {  	_ =	swait.ge [sflag:s11], $0x90  }
0x3c: {  	[sflag:s11] =	ssyncset.done $0x0  }
0x3d: {  	[sflag:s11] =	ssyncadd.s32 $0xFFFFFF70  }
0x3e: {  	[tilespmem:s26], [sflag:$0x7] =	stream.indirect.gather [hbm4b:s6+s25], $0x90, s4, s25, $0xb8;
	[tilespmem:$0x1F260] =	vst v63  }
0x3f: {  	s18 =	simm.s32 $0x360  }
0x40: {  	[tilespmem:s18], [sflag:$0x7] =	stream.indirect.gather [hbm4b:s2+s25], $0x10, s25, s25, $0xb8;
	[tilespmem:$0x1F260] =	vst v63  }
0x41: {  	_ =	swait.ge [sflag:s29], $0x90  }
0x42: {  	[sflag:s29] =	ssyncset.done $0x0  }
0x43: {  	[sflag:s29] =	ssyncadd.s32 $0xFFFFFF70  }
0x44: {  	[tilespmem:s30], [sflag:$0x8] =	stream.indirect.gather [hbm4b:s6+s25], $0x90, s7, s25, $0xb8;
	[tilespmem:$0x1F260] =	vst v63  }
0x45: {  	s23 =	simm.s32 $0xD8;
	s31 =	simm.s32 $0x7E0  }
0x46: {  	[tilespmem:s31], [sflag:$0x8] =	stream.indirect.gather [hbm4b:s2+s25], $0x10, s23, s25, $0xb8;
	[tilespmem:$0x1F260] =	vst v63  }
0x47: {  	s23 =	simm.s32 $0x0  }
.LBB2_2:
0x48: {  	_ =	swait.ge [sflag:s1], $0x2880  }
0x49: {  	[sflag:s1] =	ssyncset.done $0x0  }
0x4a: {  	[sflag:s1] =	ssyncadd.s32 $0xFFFFD780  }
0x4b: {  	_ =	swait.ge [sflag:s1], $0x480  }
0x4c: {  	[sflag:s1] =	ssyncset.done $0x0  }
0x4d: {  	s31 =	simm.s32 $0x1200;
	[sflag:s1] =	ssyncadd.s32 $0xFFFFFB80  }
0x4e: {  	s0 =	simm.s32 $0x380;
	v0 =	vld [tilespmem:s31+$0x110]  }
0x4f: {  	v1 =	vld [tilespmem:s0+$0x10]  }
0x50: {  	v2 =	vld [tilespmem:s0+$0xFFFFFFE0]  }
0x51: {  	v10 =	vld [tilespmem:s31+$0xFFFFFEE0]  }
0x52: {  	v3 =	vld [tilespmem:s31+$0xFFFFFFF0]  }
0x53: {  	v4 =	vld [tilespmem:s0+$0xFFFFFFF0]  }
0x54: {  	v8 =	vld [tilespmem:s31+$0x80]  }
0x55: {  	v9 =	vld [tilespmem:s0+$0x0];
	v0 =	vadd.f32 v1, v0  }
0x56: {  	v1 =	vld [tilespmem:s31+$0xFFFFFF60];
	[tilespmem:$0x1FFF0] =	vst v10  }
0x57: {  	v14 =	vld [tilespmem:s31+$0xFFFFFEF0];
	v10 =	vmul.f32 $2.000000030e-01, v0  }
0x58: {  	v3 =	vadd.f32 v4, v3;
	v15 =	vld [tilespmem:s31+$0xFFFFFF00];
	vm0 =	vgt.f32 v0, $0.0e+00  }
0x59: {  	v16 =	vld [tilespmem:s31+$0xFFFFFF10];
	v0 =	vsel vm0, v0, v10  }
0x5a: {  	v4 =	vadd.f32 v9, v8;
	v17 =	vld [tilespmem:s31+$0xFFFFFF20];
	v8 =	vmul.f32 $2.000000030e-01, v3;
	v0 =	vmul.f32 $1.442695020e+00, v0  }
0x5b: {  	v18 =	vld [tilespmem:s31+$0xFFFFFF30];
	vm14 =	vgt.f32 v3, $0.0e+00  }
0x5c: {  	v19 =	vld [tilespmem:s31+$0xFFFFFF40];
	v3 =	vsel vm14, v3, v8;
	(erf) = vpow2.f32 v0  }
0x5d: {  	v20 =	vld [tilespmem:s31+$0xFFFFFF50];
	v3 =	vmul.f32 $1.442695020e+00, v3  }
0x5e: {  	v21 =	vld [tilespmem:s31+$0xFFFFFF70];
	v1 =	vadd.f32 v2, v1  }
0x5f: {  	v22 =	vld [tilespmem:s31+$0xFFFFFF80];
	v2 =	vmul.f32 $2.000000030e-01, v4;
	(erf) = vpow2.f32 v3  }
0x60: {  	v23 =	vld [tilespmem:s31+$0xFFFFFF90];
	vm1 =	vgt.f32 v4, $0.0e+00;
	v0 =	vmul.f32 $2.000000030e-01, v1  }
0x61: {  	v24 =	vld [tilespmem:s31+$0xFFFFFFA0];
	vm15 =	vgt.f32 v1, $0.0e+00;
	v2 =	vsel vm1, v4, v2  }
0x62: {  	v26 =	vld [tilespmem:s31+$0xFFFFFFB0];
	v0 =	vsel vm15, v1, v0;
	v1 =	vmul.f32 $1.442695020e+00, v2  }
0x63: {  	v25 =	vld [tilespmem:s31+$0xFFFFFFC0];
	v0 =	vmul.f32 $1.442695020e+00, v0  }
0x64: {  	v27 =	vld [tilespmem:s31+$0xFFFFFFD0];
	(erf) = vpow2.f32 v1  }
0x65: {  	v28 =	vld [tilespmem:s31+$0xFFFFFFE0];
	(erf) = vpow2.f32 v0;
	v43 =	vpop (erf)  }
0x66: {  	v32 =	vld [tilespmem:s31+$0x0];
	v9 =	vperm.xlane v43, v5;
	v1 =	vperm.xlane v43, v11  }
0x67: {  	v0 =	vld [tilespmem:s31+$0x100];
	v11 =	vperm.xlane v43, v6;
	v8 =	vperm.xlane v43, v7  }
0x68: {  	v34 =	vld [tilespmem:s31+$0x10];
	v10 =	vperm.xlane v43, v37;
	v13 =	vperm.xlane v43, v46;
	v41 =	vpop (erf)  }
0x69: {  	v35 =	vld [tilespmem:s31+$0x20];
	v12 =	vperm.xlane v43, v50;
	v49 =	vperm.xlane v41, v5  }
0x6a: {  	v39 =	vld [tilespmem:s31+$0x30];
	v47 =	vperm.xlane v41, v6;
	v51 =	vperm.xlane v41, v7  }
0x6b: {  	v36 =	vimm.s32 $0x7;
	v44 =	vld [tilespmem:s31+$0x40];
	v48 =	vperm.xlane v41, v37;
	v61 =	vperm.xlane v41, v46  }
0x6c: {  	v31 =	vimm.s32 $0x6;
	v40 =	vld [tilespmem:s31+$0x50];
	[tilespmem:s31+$0x110] =	vst v43;
	v58 =	vperm.xlane v41, v50;
	v2 =	vmul.f32 v0, v1  }
0x6d: {  	v33 =	vld [tilespmem:s31+$0x60];
	v59 =	vperm.xlane v41, v31;
	v57 =	vperm.xlane v41, v36;
	[tilespmem:s31+$0xFFFFFFF0] =	vst v41;
	v45 =	vpop (erf)  }
0x6e: {  	v29 =	vld [tilespmem:s31+$0x90];
	[tilespmem:s31+$0x100] =	vst v2;
	v60 =	vperm.xlane v45, v5;
	v56 =	vperm.xlane v45, v6  }
0x6f: {  	v30 =	vld [tilespmem:s31+$0xA0];
	v38 =	vpop (erf);
	v55 =	vperm.xlane v45, v7;
	v53 =	vperm.xlane v45, v37;
	[tilespmem:s31+$0x80] =	vst v45  }
0x70: {  	v41 =	vld [tilespmem:s31+$0xE0];
	v54 =	vperm.xlane v45, v46;
	v42 =	vperm.xlane v38, v5;
	[tilespmem:s31+$0xFFFFFF60] =	vst v38;
	v5 =	vimm.s32 $0x7  }
0x71: {  	v3 =	vperm.xlane v38, v46;
	v46 =	vperm.xlane v45, v5;
	v5 =	vld [tilespmem:$0x1FFF0]  }
0x72: {  	v52 =	vperm.xlane v45, v50;
	v2 =	vperm.xlane v38, v31;
	v31 =	vld [tilespmem:s31+$0xB0]  }
0x73: {  	v1 =	vperm.xlane v38, v6;
	v62 =	vperm.xlane v38, v36;
	v36 =	vld [tilespmem:s31+$0x70]  }
0x74: {  	v4 =	vperm.xlane v38, v7;
	v0 =	vperm.xlane v38, v37;
	v7 =	vimm.s32 $0x6;
	v37 =	vld [tilespmem:s31+$0xC0]  }
0x75: {  	v63 =	vperm.xlane v38, v50;
	v38 =	vld [tilespmem:s31+$0xD0];
	v50 =	vperm.xlane v45, v7  }
0x76: {  	s7 =	simm.s32 $0x0;
	s11 =	simm.s32 $0x1440;
	v45 =	vmul.f32 v5, v42;
	v42 =	vperm.xlane v43, v7;
	v43 =	vld [tilespmem:s31+$0xF0]  }
.LBB2_3:
0x77: {  	v5 =	vld [tilespmem:s11+$0x110];
	v1 =	vmul.f32 v14, v1;
	v4 =	vmul.f32 v15, v4;
	s0 =	sadd.s32 $0x40, s0  }
0x78: {  	s7 =	sadd.s32 $0x4, s7;
	v0 =	vmul.f32 v16, v0;
	v3 =	vmul.f32 v17, v3;
	v14 =	vld [tilespmem:s0+$0x10];
	[tilespmem:s31+$0xFFFFFEE0] =	vst v45  }
0x79: {  	v2 =	vmul.f32 v19, v2;
	p0 =	slt.u32 s7, $0x44;
	v17 =	vld [tilespmem:s0+$0xFFFFFFE0];
	[tilespmem:s31+$0xFFFFFEF0] =	vst v1;
	v1 =	vmul.f32 v18, v63  }
0x7a: {  	v16 =	vmul.f32 v21, v49;
	v15 =	vld [tilespmem:s11+$0xFFFFFFF0];
	[tilespmem:s31+$0xFFFFFF00] =	vst v4;
	v4 =	vmul.f32 v20, v62  }
0x7b: {  	v19 =	vmul.f32 v23, v51;
	v18 =	vld [tilespmem:s0+$0xFFFFFFF0];
	[tilespmem:s31+$0xFFFFFF10] =	vst v0;
	v0 =	vmul.f32 v22, v47  }
0x7c: {  	v21 =	vmul.f32 v26, v61;
	v20 =	vld [tilespmem:s11+$0x80];
	[tilespmem:s31+$0xFFFFFF20] =	vst v3;
	v3 =	vmul.f32 v24, v48  }
0x7d: {  	v23 =	vmul.f32 v27, v59;
	v22 =	vld [tilespmem:s0+$0x0];
	v5 =	vadd.f32 v14, v5;
	[tilespmem:s31+$0xFFFFFF30] =	vst v1;
	v1 =	vmul.f32 v25, v58  }
0x7e: {  	v25 =	vmul.f32 v32, v60;
	v24 =	vld [tilespmem:s11+$0xFFFFFF60];
	[tilespmem:s31+$0xFFFFFF40] =	vst v2;
	v2 =	vmul.f32 v28, v57  }
0x7f: {  	v45 =	vld [tilespmem:s11+$0xFFFFFEE0];
	v26 =	vmul.f32 $2.000000030e-01, v5;
	[tilespmem:s31+$0xFFFFFF50] =	vst v4;
	v4 =	vmul.f32 v34, v56  }
0x80: {  	v28 =	vmul.f32 v35, v55;
	vm0 =	vgt.f32 v5, $0.0e+00;
	v14 =	vld [tilespmem:s11+$0xFFFFFEF0];
	v27 =	vadd.f32 v18, v15;
	[tilespmem:s31+$0xFFFFFF70] =	vst v16  }
0x81: {  	v32 =	vmul.f32 v44, v54;
	v15 =	vld [tilespmem:s11+$0xFFFFFF00];
	v5 =	vsel vm0, v5, v26;
	[tilespmem:s31+$0xFFFFFF80] =	vst v0;
	v0 =	vmul.f32 v39, v53  }
0x82: {  	v16 =	vld [tilespmem:s11+$0xFFFFFF10];
	v26 =	vmul.f32 $2.000000030e-01, v27;
	v22 =	vadd.f32 v22, v20;
	v5 =	vmul.f32 $1.442695020e+00, v5;
	[tilespmem:s31+$0xFFFFFF90] =	vst v19  }
0x83: {  	vm0 =	vgt.f32 v27, $0.0e+00;
	v24 =	vadd.f32 v17, v24;
	v17 =	vld [tilespmem:s11+$0xFFFFFF20];
	[tilespmem:s31+$0xFFFFFFA0] =	vst v3;
	v3 =	vmul.f32 v40, v52  }
0x84: {  	v18 =	vld [tilespmem:s11+$0xFFFFFF30];
	vm1 =	vgt.f32 v22, $0.0e+00;
	v34 =	vmul.f32 $2.000000030e-01, v22;
	(erf) = vpow2.f32 v5;
	[tilespmem:s31+$0xFFFFFFB0] =	vst v21  }
0x85: {  	v21 =	vsel vm0, v27, v26;
	vm2 =	vgt.f32 v24, $0.0e+00;
	v5 =	vmul.f32 $2.000000030e-01, v24;
	v19 =	vld [tilespmem:s11+$0xFFFFFF40];
	[tilespmem:s31+$0xFFFFFFC0] =	vst v1  }
0x86: {  	v33 =	vmul.f32 v33, v50;
	v1 =	vmul.f32 $1.442695020e+00, v21;
	v20 =	vld [tilespmem:s11+$0xFFFFFF50];
	v22 =	vsel vm1, v22, v34;
	[tilespmem:s31+$0xFFFFFFD0] =	vst v23  }
0x87: {  	v5 =	vsel vm2, v24, v5;
	v21 =	vld [tilespmem:s11+$0xFFFFFF70];
	v24 =	vmul.f32 $1.442695020e+00, v22;
	[tilespmem:s31+$0xFFFFFFE0] =	vst v2;
	v2 =	vmul.f32 v36, v46  }
0x88: {  	v5 =	vmul.f32 $1.442695020e+00, v5;
	v22 =	vld [tilespmem:s11+$0xFFFFFF80];
	(erf) = vpow2.f32 v1;
	[tilespmem:s31+$0x0] =	vst v25  }
0x89: {  	v1 =	vmul.f32 v29, v9;
	v23 =	vld [tilespmem:s11+$0xFFFFFF90];
	(erf) = vpow2.f32 v24;
	[tilespmem:s31+$0x10] =	vst v4  }
0x8a: {  	v4 =	vmul.f32 v30, v11;
	v24 =	vld [tilespmem:s11+$0xFFFFFFA0];
	(erf) = vpow2.f32 v5;
	[tilespmem:s31+$0x20] =	vst v28  }
0x8b: {  	v50 =	vimm.s32 $0x3;
	v29 =	vmul.f32 v37, v10;
	v5 =	vld [tilespmem:s11+$0x100];
	[tilespmem:s31+$0x30] =	vst v0;
	v0 =	vmul.f32 v31, v8  }
0x8c: {  	v55 =	vimm.s32 $0x1;
	v30 =	vmul.f32 v38, v13;
	v31 =	vmul.f32 v41, v12;
	v26 =	vld [tilespmem:s11+$0xFFFFFFB0];
	[tilespmem:s31+$0x40] =	vst v32  }
0x8d: {  	v53 =	vimm.s32 $0x0;
	v37 =	vmul.f32 v43, v42;
	v43 =	vimm.s32 $0x7;
	v25 =	vld [tilespmem:s11+$0xFFFFFFC0];
	v6 =	vpop (erf);
	[tilespmem:s31+$0x50] =	vst v3  }
0x8e: {  	v46 =	vimm.s32 $0x2;
	v27 =	vld [tilespmem:s11+$0xFFFFFFD0];
	v9 =	vperm.xlane v6, v53;
	v3 =	vperm.xlane v6, v43;
	[tilespmem:s31+$0x60] =	vst v33  }
0x8f: {  	v54 =	vimm.s32 $0x4;
	v11 =	vperm.xlane v6, v55;
	v8 =	vperm.xlane v6, v46;
	v28 =	vld [tilespmem:s11+$0xFFFFFFE0];
	[tilespmem:s31+$0x70] =	vst v2  }
0x90: {  	v52 =	vimm.s32 $0x5;
	v10 =	vperm.xlane v6, v50;
	v32 =	vld [tilespmem:s11+$0x0];
	v2 =	vmul.f32 v5, v3;
	[tilespmem:s31+$0x90] =	vst v1  }
0x91: {  	v13 =	vperm.xlane v6, v54;
	v12 =	vperm.xlane v6, v52;
	v34 =	vld [tilespmem:s11+$0x10];
	v5 =	vpop (erf);
	[tilespmem:s31+$0xA0] =	vst v4  }
0x92: {  	v49 =	vperm.xlane v5, v53;
	v47 =	vperm.xlane v5, v55;
	v35 =	vld [tilespmem:s11+$0x20];
	[tilespmem:s11+$0x100] =	vst v2;
	v41 =	vpop (erf)  }
0x93: {  	v51 =	vperm.xlane v5, v46;
	v48 =	vperm.xlane v5, v50;
	v39 =	vld [tilespmem:s11+$0x30];
	v38 =	vpop (erf);
	[tilespmem:s31+$0xB0] =	vst v0  }
0x94: {  	v42 =	vperm.xlane v38, v53;
	v1 =	vperm.xlane v38, v55;
	v44 =	vld [tilespmem:s11+$0x40];
	[tilespmem:s31+$0xC0] =	vst v29  }
0x95: {  	v4 =	vperm.xlane v38, v46;
	v0 =	vperm.xlane v38, v50;
	v40 =	vld [tilespmem:s11+$0x50];
	[tilespmem:s31+$0xD0] =	vst v30  }
0x96: {  	v3 =	vperm.xlane v38, v54;
	v63 =	vperm.xlane v38, v52;
	v33 =	vld [tilespmem:s11+$0x60];
	[tilespmem:s31+$0xE0] =	vst v31  }
0x97: {  	v2 =	vperm.xlane v38, v7;
	v62 =	vperm.xlane v38, v43;
	v36 =	vld [tilespmem:s11+$0x70];
	[tilespmem:s31+$0xF0] =	vst v37;
	s31 =	smov.u32 s11  }
0x98: {  	v61 =	vperm.xlane v5, v54;
	v58 =	vperm.xlane v5, v52;
	[tilespmem:s11+$0xFFFFFF60] =	vst v38;
	v29 =	vld [tilespmem:s11+$0x90]  }
0x99: {  	v59 =	vperm.xlane v5, v7;
	v57 =	vperm.xlane v5, v43;
	[tilespmem:s11+$0xFFFFFFF0] =	vst v5;
	v30 =	vld [tilespmem:s11+$0xA0]  }
.Ltmp2:
0x9a: {  	v60 =	vperm.xlane v41, v53;
	v56 =	vperm.xlane v41, v55;
	[tilespmem:s11+$0x80] =	vst v41;
	v31 =	vld [tilespmem:s11+$0xB0];
	(pc) =	sbr.rel @p0 .LBB2_3-.Ltmp2, $4  }
0x9b: {  	v55 =	vperm.xlane v41, v46;
	v53 =	vperm.xlane v41, v50;
	[tilespmem:s11+$0x110] =	vst v6;
	v37 =	vld [tilespmem:s11+$0xC0]  }
0x9c: {  	v54 =	vperm.xlane v41, v54;
	v52 =	vperm.xlane v41, v52;
	v38 =	vld [tilespmem:s11+$0xD0]  }
0x9d: {  	v50 =	vperm.xlane v41, v7;
	v46 =	vperm.xlane v41, v43;
	v41 =	vld [tilespmem:s11+$0xE0]  }
0x9e: {  	v45 =	vmul.f32 v45, v42;
	v42 =	vperm.xlane v6, v7;
	s11 =	sadd.s32 $0x240, s11;
	v43 =	vld [tilespmem:s31+$0xF0]  }
0x9f: {  	v1 =	vmul.f32 v14, v1  }
0xa0: {  	v4 =	vmul.f32 v15, v4;
	[tilespmem:s31+$0xFFFFFEE0] =	vst v45  }
0xa1: {  	v0 =	vmul.f32 v16, v0;
	[tilespmem:s31+$0xFFFFFEF0] =	vst v1  }
0xa2: {  	v1 =	vmul.f32 v17, v3;
	[tilespmem:s31+$0xFFFFFF00] =	vst v4  }
0xa3: {  	v3 =	vmul.f32 v18, v63;
	[tilespmem:s31+$0xFFFFFF10] =	vst v0  }
0xa4: {  	v0 =	vmul.f32 v19, v2;
	[tilespmem:s31+$0xFFFFFF20] =	vst v1  }
0xa5: {  	v2 =	vmul.f32 v21, v49;
	[tilespmem:s31+$0xFFFFFF30] =	vst v3  }
0xa6: {  	v1 =	vmul.f32 v20, v62;
	[tilespmem:s31+$0xFFFFFF40] =	vst v0  }
0xa7: {  	v0 =	vmul.f32 v22, v47;
	[tilespmem:s31+$0xFFFFFF70] =	vst v2  }
0xa8: {  	v2 =	vmul.f32 v24, v48;
	[tilespmem:s31+$0xFFFFFF50] =	vst v1  }
0xa9: {  	v1 =	vmul.f32 v23, v51;
	[tilespmem:s31+$0xFFFFFF80] =	vst v0  }
0xaa: {  	v0 =	vmul.f32 v26, v61;
	[tilespmem:s31+$0xFFFFFFA0] =	vst v2  }
0xab: {  	v2 =	vmul.f32 v27, v59;
	[tilespmem:s31+$0xFFFFFF90] =	vst v1  }
0xac: {  	v1 =	vmul.f32 v25, v58;
	[tilespmem:s31+$0xFFFFFFB0] =	vst v0  }
0xad: {  	v0 =	vmul.f32 v28, v57;
	[tilespmem:s31+$0xFFFFFFD0] =	vst v2  }
0xae: {  	v2 =	vmul.f32 v34, v56;
	[tilespmem:s31+$0xFFFFFFC0] =	vst v1  }
0xaf: {  	v1 =	vmul.f32 v32, v60;
	[tilespmem:s31+$0xFFFFFFE0] =	vst v0  }
0xb0: {  	v0 =	vmul.f32 v35, v55;
	[tilespmem:s31+$0x10] =	vst v2  }
0xb1: {  	v2 =	vmul.f32 v44, v54;
	[tilespmem:s31+$0x0] =	vst v1  }
0xb2: {  	v1 =	vmul.f32 v39, v53;
	[tilespmem:s31+$0x20] =	vst v0  }
0xb3: {  	v0 =	vmul.f32 v40, v52;
	[tilespmem:s31+$0x40] =	vst v2  }
0xb4: {  	v2 =	vmul.f32 v36, v46;
	[tilespmem:s31+$0x30] =	vst v1  }
0xb5: {  	v1 =	vmul.f32 v33, v50;
	[tilespmem:s31+$0x50] =	vst v0  }
0xb6: {  	v0 =	vmul.f32 v29, v9;
	[tilespmem:s31+$0x70] =	vst v2  }
0xb7: {  	v2 =	vmul.f32 v31, v8;
	[tilespmem:s31+$0x60] =	vst v1  }
0xb8: {  	v1 =	vmul.f32 v30, v11;
	[tilespmem:s31+$0x90] =	vst v0  }
0xb9: {  	v0 =	vmul.f32 v37, v10;
	[tilespmem:s31+$0xB0] =	vst v2  }
0xba: {  	v2 =	vmul.f32 v41, v12;
	[tilespmem:s31+$0xA0] =	vst v1  }
0xbb: {  	v1 =	vmul.f32 v38, v13;
	[tilespmem:s31+$0xC0] =	vst v0  }
0xbc: {  	v0 =	vmul.f32 v43, v42;
	[tilespmem:s31+$0xE0] =	vst v2  }
0xbd: {  	[tilespmem:s31+$0xD0] =	vst v1  }
0xbe: {  	[tilespmem:s31+$0xF0] =	vst v0;
	s31 =	smul.u32 $0xC0, s23  }
0xbf: {  	[spmem:s3] =	stream.indirect.scatter.add.f32 [tilespmem:s26], [sflag:$0xA], $0x90, s25, s25, $0xb8;
	[tilespmem:$0x1F260] =	vst v63  }
0xc0: {  	p0 =	seq.s32 s23, $0x0;
	s7 =	rddreg [dreg:$0x9]  }
0xc1: {  	s0 =	simm.s32 @!p0 $0xC;
	s7 =	sadd.s32 s7, s31  }
0xc2: {  	_ =	swait.ge @!p0 [sflag:s0], $0x2880;
	s7 =	smul.u32 $0x12, s7  }
0xc3: {  	[sflag:s0] =	ssyncset.done @!p0 $0x0  }
0xc4: {  	s18 =	simm.s32 $0x1B0;
	[sflag:s0] =	ssyncadd.s32 @!p0 $0xFFFFD780;
	s11 =	sadd.s32 s5, s7  }
0xc5: {  	[tilespmem:s18], [sflag:$0x4] =	stream.linear.gather [hbm4b:s11+s4], $0x90, $0x38;
	[tilespmem:$0x1F260] =	vst v63  }
0xc6: {  	_ =	swait.ge [sflag:s9], $0x90  }
0xc7: {  	[sflag:s9] =	ssyncset.done $0x0  }
0xc8: {  	s7 =	simm.s32 $0x120;
	[sflag:s9] =	ssyncadd.s32 $0xFFFFFF70  }
0xc9: {  	[tilespmem:s10], [sflag:$0x9] =	stream.indirect.gather [hbm4b:s6+s25], $0x90, s7, s25, $0xb8;
	[tilespmem:$0x1F260] =	vst v63  }
0xca: {  	s11 =	simm.s32 $0x168;
	s18 =	simm.s32 $0xC60  }
0xcb: {  	[tilespmem:s18], [sflag:$0x9] =	stream.indirect.gather [hbm4b:s2+s25], $0x10, s11, s25, $0xb8;
	[tilespmem:$0x1F260] =	vst v63  }
0xcc: {  	_ =	swait.ge [sflag:s19], $0x2880  }
0xcd: {  	[sflag:s19] =	ssyncset.done $0x0  }
0xce: {  	[sflag:s19] =	ssyncadd.s32 $0xFFFFD780  }
0xcf: {  	_ =	swait.ge [sflag:s19], $0x480  }
0xd0: {  	[sflag:s19] =	ssyncset.done $0x0  }
0xd1: {  	s0 =	simm.s32 $0x3A80;
	[sflag:s19] =	ssyncadd.s32 $0xFFFFFB80  }
0xd2: {  	s7 =	simm.s32 $0x800;
	v0 =	vld [tilespmem:s0+$0x110]  }
0xd3: {  	v1 =	vld [tilespmem:s7+$0x10]  }
0xd4: {  	v2 =	vld [tilespmem:s7+$0xFFFFFFE0]  }
0xd5: {  	v3 =	vld [tilespmem:s0+$0xFFFFFFF0]  }
0xd6: {  	v4 =	vld [tilespmem:s7+$0xFFFFFFF0]  }
0xd7: {  	v5 =	vld [tilespmem:s0+$0x80]  }
0xd8: {  	v6 =	vld [tilespmem:s7+$0x0];
	v0 =	vadd.f32 v1, v0  }
0xd9: {  	v42 =	vld [tilespmem:s0+$0xFFFFFEE0]  }
0xda: {  	v14 =	vld [tilespmem:s0+$0xFFFFFEF0];
	v8 =	vmul.f32 $2.000000030e-01, v0  }
0xdb: {  	v15 =	vld [tilespmem:s0+$0xFFFFFF00];
	v3 =	vadd.f32 v4, v3;
	vm0 =	vgt.f32 v0, $0.0e+00  }
0xdc: {  	v1 =	vld [tilespmem:s0+$0xFFFFFF60];
	v0 =	vsel vm0, v0, v8  }
0xdd: {  	v16 =	vld [tilespmem:s0+$0xFFFFFF10];
	v4 =	vadd.f32 v6, v5;
	v5 =	vmul.f32 $2.000000030e-01, v3;
	v0 =	vmul.f32 $1.442695020e+00, v0  }
0xde: {  	v17 =	vld [tilespmem:s0+$0xFFFFFF20];
	vm14 =	vgt.f32 v3, $0.0e+00  }
0xdf: {  	v18 =	vld [tilespmem:s0+$0xFFFFFF30];
	v3 =	vsel vm14, v3, v5;
	(erf) = vpow2.f32 v0  }
0xe0: {  	v19 =	vld [tilespmem:s0+$0xFFFFFF40];
	v3 =	vmul.f32 $1.442695020e+00, v3  }
0xe1: {  	v20 =	vld [tilespmem:s0+$0xFFFFFF50];
	v1 =	vadd.f32 v2, v1  }
0xe2: {  	v21 =	vld [tilespmem:s0+$0xFFFFFF70];
	v2 =	vmul.f32 $2.000000030e-01, v4;
	(erf) = vpow2.f32 v3  }
0xe3: {  	v22 =	vld [tilespmem:s0+$0xFFFFFF80];
	vm1 =	vgt.f32 v4, $0.0e+00;
	v0 =	vmul.f32 $2.000000030e-01, v1  }
0xe4: {  	v23 =	vld [tilespmem:s0+$0xFFFFFF90];
	vm15 =	vgt.f32 v1, $0.0e+00;
	v2 =	vsel vm1, v4, v2  }
0xe5: {  	v24 =	vld [tilespmem:s0+$0xFFFFFFA0];
	v0 =	vsel vm15, v1, v0;
	v1 =	vmul.f32 $1.442695020e+00, v2  }
0xe6: {  	v26 =	vld [tilespmem:s0+$0xFFFFFFB0];
	v0 =	vmul.f32 $1.442695020e+00, v0  }
0xe7: {  	v54 =	vimm.s32 $0x1;
	v53 =	vimm.s32 $0x0;
	v25 =	vld [tilespmem:s0+$0xFFFFFFC0];
	(erf) = vpow2.f32 v1  }
0xe8: {  	v46 =	vimm.s32 $0x3;
	v41 =	vimm.s32 $0x7;
	v27 =	vld [tilespmem:s0+$0xFFFFFFD0];
	(erf) = vpow2.f32 v0;
	v5 =	vpop (erf)  }
0xe9: {  	v37 =	vimm.s32 $0x2;
	v28 =	vld [tilespmem:s0+$0xFFFFFFE0];
	v9 =	vperm.xlane v5, v53;
	v1 =	vperm.xlane v5, v41  }
0xea: {  	v52 =	vimm.s32 $0x4;
	v32 =	vld [tilespmem:s0+$0x0];
	v11 =	vperm.xlane v5, v54;
	v8 =	vperm.xlane v5, v37  }
0xeb: {  	v50 =	vimm.s32 $0x5;
	v0 =	vld [tilespmem:s0+$0x100];
	v10 =	vperm.xlane v5, v46;
	v13 =	vperm.xlane v5, v52;
	v6 =	vpop (erf)  }
0xec: {  	v34 =	vld [tilespmem:s0+$0x10];
	v12 =	vperm.xlane v5, v50;
	v49 =	vperm.xlane v6, v53  }
0xed: {  	v35 =	vld [tilespmem:s0+$0x20];
	v47 =	vperm.xlane v6, v54;
	v51 =	vperm.xlane v6, v37  }
0xee: {  	v39 =	vld [tilespmem:s0+$0x30];
	v48 =	vperm.xlane v6, v46;
	v61 =	vperm.xlane v6, v52  }
0xef: {  	v44 =	vld [tilespmem:s0+$0x40];
	v58 =	vperm.xlane v6, v50;
	v59 =	vperm.xlane v6, v7  }
0xf0: {  	v40 =	vld [tilespmem:s0+$0x50];
	v57 =	vperm.xlane v6, v41;
	v2 =	vmul.f32 v0, v1;
	v43 =	vpop (erf)  }
0xf1: {  	v33 =	vld [tilespmem:s0+$0x60];
	v38 =	vpop (erf);
	v60 =	vperm.xlane v43, v53;
	v56 =	vperm.xlane v43, v54  }
0xf2: {  	v29 =	vld [tilespmem:s0+$0x90];
	v55 =	vperm.xlane v43, v37;
	v45 =	vperm.xlane v38, v53  }
0xf3: {  	v30 =	vld [tilespmem:s0+$0xA0];
	v1 =	vperm.xlane v38, v54;
	v4 =	vperm.xlane v38, v37  }
0xf4: {  	v31 =	vld [tilespmem:s0+$0xB0];
	v0 =	vperm.xlane v38, v46;
	v3 =	vperm.xlane v38, v52  }
0xf5: {  	v36 =	vld [tilespmem:s0+$0x70];
	[tilespmem:s0+$0x100] =	vst v2;
	v63 =	vperm.xlane v38, v50;
	v2 =	vperm.xlane v38, v7  }
0xf6: {  	[tilespmem:s0+$0x110] =	vst v5;
	v62 =	vperm.xlane v38, v41;
	v53 =	vperm.xlane v43, v46;
	v37 =	vld [tilespmem:s0+$0xC0]  }
0xf7: {  	[tilespmem:s0+$0xFFFFFF60] =	vst v38;
	v54 =	vperm.xlane v43, v52;
	v52 =	vperm.xlane v43, v50;
	v38 =	vld [tilespmem:s0+$0xD0]  }
0xf8: {  	[tilespmem:s0+$0xFFFFFFF0] =	vst v6;
	v50 =	vperm.xlane v43, v7;
	v46 =	vperm.xlane v43, v41;
	v41 =	vld [tilespmem:s0+$0xE0]  }
0xf9: {  	s11 =	simm.s32 $0x0;
	s18 =	simm.s32 $0x3CC0;
	[tilespmem:s0+$0x80] =	vst v43;
	v43 =	vld [tilespmem:s0+$0xF0];
	v45 =	vmul.f32 v42, v45;
	v42 =	vperm.xlane v5, v7  }
.LBB2_5:
0xfa: {  	_ =	sdelay $0x3  }
0xfb: {  	v1 =	vmul.f32 v14, v1  }
0xfc: {  	s7 =	sadd.s32 $0x40, s7;
	[tilespmem:s0+$0xFFFFFEE0] =	vst v45;
	v4 =	vmul.f32 v15, v4  }
0xfd: {  	v0 =	vmul.f32 v16, v0;
	v3 =	vmul.f32 v17, v3;
	v17 =	vld [tilespmem:s7+$0xFFFFFFE0];
	[tilespmem:s0+$0xFFFFFEF0] =	vst v1  }
0xfe: {  	[tilespmem:s0+$0xFFFFFF00] =	vst v4  }
0xff: {  	v5 =	vld [tilespmem:s18+$0x110];
	v16 =	vmul.f32 v21, v49;
	[tilespmem:s0+$0xFFFFFF10] =	vst v0  }
0x100: {  	v6 =	vld [tilespmem:s7+$0x10];
	v2 =	vmul.f32 v19, v2;
	v19 =	vmul.f32 v23, v51;
	[tilespmem:s0+$0xFFFFFF20] =	vst v3  }
0x101: {  	v21 =	vmul.f32 v26, v61;
	v1 =	vmul.f32 v18, v63;
	v18 =	vld [tilespmem:s7+$0xFFFFFFF0];
	[tilespmem:s0+$0xFFFFFF70] =	vst v16  }
0x102: {  	[tilespmem:s0+$0xFFFFFF90] =	vst v19  }
0x103: {  	v15 =	vld [tilespmem:s18+$0xFFFFFFF0];
	v0 =	vmul.f32 v22, v47;
	[tilespmem:s0+$0xFFFFFFB0] =	vst v21  }
0x104: {  	v4 =	vmul.f32 v20, v62;
	v20 =	vld [tilespmem:s18+$0x80];
	v3 =	vmul.f32 v24, v48;
	[tilespmem:s0+$0xFFFFFF30] =	vst v1  }
0x105: {  	v22 =	vld [tilespmem:s7+$0x0];
	v5 =	vadd.f32 v6, v5;
	v6 =	vmul.f32 v27, v59;
	[tilespmem:s0+$0xFFFFFF80] =	vst v0  }
0x106: {  	v24 =	vmul.f32 v32, v60;
	v45 =	vld [tilespmem:s18+$0xFFFFFEE0];
	[tilespmem:s0+$0xFFFFFFA0] =	vst v3  }
0x107: {  	v27 =	vmul.f32 v35, v55;
	v7 =	vld [tilespmem:s18+$0xFFFFFEF0];
	v1 =	vmul.f32 v25, v58;
	[tilespmem:s0+$0xFFFFFFD0] =	vst v6  }
0x108: {  	v25 =	vmul.f32 $2.000000030e-01, v5;
	v0 =	vmul.f32 v39, v53;
	v23 =	vld [tilespmem:s18+$0xFFFFFF60];
	[tilespmem:s0+$0xFFFFFF40] =	vst v2  }
0x109: {  	vm0 =	vgt.f32 v5, $0.0e+00;
	v3 =	vmul.f32 v40, v52;
	v6 =	vmul.f32 v33, v50;
	[tilespmem:s0+$0xFFFFFF50] =	vst v4;
	v16 =	vld [tilespmem:s18+$0xFFFFFF10]  }
0x10a: {  	[tilespmem:s0+$0x0] =	vst v24;
	v58 =	vmul.f32 v43, v42;
	v5 =	vsel vm0, v5, v25;
	v19 =	vld [tilespmem:s18+$0xFFFFFF40];
	v26 =	vadd.f32 v18, v15  }
0x10b: {  	[tilespmem:s0+$0x20] =	vst v27;
	v2 =	vmul.f32 v28, v57;
	v15 =	vld [tilespmem:s18+$0xFFFFFF00];
	v5 =	vmul.f32 $1.442695020e+00, v5  }
0x10c: {  	v25 =	vmul.f32 v44, v54;
	[tilespmem:s0+$0xFFFFFFC0] =	vst v1;
	v18 =	vld [tilespmem:s18+$0xFFFFFF30];
	v28 =	vmul.f32 $2.000000030e-01, v26  }
0x10d: {  	[tilespmem:s0+$0x30] =	vst v0;
	v22 =	vadd.f32 v22, v20;
	v20 =	vld [tilespmem:s18+$0xFFFFFF50];
	vm15 =	vgt.f32 v26, $0.0e+00;
	(erf) = vpow2.f32 v5  }
0x10e: {  	v4 =	vmul.f32 v34, v56;
	[tilespmem:s0+$0xFFFFFFE0] =	vst v2;
	v24 =	vld [tilespmem:s18+$0xFFFFFFA0];
	v23 =	vadd.f32 v17, v23;
	v21 =	vsel vm15, v26, v28  }
0x10f: {  	[tilespmem:s0+$0x40] =	vst v25;
	v25 =	vld [tilespmem:s18+$0xFFFFFFC0];
	v57 =	vmul.f32 $2.000000030e-01, v22;
	v1 =	vmul.f32 $1.442695020e+00, v21  }
0x110: {  	v0 =	vmul.f32 v31, v8;
	[tilespmem:s0+$0x10] =	vst v4;
	v27 =	vld [tilespmem:s18+$0xFFFFFFD0];
	vm1 =	vgt.f32 v22, $0.0e+00;
	v5 =	vmul.f32 $2.000000030e-01, v23  }
0x111: {  	v32 =	vld [tilespmem:s18+$0x0];
	v22 =	vsel vm1, v22, v57;
	vm2 =	vgt.f32 v23, $0.0e+00;
	(erf) = vpow2.f32 v1  }
0x112: {  	v31 =	vmul.f32 v41, v12;
	[tilespmem:s0+$0x50] =	vst v3;
	v34 =	vld [tilespmem:s18+$0x10];
	v26 =	vmul.f32 $1.442695020e+00, v22;
	v5 =	vsel vm2, v23, v5  }
0x113: {  	v53 =	vimm.s32 $0x0;
	[tilespmem:s0+$0x60] =	vst v6;
	v2 =	vmul.f32 v36, v46;
	v35 =	vld [tilespmem:s18+$0x20];
	v5 =	vmul.f32 $1.442695020e+00, v5  }
0x114: {  	v43 =	vimm.s32 $0x2;
	v4 =	vmul.f32 v30, v11;
	v39 =	vld [tilespmem:s18+$0x30];
	(erf) = vpow2.f32 v26  }
0x115: {  	v52 =	vimm.s32 $0x4;
	v30 =	vmul.f32 v38, v13;
	[tilespmem:$0x1FFE0] =	vst v7;
	(erf) = vpow2.f32 v5;
	v5 =	vld [tilespmem:s18+$0x100]  }
0x116: {  	v41 =	vimm.s32 $0x7;
	[tilespmem:s0+$0x70] =	vst v2;
	v17 =	vld [tilespmem:s18+$0xFFFFFF20];
	v1 =	vmul.f32 v29, v9;
	v29 =	vmul.f32 v37, v10;
	v7 =	vpop (erf)  }
0x117: {  	v54 =	vimm.s32 $0x1;
	v44 =	vld [tilespmem:s18+$0x40];
	v14 =	vperm.xlane v7, v53;
	v3 =	vperm.xlane v7, v41  }
0x118: {  	v46 =	vimm.s32 $0x3;
	v40 =	vld [tilespmem:s18+$0x50];
	v11 =	vperm.xlane v7, v54;
	v9 =	vperm.xlane v7, v43  }
0x119: {  	v50 =	vimm.s32 $0x5;
	v33 =	vld [tilespmem:s18+$0x60];
	v10 =	vperm.xlane v7, v46;
	v13 =	vperm.xlane v7, v52  }
0x11a: {  	[tilespmem:s0+$0xB0] =	vst v0;
	v36 =	vld [tilespmem:s18+$0x70];
	v12 =	vperm.xlane v7, v50;
	v2 =	vmul.f32 v5, v3;
	v5 =	vpop (erf)  }
0x11b: {  	[tilespmem:s0+$0xA0] =	vst v4;
	v28 =	vld [tilespmem:s18+$0xFFFFFFE0];
	v49 =	vperm.xlane v5, v53;
	v47 =	vperm.xlane v5, v54  }
0x11c: {  	v21 =	vld [tilespmem:s18+$0xFFFFFF70];
	[tilespmem:s0+$0x90] =	vst v1;
	v51 =	vperm.xlane v5, v43;
	v48 =	vperm.xlane v5, v46  }
0x11d: {  	v22 =	vld [tilespmem:s18+$0xFFFFFF80];
	[tilespmem:s18+$0x100] =	vst v2;
	v6 =	vpop (erf);
	v61 =	vperm.xlane v5, v52;
	v57 =	vperm.xlane v5, v41  }
0x11e: {  	v23 =	vld [tilespmem:s18+$0xFFFFFF90];
	[tilespmem:s0+$0xF0] =	vst v58;
	v58 =	vperm.xlane v5, v50;
	v60 =	vperm.xlane v6, v53  }
0x11f: {  	v26 =	vld [tilespmem:s18+$0xFFFFFFB0];
	[tilespmem:s0+$0xC0] =	vst v29;
	v56 =	vperm.xlane v6, v54;
	v55 =	vperm.xlane v6, v43;
	v59 =	vpop (erf)  }
0x120: {  	v29 =	vld [tilespmem:s18+$0x90];
	[tilespmem:s0+$0xD0] =	vst v30;
	v42 =	vperm.xlane v59, v53;
	v1 =	vperm.xlane v59, v54  }
0x121: {  	s11 =	sadd.s32 $0x4, s11;
	[tilespmem:s0+$0xE0] =	vst v31;
	v30 =	vld [tilespmem:s18+$0xA0];
	v4 =	vperm.xlane v59, v43;
	v0 =	vperm.xlane v59, v46  }
0x122: {  	p0 =	slt.u32 s11, $0x44;
	v8 =	vimm.s32 $0x6;
	v31 =	vld [tilespmem:s18+$0xB0];
	v3 =	vperm.xlane v59, v52;
	v63 =	vperm.xlane v59, v50  }
.Ltmp3:
0x123: {  	v37 =	vld [tilespmem:s18+$0xC0];
	v2 =	vperm.xlane v59, v8;
	v62 =	vperm.xlane v59, v41;
	(pc) =	sbr.rel @p0 .LBB2_5-.Ltmp3, $4  }
0x124: {  	v38 =	vld [tilespmem:s18+$0xD0];
	[tilespmem:s18+$0xFFFFFF60] =	vst v59;
	v59 =	vperm.xlane v5, v8;
	v53 =	vperm.xlane v6, v46  }
0x125: {  	s0 =	smov.u32 s18;
	[tilespmem:s18+$0x110] =	vst v7;
	v54 =	vperm.xlane v6, v52;
	v46 =	vperm.xlane v6, v41;
	v41 =	vld [tilespmem:s18+$0xE0]  }
0x126: {  	[tilespmem:s18+$0xFFFFFFF0] =	vst v5;
	v52 =	vperm.xlane v6, v50;
	v50 =	vperm.xlane v6, v8;
	v43 =	vld [tilespmem:s0+$0xF0]  }
0x127: {  	[tilespmem:s18+$0x80] =	vst v6;
	s18 =	sadd.s32 $0x240, s18;
	v45 =	vmul.f32 v45, v42;
	v42 =	vperm.xlane v7, v8;
	v8 =	vmovc v9;
	v9 =	vmov v14;
	v14 =	vld [tilespmem:$0x1FFE0]  }
0x128: {  	v0 =	vmul.f32 v16, v0  }
0x129: {  	v4 =	vmul.f32 v15, v4;
	[tilespmem:s0+$0xFFFFFEE0] =	vst v45  }
0x12a: {  	[tilespmem:s0+$0xFFFFFF10] =	vst v0;
	v0 =	vmul.f32 v19, v2  }
0x12b: {  	[tilespmem:s0+$0xFFFFFF00] =	vst v4;
	v2 =	vmul.f32 v21, v49  }
0x12c: {  	v1 =	vmul.f32 v14, v1;
	[tilespmem:s0+$0xFFFFFF40] =	vst v0  }
0x12d: {  	v0 =	vmul.f32 v22, v47;
	[tilespmem:s0+$0xFFFFFF70] =	vst v2  }
0x12e: {  	v2 =	vmul.f32 v24, v48;
	[tilespmem:s0+$0xFFFFFEF0] =	vst v1  }
0x12f: {  	v1 =	vmul.f32 v17, v3;
	[tilespmem:s0+$0xFFFFFF80] =	vst v0  }
0x130: {  	v3 =	vmul.f32 v18, v63;
	[tilespmem:s0+$0xFFFFFFA0] =	vst v2  }
0x131: {  	v0 =	vmul.f32 v26, v61;
	[tilespmem:s0+$0xFFFFFF20] =	vst v1  }
0x132: {  	v2 =	vmul.f32 v27, v59;
	[tilespmem:s0+$0xFFFFFF30] =	vst v3  }
0x133: {  	v1 =	vmul.f32 v20, v62;
	[tilespmem:s0+$0xFFFFFFB0] =	vst v0  }
0x134: {  	v0 =	vmul.f32 v28, v57;
	[tilespmem:s0+$0xFFFFFFD0] =	vst v2  }
0x135: {  	v2 =	vmul.f32 v34, v56;
	[tilespmem:s0+$0xFFFFFF50] =	vst v1  }
0x136: {  	v1 =	vmul.f32 v23, v51;
	[tilespmem:s0+$0xFFFFFFE0] =	vst v0  }
0x137: {  	v0 =	vmul.f32 v35, v55;
	[tilespmem:s0+$0x10] =	vst v2  }
0x138: {  	v2 =	vmul.f32 v44, v54;
	[tilespmem:s0+$0xFFFFFF90] =	vst v1  }
0x139: {  	v1 =	vmul.f32 v25, v58;
	[tilespmem:s0+$0x20] =	vst v0  }
0x13a: {  	v0 =	vmul.f32 v40, v52;
	[tilespmem:s0+$0x40] =	vst v2  }
0x13b: {  	v2 =	vmul.f32 v36, v46;
	[tilespmem:s0+$0xFFFFFFC0] =	vst v1  }
0x13c: {  	v1 =	vmul.f32 v32, v60;
	[tilespmem:s0+$0x50] =	vst v0  }
0x13d: {  	v0 =	vmul.f32 v29, v9;
	[tilespmem:s0+$0x70] =	vst v2  }
0x13e: {  	v2 =	vmul.f32 v31, v8;
	[tilespmem:s0+$0x0] =	vst v1  }
0x13f: {  	v1 =	vmul.f32 v39, v53;
	[tilespmem:s0+$0x90] =	vst v0  }
0x140: {  	v0 =	vmul.f32 v37, v10;
	[tilespmem:s0+$0xB0] =	vst v2  }
0x141: {  	[tilespmem:s0+$0x30] =	vst v1;
	v1 =	vmul.f32 v33, v50  }
0x142: {  	v2 =	vmul.f32 v41, v12;
	[tilespmem:s0+$0xC0] =	vst v0  }
0x143: {  	[tilespmem:s0+$0x60] =	vst v1;
	v1 =	vmul.f32 v30, v11  }
0x144: {  	v0 =	vmul.f32 v43, v42;
	[tilespmem:s0+$0xE0] =	vst v2  }
0x145: {  	[tilespmem:s0+$0xA0] =	vst v1;
	v1 =	vmul.f32 v38, v13  }
0x146: {  	[tilespmem:s0+$0xF0] =	vst v0  }
0x147: {  	s18 =	simm.s32 $0xD8;
	[tilespmem:s0+$0xD0] =	vst v1  }
0x148: {  	[spmem:s3] =	stream.indirect.scatter.add.f32 [tilespmem:s30], [sflag:$0xB], $0x90, s18, s25, $0xb8;
	[tilespmem:$0x1F260] =	vst v63  }
0x149: {  	s7 =	rddreg [dreg:$0xa]  }
0x14a: {  	s0 =	sadd.s32 s7, s31  }
0x14b: {  	_ =	swait.ge [sflag:s24], $0x2880;
	s0 =	smul.u32 $0x12, s0  }
0x14c: {  	[sflag:s24] =	ssyncset.done $0x0  }
0x14d: {  	[sflag:s24] =	ssyncadd.s32 $0xFFFFD780;
	s0 =	sadd.s32 s5, s0  }
0x14e: {  	[tilespmem:s8], [sflag:$0x5] =	stream.linear.gather [hbm4b:s0+s4], $0x90, $0x38;
	[tilespmem:$0x1F260] =	vst v63  }
0x14f: {  	_ =	swait.ge [sflag:s20], $0x90  }
0x150: {  	[sflag:s20] =	ssyncset.done $0x0  }
0x151: {  	s11 =	simm.s32 $0x1B0;
	[sflag:s20] =	ssyncadd.s32 $0xFFFFFF70  }
0x152: {  	[tilespmem:s26], [sflag:$0x7] =	stream.indirect.gather [hbm4b:s6+s25], $0x90, s11, s25, $0xb8;
	[tilespmem:$0x1F260] =	vst v63  }
0x153: {  	s18 =	simm.s32 $0x360  }
0x154: {  	[tilespmem:s18], [sflag:$0x7] =	stream.indirect.gather [hbm4b:s2+s25], $0x10, s21, s25, $0xb8;
	[tilespmem:$0x1F260] =	vst v63  }
0x155: {  	_ =	swait.ge [sflag:s22], $0x2880  }
0x156: {  	[sflag:s22] =	ssyncset.done $0x0  }
0x157: {  	[sflag:s22] =	ssyncadd.s32 $0xFFFFD780  }
0x158: {  	_ =	swait.ge [sflag:s22], $0x480  }
0x159: {  	[sflag:s22] =	ssyncset.done $0x0  }
0x15a: {  	s0 =	simm.s32 $0x6300;
	[sflag:s22] =	ssyncadd.s32 $0xFFFFFB80  }
0x15b: {  	s7 =	simm.s32 $0xC80;
	v0 =	vld [tilespmem:s0+$0x110]  }
0x15c: {  	v1 =	vld [tilespmem:s7+$0x10];
	_ =	sdelay $0x1  }
0x15d: {  	v2 =	vld [tilespmem:s7+$0xFFFFFFE0]  }
0x15e: {  	v7 =	vld [tilespmem:s0+$0xFFFFFEE0]  }
0x15f: {  	v3 =	vld [tilespmem:s0+$0xFFFFFFF0]  }
0x160: {  	v4 =	vld [tilespmem:s7+$0xFFFFFFF0];
	v0 =	vadd.f32 v1, v0  }
0x161: {  	v5 =	vld [tilespmem:s0+$0x80]  }
0x162: {  	v6 =	vld [tilespmem:s7+$0x0];
	v8 =	vmul.f32 $2.000000030e-01, v0  }
0x163: {  	v1 =	vld [tilespmem:s0+$0xFFFFFF60];
	[tilespmem:$0x1FFD0] =	vst v7;
	vm0 =	vgt.f32 v0, $0.0e+00  }
0x164: {  	v14 =	vld [tilespmem:s0+$0xFFFFFEF0];
	v0 =	vsel vm0, v0, v8  }
0x165: {  	v3 =	vadd.f32 v4, v3;
	v15 =	vld [tilespmem:s0+$0xFFFFFF00];
	v0 =	vmul.f32 $1.442695020e+00, v0  }
0x166: {  	v16 =	vld [tilespmem:s0+$0xFFFFFF10]  }
0x167: {  	v4 =	vadd.f32 v6, v5;
	v17 =	vld [tilespmem:s0+$0xFFFFFF20];
	v5 =	vmul.f32 $2.000000030e-01, v3;
	(erf) = vpow2.f32 v0  }
0x168: {  	v18 =	vld [tilespmem:s0+$0xFFFFFF30];
	vm14 =	vgt.f32 v3, $0.0e+00  }
0x169: {  	v19 =	vld [tilespmem:s0+$0xFFFFFF40];
	v3 =	vsel vm14, v3, v5  }
0x16a: {  	v20 =	vld [tilespmem:s0+$0xFFFFFF50];
	v3 =	vmul.f32 $1.442695020e+00, v3  }
0x16b: {  	v21 =	vld [tilespmem:s0+$0xFFFFFF70];
	v1 =	vadd.f32 v2, v1  }
0x16c: {  	v22 =	vld [tilespmem:s0+$0xFFFFFF80];
	v2 =	vmul.f32 $2.000000030e-01, v4;
	(erf) = vpow2.f32 v3  }
0x16d: {  	v23 =	vld [tilespmem:s0+$0xFFFFFF90];
	vm1 =	vgt.f32 v4, $0.0e+00;
	v0 =	vmul.f32 $2.000000030e-01, v1  }
0x16e: {  	v24 =	vld [tilespmem:s0+$0xFFFFFFA0];
	vm15 =	vgt.f32 v1, $0.0e+00;
	v2 =	vsel vm1, v4, v2  }
0x16f: {  	v26 =	vld [tilespmem:s0+$0xFFFFFFB0];
	v0 =	vsel vm15, v1, v0;
	v1 =	vmul.f32 $1.442695020e+00, v2  }
0x170: {  	v37 =	vimm.s32 $0x2;
	v25 =	vld [tilespmem:s0+$0xFFFFFFC0];
	v0 =	vmul.f32 $1.442695020e+00, v0;
	v5 =	vpop (erf)  }
0x171: {  	v27 =	vld [tilespmem:s0+$0xFFFFFFD0];
	(erf) = vpow2.f32 v1;
	v2 =	vperm.xlane v5, v37  }
0x172: {  	v52 =	vimm.s32 $0x1;
	v46 =	vimm.s32 $0x4;
	v50 =	vimm.s32 $0x0;
	v28 =	vld [tilespmem:s0+$0xFFFFFFE0]  }
0x173: {  	v8 =	vimm.s32 $0x7;
	(erf) = vpow2.f32 v0;
	v0 =	vld [tilespmem:s0+$0x100];
	v9 =	vperm.xlane v5, v50;
	[tilespmem:$0x1FFC0] =	vst v2  }
0x174: {  	v41 =	vimm.s32 $0x3;
	v1 =	vperm.xlane v5, v8;
	v11 =	vperm.xlane v5, v52;
	v32 =	vld [tilespmem:s0+$0x0]  }
0x175: {  	v45 =	vimm.s32 $0x5;
	v10 =	vperm.xlane v5, v41;
	v13 =	vperm.xlane v5, v46;
	v6 =	vpop (erf);
	v34 =	vld [tilespmem:s0+$0x10]  }
0x176: {  	v12 =	vperm.xlane v5, v45;
	v49 =	vperm.xlane v6, v50;
	v35 =	vld [tilespmem:s0+$0x20]  }
0x177: {  	v47 =	vperm.xlane v6, v52;
	v51 =	vperm.xlane v6, v37;
	v39 =	vld [tilespmem:s0+$0x30]  }
0x178: {  	v48 =	vperm.xlane v6, v41;
	v61 =	vperm.xlane v6, v46;
	v44 =	vld [tilespmem:s0+$0x40]  }
0x179: {  	v7 =	vimm.s32 $0x6;
	v58 =	vperm.xlane v6, v45;
	v2 =	vmul.f32 v0, v1;
	v40 =	vld [tilespmem:s0+$0x50];
	[tilespmem:s0+$0x110] =	vst v5  }
0x17a: {  	v59 =	vperm.xlane v6, v7;
	v57 =	vperm.xlane v6, v8;
	v42 =	vpop (erf);
	v33 =	vld [tilespmem:s0+$0x60];
	[tilespmem:s0+$0xFFFFFFF0] =	vst v6  }
0x17b: {  	v29 =	vld [tilespmem:s0+$0x90];
	[tilespmem:s0+$0x100] =	vst v2;
	v60 =	vperm.xlane v42, v50;
	v56 =	vperm.xlane v42, v52  }
0x17c: {  	v30 =	vld [tilespmem:s0+$0xA0];
	v38 =	vpop (erf);
	v55 =	vperm.xlane v42, v37;
	v53 =	vperm.xlane v42, v41;
	[tilespmem:s0+$0x80] =	vst v42  }
0x17d: {  	v31 =	vld [tilespmem:s0+$0xB0];
	v54 =	vperm.xlane v42, v46;
	v43 =	vperm.xlane v38, v50;
	[tilespmem:s0+$0xFFFFFF60] =	vst v38  }
0x17e: {  	v1 =	vperm.xlane v38, v52;
	v4 =	vperm.xlane v38, v37;
	v6 =	vld [tilespmem:$0x1FFD0]  }
0x17f: {  	v36 =	vld [tilespmem:s0+$0x70];
	v0 =	vperm.xlane v38, v41;
	v3 =	vperm.xlane v38, v46  }
0x180: {  	v63 =	vperm.xlane v38, v45;
	v2 =	vperm.xlane v38, v7;
	v37 =	vld [tilespmem:s0+$0xC0]  }
0x181: {  	v62 =	vperm.xlane v38, v8;
	v52 =	vperm.xlane v42, v45;
	v38 =	vld [tilespmem:s0+$0xD0]  }
0x182: {  	v50 =	vperm.xlane v42, v7;
	v46 =	vperm.xlane v42, v8;
	v41 =	vld [tilespmem:s0+$0xE0]  }
0x183: {  	s11 =	simm.s32 $0x0;
	s18 =	simm.s32 $0x6540;
	v42 =	vperm.xlane v5, v7;
	v45 =	vmul.f32 v6, v43;
	v43 =	vld [tilespmem:s0+$0xF0]  }
.LBB2_7:
0x184: {  	v1 =	vmul.f32 v14, v1  }
0x185: {  	s7 =	sadd.s32 $0x40, s7;
	[tilespmem:s0+$0xFFFFFEE0] =	vst v45;
	v4 =	vmul.f32 v15, v4  }
0x186: {  	v7 =	vld [tilespmem:s7+$0xFFFFFFE0];
	v0 =	vmul.f32 v16, v0;
	[tilespmem:s0+$0xFFFFFEF0] =	vst v1  }
0x187: {  	v5 =	vld [tilespmem:s18+$0x110];
	v3 =	vmul.f32 v17, v3;
	[tilespmem:s0+$0xFFFFFF00] =	vst v4  }
0x188: {  	v6 =	vld [tilespmem:s7+$0x10];
	v16 =	vmul.f32 v21, v49;
	[tilespmem:s0+$0xFFFFFF10] =	vst v0  }
0x189: {  	v15 =	vld [tilespmem:s18+$0xFFFFFFF0];
	v1 =	vmul.f32 v18, v63;
	[tilespmem:s0+$0xFFFFFF20] =	vst v3  }
0x18a: {  	v2 =	vmul.f32 v19, v2;
	v17 =	vld [tilespmem:s7+$0xFFFFFFF0];
	v0 =	vmul.f32 v22, v47;
	[tilespmem:s0+$0xFFFFFF70] =	vst v16  }
0x18b: {  	v19 =	vld [tilespmem:s18+$0x80];
	v4 =	vmul.f32 v20, v62;
	v18 =	vmul.f32 v23, v51;
	[tilespmem:s0+$0xFFFFFF30] =	vst v1  }
0x18c: {  	v21 =	vld [tilespmem:s7+$0x0];
	v3 =	vmul.f32 v24, v48;
	v20 =	vmul.f32 v26, v61;
	[tilespmem:s0+$0xFFFFFF80] =	vst v0  }
0x18d: {  	v5 =	vadd.f32 v6, v5;
	v6 =	vmul.f32 v27, v59;
	v23 =	vmul.f32 v32, v60;
	v45 =	vld [tilespmem:s18+$0xFFFFFEE0];
	[tilespmem:s0+$0xFFFFFF90] =	vst v18  }
0x18e: {  	v26 =	vmul.f32 v35, v55;
	v27 =	vmul.f32 v44, v54;
	v14 =	vld [tilespmem:s18+$0xFFFFFEF0];
	[tilespmem:s0+$0xFFFFFFA0] =	vst v3  }
0x18f: {  	v1 =	vmul.f32 v25, v58;
	v24 =	vmul.f32 $2.000000030e-01, v5;
	[tilespmem:s0+$0xFFFFFFD0] =	vst v6;
	v22 =	vld [tilespmem:s18+$0xFFFFFF60]  }
0x190: {  	vm0 =	vgt.f32 v5, $0.0e+00;
	v0 =	vmul.f32 v39, v53;
	[tilespmem:s0+$0xFFFFFF40] =	vst v2;
	v25 =	vadd.f32 v17, v15;
	v15 =	vld [tilespmem:s18+$0xFFFFFF00]  }
0x191: {  	v3 =	vmul.f32 v40, v52;
	v6 =	vmul.f32 v33, v50;
	[tilespmem:s0+$0xFFFFFF50] =	vst v4;
	v5 =	vsel vm0, v5, v24;
	v16 =	vld [tilespmem:s18+$0xFFFFFF10]  }
0x192: {  	[tilespmem:s0+$0xFFFFFFB0] =	vst v20;
	v2 =	vmul.f32 v28, v57;
	v17 =	vld [tilespmem:s18+$0xFFFFFF20];
	v5 =	vmul.f32 $1.442695020e+00, v5  }
0x193: {  	[tilespmem:s0+$0x0] =	vst v23;
	v4 =	vmul.f32 v34, v56;
	v18 =	vld [tilespmem:s18+$0xFFFFFF30];
	v24 =	vmul.f32 $2.000000030e-01, v25  }
0x194: {  	v21 =	vadd.f32 v21, v19;
	v19 =	vld [tilespmem:s18+$0xFFFFFF40];
	[tilespmem:s0+$0x30] =	vst v0;
	vm15 =	vgt.f32 v25, $0.0e+00;
	(erf) = vpow2.f32 v5  }
0x195: {  	v0 =	vld [tilespmem:$0x1FFC0];
	[tilespmem:s0+$0xFFFFFFE0] =	vst v2;
	v2 =	vmul.f32 v36, v46;
	v24 =	vsel vm15, v25, v24;
	v7 =	vadd.f32 v7, v22  }
0x196: {  	[tilespmem:s0+$0xFFFFFFC0] =	vst v1;
	v20 =	vld [tilespmem:s18+$0xFFFFFF50];
	v22 =	vmul.f32 $2.000000030e-01, v21;
	v1 =	vmul.f32 $1.442695020e+00, v24  }
0x197: {  	vm1 =	vgt.f32 v21, $0.0e+00;
	v23 =	vld [tilespmem:s18+$0xFFFFFF90];
	[tilespmem:s0+$0x10] =	vst v4;
	v4 =	vmul.f32 v30, v11;
	v5 =	vmul.f32 $2.000000030e-01, v7  }
0x198: {  	[tilespmem:s0+$0x20] =	vst v26;
	v26 =	vld [tilespmem:s18+$0xFFFFFFB0];
	vm2 =	vgt.f32 v7, $0.0e+00;
	v22 =	vsel vm1, v21, v22;
	(erf) = vpow2.f32 v1  }
0x199: {  	[tilespmem:s0+$0x40] =	vst v27;
	v30 =	vmul.f32 v41, v12;
	v27 =	vld [tilespmem:s18+$0xFFFFFFD0];
	v5 =	vsel vm2, v7, v5;
	v7 =	vmul.f32 $1.442695020e+00, v22  }
0x19a: {  	v52 =	vimm.s32 $0x0;
	v28 =	vld [tilespmem:s18+$0xFFFFFFE0];
	v0 =	vmul.f32 v31, v0;
	v5 =	vmul.f32 $1.442695020e+00, v5  }
0x19b: {  	v53 =	vimm.s32 $0x1;
	v32 =	vld [tilespmem:s18+$0x0];
	v31 =	vmul.f32 v43, v42;
	(erf) = vpow2.f32 v7  }
0x19c: {  	v50 =	vimm.s32 $0x4;
	v1 =	vmul.f32 v29, v9;
	(erf) = vpow2.f32 v5;
	v5 =	vld [tilespmem:s18+$0x100]  }
0x19d: {  	[tilespmem:s0+$0x50] =	vst v3;
	v41 =	vimm.s32 $0x7;
	v34 =	vld [tilespmem:s18+$0x10];
	v29 =	vmul.f32 v38, v13;
	v7 =	vmul.f32 v37, v10;
	v8 =	vpop (erf)  }
0x19e: {  	[tilespmem:s0+$0x60] =	vst v6;
	v35 =	vld [tilespmem:s18+$0x20];
	v38 =	vimm.s32 $0x2;
	v9 =	vperm.xlane v8, v52;
	v3 =	vperm.xlane v8, v41  }
0x19f: {  	v39 =	vld [tilespmem:s18+$0x30];
	v43 =	vimm.s32 $0x3;
	v11 =	vperm.xlane v8, v53;
	v58 =	vperm.xlane v8, v38  }
0x1a0: {  	v46 =	vimm.s32 $0x5;
	v25 =	vld [tilespmem:s18+$0xFFFFFFC0];
	v10 =	vperm.xlane v8, v43;
	v13 =	vperm.xlane v8, v50  }
0x1a1: {  	[tilespmem:s0+$0x70] =	vst v2;
	v24 =	vld [tilespmem:s18+$0xFFFFFFA0];
	v12 =	vperm.xlane v8, v46;
	v2 =	vmul.f32 v5, v3;
	v5 =	vpop (erf)  }
0x1a2: {  	[tilespmem:s0+$0xA0] =	vst v4;
	v44 =	vld [tilespmem:s18+$0x40];
	v49 =	vperm.xlane v5, v52;
	v47 =	vperm.xlane v5, v53  }
0x1a3: {  	v40 =	vld [tilespmem:s18+$0x50];
	[tilespmem:s0+$0xB0] =	vst v0;
	v51 =	vperm.xlane v5, v38;
	v48 =	vperm.xlane v5, v43  }
0x1a4: {  	v33 =	vld [tilespmem:s18+$0x60];
	[tilespmem:$0x1FFC0] =	vst v58;
	v61 =	vperm.xlane v5, v50;
	v58 =	vperm.xlane v5, v46;
	v6 =	vpop (erf)  }
0x1a5: {  	v36 =	vld [tilespmem:s18+$0x70];
	[tilespmem:s0+$0x90] =	vst v1;
	v57 =	vperm.xlane v5, v41;
	v60 =	vperm.xlane v6, v52  }
0x1a6: {  	v21 =	vld [tilespmem:s18+$0xFFFFFF70];
	[tilespmem:s0+$0xC0] =	vst v7;
	v59 =	vpop (erf);
	v56 =	vperm.xlane v6, v53;
	v55 =	vperm.xlane v6, v38  }
0x1a7: {  	v22 =	vld [tilespmem:s18+$0xFFFFFF80];
	[tilespmem:s18+$0x100] =	vst v2;
	v54 =	vperm.xlane v6, v50;
	v42 =	vperm.xlane v59, v52  }
0x1a8: {  	s11 =	sadd.s32 $0x4, s11;
	[tilespmem:s0+$0xD0] =	vst v29;
	v29 =	vld [tilespmem:s18+$0x90];
	v1 =	vperm.xlane v59, v53;
	v4 =	vperm.xlane v59, v38  }
0x1a9: {  	p0 =	slt.u32 s11, $0x44;
	v7 =	vimm.s32 $0x6;
	[tilespmem:s0+$0xE0] =	vst v30;
	v30 =	vld [tilespmem:s18+$0xA0];
	v0 =	vperm.xlane v59, v43;
	v3 =	vperm.xlane v59, v50  }
.Ltmp4:
0x1aa: {  	[tilespmem:s0+$0xF0] =	vst v31;
	v31 =	vld [tilespmem:s18+$0xB0];
	v63 =	vperm.xlane v59, v46;
	v2 =	vperm.xlane v59, v7;
	(pc) =	sbr.rel @p0 .LBB2_7-.Ltmp4, $4  }
0x1ab: {  	v37 =	vld [tilespmem:s18+$0xC0];
	v62 =	vperm.xlane v59, v41;
	[tilespmem:s18+$0xFFFFFF60] =	vst v59;
	v59 =	vperm.xlane v5, v7  }
0x1ac: {  	[tilespmem:s18+$0xFFFFFFF0] =	vst v5;
	v53 =	vperm.xlane v6, v43;
	v52 =	vperm.xlane v6, v46;
	v38 =	vld [tilespmem:s18+$0xD0]  }
0x1ad: {  	s0 =	smov.u32 s18;
	[tilespmem:s18+$0x110] =	vst v8;
	v50 =	vperm.xlane v6, v7;
	v46 =	vperm.xlane v6, v41;
	v41 =	vld [tilespmem:s18+$0xE0]  }
0x1ae: {  	[tilespmem:s18+$0x80] =	vst v6;
	v43 =	vld [tilespmem:s0+$0xF0];
	s18 =	sadd.s32 $0x240, s18;
	v45 =	vmul.f32 v45, v42;
	v42 =	vperm.xlane v8, v7  }
0x1af: {  	v1 =	vmul.f32 v14, v1  }
0x1b0: {  	v4 =	vmul.f32 v15, v4;
	[tilespmem:s0+$0xFFFFFEE0] =	vst v45  }
0x1b1: {  	v0 =	vmul.f32 v16, v0;
	[tilespmem:s0+$0xFFFFFEF0] =	vst v1  }
0x1b2: {  	v1 =	vmul.f32 v17, v3;
	[tilespmem:s0+$0xFFFFFF00] =	vst v4  }
0x1b3: {  	v3 =	vmul.f32 v18, v63;
	[tilespmem:s0+$0xFFFFFF10] =	vst v0  }
0x1b4: {  	v0 =	vmul.f32 v19, v2;
	[tilespmem:s0+$0xFFFFFF20] =	vst v1  }
0x1b5: {  	v2 =	vmul.f32 v21, v49;
	[tilespmem:s0+$0xFFFFFF30] =	vst v3  }
0x1b6: {  	v1 =	vmul.f32 v20, v62;
	[tilespmem:s0+$0xFFFFFF40] =	vst v0  }
0x1b7: {  	v0 =	vmul.f32 v22, v47;
	[tilespmem:s0+$0xFFFFFF70] =	vst v2  }
0x1b8: {  	v2 =	vmul.f32 v24, v48;
	[tilespmem:s0+$0xFFFFFF50] =	vst v1  }
0x1b9: {  	v1 =	vmul.f32 v23, v51;
	[tilespmem:s0+$0xFFFFFF80] =	vst v0  }
0x1ba: {  	v0 =	vmul.f32 v26, v61;
	[tilespmem:s0+$0xFFFFFFA0] =	vst v2  }
0x1bb: {  	v2 =	vmul.f32 v27, v59;
	[tilespmem:s0+$0xFFFFFF90] =	vst v1  }
0x1bc: {  	v1 =	vmul.f32 v25, v58;
	[tilespmem:s0+$0xFFFFFFB0] =	vst v0  }
0x1bd: {  	v0 =	vmul.f32 v28, v57;
	[tilespmem:s0+$0xFFFFFFD0] =	vst v2  }
0x1be: {  	v2 =	vmul.f32 v34, v56;
	[tilespmem:s0+$0xFFFFFFC0] =	vst v1  }
0x1bf: {  	v1 =	vmul.f32 v32, v60;
	[tilespmem:s0+$0xFFFFFFE0] =	vst v0  }
0x1c0: {  	v0 =	vmul.f32 v35, v55;
	[tilespmem:s0+$0x10] =	vst v2  }
0x1c1: {  	v2 =	vmul.f32 v44, v54;
	[tilespmem:s0+$0x0] =	vst v1  }
0x1c2: {  	v1 =	vmul.f32 v39, v53;
	[tilespmem:s0+$0x20] =	vst v0  }
0x1c3: {  	v0 =	vmul.f32 v40, v52;
	[tilespmem:s0+$0x40] =	vst v2  }
0x1c4: {  	v2 =	vmul.f32 v36, v46;
	[tilespmem:s0+$0x30] =	vst v1  }
0x1c5: {  	v1 =	vmul.f32 v33, v50;
	[tilespmem:s0+$0x50] =	vst v0  }
0x1c6: {  	[tilespmem:s0+$0x70] =	vst v2  }
0x1c7: {  	[tilespmem:s0+$0x60] =	vst v1  }
0x1c8: {  	v2 =	vld [tilespmem:$0x1FFC0]  }
0x1c9: {  	v0 =	vmul.f32 v29, v9  }
0x1ca: {  	v1 =	vmul.f32 v30, v11  }
0x1cb: {  	[tilespmem:s0+$0x90] =	vst v0;
	v0 =	vmul.f32 v37, v10  }
0x1cc: {  	[tilespmem:s0+$0xA0] =	vst v1;
	v1 =	vmul.f32 v38, v13  }
0x1cd: {  	[tilespmem:s0+$0xC0] =	vst v0;
	v2 =	vmul.f32 v31, v2  }
0x1ce: {  	v0 =	vmul.f32 v43, v42;
	[tilespmem:s0+$0xD0] =	vst v1  }
0x1cf: {  	[tilespmem:s0+$0xB0] =	vst v2;
	v2 =	vmul.f32 v41, v12  }
0x1d0: {  	[tilespmem:s0+$0xF0] =	vst v0  }
0x1d1: {  	s7 =	simm.s32 $0x168;
	[tilespmem:s0+$0xE0] =	vst v2  }
0x1d2: {  	[spmem:s3] =	stream.indirect.scatter.add.f32 [tilespmem:s10], [sflag:$0xC], $0x90, s7, s25, $0xb8;
	[tilespmem:$0x1F260] =	vst v63  }
0x1d3: {  	s11 =	rddreg [dreg:$0xb]  }
0x1d4: {  	s0 =	sadd.s32 s11, s31  }
0x1d5: {  	_ =	swait.ge [sflag:s28], $0x2880;
	s0 =	smul.u32 $0x12, s0  }
0x1d6: {  	[sflag:s28] =	ssyncset.done $0x0  }
0x1d7: {  	[sflag:s28] =	ssyncadd.s32 $0xFFFFD780;
	s0 =	sadd.s32 s5, s0  }
0x1d8: {  	[tilespmem:s17], [sflag:$0x6] =	stream.linear.gather [hbm4b:s0+s4], $0x90, $0x38;
	[tilespmem:$0x1F260] =	vst v63  }
0x1d9: {  	_ =	swait.ge [sflag:s12], $0x90  }
0x1da: {  	[sflag:s12] =	ssyncset.done $0x0  }
0x1db: {  	[sflag:s12] =	ssyncadd.s32 $0xFFFFFF70  }
0x1dc: {  	[tilespmem:s30], [sflag:$0x8] =	stream.indirect.gather [hbm4b:s6+s25], $0x90, s8, s25, $0xb8;
	[tilespmem:$0x1F260] =	vst v63  }
0x1dd: {  	s18 =	simm.s32 $0x7E0  }
0x1de: {  	[tilespmem:s18], [sflag:$0x8] =	stream.indirect.gather [hbm4b:s2+s25], $0x10, s13, s25, $0xb8;
	[tilespmem:$0x1F260] =	vst v63  }
0x1df: {  	_ =	swait.ge [sflag:s1], $0x2880  }
0x1e0: {  	[sflag:s1] =	ssyncset.done $0x0  }
0x1e1: {  	[sflag:s1] =	ssyncadd.s32 $0xFFFFD780  }
0x1e2: {  	_ =	swait.ge [sflag:s1], $0x480  }
0x1e3: {  	[sflag:s1] =	ssyncset.done $0x0  }
0x1e4: {  	s0 =	simm.s32 $0x1200;
	[sflag:s1] =	ssyncadd.s32 $0xFFFFFB80  }
0x1e5: {  	s7 =	simm.s32 $0x380;
	v0 =	vld [tilespmem:s0+$0x110]  }
0x1e6: {  	v1 =	vld [tilespmem:s7+$0x10];
	_ =	sdelay $0x1  }
0x1e7: {  	v2 =	vld [tilespmem:s7+$0xFFFFFFE0]  }
0x1e8: {  	v7 =	vld [tilespmem:s0+$0xFFFFFEE0]  }
0x1e9: {  	v3 =	vld [tilespmem:s0+$0xFFFFFFF0]  }
0x1ea: {  	v4 =	vld [tilespmem:s7+$0xFFFFFFF0];
	v0 =	vadd.f32 v1, v0  }
0x1eb: {  	v5 =	vld [tilespmem:s0+$0x80]  }
0x1ec: {  	v6 =	vld [tilespmem:s7+$0x0];
	v8 =	vmul.f32 $2.000000030e-01, v0  }
0x1ed: {  	v1 =	vld [tilespmem:s0+$0xFFFFFF60];
	[tilespmem:$0x1FFB0] =	vst v7;
	vm0 =	vgt.f32 v0, $0.0e+00  }
0x1ee: {  	v14 =	vld [tilespmem:s0+$0xFFFFFEF0];
	v0 =	vsel vm0, v0, v8  }
0x1ef: {  	v3 =	vadd.f32 v4, v3;
	v15 =	vld [tilespmem:s0+$0xFFFFFF00];
	v0 =	vmul.f32 $1.442695020e+00, v0  }
0x1f0: {  	v16 =	vld [tilespmem:s0+$0xFFFFFF10]  }
0x1f1: {  	v4 =	vadd.f32 v6, v5;
	v17 =	vld [tilespmem:s0+$0xFFFFFF20];
	v5 =	vmul.f32 $2.000000030e-01, v3;
	(erf) = vpow2.f32 v0  }
0x1f2: {  	v18 =	vld [tilespmem:s0+$0xFFFFFF30];
	vm14 =	vgt.f32 v3, $0.0e+00  }
0x1f3: {  	v19 =	vld [tilespmem:s0+$0xFFFFFF40];
	v3 =	vsel vm14, v3, v5  }
0x1f4: {  	v20 =	vld [tilespmem:s0+$0xFFFFFF50];
	v3 =	vmul.f32 $1.442695020e+00, v3  }
0x1f5: {  	v21 =	vld [tilespmem:s0+$0xFFFFFF70];
	v1 =	vadd.f32 v2, v1  }
0x1f6: {  	v22 =	vld [tilespmem:s0+$0xFFFFFF80];
	v2 =	vmul.f32 $2.000000030e-01, v4;
	(erf) = vpow2.f32 v3  }
0x1f7: {  	v23 =	vld [tilespmem:s0+$0xFFFFFF90];
	vm1 =	vgt.f32 v4, $0.0e+00;
	v0 =	vmul.f32 $2.000000030e-01, v1  }
0x1f8: {  	v24 =	vld [tilespmem:s0+$0xFFFFFFA0];
	vm15 =	vgt.f32 v1, $0.0e+00;
	v2 =	vsel vm1, v4, v2  }
0x1f9: {  	v26 =	vld [tilespmem:s0+$0xFFFFFFB0];
	v0 =	vsel vm15, v1, v0;
	v1 =	vmul.f32 $1.442695020e+00, v2  }
0x1fa: {  	v37 =	vimm.s32 $0x2;
	v25 =	vld [tilespmem:s0+$0xFFFFFFC0];
	v0 =	vmul.f32 $1.442695020e+00, v0;
	v5 =	vpop (erf)  }
0x1fb: {  	v27 =	vld [tilespmem:s0+$0xFFFFFFD0];
	(erf) = vpow2.f32 v1;
	v2 =	vperm.xlane v5, v37  }
0x1fc: {  	v52 =	vimm.s32 $0x1;
	v46 =	vimm.s32 $0x4;
	v50 =	vimm.s32 $0x0;
	v28 =	vld [tilespmem:s0+$0xFFFFFFE0]  }
0x1fd: {  	v8 =	vimm.s32 $0x7;
	(erf) = vpow2.f32 v0;
	v0 =	vld [tilespmem:s0+$0x100];
	v9 =	vperm.xlane v5, v50;
	[tilespmem:$0x1FFA0] =	vst v2  }
0x1fe: {  	v41 =	vimm.s32 $0x3;
	v1 =	vperm.xlane v5, v8;
	v11 =	vperm.xlane v5, v52;
	v32 =	vld [tilespmem:s0+$0x0]  }
0x1ff: {  	v45 =	vimm.s32 $0x5;
	v10 =	vperm.xlane v5, v41;
	v13 =	vperm.xlane v5, v46;
	v6 =	vpop (erf);
	v34 =	vld [tilespmem:s0+$0x10]  }
0x200: {  	v12 =	vperm.xlane v5, v45;
	v49 =	vperm.xlane v6, v50;
	v35 =	vld [tilespmem:s0+$0x20]  }
0x201: {  	v47 =	vperm.xlane v6, v52;
	v51 =	vperm.xlane v6, v37;
	v39 =	vld [tilespmem:s0+$0x30]  }
0x202: {  	v48 =	vperm.xlane v6, v41;
	v61 =	vperm.xlane v6, v46;
	v44 =	vld [tilespmem:s0+$0x40]  }
0x203: {  	v7 =	vimm.s32 $0x6;
	v58 =	vperm.xlane v6, v45;
	v2 =	vmul.f32 v0, v1;
	v40 =	vld [tilespmem:s0+$0x50];
	[tilespmem:s0+$0x110] =	vst v5  }
0x204: {  	v59 =	vperm.xlane v6, v7;
	v57 =	vperm.xlane v6, v8;
	v42 =	vpop (erf);
	v33 =	vld [tilespmem:s0+$0x60];
	[tilespmem:s0+$0xFFFFFFF0] =	vst v6  }
0x205: {  	v29 =	vld [tilespmem:s0+$0x90];
	[tilespmem:s0+$0x100] =	vst v2;
	v60 =	vperm.xlane v42, v50;
	v56 =	vperm.xlane v42, v52  }
0x206: {  	v30 =	vld [tilespmem:s0+$0xA0];
	v38 =	vpop (erf);
	v55 =	vperm.xlane v42, v37;
	v53 =	vperm.xlane v42, v41;
	[tilespmem:s0+$0x80] =	vst v42  }
0x207: {  	v31 =	vld [tilespmem:s0+$0xB0];
	v54 =	vperm.xlane v42, v46;
	v43 =	vperm.xlane v38, v50;
	[tilespmem:s0+$0xFFFFFF60] =	vst v38  }
0x208: {  	v1 =	vperm.xlane v38, v52;
	v4 =	vperm.xlane v38, v37;
	v6 =	vld [tilespmem:$0x1FFB0]  }
0x209: {  	v36 =	vld [tilespmem:s0+$0x70];
	v0 =	vperm.xlane v38, v41;
	v3 =	vperm.xlane v38, v46  }
0x20a: {  	v63 =	vperm.xlane v38, v45;
	v2 =	vperm.xlane v38, v7;
	v37 =	vld [tilespmem:s0+$0xC0]  }
0x20b: {  	v62 =	vperm.xlane v38, v8;
	v52 =	vperm.xlane v42, v45;
	v38 =	vld [tilespmem:s0+$0xD0]  }
0x20c: {  	v50 =	vperm.xlane v42, v7;
	v46 =	vperm.xlane v42, v8;
	v41 =	vld [tilespmem:s0+$0xE0]  }
0x20d: {  	s11 =	simm.s32 $0x0;
	s18 =	simm.s32 $0x1440;
	v42 =	vperm.xlane v5, v7;
	v45 =	vmul.f32 v6, v43;
	v43 =	vld [tilespmem:s0+$0xF0]  }
.LBB2_9:
0x20e: {  	v1 =	vmul.f32 v14, v1  }
0x20f: {  	s7 =	sadd.s32 $0x40, s7;
	[tilespmem:s0+$0xFFFFFEE0] =	vst v45;
	v4 =	vmul.f32 v15, v4  }
0x210: {  	v7 =	vld [tilespmem:s7+$0xFFFFFFE0];
	v0 =	vmul.f32 v16, v0;
	[tilespmem:s0+$0xFFFFFEF0] =	vst v1  }
0x211: {  	v5 =	vld [tilespmem:s18+$0x110];
	v3 =	vmul.f32 v17, v3;
	[tilespmem:s0+$0xFFFFFF00] =	vst v4  }
0x212: {  	v6 =	vld [tilespmem:s7+$0x10];
	v16 =	vmul.f32 v21, v49;
	[tilespmem:s0+$0xFFFFFF10] =	vst v0  }
0x213: {  	v15 =	vld [tilespmem:s18+$0xFFFFFFF0];
	v1 =	vmul.f32 v18, v63;
	[tilespmem:s0+$0xFFFFFF20] =	vst v3  }
0x214: {  	v2 =	vmul.f32 v19, v2;
	v17 =	vld [tilespmem:s7+$0xFFFFFFF0];
	v0 =	vmul.f32 v22, v47;
	[tilespmem:s0+$0xFFFFFF70] =	vst v16  }
0x215: {  	v19 =	vld [tilespmem:s18+$0x80];
	v4 =	vmul.f32 v20, v62;
	v18 =	vmul.f32 v23, v51;
	[tilespmem:s0+$0xFFFFFF30] =	vst v1  }
0x216: {  	v21 =	vld [tilespmem:s7+$0x0];
	v3 =	vmul.f32 v24, v48;
	v20 =	vmul.f32 v26, v61;
	[tilespmem:s0+$0xFFFFFF80] =	vst v0  }
0x217: {  	v5 =	vadd.f32 v6, v5;
	v6 =	vmul.f32 v27, v59;
	v23 =	vmul.f32 v32, v60;
	v45 =	vld [tilespmem:s18+$0xFFFFFEE0];
	[tilespmem:s0+$0xFFFFFF90] =	vst v18  }
0x218: {  	v26 =	vmul.f32 v35, v55;
	v27 =	vmul.f32 v44, v54;
	v14 =	vld [tilespmem:s18+$0xFFFFFEF0];
	[tilespmem:s0+$0xFFFFFFA0] =	vst v3  }
0x219: {  	v1 =	vmul.f32 v25, v58;
	v24 =	vmul.f32 $2.000000030e-01, v5;
	[tilespmem:s0+$0xFFFFFFD0] =	vst v6;
	v22 =	vld [tilespmem:s18+$0xFFFFFF60]  }
0x21a: {  	vm0 =	vgt.f32 v5, $0.0e+00;
	v0 =	vmul.f32 v39, v53;
	[tilespmem:s0+$0xFFFFFF40] =	vst v2;
	v25 =	vadd.f32 v17, v15;
	v15 =	vld [tilespmem:s18+$0xFFFFFF00]  }
0x21b: {  	v3 =	vmul.f32 v40, v52;
	v6 =	vmul.f32 v33, v50;
	[tilespmem:s0+$0xFFFFFF50] =	vst v4;
	v5 =	vsel vm0, v5, v24;
	v16 =	vld [tilespmem:s18+$0xFFFFFF10]  }
0x21c: {  	[tilespmem:s0+$0xFFFFFFB0] =	vst v20;
	v2 =	vmul.f32 v28, v57;
	v17 =	vld [tilespmem:s18+$0xFFFFFF20];
	v5 =	vmul.f32 $1.442695020e+00, v5  }
0x21d: {  	[tilespmem:s0+$0x0] =	vst v23;
	v4 =	vmul.f32 v34, v56;
	v18 =	vld [tilespmem:s18+$0xFFFFFF30];
	v24 =	vmul.f32 $2.000000030e-01, v25  }
0x21e: {  	v21 =	vadd.f32 v21, v19;
	v19 =	vld [tilespmem:s18+$0xFFFFFF40];
	[tilespmem:s0+$0x30] =	vst v0;
	vm15 =	vgt.f32 v25, $0.0e+00;
	(erf) = vpow2.f32 v5  }
0x21f: {  	v0 =	vld [tilespmem:$0x1FFA0];
	[tilespmem:s0+$0xFFFFFFE0] =	vst v2;
	v2 =	vmul.f32 v36, v46;
	v24 =	vsel vm15, v25, v24;
	v7 =	vadd.f32 v7, v22  }
0x220: {  	[tilespmem:s0+$0xFFFFFFC0] =	vst v1;
	v20 =	vld [tilespmem:s18+$0xFFFFFF50];
	v22 =	vmul.f32 $2.000000030e-01, v21;
	v1 =	vmul.f32 $1.442695020e+00, v24  }
0x221: {  	vm1 =	vgt.f32 v21, $0.0e+00;
	v23 =	vld [tilespmem:s18+$0xFFFFFF90];
	[tilespmem:s0+$0x10] =	vst v4;
	v4 =	vmul.f32 v30, v11;
	v5 =	vmul.f32 $2.000000030e-01, v7  }
0x222: {  	[tilespmem:s0+$0x20] =	vst v26;
	v26 =	vld [tilespmem:s18+$0xFFFFFFB0];
	vm2 =	vgt.f32 v7, $0.0e+00;
	v22 =	vsel vm1, v21, v22;
	(erf) = vpow2.f32 v1  }
0x223: {  	[tilespmem:s0+$0x40] =	vst v27;
	v30 =	vmul.f32 v41, v12;
	v27 =	vld [tilespmem:s18+$0xFFFFFFD0];
	v5 =	vsel vm2, v7, v5;
	v7 =	vmul.f32 $1.442695020e+00, v22  }
0x224: {  	v52 =	vimm.s32 $0x0;
	v28 =	vld [tilespmem:s18+$0xFFFFFFE0];
	v0 =	vmul.f32 v31, v0;
	v5 =	vmul.f32 $1.442695020e+00, v5  }
0x225: {  	v53 =	vimm.s32 $0x1;
	v32 =	vld [tilespmem:s18+$0x0];
	v31 =	vmul.f32 v43, v42;
	(erf) = vpow2.f32 v7  }
0x226: {  	v50 =	vimm.s32 $0x4;
	v1 =	vmul.f32 v29, v9;
	(erf) = vpow2.f32 v5;
	v5 =	vld [tilespmem:s18+$0x100]  }
0x227: {  	[tilespmem:s0+$0x50] =	vst v3;
	v41 =	vimm.s32 $0x7;
	v34 =	vld [tilespmem:s18+$0x10];
	v29 =	vmul.f32 v38, v13;
	v7 =	vmul.f32 v37, v10;
	v8 =	vpop (erf)  }
0x228: {  	[tilespmem:s0+$0x60] =	vst v6;
	v35 =	vld [tilespmem:s18+$0x20];
	v38 =	vimm.s32 $0x2;
	v9 =	vperm.xlane v8, v52;
	v3 =	vperm.xlane v8, v41  }
0x229: {  	v39 =	vld [tilespmem:s18+$0x30];
	v43 =	vimm.s32 $0x3;
	v11 =	vperm.xlane v8, v53;
	v58 =	vperm.xlane v8, v38  }
0x22a: {  	v46 =	vimm.s32 $0x5;
	v25 =	vld [tilespmem:s18+$0xFFFFFFC0];
	v10 =	vperm.xlane v8, v43;
	v13 =	vperm.xlane v8, v50  }
0x22b: {  	[tilespmem:s0+$0x70] =	vst v2;
	v24 =	vld [tilespmem:s18+$0xFFFFFFA0];
	v12 =	vperm.xlane v8, v46;
	v2 =	vmul.f32 v5, v3;
	v5 =	vpop (erf)  }
0x22c: {  	[tilespmem:s0+$0xA0] =	vst v4;
	v44 =	vld [tilespmem:s18+$0x40];
	v49 =	vperm.xlane v5, v52;
	v47 =	vperm.xlane v5, v53  }
0x22d: {  	v40 =	vld [tilespmem:s18+$0x50];
	[tilespmem:s0+$0xB0] =	vst v0;
	v51 =	vperm.xlane v5, v38;
	v48 =	vperm.xlane v5, v43  }
0x22e: {  	v33 =	vld [tilespmem:s18+$0x60];
	[tilespmem:$0x1FFA0] =	vst v58;
	v61 =	vperm.xlane v5, v50;
	v58 =	vperm.xlane v5, v46;
	v6 =	vpop (erf)  }
0x22f: {  	v36 =	vld [tilespmem:s18+$0x70];
	[tilespmem:s0+$0x90] =	vst v1;
	v57 =	vperm.xlane v5, v41;
	v60 =	vperm.xlane v6, v52  }
0x230: {  	v21 =	vld [tilespmem:s18+$0xFFFFFF70];
	[tilespmem:s0+$0xC0] =	vst v7;
	v59 =	vpop (erf);
	v56 =	vperm.xlane v6, v53;
	v55 =	vperm.xlane v6, v38  }
0x231: {  	v22 =	vld [tilespmem:s18+$0xFFFFFF80];
	[tilespmem:s18+$0x100] =	vst v2;
	v54 =	vperm.xlane v6, v50;
	v42 =	vperm.xlane v59, v52  }
0x232: {  	s11 =	sadd.s32 $0x4, s11;
	[tilespmem:s0+$0xD0] =	vst v29;
	v29 =	vld [tilespmem:s18+$0x90];
	v1 =	vperm.xlane v59, v53;
	v4 =	vperm.xlane v59, v38  }
0x233: {  	p0 =	slt.u32 s11, $0x44;
	v7 =	vimm.s32 $0x6;
	[tilespmem:s0+$0xE0] =	vst v30;
	v30 =	vld [tilespmem:s18+$0xA0];
	v0 =	vperm.xlane v59, v43;
	v3 =	vperm.xlane v59, v50  }
.Ltmp5:
0x234: {  	[tilespmem:s0+$0xF0] =	vst v31;
	v31 =	vld [tilespmem:s18+$0xB0];
	v63 =	vperm.xlane v59, v46;
	v2 =	vperm.xlane v59, v7;
	(pc) =	sbr.rel @p0 .LBB2_9-.Ltmp5, $4  }
0x235: {  	v37 =	vld [tilespmem:s18+$0xC0];
	v62 =	vperm.xlane v59, v41;
	[tilespmem:s18+$0xFFFFFF60] =	vst v59;
	v59 =	vperm.xlane v5, v7  }
0x236: {  	[tilespmem:s18+$0xFFFFFFF0] =	vst v5;
	v53 =	vperm.xlane v6, v43;
	v52 =	vperm.xlane v6, v46;
	v38 =	vld [tilespmem:s18+$0xD0]  }
0x237: {  	s0 =	smov.u32 s18;
	[tilespmem:s18+$0x110] =	vst v8;
	v50 =	vperm.xlane v6, v7;
	v46 =	vperm.xlane v6, v41;
	v41 =	vld [tilespmem:s18+$0xE0]  }
0x238: {  	[tilespmem:s18+$0x80] =	vst v6;
	v43 =	vld [tilespmem:s0+$0xF0];
	s18 =	sadd.s32 $0x240, s18;
	v45 =	vmul.f32 v45, v42;
	v42 =	vperm.xlane v8, v7  }
0x239: {  	v1 =	vmul.f32 v14, v1  }
0x23a: {  	v4 =	vmul.f32 v15, v4;
	[tilespmem:s0+$0xFFFFFEE0] =	vst v45  }
0x23b: {  	v0 =	vmul.f32 v16, v0;
	[tilespmem:s0+$0xFFFFFEF0] =	vst v1  }
0x23c: {  	v1 =	vmul.f32 v17, v3;
	[tilespmem:s0+$0xFFFFFF00] =	vst v4  }
0x23d: {  	v3 =	vmul.f32 v18, v63;
	[tilespmem:s0+$0xFFFFFF10] =	vst v0  }
0x23e: {  	v0 =	vmul.f32 v19, v2;
	[tilespmem:s0+$0xFFFFFF20] =	vst v1  }
0x23f: {  	v2 =	vmul.f32 v21, v49;
	[tilespmem:s0+$0xFFFFFF30] =	vst v3  }
0x240: {  	v1 =	vmul.f32 v20, v62;
	[tilespmem:s0+$0xFFFFFF40] =	vst v0  }
0x241: {  	v0 =	vmul.f32 v22, v47;
	[tilespmem:s0+$0xFFFFFF70] =	vst v2  }
0x242: {  	v2 =	vmul.f32 v24, v48;
	[tilespmem:s0+$0xFFFFFF50] =	vst v1  }
0x243: {  	v1 =	vmul.f32 v23, v51;
	[tilespmem:s0+$0xFFFFFF80] =	vst v0  }
0x244: {  	v0 =	vmul.f32 v26, v61;
	[tilespmem:s0+$0xFFFFFFA0] =	vst v2  }
0x245: {  	v2 =	vmul.f32 v27, v59;
	[tilespmem:s0+$0xFFFFFF90] =	vst v1  }
0x246: {  	v1 =	vmul.f32 v25, v58;
	[tilespmem:s0+$0xFFFFFFB0] =	vst v0  }
0x247: {  	v0 =	vmul.f32 v28, v57;
	[tilespmem:s0+$0xFFFFFFD0] =	vst v2  }
0x248: {  	v2 =	vmul.f32 v34, v56;
	[tilespmem:s0+$0xFFFFFFC0] =	vst v1  }
0x249: {  	v1 =	vmul.f32 v32, v60;
	[tilespmem:s0+$0xFFFFFFE0] =	vst v0  }
0x24a: {  	v0 =	vmul.f32 v35, v55;
	[tilespmem:s0+$0x10] =	vst v2  }
0x24b: {  	v2 =	vmul.f32 v44, v54;
	[tilespmem:s0+$0x0] =	vst v1  }
0x24c: {  	v1 =	vmul.f32 v39, v53;
	[tilespmem:s0+$0x20] =	vst v0  }
0x24d: {  	v0 =	vmul.f32 v40, v52;
	[tilespmem:s0+$0x40] =	vst v2  }
0x24e: {  	v2 =	vmul.f32 v36, v46;
	[tilespmem:s0+$0x30] =	vst v1  }
0x24f: {  	v1 =	vmul.f32 v33, v50;
	[tilespmem:s0+$0x50] =	vst v0  }
0x250: {  	[tilespmem:s0+$0x70] =	vst v2  }
0x251: {  	[tilespmem:s0+$0x60] =	vst v1  }
0x252: {  	v2 =	vld [tilespmem:$0x1FFA0]  }
0x253: {  	v0 =	vmul.f32 v29, v9  }
0x254: {  	v1 =	vmul.f32 v30, v11  }
0x255: {  	[tilespmem:s0+$0x90] =	vst v0;
	v0 =	vmul.f32 v37, v10  }
0x256: {  	[tilespmem:s0+$0xA0] =	vst v1;
	v1 =	vmul.f32 v38, v13  }
0x257: {  	[tilespmem:s0+$0xC0] =	vst v0;
	v2 =	vmul.f32 v31, v2  }
0x258: {  	v0 =	vmul.f32 v43, v42;
	[tilespmem:s0+$0xD0] =	vst v1  }
0x259: {  	[tilespmem:s0+$0xB0] =	vst v2;
	v2 =	vmul.f32 v41, v12  }
0x25a: {  	[tilespmem:s0+$0xF0] =	vst v0  }
0x25b: {  	[tilespmem:s0+$0xE0] =	vst v2  }
0x25c: {  	[spmem:s3] =	stream.indirect.scatter.add.f32 [tilespmem:s26], [sflag:$0xA], $0x90, s21, s25, $0xb8;
	[tilespmem:$0x1F260] =	vst v63  }
0x25d: {  	p0 =	seq.s32 s23, $0x17;
	s0 =	rddreg [dreg:$0xc]  }
0x25e: {  	s0 =	sadd.s32 @!p0 s0, s31  }
0x25f: {  	_ =	swait.ge [sflag:s14], $0x2880;
	s0 =	smul.u32 @!p0 $0x12, s0  }
0x260: {  	[sflag:s14] =	ssyncset.done $0x0  }
0x261: {  	s7 =	simm.s32 @!p0 $0x0;
	[sflag:s14] =	ssyncadd.s32 $0xFFFFD780;
	s0 =	sadd.s32 @!p0 s5, s0  }
0x262: {  	[tilespmem:s7], [sflag:$0x1] =	stream.linear.gather @!p0 [hbm4b:s0+s7], $0x90, $0x38;
	[tilespmem:$0x1F260] =	vst v63  }
0x263: {  	_ =	swait.ge [sflag:s15], $0x90  }
0x264: {  	[sflag:s15] =	ssyncset.done $0x0  }
0x265: {  	[sflag:s15] =	ssyncadd.s32 $0xFFFFFF70  }
0x266: {  	[tilespmem:s10], [sflag:$0x9] =	stream.indirect.gather [hbm4b:s6+s25], $0x90, s17, s25, $0xb8;
	[tilespmem:$0x1F260] =	vst v63  }
0x267: {  	s18 =	simm.s32 $0xC60  }
0x268: {  	[tilespmem:s18], [sflag:$0x9] =	stream.indirect.gather [hbm4b:s2+s25], $0x10, s16, s25, $0xb8;
	[tilespmem:$0x1F260] =	vst v63  }
0x269: {  	_ =	swait.ge [sflag:s19], $0x2880  }
0x26a: {  	[sflag:s19] =	ssyncset.done $0x0  }
0x26b: {  	[sflag:s19] =	ssyncadd.s32 $0xFFFFD780  }
0x26c: {  	_ =	swait.ge [sflag:s19], $0x480  }
0x26d: {  	[sflag:s19] =	ssyncset.done $0x0  }
0x26e: {  	s0 =	simm.s32 $0x3A80;
	[sflag:s19] =	ssyncadd.s32 $0xFFFFFB80  }
0x26f: {  	s7 =	simm.s32 $0x800;
	v0 =	vld [tilespmem:s0+$0x110]  }
0x270: {  	v1 =	vld [tilespmem:s7+$0x10];
	_ =	sdelay $0x1  }
0x271: {  	v2 =	vld [tilespmem:s7+$0xFFFFFFE0]  }
0x272: {  	v7 =	vld [tilespmem:s0+$0xFFFFFEE0]  }
0x273: {  	v3 =	vld [tilespmem:s0+$0xFFFFFFF0]  }
0x274: {  	v4 =	vld [tilespmem:s7+$0xFFFFFFF0];
	v0 =	vadd.f32 v1, v0  }
0x275: {  	v5 =	vld [tilespmem:s0+$0x80]  }
0x276: {  	v6 =	vld [tilespmem:s7+$0x0];
	v8 =	vmul.f32 $2.000000030e-01, v0  }
0x277: {  	v1 =	vld [tilespmem:s0+$0xFFFFFF60];
	[tilespmem:$0x1FF90] =	vst v7;
	vm0 =	vgt.f32 v0, $0.0e+00  }
0x278: {  	v14 =	vld [tilespmem:s0+$0xFFFFFEF0];
	v0 =	vsel vm0, v0, v8  }
0x279: {  	v3 =	vadd.f32 v4, v3;
	v15 =	vld [tilespmem:s0+$0xFFFFFF00];
	v0 =	vmul.f32 $1.442695020e+00, v0  }
0x27a: {  	v16 =	vld [tilespmem:s0+$0xFFFFFF10]  }
0x27b: {  	v4 =	vadd.f32 v6, v5;
	v17 =	vld [tilespmem:s0+$0xFFFFFF20];
	v5 =	vmul.f32 $2.000000030e-01, v3;
	(erf) = vpow2.f32 v0  }
0x27c: {  	v18 =	vld [tilespmem:s0+$0xFFFFFF30];
	vm14 =	vgt.f32 v3, $0.0e+00  }
0x27d: {  	v19 =	vld [tilespmem:s0+$0xFFFFFF40];
	v3 =	vsel vm14, v3, v5  }
0x27e: {  	v20 =	vld [tilespmem:s0+$0xFFFFFF50];
	v3 =	vmul.f32 $1.442695020e+00, v3  }
0x27f: {  	v21 =	vld [tilespmem:s0+$0xFFFFFF70];
	v1 =	vadd.f32 v2, v1  }
0x280: {  	v22 =	vld [tilespmem:s0+$0xFFFFFF80];
	v2 =	vmul.f32 $2.000000030e-01, v4;
	(erf) = vpow2.f32 v3  }
0x281: {  	v23 =	vld [tilespmem:s0+$0xFFFFFF90];
	vm1 =	vgt.f32 v4, $0.0e+00;
	v0 =	vmul.f32 $2.000000030e-01, v1  }
0x282: {  	v24 =	vld [tilespmem:s0+$0xFFFFFFA0];
	vm15 =	vgt.f32 v1, $0.0e+00;
	v2 =	vsel vm1, v4, v2  }
0x283: {  	v26 =	vld [tilespmem:s0+$0xFFFFFFB0];
	v0 =	vsel vm15, v1, v0;
	v1 =	vmul.f32 $1.442695020e+00, v2  }
0x284: {  	v37 =	vimm.s32 $0x2;
	v25 =	vld [tilespmem:s0+$0xFFFFFFC0];
	v0 =	vmul.f32 $1.442695020e+00, v0;
	v5 =	vpop (erf)  }
0x285: {  	v27 =	vld [tilespmem:s0+$0xFFFFFFD0];
	(erf) = vpow2.f32 v1;
	v2 =	vperm.xlane v5, v37  }
0x286: {  	v52 =	vimm.s32 $0x1;
	v46 =	vimm.s32 $0x4;
	v50 =	vimm.s32 $0x0;
	v28 =	vld [tilespmem:s0+$0xFFFFFFE0]  }
0x287: {  	v8 =	vimm.s32 $0x7;
	(erf) = vpow2.f32 v0;
	v0 =	vld [tilespmem:s0+$0x100];
	v9 =	vperm.xlane v5, v50;
	[tilespmem:$0x1FF80] =	vst v2  }
0x288: {  	v41 =	vimm.s32 $0x3;
	v1 =	vperm.xlane v5, v8;
	v11 =	vperm.xlane v5, v52;
	v32 =	vld [tilespmem:s0+$0x0]  }
0x289: {  	v45 =	vimm.s32 $0x5;
	v10 =	vperm.xlane v5, v41;
	v13 =	vperm.xlane v5, v46;
	v6 =	vpop (erf);
	v34 =	vld [tilespmem:s0+$0x10]  }
0x28a: {  	v12 =	vperm.xlane v5, v45;
	v49 =	vperm.xlane v6, v50;
	v35 =	vld [tilespmem:s0+$0x20]  }
0x28b: {  	v47 =	vperm.xlane v6, v52;
	v51 =	vperm.xlane v6, v37;
	v39 =	vld [tilespmem:s0+$0x30]  }
0x28c: {  	v48 =	vperm.xlane v6, v41;
	v61 =	vperm.xlane v6, v46;
	v44 =	vld [tilespmem:s0+$0x40]  }
0x28d: {  	v7 =	vimm.s32 $0x6;
	v58 =	vperm.xlane v6, v45;
	v2 =	vmul.f32 v0, v1;
	v40 =	vld [tilespmem:s0+$0x50];
	[tilespmem:s0+$0x110] =	vst v5  }
0x28e: {  	v59 =	vperm.xlane v6, v7;
	v57 =	vperm.xlane v6, v8;
	v42 =	vpop (erf);
	v33 =	vld [tilespmem:s0+$0x60];
	[tilespmem:s0+$0xFFFFFFF0] =	vst v6  }
0x28f: {  	v29 =	vld [tilespmem:s0+$0x90];
	[tilespmem:s0+$0x100] =	vst v2;
	v60 =	vperm.xlane v42, v50;
	v56 =	vperm.xlane v42, v52  }
0x290: {  	v30 =	vld [tilespmem:s0+$0xA0];
	v38 =	vpop (erf);
	v55 =	vperm.xlane v42, v37;
	v53 =	vperm.xlane v42, v41;
	[tilespmem:s0+$0x80] =	vst v42  }
0x291: {  	v31 =	vld [tilespmem:s0+$0xB0];
	v54 =	vperm.xlane v42, v46;
	v43 =	vperm.xlane v38, v50;
	[tilespmem:s0+$0xFFFFFF60] =	vst v38  }
0x292: {  	v1 =	vperm.xlane v38, v52;
	v4 =	vperm.xlane v38, v37;
	v6 =	vld [tilespmem:$0x1FF90]  }
0x293: {  	v36 =	vld [tilespmem:s0+$0x70];
	v0 =	vperm.xlane v38, v41;
	v3 =	vperm.xlane v38, v46  }
0x294: {  	v63 =	vperm.xlane v38, v45;
	v2 =	vperm.xlane v38, v7;
	v37 =	vld [tilespmem:s0+$0xC0]  }
0x295: {  	v62 =	vperm.xlane v38, v8;
	v52 =	vperm.xlane v42, v45;
	v38 =	vld [tilespmem:s0+$0xD0]  }
0x296: {  	v50 =	vperm.xlane v42, v7;
	v46 =	vperm.xlane v42, v8;
	v41 =	vld [tilespmem:s0+$0xE0]  }
0x297: {  	s11 =	simm.s32 $0x0;
	s18 =	simm.s32 $0x3CC0;
	v42 =	vperm.xlane v5, v7;
	v45 =	vmul.f32 v6, v43;
	v43 =	vld [tilespmem:s0+$0xF0]  }
.LBB2_11:
0x298: {  	v1 =	vmul.f32 v14, v1  }
0x299: {  	s7 =	sadd.s32 $0x40, s7;
	[tilespmem:s0+$0xFFFFFEE0] =	vst v45;
	v4 =	vmul.f32 v15, v4  }
0x29a: {  	v7 =	vld [tilespmem:s7+$0xFFFFFFE0];
	v0 =	vmul.f32 v16, v0;
	[tilespmem:s0+$0xFFFFFEF0] =	vst v1  }
0x29b: {  	v5 =	vld [tilespmem:s18+$0x110];
	v3 =	vmul.f32 v17, v3;
	[tilespmem:s0+$0xFFFFFF00] =	vst v4  }
0x29c: {  	v6 =	vld [tilespmem:s7+$0x10];
	v16 =	vmul.f32 v21, v49;
	[tilespmem:s0+$0xFFFFFF10] =	vst v0  }
0x29d: {  	v15 =	vld [tilespmem:s18+$0xFFFFFFF0];
	v1 =	vmul.f32 v18, v63;
	[tilespmem:s0+$0xFFFFFF20] =	vst v3  }
0x29e: {  	v2 =	vmul.f32 v19, v2;
	v17 =	vld [tilespmem:s7+$0xFFFFFFF0];
	v0 =	vmul.f32 v22, v47;
	[tilespmem:s0+$0xFFFFFF70] =	vst v16  }
0x29f: {  	v19 =	vld [tilespmem:s18+$0x80];
	v4 =	vmul.f32 v20, v62;
	v18 =	vmul.f32 v23, v51;
	[tilespmem:s0+$0xFFFFFF30] =	vst v1  }
0x2a0: {  	v21 =	vld [tilespmem:s7+$0x0];
	v3 =	vmul.f32 v24, v48;
	v20 =	vmul.f32 v26, v61;
	[tilespmem:s0+$0xFFFFFF80] =	vst v0  }
0x2a1: {  	v5 =	vadd.f32 v6, v5;
	v6 =	vmul.f32 v27, v59;
	v23 =	vmul.f32 v32, v60;
	v45 =	vld [tilespmem:s18+$0xFFFFFEE0];
	[tilespmem:s0+$0xFFFFFF90] =	vst v18  }
0x2a2: {  	v26 =	vmul.f32 v35, v55;
	v27 =	vmul.f32 v44, v54;
	v14 =	vld [tilespmem:s18+$0xFFFFFEF0];
	[tilespmem:s0+$0xFFFFFFA0] =	vst v3  }
0x2a3: {  	v1 =	vmul.f32 v25, v58;
	v24 =	vmul.f32 $2.000000030e-01, v5;
	[tilespmem:s0+$0xFFFFFFD0] =	vst v6;
	v22 =	vld [tilespmem:s18+$0xFFFFFF60]  }
0x2a4: {  	vm0 =	vgt.f32 v5, $0.0e+00;
	v0 =	vmul.f32 v39, v53;
	[tilespmem:s0+$0xFFFFFF40] =	vst v2;
	v25 =	vadd.f32 v17, v15;
	v15 =	vld [tilespmem:s18+$0xFFFFFF00]  }
0x2a5: {  	v3 =	vmul.f32 v40, v52;
	v6 =	vmul.f32 v33, v50;
	[tilespmem:s0+$0xFFFFFF50] =	vst v4;
	v5 =	vsel vm0, v5, v24;
	v16 =	vld [tilespmem:s18+$0xFFFFFF10]  }
0x2a6: {  	[tilespmem:s0+$0xFFFFFFB0] =	vst v20;
	v2 =	vmul.f32 v28, v57;
	v17 =	vld [tilespmem:s18+$0xFFFFFF20];
	v5 =	vmul.f32 $1.442695020e+00, v5  }
0x2a7: {  	[tilespmem:s0+$0x0] =	vst v23;
	v4 =	vmul.f32 v34, v56;
	v18 =	vld [tilespmem:s18+$0xFFFFFF30];
	v24 =	vmul.f32 $2.000000030e-01, v25  }
0x2a8: {  	v21 =	vadd.f32 v21, v19;
	v19 =	vld [tilespmem:s18+$0xFFFFFF40];
	[tilespmem:s0+$0x30] =	vst v0;
	vm15 =	vgt.f32 v25, $0.0e+00;
	(erf) = vpow2.f32 v5  }
0x2a9: {  	v0 =	vld [tilespmem:$0x1FF80];
	[tilespmem:s0+$0xFFFFFFE0] =	vst v2;
	v2 =	vmul.f32 v36, v46;
	v24 =	vsel vm15, v25, v24;
	v7 =	vadd.f32 v7, v22  }
0x2aa: {  	[tilespmem:s0+$0xFFFFFFC0] =	vst v1;
	v20 =	vld [tilespmem:s18+$0xFFFFFF50];
	v22 =	vmul.f32 $2.000000030e-01, v21;
	v1 =	vmul.f32 $1.442695020e+00, v24  }
0x2ab: {  	vm1 =	vgt.f32 v21, $0.0e+00;
	v23 =	vld [tilespmem:s18+$0xFFFFFF90];
	[tilespmem:s0+$0x10] =	vst v4;
	v4 =	vmul.f32 v30, v11;
	v5 =	vmul.f32 $2.000000030e-01, v7  }
0x2ac: {  	[tilespmem:s0+$0x20] =	vst v26;
	v26 =	vld [tilespmem:s18+$0xFFFFFFB0];
	vm2 =	vgt.f32 v7, $0.0e+00;
	v22 =	vsel vm1, v21, v22;
	(erf) = vpow2.f32 v1  }
0x2ad: {  	[tilespmem:s0+$0x40] =	vst v27;
	v30 =	vmul.f32 v41, v12;
	v27 =	vld [tilespmem:s18+$0xFFFFFFD0];
	v5 =	vsel vm2, v7, v5;
	v7 =	vmul.f32 $1.442695020e+00, v22  }
0x2ae: {  	v52 =	vimm.s32 $0x0;
	v28 =	vld [tilespmem:s18+$0xFFFFFFE0];
	v0 =	vmul.f32 v31, v0;
	v5 =	vmul.f32 $1.442695020e+00, v5  }
0x2af: {  	v53 =	vimm.s32 $0x1;
	v32 =	vld [tilespmem:s18+$0x0];
	v31 =	vmul.f32 v43, v42;
	(erf) = vpow2.f32 v7  }
0x2b0: {  	v50 =	vimm.s32 $0x4;
	v1 =	vmul.f32 v29, v9;
	(erf) = vpow2.f32 v5;
	v5 =	vld [tilespmem:s18+$0x100]  }
0x2b1: {  	[tilespmem:s0+$0x50] =	vst v3;
	v41 =	vimm.s32 $0x7;
	v34 =	vld [tilespmem:s18+$0x10];
	v29 =	vmul.f32 v38, v13;
	v7 =	vmul.f32 v37, v10;
	v8 =	vpop (erf)  }
0x2b2: {  	[tilespmem:s0+$0x60] =	vst v6;
	v35 =	vld [tilespmem:s18+$0x20];
	v38 =	vimm.s32 $0x2;
	v9 =	vperm.xlane v8, v52;
	v3 =	vperm.xlane v8, v41  }
0x2b3: {  	v39 =	vld [tilespmem:s18+$0x30];
	v43 =	vimm.s32 $0x3;
	v11 =	vperm.xlane v8, v53;
	v58 =	vperm.xlane v8, v38  }
0x2b4: {  	v46 =	vimm.s32 $0x5;
	v25 =	vld [tilespmem:s18+$0xFFFFFFC0];
	v10 =	vperm.xlane v8, v43;
	v13 =	vperm.xlane v8, v50  }
0x2b5: {  	[tilespmem:s0+$0x70] =	vst v2;
	v24 =	vld [tilespmem:s18+$0xFFFFFFA0];
	v12 =	vperm.xlane v8, v46;
	v2 =	vmul.f32 v5, v3;
	v5 =	vpop (erf)  }
0x2b6: {  	[tilespmem:s0+$0xA0] =	vst v4;
	v44 =	vld [tilespmem:s18+$0x40];
	v49 =	vperm.xlane v5, v52;
	v47 =	vperm.xlane v5, v53  }
0x2b7: {  	v40 =	vld [tilespmem:s18+$0x50];
	[tilespmem:s0+$0xB0] =	vst v0;
	v51 =	vperm.xlane v5, v38;
	v48 =	vperm.xlane v5, v43  }
0x2b8: {  	v33 =	vld [tilespmem:s18+$0x60];
	[tilespmem:$0x1FF80] =	vst v58;
	v61 =	vperm.xlane v5, v50;
	v58 =	vperm.xlane v5, v46;
	v6 =	vpop (erf)  }
0x2b9: {  	v36 =	vld [tilespmem:s18+$0x70];
	[tilespmem:s0+$0x90] =	vst v1;
	v57 =	vperm.xlane v5, v41;
	v60 =	vperm.xlane v6, v52  }
0x2ba: {  	v21 =	vld [tilespmem:s18+$0xFFFFFF70];
	[tilespmem:s0+$0xC0] =	vst v7;
	v59 =	vpop (erf);
	v56 =	vperm.xlane v6, v53;
	v55 =	vperm.xlane v6, v38  }
0x2bb: {  	v22 =	vld [tilespmem:s18+$0xFFFFFF80];
	[tilespmem:s18+$0x100] =	vst v2;
	v54 =	vperm.xlane v6, v50;
	v42 =	vperm.xlane v59, v52  }
0x2bc: {  	s11 =	sadd.s32 $0x4, s11;
	[tilespmem:s0+$0xD0] =	vst v29;
	v29 =	vld [tilespmem:s18+$0x90];
	v1 =	vperm.xlane v59, v53;
	v4 =	vperm.xlane v59, v38  }
0x2bd: {  	p1 =	slt.u32 s11, $0x44;
	v7 =	vimm.s32 $0x6;
	[tilespmem:s0+$0xE0] =	vst v30;
	v30 =	vld [tilespmem:s18+$0xA0];
	v0 =	vperm.xlane v59, v43;
	v3 =	vperm.xlane v59, v50  }
.Ltmp6:
0x2be: {  	[tilespmem:s0+$0xF0] =	vst v31;
	v31 =	vld [tilespmem:s18+$0xB0];
	v63 =	vperm.xlane v59, v46;
	v2 =	vperm.xlane v59, v7;
	(pc) =	sbr.rel @p1 .LBB2_11-.Ltmp6, $4  }
0x2bf: {  	v37 =	vld [tilespmem:s18+$0xC0];
	v62 =	vperm.xlane v59, v41;
	[tilespmem:s18+$0xFFFFFF60] =	vst v59;
	v59 =	vperm.xlane v5, v7  }
0x2c0: {  	[tilespmem:s18+$0xFFFFFFF0] =	vst v5;
	v53 =	vperm.xlane v6, v43;
	v52 =	vperm.xlane v6, v46;
	v38 =	vld [tilespmem:s18+$0xD0]  }
0x2c1: {  	s0 =	smov.u32 s18;
	[tilespmem:s18+$0x110] =	vst v8;
	v50 =	vperm.xlane v6, v7;
	v46 =	vperm.xlane v6, v41;
	v41 =	vld [tilespmem:s18+$0xE0]  }
0x2c2: {  	[tilespmem:s18+$0x80] =	vst v6;
	v43 =	vld [tilespmem:s0+$0xF0];
	s18 =	sadd.s32 $0x240, s18;
	v45 =	vmul.f32 v45, v42;
	v42 =	vperm.xlane v8, v7  }
0x2c3: {  	v1 =	vmul.f32 v14, v1  }
0x2c4: {  	v4 =	vmul.f32 v15, v4;
	[tilespmem:s0+$0xFFFFFEE0] =	vst v45  }
0x2c5: {  	v0 =	vmul.f32 v16, v0;
	[tilespmem:s0+$0xFFFFFEF0] =	vst v1  }
0x2c6: {  	v1 =	vmul.f32 v17, v3;
	[tilespmem:s0+$0xFFFFFF00] =	vst v4  }
0x2c7: {  	v3 =	vmul.f32 v18, v63;
	[tilespmem:s0+$0xFFFFFF10] =	vst v0  }
0x2c8: {  	v0 =	vmul.f32 v19, v2;
	[tilespmem:s0+$0xFFFFFF20] =	vst v1  }
0x2c9: {  	v2 =	vmul.f32 v21, v49;
	[tilespmem:s0+$0xFFFFFF30] =	vst v3  }
0x2ca: {  	v1 =	vmul.f32 v20, v62;
	[tilespmem:s0+$0xFFFFFF40] =	vst v0  }
0x2cb: {  	v0 =	vmul.f32 v22, v47;
	[tilespmem:s0+$0xFFFFFF70] =	vst v2  }
0x2cc: {  	v2 =	vmul.f32 v24, v48;
	[tilespmem:s0+$0xFFFFFF50] =	vst v1  }
0x2cd: {  	v1 =	vmul.f32 v23, v51;
	[tilespmem:s0+$0xFFFFFF80] =	vst v0  }
0x2ce: {  	v0 =	vmul.f32 v26, v61;
	[tilespmem:s0+$0xFFFFFFA0] =	vst v2  }
0x2cf: {  	v2 =	vmul.f32 v27, v59;
	[tilespmem:s0+$0xFFFFFF90] =	vst v1  }
0x2d0: {  	v1 =	vmul.f32 v25, v58;
	[tilespmem:s0+$0xFFFFFFB0] =	vst v0  }
0x2d1: {  	v0 =	vmul.f32 v28, v57;
	[tilespmem:s0+$0xFFFFFFD0] =	vst v2  }
0x2d2: {  	v2 =	vmul.f32 v34, v56;
	[tilespmem:s0+$0xFFFFFFC0] =	vst v1  }
0x2d3: {  	v1 =	vmul.f32 v32, v60;
	[tilespmem:s0+$0xFFFFFFE0] =	vst v0  }
0x2d4: {  	v0 =	vmul.f32 v35, v55;
	[tilespmem:s0+$0x10] =	vst v2  }
0x2d5: {  	v2 =	vmul.f32 v44, v54;
	[tilespmem:s0+$0x0] =	vst v1  }
0x2d6: {  	v1 =	vmul.f32 v39, v53;
	[tilespmem:s0+$0x20] =	vst v0  }
0x2d7: {  	v0 =	vmul.f32 v40, v52;
	[tilespmem:s0+$0x40] =	vst v2  }
0x2d8: {  	v2 =	vmul.f32 v36, v46;
	[tilespmem:s0+$0x30] =	vst v1  }
0x2d9: {  	v1 =	vmul.f32 v33, v50;
	[tilespmem:s0+$0x50] =	vst v0  }
0x2da: {  	[tilespmem:s0+$0x70] =	vst v2  }
0x2db: {  	[tilespmem:s0+$0x60] =	vst v1  }
0x2dc: {  	v2 =	vld [tilespmem:$0x1FF80]  }
0x2dd: {  	v0 =	vmul.f32 v29, v9  }
0x2de: {  	v1 =	vmul.f32 v30, v11  }
0x2df: {  	[tilespmem:s0+$0x90] =	vst v0;
	v0 =	vmul.f32 v37, v10  }
0x2e0: {  	[tilespmem:s0+$0xA0] =	vst v1;
	v1 =	vmul.f32 v38, v13  }
0x2e1: {  	[tilespmem:s0+$0xC0] =	vst v0;
	v2 =	vmul.f32 v31, v2  }
0x2e2: {  	v0 =	vmul.f32 v43, v42;
	[tilespmem:s0+$0xD0] =	vst v1  }
0x2e3: {  	[tilespmem:s0+$0xB0] =	vst v2;
	v2 =	vmul.f32 v41, v12  }
0x2e4: {  	[tilespmem:s0+$0xF0] =	vst v0  }
0x2e5: {  	[tilespmem:s0+$0xE0] =	vst v2  }
0x2e6: {  	[spmem:s3] =	stream.indirect.scatter.add.f32 [tilespmem:s30], [sflag:$0xB], $0x90, s13, s25, $0xb8;
	[tilespmem:$0x1F260] =	vst v63  }
0x2e7: {  	_ =	swait.ge [sflag:s24], $0x2880  }
0x2e8: {  	s0 =	rddreg [dreg:$0xd]  }
0x2e9: {  	s0 =	sadd.s32 @!p0 s0, s31  }
0x2ea: {  	s0 =	smul.u32 @!p0 $0x12, s0  }
0x2eb: {  	s7 =	simm.s32 @!p0 $0x0;
	[sflag:s24] =	ssyncset.done $0x0  }
0x2ec: {  	s11 =	simm.s32 @!p0 $0x90;
	[sflag:s24] =	ssyncadd.s32 $0xFFFFD780;
	s0 =	sadd.s32 @!p0 s5, s0  }
0x2ed: {  	[tilespmem:s11], [sflag:$0x2] =	stream.linear.gather @!p0 [hbm4b:s0+s7], $0x90, $0x38;
	[tilespmem:$0x1F260] =	vst v63  }
0x2ee: {  	s0 =	simm.s32 @!p0 $0x1  }
0x2ef: {  	_ =	swait.ge @!p0 [sflag:s0], $0x90  }
0x2f0: {  	[sflag:s0] =	ssyncset.done @!p0 $0x0  }
0x2f1: {  	s11 =	simm.s32 @!p0 $0x10E0;
	[sflag:s0] =	ssyncadd.s32 @!p0 $0xFFFFFF70;
	s0 =	simm.s32 @!p0 $0x48  }
0x2f2: {  	[tilespmem:s11], [sflag:$0x7] =	stream.indirect.gather @!p0 [hbm4b:s6+s0], $0x90, s7, s0, $0xb8;
	[tilespmem:$0x1F260] =	vst v63  }
0x2f3: {  	s7 =	simm.s32 @!p0 $0x360  }
0x2f4: {  	[tilespmem:s7], [sflag:$0x7] =	stream.indirect.gather @!p0 [hbm4b:s2+s0], $0x10, s0, s0, $0xb8;
	[tilespmem:$0x1F260] =	vst v63  }
0x2f5: {  	_ =	swait.ge [sflag:s22], $0x2880  }
0x2f6: {  	[sflag:s22] =	ssyncset.done $0x0  }
0x2f7: {  	[sflag:s22] =	ssyncadd.s32 $0xFFFFD780  }
0x2f8: {  	_ =	swait.ge [sflag:s22], $0x480  }
0x2f9: {  	[sflag:s22] =	ssyncset.done $0x0  }
0x2fa: {  	s0 =	simm.s32 $0x6300;
	[sflag:s22] =	ssyncadd.s32 $0xFFFFFB80  }
0x2fb: {  	s7 =	simm.s32 $0xC80;
	v0 =	vld [tilespmem:s0+$0x110]  }
0x2fc: {  	v1 =	vld [tilespmem:s7+$0x10];
	_ =	sdelay $0x1  }
0x2fd: {  	v2 =	vld [tilespmem:s7+$0xFFFFFFE0]  }
0x2fe: {  	v7 =	vld [tilespmem:s0+$0xFFFFFEE0]  }
0x2ff: {  	v3 =	vld [tilespmem:s0+$0xFFFFFFF0]  }
0x300: {  	v4 =	vld [tilespmem:s7+$0xFFFFFFF0];
	v0 =	vadd.f32 v1, v0  }
0x301: {  	v5 =	vld [tilespmem:s0+$0x80]  }
0x302: {  	v6 =	vld [tilespmem:s7+$0x0];
	v8 =	vmul.f32 $2.000000030e-01, v0  }
0x303: {  	v1 =	vld [tilespmem:s0+$0xFFFFFF60];
	[tilespmem:$0x1FF70] =	vst v7;
	vm0 =	vgt.f32 v0, $0.0e+00  }
0x304: {  	v14 =	vld [tilespmem:s0+$0xFFFFFEF0];
	v0 =	vsel vm0, v0, v8  }
0x305: {  	v3 =	vadd.f32 v4, v3;
	v15 =	vld [tilespmem:s0+$0xFFFFFF00];
	v0 =	vmul.f32 $1.442695020e+00, v0  }
0x306: {  	v16 =	vld [tilespmem:s0+$0xFFFFFF10]  }
0x307: {  	v4 =	vadd.f32 v6, v5;
	v17 =	vld [tilespmem:s0+$0xFFFFFF20];
	v5 =	vmul.f32 $2.000000030e-01, v3;
	(erf) = vpow2.f32 v0  }
0x308: {  	v18 =	vld [tilespmem:s0+$0xFFFFFF30];
	vm14 =	vgt.f32 v3, $0.0e+00  }
0x309: {  	v19 =	vld [tilespmem:s0+$0xFFFFFF40];
	v3 =	vsel vm14, v3, v5  }
0x30a: {  	v20 =	vld [tilespmem:s0+$0xFFFFFF50];
	v3 =	vmul.f32 $1.442695020e+00, v3  }
0x30b: {  	v21 =	vld [tilespmem:s0+$0xFFFFFF70];
	v1 =	vadd.f32 v2, v1  }
0x30c: {  	v22 =	vld [tilespmem:s0+$0xFFFFFF80];
	v2 =	vmul.f32 $2.000000030e-01, v4;
	(erf) = vpow2.f32 v3  }
0x30d: {  	v23 =	vld [tilespmem:s0+$0xFFFFFF90];
	vm1 =	vgt.f32 v4, $0.0e+00;
	v0 =	vmul.f32 $2.000000030e-01, v1  }
0x30e: {  	v24 =	vld [tilespmem:s0+$0xFFFFFFA0];
	vm15 =	vgt.f32 v1, $0.0e+00;
	v2 =	vsel vm1, v4, v2  }
0x30f: {  	v26 =	vld [tilespmem:s0+$0xFFFFFFB0];
	v0 =	vsel vm15, v1, v0;
	v1 =	vmul.f32 $1.442695020e+00, v2  }
0x310: {  	v37 =	vimm.s32 $0x2;
	v25 =	vld [tilespmem:s0+$0xFFFFFFC0];
	v0 =	vmul.f32 $1.442695020e+00, v0;
	v5 =	vpop (erf)  }
0x311: {  	v27 =	vld [tilespmem:s0+$0xFFFFFFD0];
	(erf) = vpow2.f32 v1;
	v2 =	vperm.xlane v5, v37  }
0x312: {  	v52 =	vimm.s32 $0x1;
	v46 =	vimm.s32 $0x4;
	v50 =	vimm.s32 $0x0;
	v28 =	vld [tilespmem:s0+$0xFFFFFFE0]  }
0x313: {  	v8 =	vimm.s32 $0x7;
	(erf) = vpow2.f32 v0;
	v0 =	vld [tilespmem:s0+$0x100];
	v9 =	vperm.xlane v5, v50;
	[tilespmem:$0x1FF60] =	vst v2  }
0x314: {  	v41 =	vimm.s32 $0x3;
	v1 =	vperm.xlane v5, v8;
	v11 =	vperm.xlane v5, v52;
	v32 =	vld [tilespmem:s0+$0x0]  }
0x315: {  	v45 =	vimm.s32 $0x5;
	v10 =	vperm.xlane v5, v41;
	v13 =	vperm.xlane v5, v46;
	v6 =	vpop (erf);
	v34 =	vld [tilespmem:s0+$0x10]  }
0x316: {  	v12 =	vperm.xlane v5, v45;
	v49 =	vperm.xlane v6, v50;
	v35 =	vld [tilespmem:s0+$0x20]  }
0x317: {  	v47 =	vperm.xlane v6, v52;
	v51 =	vperm.xlane v6, v37;
	v39 =	vld [tilespmem:s0+$0x30]  }
0x318: {  	v48 =	vperm.xlane v6, v41;
	v61 =	vperm.xlane v6, v46;
	v44 =	vld [tilespmem:s0+$0x40]  }
0x319: {  	v7 =	vimm.s32 $0x6;
	v58 =	vperm.xlane v6, v45;
	v2 =	vmul.f32 v0, v1;
	v40 =	vld [tilespmem:s0+$0x50];
	[tilespmem:s0+$0x110] =	vst v5  }
0x31a: {  	v59 =	vperm.xlane v6, v7;
	v57 =	vperm.xlane v6, v8;
	v42 =	vpop (erf);
	v33 =	vld [tilespmem:s0+$0x60];
	[tilespmem:s0+$0xFFFFFFF0] =	vst v6  }
0x31b: {  	v29 =	vld [tilespmem:s0+$0x90];
	[tilespmem:s0+$0x100] =	vst v2;
	v60 =	vperm.xlane v42, v50;
	v56 =	vperm.xlane v42, v52  }
0x31c: {  	v30 =	vld [tilespmem:s0+$0xA0];
	v38 =	vpop (erf);
	v55 =	vperm.xlane v42, v37;
	v53 =	vperm.xlane v42, v41;
	[tilespmem:s0+$0x80] =	vst v42  }
0x31d: {  	v31 =	vld [tilespmem:s0+$0xB0];
	v54 =	vperm.xlane v42, v46;
	v43 =	vperm.xlane v38, v50;
	[tilespmem:s0+$0xFFFFFF60] =	vst v38  }
0x31e: {  	v1 =	vperm.xlane v38, v52;
	v4 =	vperm.xlane v38, v37;
	v6 =	vld [tilespmem:$0x1FF70]  }
0x31f: {  	v36 =	vld [tilespmem:s0+$0x70];
	v0 =	vperm.xlane v38, v41;
	v3 =	vperm.xlane v38, v46  }
0x320: {  	v63 =	vperm.xlane v38, v45;
	v2 =	vperm.xlane v38, v7;
	v37 =	vld [tilespmem:s0+$0xC0]  }
0x321: {  	v62 =	vperm.xlane v38, v8;
	v52 =	vperm.xlane v42, v45;
	v38 =	vld [tilespmem:s0+$0xD0]  }
0x322: {  	v50 =	vperm.xlane v42, v7;
	v46 =	vperm.xlane v42, v8;
	v41 =	vld [tilespmem:s0+$0xE0]  }
0x323: {  	s18 =	simm.s32 $0x6540;
	s11 =	simm.s32 $0x0;
	v42 =	vperm.xlane v5, v7;
	v45 =	vmul.f32 v6, v43;
	v43 =	vld [tilespmem:s0+$0xF0]  }
.LBB2_13:
0x324: {  	v1 =	vmul.f32 v14, v1  }
0x325: {  	s7 =	sadd.s32 $0x40, s7;
	[tilespmem:s0+$0xFFFFFEE0] =	vst v45;
	v4 =	vmul.f32 v15, v4  }
0x326: {  	v7 =	vld [tilespmem:s7+$0xFFFFFFE0];
	v0 =	vmul.f32 v16, v0;
	[tilespmem:s0+$0xFFFFFEF0] =	vst v1  }
0x327: {  	v5 =	vld [tilespmem:s18+$0x110];
	v3 =	vmul.f32 v17, v3;
	[tilespmem:s0+$0xFFFFFF00] =	vst v4  }
0x328: {  	v6 =	vld [tilespmem:s7+$0x10];
	v16 =	vmul.f32 v21, v49;
	[tilespmem:s0+$0xFFFFFF10] =	vst v0  }
0x329: {  	v15 =	vld [tilespmem:s18+$0xFFFFFFF0];
	v1 =	vmul.f32 v18, v63;
	[tilespmem:s0+$0xFFFFFF20] =	vst v3  }
0x32a: {  	v2 =	vmul.f32 v19, v2;
	v17 =	vld [tilespmem:s7+$0xFFFFFFF0];
	v0 =	vmul.f32 v22, v47;
	[tilespmem:s0+$0xFFFFFF70] =	vst v16  }
0x32b: {  	v19 =	vld [tilespmem:s18+$0x80];
	v4 =	vmul.f32 v20, v62;
	v18 =	vmul.f32 v23, v51;
	[tilespmem:s0+$0xFFFFFF30] =	vst v1  }
0x32c: {  	v21 =	vld [tilespmem:s7+$0x0];
	v3 =	vmul.f32 v24, v48;
	v20 =	vmul.f32 v26, v61;
	[tilespmem:s0+$0xFFFFFF80] =	vst v0  }
0x32d: {  	v5 =	vadd.f32 v6, v5;
	v6 =	vmul.f32 v27, v59;
	v23 =	vmul.f32 v32, v60;
	v45 =	vld [tilespmem:s18+$0xFFFFFEE0];
	[tilespmem:s0+$0xFFFFFF90] =	vst v18  }
0x32e: {  	v26 =	vmul.f32 v35, v55;
	v27 =	vmul.f32 v44, v54;
	v14 =	vld [tilespmem:s18+$0xFFFFFEF0];
	[tilespmem:s0+$0xFFFFFFA0] =	vst v3  }
0x32f: {  	v1 =	vmul.f32 v25, v58;
	v24 =	vmul.f32 $2.000000030e-01, v5;
	[tilespmem:s0+$0xFFFFFFD0] =	vst v6;
	v22 =	vld [tilespmem:s18+$0xFFFFFF60]  }
0x330: {  	vm0 =	vgt.f32 v5, $0.0e+00;
	v0 =	vmul.f32 v39, v53;
	[tilespmem:s0+$0xFFFFFF40] =	vst v2;
	v25 =	vadd.f32 v17, v15;
	v15 =	vld [tilespmem:s18+$0xFFFFFF00]  }
0x331: {  	v3 =	vmul.f32 v40, v52;
	v6 =	vmul.f32 v33, v50;
	[tilespmem:s0+$0xFFFFFF50] =	vst v4;
	v5 =	vsel vm0, v5, v24;
	v16 =	vld [tilespmem:s18+$0xFFFFFF10]  }
0x332: {  	[tilespmem:s0+$0xFFFFFFB0] =	vst v20;
	v2 =	vmul.f32 v28, v57;
	v17 =	vld [tilespmem:s18+$0xFFFFFF20];
	v5 =	vmul.f32 $1.442695020e+00, v5  }
0x333: {  	[tilespmem:s0+$0x0] =	vst v23;
	v4 =	vmul.f32 v34, v56;
	v18 =	vld [tilespmem:s18+$0xFFFFFF30];
	v24 =	vmul.f32 $2.000000030e-01, v25  }
0x334: {  	v21 =	vadd.f32 v21, v19;
	v19 =	vld [tilespmem:s18+$0xFFFFFF40];
	[tilespmem:s0+$0x30] =	vst v0;
	vm15 =	vgt.f32 v25, $0.0e+00;
	(erf) = vpow2.f32 v5  }
0x335: {  	v0 =	vld [tilespmem:$0x1FF60];
	[tilespmem:s0+$0xFFFFFFE0] =	vst v2;
	v2 =	vmul.f32 v36, v46;
	v24 =	vsel vm15, v25, v24;
	v7 =	vadd.f32 v7, v22  }
0x336: {  	[tilespmem:s0+$0xFFFFFFC0] =	vst v1;
	v20 =	vld [tilespmem:s18+$0xFFFFFF50];
	v22 =	vmul.f32 $2.000000030e-01, v21;
	v1 =	vmul.f32 $1.442695020e+00, v24  }
0x337: {  	vm1 =	vgt.f32 v21, $0.0e+00;
	v23 =	vld [tilespmem:s18+$0xFFFFFF90];
	[tilespmem:s0+$0x10] =	vst v4;
	v4 =	vmul.f32 v30, v11;
	v5 =	vmul.f32 $2.000000030e-01, v7  }
0x338: {  	[tilespmem:s0+$0x20] =	vst v26;
	v26 =	vld [tilespmem:s18+$0xFFFFFFB0];
	vm2 =	vgt.f32 v7, $0.0e+00;
	v22 =	vsel vm1, v21, v22;
	(erf) = vpow2.f32 v1  }
0x339: {  	[tilespmem:s0+$0x40] =	vst v27;
	v30 =	vmul.f32 v41, v12;
	v27 =	vld [tilespmem:s18+$0xFFFFFFD0];
	v5 =	vsel vm2, v7, v5;
	v7 =	vmul.f32 $1.442695020e+00, v22  }
0x33a: {  	v52 =	vimm.s32 $0x0;
	v28 =	vld [tilespmem:s18+$0xFFFFFFE0];
	v0 =	vmul.f32 v31, v0;
	v5 =	vmul.f32 $1.442695020e+00, v5  }
0x33b: {  	v53 =	vimm.s32 $0x1;
	v32 =	vld [tilespmem:s18+$0x0];
	v31 =	vmul.f32 v43, v42;
	(erf) = vpow2.f32 v7  }
0x33c: {  	v50 =	vimm.s32 $0x4;
	v1 =	vmul.f32 v29, v9;
	(erf) = vpow2.f32 v5;
	v5 =	vld [tilespmem:s18+$0x100]  }
0x33d: {  	[tilespmem:s0+$0x50] =	vst v3;
	v41 =	vimm.s32 $0x7;
	v34 =	vld [tilespmem:s18+$0x10];
	v29 =	vmul.f32 v38, v13;
	v7 =	vmul.f32 v37, v10;
	v8 =	vpop (erf)  }
0x33e: {  	[tilespmem:s0+$0x60] =	vst v6;
	v35 =	vld [tilespmem:s18+$0x20];
	v38 =	vimm.s32 $0x2;
	v9 =	vperm.xlane v8, v52;
	v3 =	vperm.xlane v8, v41  }
0x33f: {  	v39 =	vld [tilespmem:s18+$0x30];
	v43 =	vimm.s32 $0x3;
	v11 =	vperm.xlane v8, v53;
	v58 =	vperm.xlane v8, v38  }
0x340: {  	v46 =	vimm.s32 $0x5;
	v25 =	vld [tilespmem:s18+$0xFFFFFFC0];
	v10 =	vperm.xlane v8, v43;
	v13 =	vperm.xlane v8, v50  }
0x341: {  	[tilespmem:s0+$0x70] =	vst v2;
	v24 =	vld [tilespmem:s18+$0xFFFFFFA0];
	v12 =	vperm.xlane v8, v46;
	v2 =	vmul.f32 v5, v3;
	v5 =	vpop (erf)  }
0x342: {  	[tilespmem:s0+$0xA0] =	vst v4;
	v44 =	vld [tilespmem:s18+$0x40];
	v49 =	vperm.xlane v5, v52;
	v47 =	vperm.xlane v5, v53  }
0x343: {  	v40 =	vld [tilespmem:s18+$0x50];
	[tilespmem:s0+$0xB0] =	vst v0;
	v51 =	vperm.xlane v5, v38;
	v48 =	vperm.xlane v5, v43  }
0x344: {  	v33 =	vld [tilespmem:s18+$0x60];
	[tilespmem:$0x1FF60] =	vst v58;
	v61 =	vperm.xlane v5, v50;
	v58 =	vperm.xlane v5, v46;
	v6 =	vpop (erf)  }
0x345: {  	v36 =	vld [tilespmem:s18+$0x70];
	[tilespmem:s0+$0x90] =	vst v1;
	v57 =	vperm.xlane v5, v41;
	v60 =	vperm.xlane v6, v52  }
0x346: {  	v21 =	vld [tilespmem:s18+$0xFFFFFF70];
	[tilespmem:s0+$0xC0] =	vst v7;
	v59 =	vpop (erf);
	v56 =	vperm.xlane v6, v53;
	v55 =	vperm.xlane v6, v38  }
0x347: {  	v22 =	vld [tilespmem:s18+$0xFFFFFF80];
	[tilespmem:s18+$0x100] =	vst v2;
	v54 =	vperm.xlane v6, v50;
	v42 =	vperm.xlane v59, v52  }
0x348: {  	s11 =	sadd.s32 $0x4, s11;
	[tilespmem:s0+$0xD0] =	vst v29;
	v29 =	vld [tilespmem:s18+$0x90];
	v1 =	vperm.xlane v59, v53;
	v4 =	vperm.xlane v59, v38  }
0x349: {  	p1 =	slt.u32 s11, $0x44;
	v7 =	vimm.s32 $0x6;
	[tilespmem:s0+$0xE0] =	vst v30;
	v30 =	vld [tilespmem:s18+$0xA0];
	v0 =	vperm.xlane v59, v43;
	v3 =	vperm.xlane v59, v50  }
.Ltmp7:
0x34a: {  	[tilespmem:s0+$0xF0] =	vst v31;
	v31 =	vld [tilespmem:s18+$0xB0];
	v63 =	vperm.xlane v59, v46;
	v2 =	vperm.xlane v59, v7;
	(pc) =	sbr.rel @p1 .LBB2_13-.Ltmp7, $4  }
0x34b: {  	v37 =	vld [tilespmem:s18+$0xC0];
	v62 =	vperm.xlane v59, v41;
	[tilespmem:s18+$0xFFFFFF60] =	vst v59;
	v59 =	vperm.xlane v5, v7  }
0x34c: {  	[tilespmem:s18+$0xFFFFFFF0] =	vst v5;
	v53 =	vperm.xlane v6, v43;
	v52 =	vperm.xlane v6, v46;
	v38 =	vld [tilespmem:s18+$0xD0]  }
0x34d: {  	s0 =	smov.u32 s18;
	[tilespmem:s18+$0x110] =	vst v8;
	v50 =	vperm.xlane v6, v7;
	v46 =	vperm.xlane v6, v41;
	v41 =	vld [tilespmem:s18+$0xE0]  }
0x34e: {  	[tilespmem:s18+$0x80] =	vst v6;
	v43 =	vld [tilespmem:s0+$0xF0];
	s18 =	sadd.s32 $0x240, s18;
	v45 =	vmul.f32 v45, v42;
	v42 =	vperm.xlane v8, v7  }
0x34f: {  	v1 =	vmul.f32 v14, v1  }
0x350: {  	v4 =	vmul.f32 v15, v4;
	[tilespmem:s0+$0xFFFFFEE0] =	vst v45  }
0x351: {  	v0 =	vmul.f32 v16, v0;
	[tilespmem:s0+$0xFFFFFEF0] =	vst v1  }
0x352: {  	v16 =	vmul.f32 v17, v3;
	[tilespmem:s0+$0xFFFFFF00] =	vst v4  }
0x353: {  	v17 =	vmul.f32 v18, v63;
	[tilespmem:s0+$0xFFFFFF10] =	vst v0  }
0x354: {  	v18 =	vmul.f32 v19, v2;
	[tilespmem:s0+$0xFFFFFF20] =	vst v16  }
0x355: {  	v19 =	vmul.f32 v20, v62;
	[tilespmem:s0+$0xFFFFFF30] =	vst v17  }
0x356: {  	v20 =	vmul.f32 v21, v49;
	[tilespmem:s0+$0xFFFFFF40] =	vst v18  }
0x357: {  	v21 =	vmul.f32 v22, v47;
	[tilespmem:s0+$0xFFFFFF50] =	vst v19  }
0x358: {  	v22 =	vmul.f32 v23, v51;
	[tilespmem:s0+$0xFFFFFF70] =	vst v20  }
0x359: {  	v23 =	vmul.f32 v24, v48;
	[tilespmem:s0+$0xFFFFFF80] =	vst v21  }
0x35a: {  	v24 =	vmul.f32 v26, v61;
	[tilespmem:s0+$0xFFFFFF90] =	vst v22  }
0x35b: {  	v26 =	vmul.f32 v25, v58;
	[tilespmem:s0+$0xFFFFFFA0] =	vst v23  }
0x35c: {  	v47 =	vmul.f32 v28, v57;
	[tilespmem:s0+$0xFFFFFFB0] =	vst v24  }
0x35d: {  	v48 =	vmul.f32 v32, v60;
	[tilespmem:s0+$0xFFFFFFC0] =	vst v26  }
0x35e: {  	v49 =	vmul.f32 v34, v56;
	[tilespmem:s0+$0xFFFFFFE0] =	vst v47  }
0x35f: {  	v51 =	vmul.f32 v35, v55;
	[tilespmem:s0+$0x0] =	vst v48  }
0x360: {  	v53 =	vmul.f32 v39, v53;
	[tilespmem:s0+$0x10] =	vst v49  }
0x361: {  	v54 =	vmul.f32 v44, v54;
	[tilespmem:s0+$0x20] =	vst v51  }
0x362: {  	v55 =	vmul.f32 v40, v52;
	[tilespmem:s0+$0x30] =	vst v53  }
0x363: {  	v56 =	vmul.f32 v33, v50;
	[tilespmem:s0+$0x40] =	vst v54  }
0x364: {  	v57 =	vmul.f32 v36, v46;
	[tilespmem:s0+$0x50] =	vst v55  }
0x365: {  	v45 =	vmul.f32 v27, v59;
	[tilespmem:s0+$0x60] =	vst v56  }
0x366: {  	[tilespmem:s0+$0x70] =	vst v57  }
0x367: {  	v58 =	vmul.f32 v29, v9;
	[tilespmem:s0+$0xFFFFFFD0] =	vst v45  }
0x368: {  	v59 =	vmul.f32 v30, v11;
	v2 =	vld [tilespmem:$0x1FF60]  }
0x369: {  	v60 =	vmul.f32 v37, v10;
	[tilespmem:s0+$0x90] =	vst v58  }
0x36a: {  	v61 =	vmul.f32 v38, v13;
	[tilespmem:s0+$0xA0] =	vst v59  }
0x36b: {  	v62 =	vmul.f32 v41, v12;
	[tilespmem:s0+$0xC0] =	vst v60  }
0x36c: {  	v63 =	vmul.f32 v43, v42;
	[tilespmem:s0+$0xD0] =	vst v61  }
0x36d: {  	[tilespmem:s0+$0xE0] =	vst v62;
	v2 =	vmul.f32 v31, v2  }
0x36e: {  	[tilespmem:s0+$0xF0] =	vst v63  }
.Ltmp8:
0x36f: {  	[tilespmem:s0+$0xB0] =	vst v2;
	(pc) =	sbr.rel @p0 .LBB2_16-.Ltmp8, $4  }
0x370: {  	[spmem:s3] =	stream.indirect.scatter.add.f32 [tilespmem:s10], [sflag:$0xC], $0x90, s16, s25, $0xb8;
	[tilespmem:$0x1F260] =	vst v63  }
0x371: {  	_ =	swait.ge [sflag:s28], $0x2880  }
0x372: {  	[sflag:s28] =	ssyncset.done $0x0  }
0x373: {  	[sflag:s28] =	ssyncadd.s32 $0xFFFFD780  }
0x374: {  	s0 =	rddreg [dreg:$0xe]  }
0x375: {  	s0 =	sadd.s32 s0, s31  }
0x376: {  	s0 =	smul.u32 $0x12, s0;
	_ =	sdelay $0x1  }
0x377: {  	s7 =	simm.s32 $0x120;
	s0 =	sadd.s32 s5, s0  }
0x378: {  	[tilespmem:s7], [sflag:$0x3] =	stream.linear.gather [hbm4b:s0+s4], $0x90, $0x38;
	[tilespmem:$0x1F260] =	vst v63  }
0x379: {  	_ =	swait.ge [sflag:s29], $0x90  }
.Ltmp9:
0x37a: {  	[sflag:s29] =	ssyncset.done $0x0;
	(pc) =	sbr.rel .LBB2_2-.Ltmp9, $4  }
0x37b: {  	s11 =	simm.s32 $0x90;
	[sflag:s29] =	ssyncadd.s32 $0xFFFFFF70  }
0x37c: {  	v5 =	vimm.s32 $0x0;
	[tilespmem:s30], [sflag:$0x8] =	stream.indirect.gather [hbm4b:s6+s25], $0x90, s11, s25, $0xb8;
	[tilespmem:$0x1F260] =	vst v63  }
0x37d: {  	s18 =	simm.s32 $0xD8;
	s23 =	sadd.s32 $0x1, s23;
	v6 =	vimm.s32 $0x1;
	v7 =	vimm.s32 $0x2;
	v37 =	vimm.s32 $0x3;
	s31 =	simm.s32 $0x7E0  }
0x37e: {  	v46 =	vimm.s32 $0x4;
	v50 =	vimm.s32 $0x5;
	v11 =	vimm.s32 $0x7;
	[tilespmem:s31], [sflag:$0x8] =	stream.indirect.gather [hbm4b:s2+s25], $0x10, s18, s25, $0xb8;
	[tilespmem:$0x1F260] =	vst v63  }
.LBB2_17:
0x37f: {  	_ =	sfence.sel $0x180000  }
0x380: {  	[bflag:$0x0] =	sbarrier.arrive $0xFFFF  }
0x381: {  	_ =	strace $0x90000047  }
0x382: {  	s0 =	stileid.u32;
	[bflag:$0x2] =	sbarrier.arrive $0xFFFF  }
0x383: {  	p0 =	sne.s32 s0, $0x0;
	s0 =	rddreg [dreg:$0x3]  }
0x384: {  	s0 =	sadd.s32 @!p0 $0x100000, s0  }
0x385: {  	[sflag:s0] =	ssyncadd.tile.s32 @!p0 $0x1;
	_ =	shalt  }
.Lfunc_end2:
_tile_overlayer_lowered:
.L_overlay_start_2:
0x386: {  	(tag) =	ssettag $0x2  }
0x387: {  	s0 =	rddreg [dreg:$0x0];
	s2 =	stileid.u32  }
0x388: {  	s1 =	rddreg [dreg:$0x1];
	p0 =	sne.s32 s2, $0x0  }
0x389: {  	s3 =	rddreg [dreg:$0x2];
	[bflag:$0x3] =	sbarrier.arrive $0xFFFF;
	s2 =	simm.s32 @!p0 $0x1C0D  }
0x38a: {  	[timem:s3], [sflag:s2] =	dma.local @!p0 [hbm:s0], s1  }
0x38b: {  	s0 =	simm.s32 @!p0 $0xD  }
0x38c: {  	_ =	swait.ge @!p0 [sflag:s0], s1  }
0x38d: {  	s1 =	ssub.s32 @!p0 $0x0, s1;
	[sflag:s0] =	ssyncset.done @!p0 $0x0  }
0x38e: {  	[sflag:s0] =	ssyncadd.s32 @!p0 s1  }
0x38f: {  	[bflag:$0x3] =	sbarrier.arrive $0xFFFF  }
0x390: {  	_ =	shalt  }

</sc_bundles>
